<compile_context>
chip_gen: v7x
topology: tpu7x:2x2x1
jax: 0.10.2.dev20260603
libtpu: 0.0.44.dev20260713+nightly
codegen_flags: <defaults>
</compile_context>

<pallas_src>
import functools
import jax
import jax.numpy as jnp
from jax import lax
from jax.experimental import pallas as pl
from jax.experimental.pallas import tpu as pltpu
from jax.experimental.pallas import tpu_sc as plsc

N = 10000
F = 128
NC, NS, L = 2, 16, 16
NW = NC * NS
NPAD = 10240
RPT = NPAD // NS
EPW = 10240
EPAD = NW * EPW
CH = 128
NCHUNK = EPW // CH
HC = NCHUNK // 2
NCH_A = 80
NCH_B = 2 * NCHUNK - NCH_A
HC_A = NCH_A // 2
HC_B = NCH_B // 2
BLK = 1024
GRID = NPAD // BLK

_MESH = plsc.VectorSubcoreMesh(
    core_axis_name="c", subcore_axis_name="s", num_cores=NC, num_subcores=NS
)


def _deg_body(src_hbm, ones_hbm, out_hbm, shared, sidx, onesb, zbuf):
    c = lax.axis_index("c")
    s = lax.axis_index("s")
    w = c * NS + s
    pltpu.sync_copy(ones_hbm.at[pl.ds(0, CH)], onesb)
    pltpu.sync_copy(ones_hbm.at[pl.ds(CH, CH)], zbuf)
    for k in range(RPT // CH):
        pltpu.sync_copy(zbuf, shared.at[pl.ds(s * RPT + k * CH, CH)])
    plsc.subcore_barrier()

    pltpu.sync_copy(src_hbm.at[w], sidx)

    def body(j, _):
        pltpu.sync_copy(onesb, shared.at[sidx.at[j]], add=True)
        return 0

    lax.fori_loop(0, NCHUNK, body, 0)
    plsc.subcore_barrier()

    for k in range(RPT // CH):
        pltpu.sync_copy(shared.at[pl.ds(s * RPT + k * CH, CH)], zbuf)
        pltpu.sync_copy(zbuf, out_hbm.at[c, pl.ds(s * RPT + k * CH, CH)])


def _pipelined_half(z_hbm, shared, src_hbm, dst_hbm, sidx, didx,
                    gbuf0, gbuf1, sem0, sem1, s, h, hc):
    pltpu.sync_copy(src_hbm.at[s, pl.ds(h * hc, hc)], sidx.at[pl.ds(0, hc)])
    pltpu.sync_copy(dst_hbm.at[s, pl.ds(h * hc, hc)], didx.at[pl.ds(0, hc)])
    pltpu.async_copy(z_hbm.at[sidx.at[0]], gbuf0, sem0)

    def body(t, _):
        j0 = 2 * t
        pltpu.make_async_copy(z_hbm.at[sidx.at[j0]], gbuf0, sem0).wait()
        pltpu.async_copy(z_hbm.at[sidx.at[j0 + 1]], gbuf1, sem1)
        pltpu.sync_copy(gbuf0, shared.at[didx.at[j0]], add=True)
        pltpu.make_async_copy(z_hbm.at[sidx.at[j0 + 1]], gbuf1, sem1).wait()
        pltpu.async_copy(z_hbm.at[sidx.at[j0 + 2]], gbuf0, sem0)
        pltpu.sync_copy(gbuf1, shared.at[didx.at[j0 + 1]], add=True)
        return 0

    lax.fori_loop(0, hc // 2 - 1, body, 0)
    pltpu.make_async_copy(z_hbm.at[sidx.at[hc - 2]], gbuf0, sem0).wait()
    pltpu.async_copy(z_hbm.at[sidx.at[hc - 1]], gbuf1, sem1)
    pltpu.sync_copy(gbuf0, shared.at[didx.at[hc - 2]], add=True)
    pltpu.make_async_copy(z_hbm.at[sidx.at[hc - 1]], gbuf1, sem1).wait()
    pltpu.sync_copy(gbuf1, shared.at[didx.at[hc - 1]], add=True)


def _scatter_body(z_hbm, srca_hbm, dsta_hbm, srcb_hbm, dstb_hbm, out_hbm,
                  shared, sidx, didx, gbuf0, gbuf1, sem0, sem1):
    c = lax.axis_index("c")
    s = lax.axis_index("s")

    pltpu.sync_copy(z_hbm.at[pl.ds(NPAD - CH, CH)], gbuf0)
    for k in range(RPT // CH):
        pltpu.sync_copy(gbuf0, shared.at[pl.ds(s * RPT + k * CH, CH)])
    plsc.subcore_barrier()

    @pl.when(c == 1)
    def _():
        for h in range(2):
            _pipelined_half(z_hbm, shared, srca_hbm, dsta_hbm, sidx, didx,
                            gbuf0, gbuf1, sem0, sem1, s, h, HC_A)

    @pl.when(c == 0)
    def _():
        for h in range(2):
            _pipelined_half(z_hbm, shared, srcb_hbm, dstb_hbm, sidx, didx,
                            gbuf0, gbuf1, sem0, sem1, s, h, HC_B)

    plsc.subcore_barrier()

    for k in range(RPT // CH):
        pltpu.sync_copy(shared.at[pl.ds(s * RPT + k * CH, CH)], gbuf0)
        pltpu.sync_copy(gbuf0, out_hbm.at[c, pl.ds(s * RPT + k * CH, CH)])


_deg_kernel = functools.partial(
    pl.kernel,
    out_type=jax.ShapeDtypeStruct((NC, NPAD, F), jnp.float32),
    mesh=_MESH,
    scratch_types=[
        pltpu.VMEM_SHARED((NPAD, F), jnp.float32),
        pltpu.VMEM((NCHUNK, CH), jnp.int32),
        pltpu.VMEM((CH, F), jnp.float32),
        pltpu.VMEM((CH, F), jnp.float32),
    ],
)(_deg_body)

_scatter_kernel = functools.partial(
    pl.kernel,
    out_type=jax.ShapeDtypeStruct((NC, NPAD, F), jnp.float32),
    mesh=_MESH,
    scratch_types=[
        pltpu.VMEM_SHARED((NPAD, F), jnp.float32),
        pltpu.VMEM((HC_B, CH), jnp.int32),
        pltpu.VMEM((HC_B, CH), jnp.int32),
        pltpu.VMEM((CH, F), jnp.float32),
        pltpu.VMEM((CH, F), jnp.float32),
        pltpu.SemaphoreType.DMA,
        pltpu.SemaphoreType.DMA,
    ],
)(_scatter_body)


def _col0(m):
    e0 = (lax.broadcasted_iota(jnp.int32, (F, 1), 0) == 0).astype(jnp.float32)
    return lax.dot_general(m, e0, (((1,), (0,)), ((), ())),
                           preferred_element_type=jnp.float32)


def _pre_body(dega_ref, degb_ref, x_ref, w0_ref, w1_ref,
              xw0_ref, z1_ref, dinv_ref):
    deg = _col0(dega_ref[...] + degb_ref[...])
    rows = lax.broadcasted_iota(jnp.int32, (BLK, 1), 0) + pl.program_id(0) * BLK
    valid = (deg > 0.0) & (rows < N)
    dinv = jnp.where(valid, lax.rsqrt(jnp.maximum(deg, 1.0)), 0.0)
    x = x_ref[...]
    xw0_ref[...] = jnp.dot(x, w0_ref[...], preferred_element_type=jnp.float32)
    z1_ref[...] = jnp.dot(dinv * x, w1_ref[...], preferred_element_type=jnp.float32)
    dinv_ref[...] = dinv


def _mid_body(xw0_ref, ga_ref, gb_ref, dinv_ref, b_ref, w0_ref, w1_ref,
              h1_ref, hw0_ref, z2_ref):
    dinv = dinv_ref[...]
    h1 = jnp.maximum(
        xw0_ref[...] - dinv * (ga_ref[...] + gb_ref[...]) + b_ref[...], 0.0)
    h1_ref[...] = h1
    hw0_ref[...] = jnp.dot(h1, w0_ref[...], preferred_element_type=jnp.float32)
    z2_ref[...] = jnp.dot(dinv * h1, w1_ref[...], preferred_element_type=jnp.float32)


def _post_body(h1_ref, hw0_ref, ga_ref, gb_ref, dinv_ref, b_ref, out_ref):
    h2 = jnp.maximum(
        hw0_ref[...] - dinv_ref[...] * (ga_ref[...] + gb_ref[...]) + b_ref[...], 0.0)
    out_ref[...] = (h1_ref[...] + h2) * 0.5


_row = pl.BlockSpec((BLK, F), lambda i: (i, 0))
_rowcol = pl.BlockSpec((BLK, 1), lambda i: (i, 0))
_rowdeg = pl.BlockSpec((BLK, F), lambda i: (i, 0))
_wspec = pl.BlockSpec((F, F), lambda i: (0, 0))
_bspec = pl.BlockSpec((1, F), lambda i: (0, 0))

_mat = jax.ShapeDtypeStruct((NPAD, F), jnp.float32)
_colv = jax.ShapeDtypeStruct((NPAD, 1), jnp.float32)

_pre_call = pl.pallas_call(
    _pre_body,
    grid=(GRID,),
    in_specs=[_rowdeg, _rowdeg, _row, _wspec, _wspec],
    out_specs=[_row, _row, _rowcol],
    out_shape=[_mat, _mat, _colv],
)

_mid_call = pl.pallas_call(
    _mid_body,
    grid=(GRID,),
    in_specs=[_row, _row, _row, _rowcol, _bspec, _wspec, _wspec],
    out_specs=[_row, _row, _row],
    out_shape=[_mat, _mat, _mat],
)

_post_call = pl.pallas_call(
    _post_body,
    grid=(GRID,),
    in_specs=[_row, _row, _row, _row, _rowcol, _bspec],
    out_specs=_row,
    out_shape=_mat,
)


def kernel(x, edge_index, W0_1, W1_1, b1, W0_2, W1_2, b2):
    src = edge_index[0]
    dst = edge_index[1]
    e = src.shape[0]
    pad_e = EPAD - e
    srcp = jnp.concatenate([src, jnp.full((pad_e,), N, jnp.int32)])
    dstp = jnp.concatenate([dst, jnp.full((pad_e,), NPAD - 1, jnp.int32)])
    src_b = srcp.reshape(NW, NCHUNK, CH)
    n_a = NS * NCH_A * CH
    src_a = srcp[:n_a].reshape(NS, NCH_A, CH)
    dst_a = dstp[:n_a].reshape(NS, NCH_A, CH)
    src_bb = srcp[n_a:].reshape(NS, NCH_B, CH)
    dst_bb = dstp[n_a:].reshape(NS, NCH_B, CH)
    xp = jnp.concatenate([x, jnp.zeros((NPAD - N, F), jnp.float32)], axis=0)

    ones_c = jnp.zeros((2 * CH, F), jnp.float32).at[:CH, 0].set(1.0)
    degp = _deg_kernel(src_b, ones_c)
    xw0, z1, dinv = _pre_call(degp[0], degp[1], xp, W0_1, W1_1)
    g1 = _scatter_kernel(z1, src_a, dst_a, src_bb, dst_bb)
    h1, hw0, z2 = _mid_call(xw0, g1[0], g1[1], dinv, b1.reshape(1, F), W0_2, W1_2)
    g2 = _scatter_kernel(z2, src_a, dst_a, src_bb, dst_bb)
    out = _post_call(h1, hw0, g2[0], g2[1], dinv, b2.reshape(1, F))
    return out[:N]

# --- scband reference (transcript-rebuilt; emitter-appended) ---
"""Pipeline reference for scband-gnnencoder-24919400251990 (READ-ONLY COPY).

The authoritative reference and input builder live on the scoring server;
editing this copy changes nothing except your own understanding.
"""

import jax, jax.numpy as jnp
import numpy as np

N_NODES = 10000
N_EDGES = 320000
N_FEAT = 128
N_HID = 128


def _glorot(key, fan_in, fan_out):
    scale = jnp.sqrt(2.0 / (fan_in + fan_out))
    return jax.random.normal(key, (fan_in, fan_out), dtype=jnp.float32) * scale


def setup_inputs(seed: int = 0) -> dict:
    key = jax.random.key(seed)
    ks = jax.random.split(key, 9)
    x = jax.random.normal(ks[0], (N_NODES, N_FEAT), dtype=jnp.float32)
    edge_index = jax.random.randint(ks[1], (2, N_EDGES), 0, N_NODES, dtype=jnp.int32)
    W0_1 = _glorot(ks[2], N_FEAT, N_HID)
    W1_1 = _glorot(ks[3], N_FEAT, N_HID)
    b1 = jnp.zeros((N_HID,), dtype=jnp.float32)
    W0_2 = _glorot(ks[4], N_HID, N_HID)
    W1_2 = _glorot(ks[5], N_HID, N_HID)
    b2 = jnp.zeros((N_HID,), dtype=jnp.float32)
    return {"x": x, "edge_index": edge_index, "W0_1": W0_1, "W1_1": W1_1, "b1": b1, "W0_2": W0_2, "W1_2": W1_2, "b2": b2}


def cheb_conv_k2(x, edge_index, W0, W1, b):
    # PyG ChebConv with K=2, normalization='sym', lambda_max=2.0 (eval mode).
    # L_hat = 2L/lambda_max - I = -D^{-1/2} A D^{-1/2}
    N = x.shape[0]
    src = edge_index[0]
    dst = edge_index[1]
    ew = jnp.ones((src.shape[0],), dtype=x.dtype)
    deg = jnp.zeros((N,), dtype=x.dtype).at[src].add(ew)
    deg_inv_sqrt = jnp.where(deg > 0, 1.0 / jnp.sqrt(jnp.where(deg > 0, deg, 1.0)), 0.0)
    norm = -deg_inv_sqrt[src] * ew * deg_inv_sqrt[dst]
    Tx0 = x
    msg = norm[:, None] * x[src]  # gather
    Tx1 = jnp.zeros((N, x.shape[1]), dtype=x.dtype).at[dst].add(msg)  # scatter-add
    out = Tx0 @ W0 + Tx1 @ W1 + b
    return out


def reference(x, edge_index, W0_1, W1_1, b1, W0_2, W1_2, b2):
    # Eval mode: nn.Dropout and dropout_adj are identity when training=False.
    h1 = jax.nn.relu(cheb_conv_k2(x, edge_index, W0_1, W1_1, b1))
    h2 = jax.nn.relu(cheb_conv_k2(h1, edge_index, W0_2, W1_2, b2))
    x_out = (h1 + h2) / 2.0
    return x_out

if __name__ == "__main__":
    import jax
    _d = setup_inputs()
    print(jax.jit(kernel)(*tuple(_d.values())))

</pallas_src>

<mosaic_0001>
#map = affine_map<(d0, d1) -> (0, 0)>
#map1 = affine_map<(d0, d1) -> (0, 0, 0)>
module attributes {stable_mosaic.version = 14 : i64} {
  func.func @_scatter_body(%arg0: i32, %arg1: i32, %arg2: memref<10240x128xf32, #tpu.memory_space<hbm>>, %arg3: memref<16x80x128xi32, #tpu.memory_space<hbm>>, %arg4: memref<16x80x128xi32, #tpu.memory_space<hbm>>, %arg5: memref<16x80x128xi32, #tpu.memory_space<hbm>>, %arg6: memref<16x80x128xi32, #tpu.memory_space<hbm>>, %arg7: memref<2x10240x128xf32, #tpu.memory_space<hbm>>, %arg8: memref<10240x128xf32, #tpu.memory_space<vmem_shared>>, %arg9: memref<40x128xi32, #tpu.memory_space<vmem>>, %arg10: memref<40x128xi32, #tpu.memory_space<vmem>>, %arg11: memref<128x128xf32, #tpu.memory_space<vmem>>, %arg12: memref<128x128xf32, #tpu.memory_space<vmem>>, %arg13: memref<!tpu.dma_semaphore, #tpu.memory_space<semaphore_mem>>, %arg14: memref<!tpu.dma_semaphore, #tpu.memory_space<semaphore_mem>>) attributes {dimension_semantics = [#tpu.dimension_semantics<core_parallel>, #tpu.dimension_semantics<subcore_parallel>], iteration_bounds = array<i64: 2, 16>, scalar_prefetch = 0 : i64, scratch_operands = 7 : i64, tpu.core_type = #tpu.core_type<sc_vector_subcore>, window_params = [{transform_indices = #map}, {transform_indices = #map1}, {transform_indices = #map1}, {transform_indices = #map1}, {transform_indices = #map1}, {transform_indices = #map1}]} {
    "tpu.region"() ({
      %run_scoped3A = tpu.sem_alloc : memref<!tpu.dma_semaphore, #tpu.memory_space<semaphore_mem>>
      %dma_start3A = arith.constant 10112 : i32
      %dma_start3A_66 = arith.constant 0 : i32
      %dma_start3A_67 = tpu.memref_slice %arg2[%dma_start3A, %dma_start3A_66] : memref<10240x128xf32, #tpu.memory_space<hbm>> -> memref<128x128xf32, #tpu.memory_space<hbm>>
      %dma_start3A_68 = arith.constant 10112 : i32
      %dma_start3A_69 = arith.constant 0 : i32
      %dma_start3A_70 = tpu.memref_slice %arg2[%dma_start3A_68, %dma_start3A_69] : memref<10240x128xf32, #tpu.memory_space<hbm>> -> memref<128x128xf32, #tpu.memory_space<hbm>>
      tpu.enqueue_dma source(%dma_start3A_70 : memref<128x128xf32, #tpu.memory_space<hbm>>) target(%arg11 : memref<128x128xf32, #tpu.memory_space<vmem>>) target_semaphore(%run_scoped3A : memref<!tpu.dma_semaphore, #tpu.memory_space<semaphore_mem>>)
      %dma_wait3A = arith.constant 10112 : i32
      %dma_wait3A_71 = arith.constant 0 : i32
      %dma_wait3A_72 = tpu.memref_slice %arg2[%dma_wait3A, %dma_wait3A_71] : memref<10240x128xf32, #tpu.memory_space<hbm>> -> memref<128x128xf32, #tpu.memory_space<hbm>>
      %dma_wait3A_73 = arith.constant 10112 : i32
      %dma_wait3A_74 = arith.constant 0 : i32
      %dma_wait3A_75 = tpu.memref_slice %arg2[%dma_wait3A_73, %dma_wait3A_74] : memref<10240x128xf32, #tpu.memory_space<hbm>> -> memref<128x128xf32, #tpu.memory_space<hbm>>
      tpu.wait_dma2 semaphore(%run_scoped3A : memref<!tpu.dma_semaphore, #tpu.memory_space<semaphore_mem>>) src(%dma_wait3A_75 : memref<128x128xf32, #tpu.memory_space<hbm>>) dst(%arg11 : memref<128x128xf32, #tpu.memory_space<vmem>>)
      tpu.yield
    }) : () -> ()
    %mul3A = arith.constant 640 : i32
    %mul3A_0 = arith.muli %arg1, %mul3A : i32
    %add3A = arith.constant 0 : i32
    %add3A_1 = arith.addi %mul3A_0, %add3A : i32
    "tpu.region"() ({
      %run_scoped3A = tpu.sem_alloc : memref<!tpu.dma_semaphore, #tpu.memory_space<semaphore_mem>>
      %dma_start3A = arith.constant 0 : i32
      %dma_start3A_66 = tpu.memref_slice %arg8[%add3A_1, %dma_start3A] : memref<10240x128xf32, #tpu.memory_space<vmem_shared>> -> memref<128x128xf32, #tpu.memory_space<vmem_shared>>
      %dma_start3A_67 = arith.constant 0 : i32
      %dma_start3A_68 = tpu.memref_slice %arg8[%add3A_1, %dma_start3A_67] : memref<10240x128xf32, #tpu.memory_space<vmem_shared>> -> memref<128x128xf32, #tpu.memory_space<vmem_shared>>
      tpu.enqueue_dma source(%arg11 : memref<128x128xf32, #tpu.memory_space<vmem>>) target(%dma_start3A_68 : memref<128x128xf32, #tpu.memory_space<vmem_shared>>) target_semaphore(%run_scoped3A : memref<!tpu.dma_semaphore, #tpu.memory_space<semaphore_mem>>)
      %dma_wait3A = arith.constant 0 : i32
      %dma_wait3A_69 = tpu.memref_slice %arg8[%add3A_1, %dma_wait3A] : memref<10240x128xf32, #tpu.memory_space<vmem_shared>> -> memref<128x128xf32, #tpu.memory_space<vmem_shared>>
      %dma_wait3A_70 = arith.constant 0 : i32
      %dma_wait3A_71 = tpu.memref_slice %arg8[%add3A_1, %dma_wait3A_70] : memref<10240x128xf32, #tpu.memory_space<vmem_shared>> -> memref<128x128xf32, #tpu.memory_space<vmem_shared>>
      tpu.wait_dma2 semaphore(%run_scoped3A : memref<!tpu.dma_semaphore, #tpu.memory_space<semaphore_mem>>) src(%arg11 : memref<128x128xf32, #tpu.memory_space<vmem>>) dst(%dma_wait3A_71 : memref<128x128xf32, #tpu.memory_space<vmem_shared>>)
      tpu.yield
    }) : () -> ()
    %mul3A_2 = arith.constant 640 : i32
    %mul3A_3 = arith.muli %arg1, %mul3A_2 : i32
    %add3A_4 = arith.constant 128 : i32
    %add3A_5 = arith.addi %mul3A_3, %add3A_4 : i32
    "tpu.region"() ({
      %run_scoped3A = tpu.sem_alloc : memref<!tpu.dma_semaphore, #tpu.memory_space<semaphore_mem>>
      %dma_start3A = arith.constant 0 : i32
      %dma_start3A_66 = tpu.memref_slice %arg8[%add3A_5, %dma_start3A] : memref<10240x128xf32, #tpu.memory_space<vmem_shared>> -> memref<128x128xf32, #tpu.memory_space<vmem_shared>>
      %dma_start3A_67 = arith.constant 0 : i32
      %dma_start3A_68 = tpu.memref_slice %arg8[%add3A_5, %dma_start3A_67] : memref<10240x128xf32, #tpu.memory_space<vmem_shared>> -> memref<128x128xf32, #tpu.memory_space<vmem_shared>>
      tpu.enqueue_dma source(%arg11 : memref<128x128xf32, #tpu.memory_space<vmem>>) target(%dma_start3A_68 : memref<128x128xf32, #tpu.memory_space<vmem_shared>>) target_semaphore(%run_scoped3A : memref<!tpu.dma_semaphore, #tpu.memory_space<semaphore_mem>>)
      %dma_wait3A = arith.constant 0 : i32
      %dma_wait3A_69 = tpu.memref_slice %arg8[%add3A_5, %dma_wait3A] : memref<10240x128xf32, #tpu.memory_space<vmem_shared>> -> memref<128x128xf32, #tpu.memory_space<vmem_shared>>
      %dma_wait3A_70 = arith.constant 0 : i32
      %dma_wait3A_71 = tpu.memref_slice %arg8[%add3A_5, %dma_wait3A_70] : memref<10240x128xf32, #tpu.memory_space<vmem_shared>> -> memref<128x128xf32, #tpu.memory_space<vmem_shared>>
      tpu.wait_dma2 semaphore(%run_scoped3A : memref<!tpu.dma_semaphore, #tpu.memory_space<semaphore_mem>>) src(%arg11 : memref<128x128xf32, #tpu.memory_space<vmem>>) dst(%dma_wait3A_71 : memref<128x128xf32, #tpu.memory_space<vmem_shared>>)
      tpu.yield
    }) : () -> ()
    %mul3A_6 = arith.constant 640 : i32
    %mul3A_7 = arith.muli %arg1, %mul3A_6 : i32
    %add3A_8 = arith.constant 256 : i32
    %add3A_9 = arith.addi %mul3A_7, %add3A_8 : i32
    "tpu.region"() ({
      %run_scoped3A = tpu.sem_alloc : memref<!tpu.dma_semaphore, #tpu.memory_space<semaphore_mem>>
      %dma_start3A = arith.constant 0 : i32
      %dma_start3A_66 = tpu.memref_slice %arg8[%add3A_9, %dma_start3A] : memref<10240x128xf32, #tpu.memory_space<vmem_shared>> -> memref<128x128xf32, #tpu.memory_space<vmem_shared>>
      %dma_start3A_67 = arith.constant 0 : i32
      %dma_start3A_68 = tpu.memref_slice %arg8[%add3A_9, %dma_start3A_67] : memref<10240x128xf32, #tpu.memory_space<vmem_shared>> -> memref<128x128xf32, #tpu.memory_space<vmem_shared>>
      tpu.enqueue_dma source(%arg11 : memref<128x128xf32, #tpu.memory_space<vmem>>) target(%dma_start3A_68 : memref<128x128xf32, #tpu.memory_space<vmem_shared>>) target_semaphore(%run_scoped3A : memref<!tpu.dma_semaphore, #tpu.memory_space<semaphore_mem>>)
      %dma_wait3A = arith.constant 0 : i32
      %dma_wait3A_69 = tpu.memref_slice %arg8[%add3A_9, %dma_wait3A] : memref<10240x128xf32, #tpu.memory_space<vmem_shared>> -> memref<128x128xf32, #tpu.memory_space<vmem_shared>>
      %dma_wait3A_70 = arith.constant 0 : i32
      %dma_wait3A_71 = tpu.memref_slice %arg8[%add3A_9, %dma_wait3A_70] : memref<10240x128xf32, #tpu.memory_space<vmem_shared>> -> memref<128x128xf32, #tpu.memory_space<vmem_shared>>
      tpu.wait_dma2 semaphore(%run_scoped3A : memref<!tpu.dma_semaphore, #tpu.memory_space<semaphore_mem>>) src(%arg11 : memref<128x128xf32, #tpu.memory_space<vmem>>) dst(%dma_wait3A_71 : memref<128x128xf32, #tpu.memory_space<vmem_shared>>)
      tpu.yield
    }) : () -> ()
    %mul3A_10 = arith.constant 640 : i32
    %mul3A_11 = arith.muli %arg1, %mul3A_10 : i32
    %add3A_12 = arith.constant 384 : i32
    %add3A_13 = arith.addi %mul3A_11, %add3A_12 : i32
    "tpu.region"() ({
      %run_scoped3A = tpu.sem_alloc : memref<!tpu.dma_semaphore, #tpu.memory_space<semaphore_mem>>
      %dma_start3A = arith.constant 0 : i32
      %dma_start3A_66 = tpu.memref_slice %arg8[%add3A_13, %dma_start3A] : memref<10240x128xf32, #tpu.memory_space<vmem_shared>> -> memref<128x128xf32, #tpu.memory_space<vmem_shared>>
      %dma_start3A_67 = arith.constant 0 : i32
      %dma_start3A_68 = tpu.memref_slice %arg8[%add3A_13, %dma_start3A_67] : memref<10240x128xf32, #tpu.memory_space<vmem_shared>> -> memref<128x128xf32, #tpu.memory_space<vmem_shared>>
      tpu.enqueue_dma source(%arg11 : memref<128x128xf32, #tpu.memory_space<vmem>>) target(%dma_start3A_68 : memref<128x128xf32, #tpu.memory_space<vmem_shared>>) target_semaphore(%run_scoped3A : memref<!tpu.dma_semaphore, #tpu.memory_space<semaphore_mem>>)
      %dma_wait3A = arith.constant 0 : i32
      %dma_wait3A_69 = tpu.memref_slice %arg8[%add3A_13, %dma_wait3A] : memref<10240x128xf32, #tpu.memory_space<vmem_shared>> -> memref<128x128xf32, #tpu.memory_space<vmem_shared>>
      %dma_wait3A_70 = arith.constant 0 : i32
      %dma_wait3A_71 = tpu.memref_slice %arg8[%add3A_13, %dma_wait3A_70] : memref<10240x128xf32, #tpu.memory_space<vmem_shared>> -> memref<128x128xf32, #tpu.memory_space<vmem_shared>>
      tpu.wait_dma2 semaphore(%run_scoped3A : memref<!tpu.dma_semaphore, #tpu.memory_space<semaphore_mem>>) src(%arg11 : memref<128x128xf32, #tpu.memory_space<vmem>>) dst(%dma_wait3A_71 : memref<128x128xf32, #tpu.memory_space<vmem_shared>>)
      tpu.yield
    }) : () -> ()
    %mul3A_14 = arith.constant 640 : i32
    %mul3A_15 = arith.muli %arg1, %mul3A_14 : i32
    %add3A_16 = arith.constant 512 : i32
    %add3A_17 = arith.addi %mul3A_15, %add3A_16 : i32
    "tpu.region"() ({
      %run_scoped3A = tpu.sem_alloc : memref<!tpu.dma_semaphore, #tpu.memory_space<semaphore_mem>>
      %dma_start3A = arith.constant 0 : i32
      %dma_start3A_66 = tpu.memref_slice %arg8[%add3A_17, %dma_start3A] : memref<10240x128xf32, #tpu.memory_space<vmem_shared>> -> memref<128x128xf32, #tpu.memory_space<vmem_shared>>
      %dma_start3A_67 = arith.constant 0 : i32
      %dma_start3A_68 = tpu.memref_slice %arg8[%add3A_17, %dma_start3A_67] : memref<10240x128xf32, #tpu.memory_space<vmem_shared>> -> memref<128x128xf32, #tpu.memory_space<vmem_shared>>
      tpu.enqueue_dma source(%arg11 : memref<128x128xf32, #tpu.memory_space<vmem>>) target(%dma_start3A_68 : memref<128x128xf32, #tpu.memory_space<vmem_shared>>) target_semaphore(%run_scoped3A : memref<!tpu.dma_semaphore, #tpu.memory_space<semaphore_mem>>)
      %dma_wait3A = arith.constant 0 : i32
      %dma_wait3A_69 = tpu.memref_slice %arg8[%add3A_17, %dma_wait3A] : memref<10240x128xf32, #tpu.memory_space<vmem_shared>> -> memref<128x128xf32, #tpu.memory_space<vmem_shared>>
      %dma_wait3A_70 = arith.constant 0 : i32
      %dma_wait3A_71 = tpu.memref_slice %arg8[%add3A_17, %dma_wait3A_70] : memref<10240x128xf32, #tpu.memory_space<vmem_shared>> -> memref<128x128xf32, #tpu.memory_space<vmem_shared>>
      tpu.wait_dma2 semaphore(%run_scoped3A : memref<!tpu.dma_semaphore, #tpu.memory_space<semaphore_mem>>) src(%arg11 : memref<128x128xf32, #tpu.memory_space<vmem>>) dst(%dma_wait3A_71 : memref<128x128xf32, #tpu.memory_space<vmem_shared>>)
      tpu.yield
    }) : () -> ()
    %barrier3A = arith.constant 0 : index
    tpu.barrier barrier_id(%barrier3A)
    %eq3A = arith.constant 1 : i32
    %eq3A_18 = arith.cmpi eq, %arg0, %eq3A : i32
    %convert_element_type3A = arith.extui %eq3A_18 : i1 to i32
    %cond3A = arith.constant 0 : i32
    %cond3A_19 = arith.cmpi ne, %convert_element_type3A, %cond3A : i32
    scf.if %cond3A_19 {
      "tpu.region"() ({
        %run_scoped3A_136 = tpu.sem_alloc : memref<!tpu.dma_semaphore, #tpu.memory_space<semaphore_mem>>
        %dma_start3A_137 = arith.constant 0 : i32
        %dma_start3A_138 = arith.constant 0 : i32
        %dma_start3A_139 = tpu.memref_slice %arg9[%dma_start3A_137, %dma_start3A_138] : memref<40x128xi32, #tpu.memory_space<vmem>> -> memref<40x128xi32, #tpu.memory_space<vmem>>
        %dma_start3A_140 = arith.constant 0 : i32
        %dma_start3A_141 = arith.constant 0 : i32
        %dma_start3A_142 = tpu.memref_slice %arg3[%arg1, %dma_start3A_140, %dma_start3A_141] : memref<16x80x128xi32, #tpu.memory_space<hbm>> -> memref<1x40x128xi32, #tpu.memory_space<hbm>>
        %dma_start3A_143 = tpu.memref_squeeze %dma_start3A_142 : memref<1x40x128xi32, #tpu.memory_space<hbm>> -> memref<40x128xi32, #tpu.memory_space<hbm>>
        %dma_start3A_144 = arith.constant 0 : i32
        %dma_start3A_145 = arith.constant 0 : i32
        %dma_start3A_146 = tpu.memref_slice %arg9[%dma_start3A_144, %dma_start3A_145] : memref<40x128xi32, #tpu.memory_space<vmem>> -> memref<40x128xi32, #tpu.memory_space<vmem>>
        %dma_start3A_147 = arith.constant 0 : i32
        %dma_start3A_148 = arith.constant 0 : i32
        %dma_start3A_149 = tpu.memref_slice %arg3[%arg1, %dma_start3A_147, %dma_start3A_148] : memref<16x80x128xi32, #tpu.memory_space<hbm>> -> memref<1x40x128xi32, #tpu.memory_space<hbm>>
        %dma_start3A_150 = tpu.memref_squeeze %dma_start3A_149 : memref<1x40x128xi32, #tpu.memory_space<hbm>> -> memref<40x128xi32, #tpu.memory_space<hbm>>
        tpu.enqueue_dma source(%dma_start3A_150 : memref<40x128xi32, #tpu.memory_space<hbm>>) target(%dma_start3A_146 : memref<40x128xi32, #tpu.memory_space<vmem>>) target_semaphore(%run_scoped3A_136 : memref<!tpu.dma_semaphore, #tpu.memory_space<semaphore_mem>>)
        %dma_wait3A_151 = arith.constant 0 : i32
        %dma_wait3A_152 = arith.constant 0 : i32
        %dma_wait3A_153 = tpu.memref_slice %arg9[%dma_wait3A_151, %dma_wait3A_152] : memref<40x128xi32, #tpu.memory_space<vmem>> -> memref<40x128xi32, #tpu.memory_space<vmem>>
        %dma_wait3A_154 = arith.constant 0 : i32
        %dma_wait3A_155 = arith.constant 0 : i32
        %dma_wait3A_156 = tpu.memref_slice %arg3[%arg1, %dma_wait3A_154, %dma_wait3A_155] : memref<16x80x128xi32, #tpu.memory_space<hbm>> -> memref<1x40x128xi32, #tpu.memory_space<hbm>>
        %dma_wait3A_157 = tpu.memref_squeeze %dma_wait3A_156 : memref<1x40x128xi32, #tpu.memory_space<hbm>> -> memref<40x128xi32, #tpu.memory_space<hbm>>
        %dma_wait3A_158 = arith.constant 0 : i32
        %dma_wait3A_159 = arith.constant 0 : i32
        %dma_wait3A_160 = tpu.memref_slice %arg9[%dma_wait3A_158, %dma_wait3A_159] : memref<40x128xi32, #tpu.memory_space<vmem>> -> memref<40x128xi32, #tpu.memory_space<vmem>>
        %dma_wait3A_161 = arith.constant 0 : i32
        %dma_wait3A_162 = arith.constant 0 : i32
        %dma_wait3A_163 = tpu.memref_slice %arg3[%arg1, %dma_wait3A_161, %dma_wait3A_162] : memref<16x80x128xi32, #tpu.memory_space<hbm>> -> memref<1x40x128xi32, #tpu.memory_space<hbm>>
        %dma_wait3A_164 = tpu.memref_squeeze %dma_wait3A_163 : memref<1x40x128xi32, #tpu.memory_space<hbm>> -> memref<40x128xi32, #tpu.memory_space<hbm>>
        tpu.wait_dma2 semaphore(%run_scoped3A_136 : memref<!tpu.dma_semaphore, #tpu.memory_space<semaphore_mem>>) src(%dma_wait3A_164 : memref<40x128xi32, #tpu.memory_space<hbm>>) dst(%dma_wait3A_160 : memref<40x128xi32, #tpu.memory_space<vmem>>)
        tpu.yield
      }) : () -> ()
      "tpu.region"() ({
        %run_scoped3A_136 = tpu.sem_alloc : memref<!tpu.dma_semaphore, #tpu.memory_space<semaphore_mem>>
        %dma_start3A_137 = arith.constant 0 : i32
        %dma_start3A_138 = arith.constant 0 : i32
        %dma_start3A_139 = tpu.memref_slice %arg10[%dma_start3A_137, %dma_start3A_138] : memref<40x128xi32, #tpu.memory_space<vmem>> -> memref<40x128xi32, #tpu.memory_space<vmem>>
        %dma_start3A_140 = arith.constant 0 : i32
        %dma_start3A_141 = arith.constant 0 : i32
        %dma_start3A_142 = tpu.memref_slice %arg4[%arg1, %dma_start3A_140, %dma_start3A_141] : memref<16x80x128xi32, #tpu.memory_space<hbm>> -> memref<1x40x128xi32, #tpu.memory_space<hbm>>
        %dma_start3A_143 = tpu.memref_squeeze %dma_start3A_142 : memref<1x40x128xi32, #tpu.memory_space<hbm>> -> memref<40x128xi32, #tpu.memory_space<hbm>>
        %dma_start3A_144 = arith.constant 0 : i32
        %dma_start3A_145 = arith.constant 0 : i32
        %dma_start3A_146 = tpu.memref_slice %arg10[%dma_start3A_144, %dma_start3A_145] : memref<40x128xi32, #tpu.memory_space<vmem>> -> memref<40x128xi32, #tpu.memory_space<vmem>>
        %dma_start3A_147 = arith.constant 0 : i32
        %dma_start3A_148 = arith.constant 0 : i32
        %dma_start3A_149 = tpu.memref_slice %arg4[%arg1, %dma_start3A_147, %dma_start3A_148] : memref<16x80x128xi32, #tpu.memory_space<hbm>> -> memref<1x40x128xi32, #tpu.memory_space<hbm>>
        %dma_start3A_150 = tpu.memref_squeeze %dma_start3A_149 : memref<1x40x128xi32, #tpu.memory_space<hbm>> -> memref<40x128xi32, #tpu.memory_space<hbm>>
        tpu.enqueue_dma source(%dma_start3A_150 : memref<40x128xi32, #tpu.memory_space<hbm>>) target(%dma_start3A_146 : memref<40x128xi32, #tpu.memory_space<vmem>>) target_semaphore(%run_scoped3A_136 : memref<!tpu.dma_semaphore, #tpu.memory_space<semaphore_mem>>)
        %dma_wait3A_151 = arith.constant 0 : i32
        %dma_wait3A_152 = arith.constant 0 : i32
        %dma_wait3A_153 = tpu.memref_slice %arg10[%dma_wait3A_151, %dma_wait3A_152] : memref<40x128xi32, #tpu.memory_space<vmem>> -> memref<40x128xi32, #tpu.memory_space<vmem>>
        %dma_wait3A_154 = arith.constant 0 : i32
        %dma_wait3A_155 = arith.constant 0 : i32
        %dma_wait3A_156 = tpu.memref_slice %arg4[%arg1, %dma_wait3A_154, %dma_wait3A_155] : memref<16x80x128xi32, #tpu.memory_space<hbm>> -> memref<1x40x128xi32, #tpu.memory_space<hbm>>
        %dma_wait3A_157 = tpu.memref_squeeze %dma_wait3A_156 : memref<1x40x128xi32, #tpu.memory_space<hbm>> -> memref<40x128xi32, #tpu.memory_space<hbm>>
        %dma_wait3A_158 = arith.constant 0 : i32
        %dma_wait3A_159 = arith.constant 0 : i32
        %dma_wait3A_160 = tpu.memref_slice %arg10[%dma_wait3A_158, %dma_wait3A_159] : memref<40x128xi32, #tpu.memory_space<vmem>> -> memref<40x128xi32, #tpu.memory_space<vmem>>
        %dma_wait3A_161 = arith.constant 0 : i32
        %dma_wait3A_162 = arith.constant 0 : i32
        %dma_wait3A_163 = tpu.memref_slice %arg4[%arg1, %dma_wait3A_161, %dma_wait3A_162] : memref<16x80x128xi32, #tpu.memory_space<hbm>> -> memref<1x40x128xi32, #tpu.memory_space<hbm>>
        %dma_wait3A_164 = tpu.memref_squeeze %dma_wait3A_163 : memref<1x40x128xi32, #tpu.memory_space<hbm>> -> memref<40x128xi32, #tpu.memory_space<hbm>>
        tpu.wait_dma2 semaphore(%run_scoped3A_136 : memref<!tpu.dma_semaphore, #tpu.memory_space<semaphore_mem>>) src(%dma_wait3A_164 : memref<40x128xi32, #tpu.memory_space<hbm>>) dst(%dma_wait3A_160 : memref<40x128xi32, #tpu.memory_space<vmem>>)
        tpu.yield
      }) : () -> ()
      %dma_start3A = arith.constant 0 : i32
      %dma_start3A_66 = arith.constant 0 : i32
      %dma_start3A_67 = tpu.memref_slice %arg9[%dma_start3A, %dma_start3A_66] : memref<40x128xi32, #tpu.memory_space<vmem>> -> memref<1x128xi32, #tpu.memory_space<vmem>>
      %dma_start3A_68 = tpu.memref_squeeze %dma_start3A_67 : memref<1x128xi32, #tpu.memory_space<vmem>> -> memref<128xi32, #tpu.memory_space<vmem>>
      %dma_start3A_69 = arith.constant 0 : i32
      %dma_start3A_70 = arith.constant 0 : i32
      %dma_start3A_71 = tpu.memref_slice %arg2[%dma_start3A_69, %dma_start3A_70] : memref<10240x128xf32, #tpu.memory_space<hbm>> -> memref<10240x128xf32, #tpu.memory_space<hbm>>
      tpu.enqueue_indirect_dma source(%dma_start3A_71 : memref<10240x128xf32, #tpu.memory_space<hbm>>) target(%arg11 : memref<128x128xf32, #tpu.memory_space<vmem>>) offsets(%dma_start3A_68 : memref<128xi32, #tpu.memory_space<vmem>>) semaphore(%arg13 : memref<!tpu.dma_semaphore, #tpu.memory_space<semaphore_mem>>)
      %scan3A = arith.constant 0 : i32
      %scan3A_72 = arith.constant 0 : i32
      %scan3A_73 = arith.constant 19 : i32
      %scan3A_74 = arith.addi %scan3A_72, %scan3A_73 : i32
      %scan3A_75 = arith.constant 1 : i32
      %scan3A_76 = scf.for %scan3A_136 = %scan3A_72 to %scan3A_74 step %scan3A_75 iter_args(%scan3A_137 = %scan3A) -> (i32)  : i32 {
        %mul3A_138 = arith.constant 2 : i32
        %mul3A_139 = arith.muli %mul3A_138, %scan3A_136 : i32
        %dma_wait3A_140 = arith.constant 0 : i32
        %dma_wait3A_141 = tpu.memref_slice %arg9[%mul3A_139, %dma_wait3A_140] : memref<40x128xi32, #tpu.memory_space<vmem>> -> memref<1x128xi32, #tpu.memory_space<vmem>>
        %dma_wait3A_142 = tpu.memref_squeeze %dma_wait3A_141 : memref<1x128xi32, #tpu.memory_space<vmem>> -> memref<128xi32, #tpu.memory_space<vmem>>
        %dma_wait3A_143 = arith.constant 0 : i32
        %dma_wait3A_144 = arith.constant 0 : i32
        %dma_wait3A_145 = tpu.memref_slice %arg2[%dma_wait3A_143, %dma_wait3A_144] : memref<10240x128xf32, #tpu.memory_space<hbm>> -> memref<10240x128xf32, #tpu.memory_space<hbm>>
        tpu.wait_indirect_dma semaphore(%arg13 : memref<!tpu.dma_semaphore, #tpu.memory_space<semaphore_mem>>) src(%dma_wait3A_145 : memref<10240x128xf32, #tpu.memory_space<hbm>>) dst(%arg11 : memref<128x128xf32, #tpu.memory_space<vmem>>)
        %add3A_146 = arith.constant 1 : i32
        %add3A_147 = arith.addi %mul3A_139, %add3A_146 : i32
        %dma_start3A_148 = arith.constant 0 : i32
        %dma_start3A_149 = tpu.memref_slice %arg9[%add3A_147, %dma_start3A_148] : memref<40x128xi32, #tpu.memory_space<vmem>> -> memref<1x128xi32, #tpu.memory_space<vmem>>
        %dma_start3A_150 = tpu.memref_squeeze %dma_start3A_149 : memref<1x128xi32, #tpu.memory_space<vmem>> -> memref<128xi32, #tpu.memory_space<vmem>>
        %dma_start3A_151 = arith.constant 0 : i32
        %dma_start3A_152 = arith.constant 0 : i32
        %dma_start3A_153 = tpu.memref_slice %arg2[%dma_start3A_151, %dma_start3A_152] : memref<10240x128xf32, #tpu.memory_space<hbm>> -> memref<10240x128xf32, #tpu.memory_space<hbm>>
        tpu.enqueue_indirect_dma source(%dma_start3A_153 : memref<10240x128xf32, #tpu.memory_space<hbm>>) target(%arg12 : memref<128x128xf32, #tpu.memory_space<vmem>>) offsets(%dma_start3A_150 : memref<128xi32, #tpu.memory_space<vmem>>) semaphore(%arg14 : memref<!tpu.dma_semaphore, #tpu.memory_space<semaphore_mem>>)
        "tpu.region"() ({
          %run_scoped3A_173 = tpu.sem_alloc : memref<!tpu.dma_semaphore, #tpu.memory_space<semaphore_mem>>
          %dma_start3A_174 = arith.constant 0 : i32
          %dma_start3A_175 = tpu.memref_slice %arg10[%mul3A_139, %dma_start3A_174] : memref<40x128xi32, #tpu.memory_space<vmem>> -> memref<1x128xi32, #tpu.memory_space<vmem>>
          %dma_start3A_176 = tpu.memref_squeeze %dma_start3A_175 : memref<1x128xi32, #tpu.memory_space<vmem>> -> memref<128xi32, #tpu.memory_space<vmem>>
          %dma_start3A_177 = arith.constant 0 : i32
          %dma_start3A_178 = arith.constant 0 : i32
          %dma_start3A_179 = tpu.memref_slice %arg8[%dma_start3A_177, %dma_start3A_178] : memref<10240x128xf32, #tpu.memory_space<vmem_shared>> -> memref<10240x128xf32, #tpu.memory_space<vmem_shared>>
          tpu.enqueue_indirect_dma source(%arg11 : memref<128x128xf32, #tpu.memory_space<vmem>>) target(%dma_start3A_179 : memref<10240x128xf32, #tpu.memory_space<vmem_shared>>) offsets(%dma_start3A_176 : memref<128xi32, #tpu.memory_space<vmem>>) semaphore(%run_scoped3A_173 : memref<!tpu.dma_semaphore, #tpu.memory_space<semaphore_mem>>) {add = true}
          %dma_wait3A_180 = arith.constant 0 : i32
          %dma_wait3A_181 = tpu.memref_slice %arg10[%mul3A_139, %dma_wait3A_180] : memref<40x128xi32, #tpu.memory_space<vmem>> -> memref<1x128xi32, #tpu.memory_space<vmem>>
          %dma_wait3A_182 = tpu.memref_squeeze %dma_wait3A_181 : memref<1x128xi32, #tpu.memory_space<vmem>> -> memref<128xi32, #tpu.memory_space<vmem>>
          %dma_wait3A_183 = arith.constant 0 : i32
          %dma_wait3A_184 = arith.constant 0 : i32
          %dma_wait3A_185 = tpu.memref_slice %arg8[%dma_wait3A_183, %dma_wait3A_184] : memref<10240x128xf32, #tpu.memory_space<vmem_shared>> -> memref<10240x128xf32, #tpu.memory_space<vmem_shared>>
          tpu.wait_indirect_dma semaphore(%run_scoped3A_173 : memref<!tpu.dma_semaphore, #tpu.memory_space<semaphore_mem>>) src(%arg11 : memref<128x128xf32, #tpu.memory_space<vmem>>) dst(%dma_wait3A_185 : memref<10240x128xf32, #tpu.memory_space<vmem_shared>>)
          tpu.yield
        }) : () -> ()
        %add3A_154 = arith.constant 1 : i32
        %add3A_155 = arith.addi %mul3A_139, %add3A_154 : i32
        %dma_wait3A_156 = arith.constant 0 : i32
        %dma_wait3A_157 = tpu.memref_slice %arg9[%add3A_155, %dma_wait3A_156] : memref<40x128xi32, #tpu.memory_space<vmem>> -> memref<1x128xi32, #tpu.memory_space<vmem>>
        %dma_wait3A_158 = tpu.memref_squeeze %dma_wait3A_157 : memref<1x128xi32, #tpu.memory_space<vmem>> -> memref<128xi32, #tpu.memory_space<vmem>>
        %dma_wait3A_159 = arith.constant 0 : i32
        %dma_wait3A_160 = arith.constant 0 : i32
        %dma_wait3A_161 = tpu.memref_slice %arg2[%dma_wait3A_159, %dma_wait3A_160] : memref<10240x128xf32, #tpu.memory_space<hbm>> -> memref<10240x128xf32, #tpu.memory_space<hbm>>
        tpu.wait_indirect_dma semaphore(%arg14 : memref<!tpu.dma_semaphore, #tpu.memory_space<semaphore_mem>>) src(%dma_wait3A_161 : memref<10240x128xf32, #tpu.memory_space<hbm>>) dst(%arg12 : memref<128x128xf32, #tpu.memory_space<vmem>>)
        %add3A_162 = arith.constant 2 : i32
        %add3A_163 = arith.addi %mul3A_139, %add3A_162 : i32
        %dma_start3A_164 = arith.constant 0 : i32
        %dma_start3A_165 = tpu.memref_slice %arg9[%add3A_163, %dma_start3A_164] : memref<40x128xi32, #tpu.memory_space<vmem>> -> memref<1x128xi32, #tpu.memory_space<vmem>>
        %dma_start3A_166 = tpu.memref_squeeze %dma_start3A_165 : memref<1x128xi32, #tpu.memory_space<vmem>> -> memref<128xi32, #tpu.memory_space<vmem>>
        %dma_start3A_167 = arith.constant 0 : i32
        %dma_start3A_168 = arith.constant 0 : i32
        %dma_start3A_169 = tpu.memref_slice %arg2[%dma_start3A_167, %dma_start3A_168] : memref<10240x128xf32, #tpu.memory_space<hbm>> -> memref<10240x128xf32, #tpu.memory_space<hbm>>
        tpu.enqueue_indirect_dma source(%dma_start3A_169 : memref<10240x128xf32, #tpu.memory_space<hbm>>) target(%arg11 : memref<128x128xf32, #tpu.memory_space<vmem>>) offsets(%dma_start3A_166 : memref<128xi32, #tpu.memory_space<vmem>>) semaphore(%arg13 : memref<!tpu.dma_semaphore, #tpu.memory_space<semaphore_mem>>)
        %add3A_170 = arith.constant 1 : i32
        %add3A_171 = arith.addi %mul3A_139, %add3A_170 : i32
        "tpu.region"() ({
          %run_scoped3A_173 = tpu.sem_alloc : memref<!tpu.dma_semaphore, #tpu.memory_space<semaphore_mem>>
          %dma_start3A_174 = arith.constant 0 : i32
          %dma_start3A_175 = tpu.memref_slice %arg10[%add3A_171, %dma_start3A_174] : memref<40x128xi32, #tpu.memory_space<vmem>> -> memref<1x128xi32, #tpu.memory_space<vmem>>
          %dma_start3A_176 = tpu.memref_squeeze %dma_start3A_175 : memref<1x128xi32, #tpu.memory_space<vmem>> -> memref<128xi32, #tpu.memory_space<vmem>>
          %dma_start3A_177 = arith.constant 0 : i32
          %dma_start3A_178 = arith.constant 0 : i32
          %dma_start3A_179 = tpu.memref_slice %arg8[%dma_start3A_177, %dma_start3A_178] : memref<10240x128xf32, #tpu.memory_space<vmem_shared>> -> memref<10240x128xf32, #tpu.memory_space<vmem_shared>>
          tpu.enqueue_indirect_dma source(%arg12 : memref<128x128xf32, #tpu.memory_space<vmem>>) target(%dma_start3A_179 : memref<10240x128xf32, #tpu.memory_space<vmem_shared>>) offsets(%dma_start3A_176 : memref<128xi32, #tpu.memory_space<vmem>>) semaphore(%run_scoped3A_173 : memref<!tpu.dma_semaphore, #tpu.memory_space<semaphore_mem>>) {add = true}
          %dma_wait3A_180 = arith.constant 0 : i32
          %dma_wait3A_181 = tpu.memref_slice %arg10[%add3A_171, %dma_wait3A_180] : memref<40x128xi32, #tpu.memory_space<vmem>> -> memref<1x128xi32, #tpu.memory_space<vmem>>
          %dma_wait3A_182 = tpu.memref_squeeze %dma_wait3A_181 : memref<1x128xi32, #tpu.memory_space<vmem>> -> memref<128xi32, #tpu.memory_space<vmem>>
          %dma_wait3A_183 = arith.constant 0 : i32
          %dma_wait3A_184 = arith.constant 0 : i32
          %dma_wait3A_185 = tpu.memref_slice %arg8[%dma_wait3A_183, %dma_wait3A_184] : memref<10240x128xf32, #tpu.memory_space<vmem_shared>> -> memref<10240x128xf32, #tpu.memory_space<vmem_shared>>
          tpu.wait_indirect_dma semaphore(%run_scoped3A_173 : memref<!tpu.dma_semaphore, #tpu.memory_space<semaphore_mem>>) src(%arg12 : memref<128x128xf32, #tpu.memory_space<vmem>>) dst(%dma_wait3A_185 : memref<10240x128xf32, #tpu.memory_space<vmem_shared>>)
          tpu.yield
        }) : () -> ()
        %scan3A_172 = arith.constant 0 : i32
        scf.yield %scan3A_172 : i32
      }
      %scan3A_77 = arith.constant 19 : i32
      %dma_wait3A = arith.constant 38 : i32
      %dma_wait3A_78 = arith.constant 0 : i32
      %dma_wait3A_79 = tpu.memref_slice %arg9[%dma_wait3A, %dma_wait3A_78] : memref<40x128xi32, #tpu.memory_space<vmem>> -> memref<1x128xi32, #tpu.memory_space<vmem>>
      %dma_wait3A_80 = tpu.memref_squeeze %dma_wait3A_79 : memref<1x128xi32, #tpu.memory_space<vmem>> -> memref<128xi32, #tpu.memory_space<vmem>>
      %dma_wait3A_81 = arith.constant 0 : i32
      %dma_wait3A_82 = arith.constant 0 : i32
      %dma_wait3A_83 = tpu.memref_slice %arg2[%dma_wait3A_81, %dma_wait3A_82] : memref<10240x128xf32, #tpu.memory_space<hbm>> -> memref<10240x128xf32, #tpu.memory_space<hbm>>
      tpu.wait_indirect_dma semaphore(%arg13 : memref<!tpu.dma_semaphore, #tpu.memory_space<semaphore_mem>>) src(%dma_wait3A_83 : memref<10240x128xf32, #tpu.memory_space<hbm>>) dst(%arg11 : memref<128x128xf32, #tpu.memory_space<vmem>>)
      %dma_start3A_84 = arith.constant 39 : i32
      %dma_start3A_85 = arith.constant 0 : i32
      %dma_start3A_86 = tpu.memref_slice %arg9[%dma_start3A_84, %dma_start3A_85] : memref<40x128xi32, #tpu.memory_space<vmem>> -> memref<1x128xi32, #tpu.memory_space<vmem>>
      %dma_start3A_87 = tpu.memref_squeeze %dma_start3A_86 : memref<1x128xi32, #tpu.memory_space<vmem>> -> memref<128xi32, #tpu.memory_space<vmem>>
      %dma_start3A_88 = arith.constant 0 : i32
      %dma_start3A_89 = arith.constant 0 : i32
      %dma_start3A_90 = tpu.memref_slice %arg2[%dma_start3A_88, %dma_start3A_89] : memref<10240x128xf32, #tpu.memory_space<hbm>> -> memref<10240x128xf32, #tpu.memory_space<hbm>>
      tpu.enqueue_indirect_dma source(%dma_start3A_90 : memref<10240x128xf32, #tpu.memory_space<hbm>>) target(%arg12 : memref<128x128xf32, #tpu.memory_space<vmem>>) offsets(%dma_start3A_87 : memref<128xi32, #tpu.memory_space<vmem>>) semaphore(%arg14 : memref<!tpu.dma_semaphore, #tpu.memory_space<semaphore_mem>>)
      %run_scoped3A = arith.constant 38 : i32
      "tpu.region"() ({
        %run_scoped3A_136 = tpu.sem_alloc : memref<!tpu.dma_semaphore, #tpu.memory_space<semaphore_mem>>
        %dma_start3A_137 = arith.constant 0 : i32
        %dma_start3A_138 = tpu.memref_slice %arg10[%run_scoped3A, %dma_start3A_137] : memref<40x128xi32, #tpu.memory_space<vmem>> -> memref<1x128xi32, #tpu.memory_space<vmem>>
        %dma_start3A_139 = tpu.memref_squeeze %dma_start3A_138 : memref<1x128xi32, #tpu.memory_space<vmem>> -> memref<128xi32, #tpu.memory_space<vmem>>
        %dma_start3A_140 = arith.constant 0 : i32
        %dma_start3A_141 = arith.constant 0 : i32
        %dma_start3A_142 = tpu.memref_slice %arg8[%dma_start3A_140, %dma_start3A_141] : memref<10240x128xf32, #tpu.memory_space<vmem_shared>> -> memref<10240x128xf32, #tpu.memory_space<vmem_shared>>
        tpu.enqueue_indirect_dma source(%arg11 : memref<128x128xf32, #tpu.memory_space<vmem>>) target(%dma_start3A_142 : memref<10240x128xf32, #tpu.memory_space<vmem_shared>>) offsets(%dma_start3A_139 : memref<128xi32, #tpu.memory_space<vmem>>) semaphore(%run_scoped3A_136 : memref<!tpu.dma_semaphore, #tpu.memory_space<semaphore_mem>>) {add = true}
        %dma_wait3A_143 = arith.constant 0 : i32
        %dma_wait3A_144 = tpu.memref_slice %arg10[%run_scoped3A, %dma_wait3A_143] : memref<40x128xi32, #tpu.memory_space<vmem>> -> memref<1x128xi32, #tpu.memory_space<vmem>>
        %dma_wait3A_145 = tpu.memref_squeeze %dma_wait3A_144 : memref<1x128xi32, #tpu.memory_space<vmem>> -> memref<128xi32, #tpu.memory_space<vmem>>
        %dma_wait3A_146 = arith.constant 0 : i32
        %dma_wait3A_147 = arith.constant 0 : i32
        %dma_wait3A_148 = tpu.memref_slice %arg8[%dma_wait3A_146, %dma_wait3A_147] : memref<10240x128xf32, #tpu.memory_space<vmem_shared>> -> memref<10240x128xf32, #tpu.memory_space<vmem_shared>>
        tpu.wait_indirect_dma semaphore(%run_scoped3A_136 : memref<!tpu.dma_semaphore, #tpu.memory_space<semaphore_mem>>) src(%arg11 : memref<128x128xf32, #tpu.memory_space<vmem>>) dst(%dma_wait3A_148 : memref<10240x128xf32, #tpu.memory_space<vmem_shared>>)
        tpu.yield
      }) : () -> ()
      %dma_wait3A_91 = arith.constant 39 : i32
      %dma_wait3A_92 = arith.constant 0 : i32
      %dma_wait3A_93 = tpu.memref_slice %arg9[%dma_wait3A_91, %dma_wait3A_92] : memref<40x128xi32, #tpu.memory_space<vmem>> -> memref<1x128xi32, #tpu.memory_space<vmem>>
      %dma_wait3A_94 = tpu.memref_squeeze %dma_wait3A_93 : memref<1x128xi32, #tpu.memory_space<vmem>> -> memref<128xi32, #tpu.memory_space<vmem>>
      %dma_wait3A_95 = arith.constant 0 : i32
      %dma_wait3A_96 = arith.constant 0 : i32
      %dma_wait3A_97 = tpu.memref_slice %arg2[%dma_wait3A_95, %dma_wait3A_96] : memref<10240x128xf32, #tpu.memory_space<hbm>> -> memref<10240x128xf32, #tpu.memory_space<hbm>>
      tpu.wait_indirect_dma semaphore(%arg14 : memref<!tpu.dma_semaphore, #tpu.memory_space<semaphore_mem>>) src(%dma_wait3A_97 : memref<10240x128xf32, #tpu.memory_space<hbm>>) dst(%arg12 : memref<128x128xf32, #tpu.memory_space<vmem>>)
      %run_scoped3A_98 = arith.constant 39 : i32
      "tpu.region"() ({
        %run_scoped3A_136 = tpu.sem_alloc : memref<!tpu.dma_semaphore, #tpu.memory_space<semaphore_mem>>
        %dma_start3A_137 = arith.constant 0 : i32
        %dma_start3A_138 = tpu.memref_slice %arg10[%run_scoped3A_98, %dma_start3A_137] : memref<40x128xi32, #tpu.memory_space<vmem>> -> memref<1x128xi32, #tpu.memory_space<vmem>>
        %dma_start3A_139 = tpu.memref_squeeze %dma_start3A_138 : memref<1x128xi32, #tpu.memory_space<vmem>> -> memref<128xi32, #tpu.memory_space<vmem>>
        %dma_start3A_140 = arith.constant 0 : i32
        %dma_start3A_141 = arith.constant 0 : i32
        %dma_start3A_142 = tpu.memref_slice %arg8[%dma_start3A_140, %dma_start3A_141] : memref<10240x128xf32, #tpu.memory_space<vmem_shared>> -> memref<10240x128xf32, #tpu.memory_space<vmem_shared>>
        tpu.enqueue_indirect_dma source(%arg12 : memref<128x128xf32, #tpu.memory_space<vmem>>) target(%dma_start3A_142 : memref<10240x128xf32, #tpu.memory_space<vmem_shared>>) offsets(%dma_start3A_139 : memref<128xi32, #tpu.memory_space<vmem>>) semaphore(%run_scoped3A_136 : memref<!tpu.dma_semaphore, #tpu.memory_space<semaphore_mem>>) {add = true}
        %dma_wait3A_143 = arith.constant 0 : i32
        %dma_wait3A_144 = tpu.memref_slice %arg10[%run_scoped3A_98, %dma_wait3A_143] : memref<40x128xi32, #tpu.memory_space<vmem>> -> memref<1x128xi32, #tpu.memory_space<vmem>>
        %dma_wait3A_145 = tpu.memref_squeeze %dma_wait3A_144 : memref<1x128xi32, #tpu.memory_space<vmem>> -> memref<128xi32, #tpu.memory_space<vmem>>
        %dma_wait3A_146 = arith.constant 0 : i32
        %dma_wait3A_147 = arith.constant 0 : i32
        %dma_wait3A_148 = tpu.memref_slice %arg8[%dma_wait3A_146, %dma_wait3A_147] : memref<10240x128xf32, #tpu.memory_space<vmem_shared>> -> memref<10240x128xf32, #tpu.memory_space<vmem_shared>>
        tpu.wait_indirect_dma semaphore(%run_scoped3A_136 : memref<!tpu.dma_semaphore, #tpu.memory_space<semaphore_mem>>) src(%arg12 : memref<128x128xf32, #tpu.memory_space<vmem>>) dst(%dma_wait3A_148 : memref<10240x128xf32, #tpu.memory_space<vmem_shared>>)
        tpu.yield
      }) : () -> ()
      "tpu.region"() ({
        %run_scoped3A_136 = tpu.sem_alloc : memref<!tpu.dma_semaphore, #tpu.memory_space<semaphore_mem>>
        %dma_start3A_137 = arith.constant 0 : i32
        %dma_start3A_138 = arith.constant 0 : i32
        %dma_start3A_139 = tpu.memref_slice %arg9[%dma_start3A_137, %dma_start3A_138] : memref<40x128xi32, #tpu.memory_space<vmem>> -> memref<40x128xi32, #tpu.memory_space<vmem>>
        %dma_start3A_140 = arith.constant 40 : i32
        %dma_start3A_141 = arith.constant 0 : i32
        %dma_start3A_142 = tpu.memref_slice %arg3[%arg1, %dma_start3A_140, %dma_start3A_141] : memref<16x80x128xi32, #tpu.memory_space<hbm>> -> memref<1x40x128xi32, #tpu.memory_space<hbm>>
        %dma_start3A_143 = tpu.memref_squeeze %dma_start3A_142 : memref<1x40x128xi32, #tpu.memory_space<hbm>> -> memref<40x128xi32, #tpu.memory_space<hbm>>
        %dma_start3A_144 = arith.constant 0 : i32
        %dma_start3A_145 = arith.constant 0 : i32
        %dma_start3A_146 = tpu.memref_slice %arg9[%dma_start3A_144, %dma_start3A_145] : memref<40x128xi32, #tpu.memory_space<vmem>> -> memref<40x128xi32, #tpu.memory_space<vmem>>
        %dma_start3A_147 = arith.constant 40 : i32
        %dma_start3A_148 = arith.constant 0 : i32
        %dma_start3A_149 = tpu.memref_slice %arg3[%arg1, %dma_start3A_147, %dma_start3A_148] : memref<16x80x128xi32, #tpu.memory_space<hbm>> -> memref<1x40x128xi32, #tpu.memory_space<hbm>>
        %dma_start3A_150 = tpu.memref_squeeze %dma_start3A_149 : memref<1x40x128xi32, #tpu.memory_space<hbm>> -> memref<40x128xi32, #tpu.memory_space<hbm>>
        tpu.enqueue_dma source(%dma_start3A_150 : memref<40x128xi32, #tpu.memory_space<hbm>>) target(%dma_start3A_146 : memref<40x128xi32, #tpu.memory_space<vmem>>) target_semaphore(%run_scoped3A_136 : memref<!tpu.dma_semaphore, #tpu.memory_space<semaphore_mem>>)
        %dma_wait3A_151 = arith.constant 0 : i32
        %dma_wait3A_152 = arith.constant 0 : i32
        %dma_wait3A_153 = tpu.memref_slice %arg9[%dma_wait3A_151, %dma_wait3A_152] : memref<40x128xi32, #tpu.memory_space<vmem>> -> memref<40x128xi32, #tpu.memory_space<vmem>>
        %dma_wait3A_154 = arith.constant 40 : i32
        %dma_wait3A_155 = arith.constant 0 : i32
        %dma_wait3A_156 = tpu.memref_slice %arg3[%arg1, %dma_wait3A_154, %dma_wait3A_155] : memref<16x80x128xi32, #tpu.memory_space<hbm>> -> memref<1x40x128xi32, #tpu.memory_space<hbm>>
        %dma_wait3A_157 = tpu.memref_squeeze %dma_wait3A_156 : memref<1x40x128xi32, #tpu.memory_space<hbm>> -> memref<40x128xi32, #tpu.memory_space<hbm>>
        %dma_wait3A_158 = arith.constant 0 : i32
        %dma_wait3A_159 = arith.constant 0 : i32
        %dma_wait3A_160 = tpu.memref_slice %arg9[%dma_wait3A_158, %dma_wait3A_159] : memref<40x128xi32, #tpu.memory_space<vmem>> -> memref<40x128xi32, #tpu.memory_space<vmem>>
        %dma_wait3A_161 = arith.constant 40 : i32
        %dma_wait3A_162 = arith.constant 0 : i32
        %dma_wait3A_163 = tpu.memref_slice %arg3[%arg1, %dma_wait3A_161, %dma_wait3A_162] : memref<16x80x128xi32, #tpu.memory_space<hbm>> -> memref<1x40x128xi32, #tpu.memory_space<hbm>>
        %dma_wait3A_164 = tpu.memref_squeeze %dma_wait3A_163 : memref<1x40x128xi32, #tpu.memory_space<hbm>> -> memref<40x128xi32, #tpu.memory_space<hbm>>
        tpu.wait_dma2 semaphore(%run_scoped3A_136 : memref<!tpu.dma_semaphore, #tpu.memory_space<semaphore_mem>>) src(%dma_wait3A_164 : memref<40x128xi32, #tpu.memory_space<hbm>>) dst(%dma_wait3A_160 : memref<40x128xi32, #tpu.memory_space<vmem>>)
        tpu.yield
      }) : () -> ()
      "tpu.region"() ({
        %run_scoped3A_136 = tpu.sem_alloc : memref<!tpu.dma_semaphore, #tpu.memory_space<semaphore_mem>>
        %dma_start3A_137 = arith.constant 0 : i32
        %dma_start3A_138 = arith.constant 0 : i32
        %dma_start3A_139 = tpu.memref_slice %arg10[%dma_start3A_137, %dma_start3A_138] : memref<40x128xi32, #tpu.memory_space<vmem>> -> memref<40x128xi32, #tpu.memory_space<vmem>>
        %dma_start3A_140 = arith.constant 40 : i32
        %dma_start3A_141 = arith.constant 0 : i32
        %dma_start3A_142 = tpu.memref_slice %arg4[%arg1, %dma_start3A_140, %dma_start3A_141] : memref<16x80x128xi32, #tpu.memory_space<hbm>> -> memref<1x40x128xi32, #tpu.memory_space<hbm>>
        %dma_start3A_143 = tpu.memref_squeeze %dma_start3A_142 : memref<1x40x128xi32, #tpu.memory_space<hbm>> -> memref<40x128xi32, #tpu.memory_space<hbm>>
        %dma_start3A_144 = arith.constant 0 : i32
        %dma_start3A_145 = arith.constant 0 : i32
        %dma_start3A_146 = tpu.memref_slice %arg10[%dma_start3A_144, %dma_start3A_145] : memref<40x128xi32, #tpu.memory_space<vmem>> -> memref<40x128xi32, #tpu.memory_space<vmem>>
        %dma_start3A_147 = arith.constant 40 : i32
        %dma_start3A_148 = arith.constant 0 : i32
        %dma_start3A_149 = tpu.memref_slice %arg4[%arg1, %dma_start3A_147, %dma_start3A_148] : memref<16x80x128xi32, #tpu.memory_space<hbm>> -> memref<1x40x128xi32, #tpu.memory_space<hbm>>
        %dma_start3A_150 = tpu.memref_squeeze %dma_start3A_149 : memref<1x40x128xi32, #tpu.memory_space<hbm>> -> memref<40x128xi32, #tpu.memory_space<hbm>>
        tpu.enqueue_dma source(%dma_start3A_150 : memref<40x128xi32, #tpu.memory_space<hbm>>) target(%dma_start3A_146 : memref<40x128xi32, #tpu.memory_space<vmem>>) target_semaphore(%run_scoped3A_136 : memref<!tpu.dma_semaphore, #tpu.memory_space<semaphore_mem>>)
        %dma_wait3A_151 = arith.constant 0 : i32
        %dma_wait3A_152 = arith.constant 0 : i32
        %dma_wait3A_153 = tpu.memref_slice %arg10[%dma_wait3A_151, %dma_wait3A_152] : memref<40x128xi32, #tpu.memory_space<vmem>> -> memref<40x128xi32, #tpu.memory_space<vmem>>
        %dma_wait3A_154 = arith.constant 40 : i32
        %dma_wait3A_155 = arith.constant 0 : i32
        %dma_wait3A_156 = tpu.memref_slice %arg4[%arg1, %dma_wait3A_154, %dma_wait3A_155] : memref<16x80x128xi32, #tpu.memory_space<hbm>> -> memref<1x40x128xi32, #tpu.memory_space<hbm>>
        %dma_wait3A_157 = tpu.memref_squeeze %dma_wait3A_156 : memref<1x40x128xi32, #tpu.memory_space<hbm>> -> memref<40x128xi32, #tpu.memory_space<hbm>>
        %dma_wait3A_158 = arith.constant 0 : i32
        %dma_wait3A_159 = arith.constant 0 : i32
        %dma_wait3A_160 = tpu.memref_slice %arg10[%dma_wait3A_158, %dma_wait3A_159] : memref<40x128xi32, #tpu.memory_space<vmem>> -> memref<40x128xi32, #tpu.memory_space<vmem>>
        %dma_wait3A_161 = arith.constant 40 : i32
        %dma_wait3A_162 = arith.constant 0 : i32
        %dma_wait3A_163 = tpu.memref_slice %arg4[%arg1, %dma_wait3A_161, %dma_wait3A_162] : memref<16x80x128xi32, #tpu.memory_space<hbm>> -> memref<1x40x128xi32, #tpu.memory_space<hbm>>
        %dma_wait3A_164 = tpu.memref_squeeze %dma_wait3A_163 : memref<1x40x128xi32, #tpu.memory_space<hbm>> -> memref<40x128xi32, #tpu.memory_space<hbm>>
        tpu.wait_dma2 semaphore(%run_scoped3A_136 : memref<!tpu.dma_semaphore, #tpu.memory_space<semaphore_mem>>) src(%dma_wait3A_164 : memref<40x128xi32, #tpu.memory_space<hbm>>) dst(%dma_wait3A_160 : memref<40x128xi32, #tpu.memory_space<vmem>>)
        tpu.yield
      }) : () -> ()
      %dma_start3A_99 = arith.constant 0 : i32
      %dma_start3A_100 = arith.constant 0 : i32
      %dma_start3A_101 = tpu.memref_slice %arg9[%dma_start3A_99, %dma_start3A_100] : memref<40x128xi32, #tpu.memory_space<vmem>> -> memref<1x128xi32, #tpu.memory_space<vmem>>
      %dma_start3A_102 = tpu.memref_squeeze %dma_start3A_101 : memref<1x128xi32, #tpu.memory_space<vmem>> -> memref<128xi32, #tpu.memory_space<vmem>>
      %dma_start3A_103 = arith.constant 0 : i32
      %dma_start3A_104 = arith.constant 0 : i32
      %dma_start3A_105 = tpu.memref_slice %arg2[%dma_start3A_103, %dma_start3A_104] : memref<10240x128xf32, #tpu.memory_space<hbm>> -> memref<10240x128xf32, #tpu.memory_space<hbm>>
      tpu.enqueue_indirect_dma source(%dma_start3A_105 : memref<10240x128xf32, #tpu.memory_space<hbm>>) target(%arg11 : memref<128x128xf32, #tpu.memory_space<vmem>>) offsets(%dma_start3A_102 : memref<128xi32, #tpu.memory_space<vmem>>) semaphore(%arg13 : memref<!tpu.dma_semaphore, #tpu.memory_space<semaphore_mem>>)
      %scan3A_106 = arith.constant 0 : i32
      %scan3A_107 = arith.constant 0 : i32
      %scan3A_108 = arith.constant 19 : i32
      %scan3A_109 = arith.addi %scan3A_107, %scan3A_108 : i32
      %scan3A_110 = arith.constant 1 : i32
      %scan3A_111 = scf.for %scan3A_136 = %scan3A_107 to %scan3A_109 step %scan3A_110 iter_args(%scan3A_137 = %scan3A_106) -> (i32)  : i32 {
        %mul3A_138 = arith.constant 2 : i32
        %mul3A_139 = arith.muli %mul3A_138, %scan3A_136 : i32
        %dma_wait3A_140 = arith.constant 0 : i32
        %dma_wait3A_141 = tpu.memref_slice %arg9[%mul3A_139, %dma_wait3A_140] : memref<40x128xi32, #tpu.memory_space<vmem>> -> memref<1x128xi32, #tpu.memory_space<vmem>>
        %dma_wait3A_142 = tpu.memref_squeeze %dma_wait3A_141 : memref<1x128xi32, #tpu.memory_space<vmem>> -> memref<128xi32, #tpu.memory_space<vmem>>
        %dma_wait3A_143 = arith.constant 0 : i32
        %dma_wait3A_144 = arith.constant 0 : i32
        %dma_wait3A_145 = tpu.memref_slice %arg2[%dma_wait3A_143, %dma_wait3A_144] : memref<10240x128xf32, #tpu.memory_space<hbm>> -> memref<10240x128xf32, #tpu.memory_space<hbm>>
        tpu.wait_indirect_dma semaphore(%arg13 : memref<!tpu.dma_semaphore, #tpu.memory_space<semaphore_mem>>) src(%dma_wait3A_145 : memref<10240x128xf32, #tpu.memory_space<hbm>>) dst(%arg11 : memref<128x128xf32, #tpu.memory_space<vmem>>)
        %add3A_146 = arith.constant 1 : i32
        %add3A_147 = arith.addi %mul3A_139, %add3A_146 : i32
        %dma_start3A_148 = arith.constant 0 : i32
        %dma_start3A_149 = tpu.memref_slice %arg9[%add3A_147, %dma_start3A_148] : memref<40x128xi32, #tpu.memory_space<vmem>> -> memref<1x128xi32, #tpu.memory_space<vmem>>
        %dma_start3A_150 = tpu.memref_squeeze %dma_start3A_149 : memref<1x128xi32, #tpu.memory_space<vmem>> -> memref<128xi32, #tpu.memory_space<vmem>>
        %dma_start3A_151 = arith.constant 0 : i32
        %dma_start3A_152 = arith.constant 0 : i32
        %dma_start3A_153 = tpu.memref_slice %arg2[%dma_start3A_151, %dma_start3A_152] : memref<10240x128xf32, #tpu.memory_space<hbm>> -> memref<10240x128xf32, #tpu.memory_space<hbm>>
        tpu.enqueue_indirect_dma source(%dma_start3A_153 : memref<10240x128xf32, #tpu.memory_space<hbm>>) target(%arg12 : memref<128x128xf32, #tpu.memory_space<vmem>>) offsets(%dma_start3A_150 : memref<128xi32, #tpu.memory_space<vmem>>) semaphore(%arg14 : memref<!tpu.dma_semaphore, #tpu.memory_space<semaphore_mem>>)
        "tpu.region"() ({
          %run_scoped3A_173 = tpu.sem_alloc : memref<!tpu.dma_semaphore, #tpu.memory_space<semaphore_mem>>
          %dma_start3A_174 = arith.constant 0 : i32
          %dma_start3A_175 = tpu.memref_slice %arg10[%mul3A_139, %dma_start3A_174] : memref<40x128xi32, #tpu.memory_space<vmem>> -> memref<1x128xi32, #tpu.memory_space<vmem>>
          %dma_start3A_176 = tpu.memref_squeeze %dma_start3A_175 : memref<1x128xi32, #tpu.memory_space<vmem>> -> memref<128xi32, #tpu.memory_space<vmem>>
          %dma_start3A_177 = arith.constant 0 : i32
          %dma_start3A_178 = arith.constant 0 : i32
          %dma_start3A_179 = tpu.memref_slice %arg8[%dma_start3A_177, %dma_start3A_178] : memref<10240x128xf32, #tpu.memory_space<vmem_shared>> -> memref<10240x128xf32, #tpu.memory_space<vmem_shared>>
          tpu.enqueue_indirect_dma source(%arg11 : memref<128x128xf32, #tpu.memory_space<vmem>>) target(%dma_start3A_179 : memref<10240x128xf32, #tpu.memory_space<vmem_shared>>) offsets(%dma_start3A_176 : memref<128xi32, #tpu.memory_space<vmem>>) semaphore(%run_scoped3A_173 : memref<!tpu.dma_semaphore, #tpu.memory_space<semaphore_mem>>) {add = true}
          %dma_wait3A_180 = arith.constant 0 : i32
          %dma_wait3A_181 = tpu.memref_slice %arg10[%mul3A_139, %dma_wait3A_180] : memref<40x128xi32, #tpu.memory_space<vmem>> -> memref<1x128xi32, #tpu.memory_space<vmem>>
          %dma_wait3A_182 = tpu.memref_squeeze %dma_wait3A_181 : memref<1x128xi32, #tpu.memory_space<vmem>> -> memref<128xi32, #tpu.memory_space<vmem>>
          %dma_wait3A_183 = arith.constant 0 : i32
          %dma_wait3A_184 = arith.constant 0 : i32
          %dma_wait3A_185 = tpu.memref_slice %arg8[%dma_wait3A_183, %dma_wait3A_184] : memref<10240x128xf32, #tpu.memory_space<vmem_shared>> -> memref<10240x128xf32, #tpu.memory_space<vmem_shared>>
          tpu.wait_indirect_dma semaphore(%run_scoped3A_173 : memref<!tpu.dma_semaphore, #tpu.memory_space<semaphore_mem>>) src(%arg11 : memref<128x128xf32, #tpu.memory_space<vmem>>) dst(%dma_wait3A_185 : memref<10240x128xf32, #tpu.memory_space<vmem_shared>>)
          tpu.yield
        }) : () -> ()
        %add3A_154 = arith.constant 1 : i32
        %add3A_155 = arith.addi %mul3A_139, %add3A_154 : i32
        %dma_wait3A_156 = arith.constant 0 : i32
        %dma_wait3A_157 = tpu.memref_slice %arg9[%add3A_155, %dma_wait3A_156] : memref<40x128xi32, #tpu.memory_space<vmem>> -> memref<1x128xi32, #tpu.memory_space<vmem>>
        %dma_wait3A_158 = tpu.memref_squeeze %dma_wait3A_157 : memref<1x128xi32, #tpu.memory_space<vmem>> -> memref<128xi32, #tpu.memory_space<vmem>>
        %dma_wait3A_159 = arith.constant 0 : i32
        %dma_wait3A_160 = arith.constant 0 : i32
        %dma_wait3A_161 = tpu.memref_slice %arg2[%dma_wait3A_159, %dma_wait3A_160] : memref<10240x128xf32, #tpu.memory_space<hbm>> -> memref<10240x128xf32, #tpu.memory_space<hbm>>
        tpu.wait_indirect_dma semaphore(%arg14 : memref<!tpu.dma_semaphore, #tpu.memory_space<semaphore_mem>>) src(%dma_wait3A_161 : memref<10240x128xf32, #tpu.memory_space<hbm>>) dst(%arg12 : memref<128x128xf32, #tpu.memory_space<vmem>>)
        %add3A_162 = arith.constant 2 : i32
        %add3A_163 = arith.addi %mul3A_139, %add3A_162 : i32
        %dma_start3A_164 = arith.constant 0 : i32
        %dma_start3A_165 = tpu.memref_slice %arg9[%add3A_163, %dma_start3A_164] : memref<40x128xi32, #tpu.memory_space<vmem>> -> memref<1x128xi32, #tpu.memory_space<vmem>>
        %dma_start3A_166 = tpu.memref_squeeze %dma_start3A_165 : memref<1x128xi32, #tpu.memory_space<vmem>> -> memref<128xi32, #tpu.memory_space<vmem>>
        %dma_start3A_167 = arith.constant 0 : i32
        %dma_start3A_168 = arith.constant 0 : i32
        %dma_start3A_169 = tpu.memref_slice %arg2[%dma_start3A_167, %dma_start3A_168] : memref<10240x128xf32, #tpu.memory_space<hbm>> -> memref<10240x128xf32, #tpu.memory_space<hbm>>
        tpu.enqueue_indirect_dma source(%dma_start3A_169 : memref<10240x128xf32, #tpu.memory_space<hbm>>) target(%arg11 : memref<128x128xf32, #tpu.memory_space<vmem>>) offsets(%dma_start3A_166 : memref<128xi32, #tpu.memory_space<vmem>>) semaphore(%arg13 : memref<!tpu.dma_semaphore, #tpu.memory_space<semaphore_mem>>)
        %add3A_170 = arith.constant 1 : i32
        %add3A_171 = arith.addi %mul3A_139, %add3A_170 : i32
        "tpu.region"() ({
          %run_scoped3A_173 = tpu.sem_alloc : memref<!tpu.dma_semaphore, #tpu.memory_space<semaphore_mem>>
          %dma_start3A_174 = arith.constant 0 : i32
          %dma_start3A_175 = tpu.memref_slice %arg10[%add3A_171, %dma_start3A_174] : memref<40x128xi32, #tpu.memory_space<vmem>> -> memref<1x128xi32, #tpu.memory_space<vmem>>
          %dma_start3A_176 = tpu.memref_squeeze %dma_start3A_175 : memref<1x128xi32, #tpu.memory_space<vmem>> -> memref<128xi32, #tpu.memory_space<vmem>>
          %dma_start3A_177 = arith.constant 0 : i32
          %dma_start3A_178 = arith.constant 0 : i32
          %dma_start3A_179 = tpu.memref_slice %arg8[%dma_start3A_177, %dma_start3A_178] : memref<10240x128xf32, #tpu.memory_space<vmem_shared>> -> memref<10240x128xf32, #tpu.memory_space<vmem_shared>>
          tpu.enqueue_indirect_dma source(%arg12 : memref<128x128xf32, #tpu.memory_space<vmem>>) target(%dma_start3A_179 : memref<10240x128xf32, #tpu.memory_space<vmem_shared>>) offsets(%dma_start3A_176 : memref<128xi32, #tpu.memory_space<vmem>>) semaphore(%run_scoped3A_173 : memref<!tpu.dma_semaphore, #tpu.memory_space<semaphore_mem>>) {add = true}
          %dma_wait3A_180 = arith.constant 0 : i32
          %dma_wait3A_181 = tpu.memref_slice %arg10[%add3A_171, %dma_wait3A_180] : memref<40x128xi32, #tpu.memory_space<vmem>> -> memref<1x128xi32, #tpu.memory_space<vmem>>
          %dma_wait3A_182 = tpu.memref_squeeze %dma_wait3A_181 : memref<1x128xi32, #tpu.memory_space<vmem>> -> memref<128xi32, #tpu.memory_space<vmem>>
          %dma_wait3A_183 = arith.constant 0 : i32
          %dma_wait3A_184 = arith.constant 0 : i32
          %dma_wait3A_185 = tpu.memref_slice %arg8[%dma_wait3A_183, %dma_wait3A_184] : memref<10240x128xf32, #tpu.memory_space<vmem_shared>> -> memref<10240x128xf32, #tpu.memory_space<vmem_shared>>
          tpu.wait_indirect_dma semaphore(%run_scoped3A_173 : memref<!tpu.dma_semaphore, #tpu.memory_space<semaphore_mem>>) src(%arg12 : memref<128x128xf32, #tpu.memory_space<vmem>>) dst(%dma_wait3A_185 : memref<10240x128xf32, #tpu.memory_space<vmem_shared>>)
          tpu.yield
        }) : () -> ()
        %scan3A_172 = arith.constant 0 : i32
        scf.yield %scan3A_172 : i32
      }
      %scan3A_112 = arith.constant 19 : i32
      %dma_wait3A_113 = arith.constant 38 : i32
      %dma_wait3A_114 = arith.constant 0 : i32
      %dma_wait3A_115 = tpu.memref_slice %arg9[%dma_wait3A_113, %dma_wait3A_114] : memref<40x128xi32, #tpu.memory_space<vmem>> -> memref<1x128xi32, #tpu.memory_space<vmem>>
      %dma_wait3A_116 = tpu.memref_squeeze %dma_wait3A_115 : memref<1x128xi32, #tpu.memory_space<vmem>> -> memref<128xi32, #tpu.memory_space<vmem>>
      %dma_wait3A_117 = arith.constant 0 : i32
      %dma_wait3A_118 = arith.constant 0 : i32
      %dma_wait3A_119 = tpu.memref_slice %arg2[%dma_wait3A_117, %dma_wait3A_118] : memref<10240x128xf32, #tpu.memory_space<hbm>> -> memref<10240x128xf32, #tpu.memory_space<hbm>>
      tpu.wait_indirect_dma semaphore(%arg13 : memref<!tpu.dma_semaphore, #tpu.memory_space<semaphore_mem>>) src(%dma_wait3A_119 : memref<10240x128xf32, #tpu.memory_space<hbm>>) dst(%arg11 : memref<128x128xf32, #tpu.memory_space<vmem>>)
      %dma_start3A_120 = arith.constant 39 : i32
      %dma_start3A_121 = arith.constant 0 : i32
      %dma_start3A_122 = tpu.memref_slice %arg9[%dma_start3A_120, %dma_start3A_121] : memref<40x128xi32, #tpu.memory_space<vmem>> -> memref<1x128xi32, #tpu.memory_space<vmem>>
      %dma_start3A_123 = tpu.memref_squeeze %dma_start3A_122 : memref<1x128xi32, #tpu.memory_space<vmem>> -> memref<128xi32, #tpu.memory_space<vmem>>
      %dma_start3A_124 = arith.constant 0 : i32
      %dma_start3A_125 = arith.constant 0 : i32
      %dma_start3A_126 = tpu.memref_slice %arg2[%dma_start3A_124, %dma_start3A_125] : memref<10240x128xf32, #tpu.memory_space<hbm>> -> memref<10240x128xf32, #tpu.memory_space<hbm>>
      tpu.enqueue_indirect_dma source(%dma_start3A_126 : memref<10240x128xf32, #tpu.memory_space<hbm>>) target(%arg12 : memref<128x128xf32, #tpu.memory_space<vmem>>) offsets(%dma_start3A_123 : memref<128xi32, #tpu.memory_space<vmem>>) semaphore(%arg14 : memref<!tpu.dma_semaphore, #tpu.memory_space<semaphore_mem>>)
      %run_scoped3A_127 = arith.constant 38 : i32
      "tpu.region"() ({
        %run_scoped3A_136 = tpu.sem_alloc : memref<!tpu.dma_semaphore, #tpu.memory_space<semaphore_mem>>
        %dma_start3A_137 = arith.constant 0 : i32
        %dma_start3A_138 = tpu.memref_slice %arg10[%run_scoped3A_127, %dma_start3A_137] : memref<40x128xi32, #tpu.memory_space<vmem>> -> memref<1x128xi32, #tpu.memory_space<vmem>>
        %dma_start3A_139 = tpu.memref_squeeze %dma_start3A_138 : memref<1x128xi32, #tpu.memory_space<vmem>> -> memref<128xi32, #tpu.memory_space<vmem>>
        %dma_start3A_140 = arith.constant 0 : i32
        %dma_start3A_141 = arith.constant 0 : i32
        %dma_start3A_142 = tpu.memref_slice %arg8[%dma_start3A_140, %dma_start3A_141] : memref<10240x128xf32, #tpu.memory_space<vmem_shared>> -> memref<10240x128xf32, #tpu.memory_space<vmem_shared>>
        tpu.enqueue_indirect_dma source(%arg11 : memref<128x128xf32, #tpu.memory_space<vmem>>) target(%dma_start3A_142 : memref<10240x128xf32, #tpu.memory_space<vmem_shared>>) offsets(%dma_start3A_139 : memref<128xi32, #tpu.memory_space<vmem>>) semaphore(%run_scoped3A_136 : memref<!tpu.dma_semaphore, #tpu.memory_space<semaphore_mem>>) {add = true}
        %dma_wait3A_143 = arith.constant 0 : i32
        %dma_wait3A_144 = tpu.memref_slice %arg10[%run_scoped3A_127, %dma_wait3A_143] : memref<40x128xi32, #tpu.memory_space<vmem>> -> memref<1x128xi32, #tpu.memory_space<vmem>>
        %dma_wait3A_145 = tpu.memref_squeeze %dma_wait3A_144 : memref<1x128xi32, #tpu.memory_space<vmem>> -> memref<128xi32, #tpu.memory_space<vmem>>
        %dma_wait3A_146 = arith.constant 0 : i32
        %dma_wait3A_147 = arith.constant 0 : i32
        %dma_wait3A_148 = tpu.memref_slice %arg8[%dma_wait3A_146, %dma_wait3A_147] : memref<10240x128xf32, #tpu.memory_space<vmem_shared>> -> memref<10240x128xf32, #tpu.memory_space<vmem_shared>>
        tpu.wait_indirect_dma semaphore(%run_scoped3A_136 : memref<!tpu.dma_semaphore, #tpu.memory_space<semaphore_mem>>) src(%arg11 : memref<128x128xf32, #tpu.memory_space<vmem>>) dst(%dma_wait3A_148 : memref<10240x128xf32, #tpu.memory_space<vmem_shared>>)
        tpu.yield
      }) : () -> ()
      %dma_wait3A_128 = arith.constant 39 : i32
      %dma_wait3A_129 = arith.constant 0 : i32
      %dma_wait3A_130 = tpu.memref_slice %arg9[%dma_wait3A_128, %dma_wait3A_129] : memref<40x128xi32, #tpu.memory_space<vmem>> -> memref<1x128xi32, #tpu.memory_space<vmem>>
      %dma_wait3A_131 = tpu.memref_squeeze %dma_wait3A_130 : memref<1x128xi32, #tpu.memory_space<vmem>> -> memref<128xi32, #tpu.memory_space<vmem>>
      %dma_wait3A_132 = arith.constant 0 : i32
      %dma_wait3A_133 = arith.constant 0 : i32
      %dma_wait3A_134 = tpu.memref_slice %arg2[%dma_wait3A_132, %dma_wait3A_133] : memref<10240x128xf32, #tpu.memory_space<hbm>> -> memref<10240x128xf32, #tpu.memory_space<hbm>>
      tpu.wait_indirect_dma semaphore(%arg14 : memref<!tpu.dma_semaphore, #tpu.memory_space<semaphore_mem>>) src(%dma_wait3A_134 : memref<10240x128xf32, #tpu.memory_space<hbm>>) dst(%arg12 : memref<128x128xf32, #tpu.memory_space<vmem>>)
      %run_scoped3A_135 = arith.constant 39 : i32
      "tpu.region"() ({
        %run_scoped3A_136 = tpu.sem_alloc : memref<!tpu.dma_semaphore, #tpu.memory_space<semaphore_mem>>
        %dma_start3A_137 = arith.constant 0 : i32
        %dma_start3A_138 = tpu.memref_slice %arg10[%run_scoped3A_135, %dma_start3A_137] : memref<40x128xi32, #tpu.memory_space<vmem>> -> memref<1x128xi32, #tpu.memory_space<vmem>>
        %dma_start3A_139 = tpu.memref_squeeze %dma_start3A_138 : memref<1x128xi32, #tpu.memory_space<vmem>> -> memref<128xi32, #tpu.memory_space<vmem>>
        %dma_start3A_140 = arith.constant 0 : i32
        %dma_start3A_141 = arith.constant 0 : i32
        %dma_start3A_142 = tpu.memref_slice %arg8[%dma_start3A_140, %dma_start3A_141] : memref<10240x128xf32, #tpu.memory_space<vmem_shared>> -> memref<10240x128xf32, #tpu.memory_space<vmem_shared>>
        tpu.enqueue_indirect_dma source(%arg12 : memref<128x128xf32, #tpu.memory_space<vmem>>) target(%dma_start3A_142 : memref<10240x128xf32, #tpu.memory_space<vmem_shared>>) offsets(%dma_start3A_139 : memref<128xi32, #tpu.memory_space<vmem>>) semaphore(%run_scoped3A_136 : memref<!tpu.dma_semaphore, #tpu.memory_space<semaphore_mem>>) {add = true}
        %dma_wait3A_143 = arith.constant 0 : i32
        %dma_wait3A_144 = tpu.memref_slice %arg10[%run_scoped3A_135, %dma_wait3A_143] : memref<40x128xi32, #tpu.memory_space<vmem>> -> memref<1x128xi32, #tpu.memory_space<vmem>>
        %dma_wait3A_145 = tpu.memref_squeeze %dma_wait3A_144 : memref<1x128xi32, #tpu.memory_space<vmem>> -> memref<128xi32, #tpu.memory_space<vmem>>
        %dma_wait3A_146 = arith.constant 0 : i32
        %dma_wait3A_147 = arith.constant 0 : i32
        %dma_wait3A_148 = tpu.memref_slice %arg8[%dma_wait3A_146, %dma_wait3A_147] : memref<10240x128xf32, #tpu.memory_space<vmem_shared>> -> memref<10240x128xf32, #tpu.memory_space<vmem_shared>>
        tpu.wait_indirect_dma semaphore(%run_scoped3A_136 : memref<!tpu.dma_semaphore, #tpu.memory_space<semaphore_mem>>) src(%arg12 : memref<128x128xf32, #tpu.memory_space<vmem>>) dst(%dma_wait3A_148 : memref<10240x128xf32, #tpu.memory_space<vmem_shared>>)
        tpu.yield
      }) : () -> ()
    } else {
    }
    %eq3A_20 = arith.constant 0 : i32
    %eq3A_21 = arith.cmpi eq, %arg0, %eq3A_20 : i32
    %convert_element_type3A_22 = arith.extui %eq3A_21 : i1 to i32
    %cond3A_23 = arith.constant 0 : i32
    %cond3A_24 = arith.cmpi ne, %convert_element_type3A_22, %cond3A_23 : i32
    scf.if %cond3A_24 {
      "tpu.region"() ({
        %run_scoped3A_136 = tpu.sem_alloc : memref<!tpu.dma_semaphore, #tpu.memory_space<semaphore_mem>>
        %dma_start3A_137 = arith.constant 0 : i32
        %dma_start3A_138 = arith.constant 0 : i32
        %dma_start3A_139 = tpu.memref_slice %arg9[%dma_start3A_137, %dma_start3A_138] : memref<40x128xi32, #tpu.memory_space<vmem>> -> memref<40x128xi32, #tpu.memory_space<vmem>>
        %dma_start3A_140 = arith.constant 0 : i32
        %dma_start3A_141 = arith.constant 0 : i32
        %dma_start3A_142 = tpu.memref_slice %arg5[%arg1, %dma_start3A_140, %dma_start3A_141] : memref<16x80x128xi32, #tpu.memory_space<hbm>> -> memref<1x40x128xi32, #tpu.memory_space<hbm>>
        %dma_start3A_143 = tpu.memref_squeeze %dma_start3A_142 : memref<1x40x128xi32, #tpu.memory_space<hbm>> -> memref<40x128xi32, #tpu.memory_space<hbm>>
        %dma_start3A_144 = arith.constant 0 : i32
        %dma_start3A_145 = arith.constant 0 : i32
        %dma_start3A_146 = tpu.memref_slice %arg9[%dma_start3A_144, %dma_start3A_145] : memref<40x128xi32, #tpu.memory_space<vmem>> -> memref<40x128xi32, #tpu.memory_space<vmem>>
        %dma_start3A_147 = arith.constant 0 : i32
        %dma_start3A_148 = arith.constant 0 : i32
        %dma_start3A_149 = tpu.memref_slice %arg5[%arg1, %dma_start3A_147, %dma_start3A_148] : memref<16x80x128xi32, #tpu.memory_space<hbm>> -> memref<1x40x128xi32, #tpu.memory_space<hbm>>
        %dma_start3A_150 = tpu.memref_squeeze %dma_start3A_149 : memref<1x40x128xi32, #tpu.memory_space<hbm>> -> memref<40x128xi32, #tpu.memory_space<hbm>>
        tpu.enqueue_dma source(%dma_start3A_150 : memref<40x128xi32, #tpu.memory_space<hbm>>) target(%dma_start3A_146 : memref<40x128xi32, #tpu.memory_space<vmem>>) target_semaphore(%run_scoped3A_136 : memref<!tpu.dma_semaphore, #tpu.memory_space<semaphore_mem>>)
        %dma_wait3A_151 = arith.constant 0 : i32
        %dma_wait3A_152 = arith.constant 0 : i32
        %dma_wait3A_153 = tpu.memref_slice %arg9[%dma_wait3A_151, %dma_wait3A_152] : memref<40x128xi32, #tpu.memory_space<vmem>> -> memref<40x128xi32, #tpu.memory_space<vmem>>
        %dma_wait3A_154 = arith.constant 0 : i32
        %dma_wait3A_155 = arith.constant 0 : i32
        %dma_wait3A_156 = tpu.memref_slice %arg5[%arg1, %dma_wait3A_154, %dma_wait3A_155] : memref<16x80x128xi32, #tpu.memory_space<hbm>> -> memref<1x40x128xi32, #tpu.memory_space<hbm>>
        %dma_wait3A_157 = tpu.memref_squeeze %dma_wait3A_156 : memref<1x40x128xi32, #tpu.memory_space<hbm>> -> memref<40x128xi32, #tpu.memory_space<hbm>>
        %dma_wait3A_158 = arith.constant 0 : i32
        %dma_wait3A_159 = arith.constant 0 : i32
        %dma_wait3A_160 = tpu.memref_slice %arg9[%dma_wait3A_158, %dma_wait3A_159] : memref<40x128xi32, #tpu.memory_space<vmem>> -> memref<40x128xi32, #tpu.memory_space<vmem>>
        %dma_wait3A_161 = arith.constant 0 : i32
        %dma_wait3A_162 = arith.constant 0 : i32
        %dma_wait3A_163 = tpu.memref_slice %arg5[%arg1, %dma_wait3A_161, %dma_wait3A_162] : memref<16x80x128xi32, #tpu.memory_space<hbm>> -> memref<1x40x128xi32, #tpu.memory_space<hbm>>
        %dma_wait3A_164 = tpu.memref_squeeze %dma_wait3A_163 : memref<1x40x128xi32, #tpu.memory_space<hbm>> -> memref<40x128xi32, #tpu.memory_space<hbm>>
        tpu.wait_dma2 semaphore(%run_scoped3A_136 : memref<!tpu.dma_semaphore, #tpu.memory_space<semaphore_mem>>) src(%dma_wait3A_164 : memref<40x128xi32, #tpu.memory_space<hbm>>) dst(%dma_wait3A_160 : memref<40x128xi32, #tpu.memory_space<vmem>>)
        tpu.yield
      }) : () -> ()
      "tpu.region"() ({
        %run_scoped3A_136 = tpu.sem_alloc : memref<!tpu.dma_semaphore, #tpu.memory_space<semaphore_mem>>
        %dma_start3A_137 = arith.constant 0 : i32
        %dma_start3A_138 = arith.constant 0 : i32
        %dma_start3A_139 = tpu.memref_slice %arg10[%dma_start3A_137, %dma_start3A_138] : memref<40x128xi32, #tpu.memory_space<vmem>> -> memref<40x128xi32, #tpu.memory_space<vmem>>
        %dma_start3A_140 = arith.constant 0 : i32
        %dma_start3A_141 = arith.constant 0 : i32
        %dma_start3A_142 = tpu.memref_slice %arg6[%arg1, %dma_start3A_140, %dma_start3A_141] : memref<16x80x128xi32, #tpu.memory_space<hbm>> -> memref<1x40x128xi32, #tpu.memory_space<hbm>>
        %dma_start3A_143 = tpu.memref_squeeze %dma_start3A_142 : memref<1x40x128xi32, #tpu.memory_space<hbm>> -> memref<40x128xi32, #tpu.memory_space<hbm>>
        %dma_start3A_144 = arith.constant 0 : i32
        %dma_start3A_145 = arith.constant 0 : i32
        %dma_start3A_146 = tpu.memref_slice %arg10[%dma_start3A_144, %dma_start3A_145] : memref<40x128xi32, #tpu.memory_space<vmem>> -> memref<40x128xi32, #tpu.memory_space<vmem>>
        %dma_start3A_147 = arith.constant 0 : i32
        %dma_start3A_148 = arith.constant 0 : i32
        %dma_start3A_149 = tpu.memref_slice %arg6[%arg1, %dma_start3A_147, %dma_start3A_148] : memref<16x80x128xi32, #tpu.memory_space<hbm>> -> memref<1x40x128xi32, #tpu.memory_space<hbm>>
        %dma_start3A_150 = tpu.memref_squeeze %dma_start3A_149 : memref<1x40x128xi32, #tpu.memory_space<hbm>> -> memref<40x128xi32, #tpu.memory_space<hbm>>
        tpu.enqueue_dma source(%dma_start3A_150 : memref<40x128xi32, #tpu.memory_space<hbm>>) target(%dma_start3A_146 : memref<40x128xi32, #tpu.memory_space<vmem>>) target_semaphore(%run_scoped3A_136 : memref<!tpu.dma_semaphore, #tpu.memory_space<semaphore_mem>>)
        %dma_wait3A_151 = arith.constant 0 : i32
        %dma_wait3A_152 = arith.constant 0 : i32
        %dma_wait3A_153 = tpu.memref_slice %arg10[%dma_wait3A_151, %dma_wait3A_152] : memref<40x128xi32, #tpu.memory_space<vmem>> -> memref<40x128xi32, #tpu.memory_space<vmem>>
        %dma_wait3A_154 = arith.constant 0 : i32
        %dma_wait3A_155 = arith.constant 0 : i32
        %dma_wait3A_156 = tpu.memref_slice %arg6[%arg1, %dma_wait3A_154, %dma_wait3A_155] : memref<16x80x128xi32, #tpu.memory_space<hbm>> -> memref<1x40x128xi32, #tpu.memory_space<hbm>>
        %dma_wait3A_157 = tpu.memref_squeeze %dma_wait3A_156 : memref<1x40x128xi32, #tpu.memory_space<hbm>> -> memref<40x128xi32, #tpu.memory_space<hbm>>
        %dma_wait3A_158 = arith.constant 0 : i32
        %dma_wait3A_159 = arith.constant 0 : i32
        %dma_wait3A_160 = tpu.memref_slice %arg10[%dma_wait3A_158, %dma_wait3A_159] : memref<40x128xi32, #tpu.memory_space<vmem>> -> memref<40x128xi32, #tpu.memory_space<vmem>>
        %dma_wait3A_161 = arith.constant 0 : i32
        %dma_wait3A_162 = arith.constant 0 : i32
        %dma_wait3A_163 = tpu.memref_slice %arg6[%arg1, %dma_wait3A_161, %dma_wait3A_162] : memref<16x80x128xi32, #tpu.memory_space<hbm>> -> memref<1x40x128xi32, #tpu.memory_space<hbm>>
        %dma_wait3A_164 = tpu.memref_squeeze %dma_wait3A_163 : memref<1x40x128xi32, #tpu.memory_space<hbm>> -> memref<40x128xi32, #tpu.memory_space<hbm>>
        tpu.wait_dma2 semaphore(%run_scoped3A_136 : memref<!tpu.dma_semaphore, #tpu.memory_space<semaphore_mem>>) src(%dma_wait3A_164 : memref<40x128xi32, #tpu.memory_space<hbm>>) dst(%dma_wait3A_160 : memref<40x128xi32, #tpu.memory_space<vmem>>)
        tpu.yield
      }) : () -> ()
      %dma_start3A = arith.constant 0 : i32
      %dma_start3A_66 = arith.constant 0 : i32
      %dma_start3A_67 = tpu.memref_slice %arg9[%dma_start3A, %dma_start3A_66] : memref<40x128xi32, #tpu.memory_space<vmem>> -> memref<1x128xi32, #tpu.memory_space<vmem>>
      %dma_start3A_68 = tpu.memref_squeeze %dma_start3A_67 : memref<1x128xi32, #tpu.memory_space<vmem>> -> memref<128xi32, #tpu.memory_space<vmem>>
      %dma_start3A_69 = arith.constant 0 : i32
      %dma_start3A_70 = arith.constant 0 : i32
      %dma_start3A_71 = tpu.memref_slice %arg2[%dma_start3A_69, %dma_start3A_70] : memref<10240x128xf32, #tpu.memory_space<hbm>> -> memref<10240x128xf32, #tpu.memory_space<hbm>>
      tpu.enqueue_indirect_dma source(%dma_start3A_71 : memref<10240x128xf32, #tpu.memory_space<hbm>>) target(%arg11 : memref<128x128xf32, #tpu.memory_space<vmem>>) offsets(%dma_start3A_68 : memref<128xi32, #tpu.memory_space<vmem>>) semaphore(%arg13 : memref<!tpu.dma_semaphore, #tpu.memory_space<semaphore_mem>>)
      %scan3A = arith.constant 0 : i32
      %scan3A_72 = arith.constant 0 : i32
      %scan3A_73 = arith.constant 19 : i32
      %scan3A_74 = arith.addi %scan3A_72, %scan3A_73 : i32
      %scan3A_75 = arith.constant 1 : i32
      %scan3A_76 = scf.for %scan3A_136 = %scan3A_72 to %scan3A_74 step %scan3A_75 iter_args(%scan3A_137 = %scan3A) -> (i32)  : i32 {
        %mul3A_138 = arith.constant 2 : i32
        %mul3A_139 = arith.muli %mul3A_138, %scan3A_136 : i32
        %dma_wait3A_140 = arith.constant 0 : i32
        %dma_wait3A_141 = tpu.memref_slice %arg9[%mul3A_139, %dma_wait3A_140] : memref<40x128xi32, #tpu.memory_space<vmem>> -> memref<1x128xi32, #tpu.memory_space<vmem>>
        %dma_wait3A_142 = tpu.memref_squeeze %dma_wait3A_141 : memref<1x128xi32, #tpu.memory_space<vmem>> -> memref<128xi32, #tpu.memory_space<vmem>>
        %dma_wait3A_143 = arith.constant 0 : i32
        %dma_wait3A_144 = arith.constant 0 : i32
        %dma_wait3A_145 = tpu.memref_slice %arg2[%dma_wait3A_143, %dma_wait3A_144] : memref<10240x128xf32, #tpu.memory_space<hbm>> -> memref<10240x128xf32, #tpu.memory_space<hbm>>
        tpu.wait_indirect_dma semaphore(%arg13 : memref<!tpu.dma_semaphore, #tpu.memory_space<semaphore_mem>>) src(%dma_wait3A_145 : memref<10240x128xf32, #tpu.memory_space<hbm>>) dst(%arg11 : memref<128x128xf32, #tpu.memory_space<vmem>>)
        %add3A_146 = arith.constant 1 : i32
        %add3A_147 = arith.addi %mul3A_139, %add3A_146 : i32
        %dma_start3A_148 = arith.constant 0 : i32
        %dma_start3A_149 = tpu.memref_slice %arg9[%add3A_147, %dma_start3A_148] : memref<40x128xi32, #tpu.memory_space<vmem>> -> memref<1x128xi32, #tpu.memory_space<vmem>>
        %dma_start3A_150 = tpu.memref_squeeze %dma_start3A_149 : memref<1x128xi32, #tpu.memory_space<vmem>> -> memref<128xi32, #tpu.memory_space<vmem>>
        %dma_start3A_151 = arith.constant 0 : i32
        %dma_start3A_152 = arith.constant 0 : i32
        %dma_start3A_153 = tpu.memref_slice %arg2[%dma_start3A_151, %dma_start3A_152] : memref<10240x128xf32, #tpu.memory_space<hbm>> -> memref<10240x128xf32, #tpu.memory_space<hbm>>
        tpu.enqueue_indirect_dma source(%dma_start3A_153 : memref<10240x128xf32, #tpu.memory_space<hbm>>) target(%arg12 : memref<128x128xf32, #tpu.memory_space<vmem>>) offsets(%dma_start3A_150 : memref<128xi32, #tpu.memory_space<vmem>>) semaphore(%arg14 : memref<!tpu.dma_semaphore, #tpu.memory_space<semaphore_mem>>)
        "tpu.region"() ({
          %run_scoped3A_173 = tpu.sem_alloc : memref<!tpu.dma_semaphore, #tpu.memory_space<semaphore_mem>>
          %dma_start3A_174 = arith.constant 0 : i32
          %dma_start3A_175 = tpu.memref_slice %arg10[%mul3A_139, %dma_start3A_174] : memref<40x128xi32, #tpu.memory_space<vmem>> -> memref<1x128xi32, #tpu.memory_space<vmem>>
          %dma_start3A_176 = tpu.memref_squeeze %dma_start3A_175 : memref<1x128xi32, #tpu.memory_space<vmem>> -> memref<128xi32, #tpu.memory_space<vmem>>
          %dma_start3A_177 = arith.constant 0 : i32
          %dma_start3A_178 = arith.constant 0 : i32
          %dma_start3A_179 = tpu.memref_slice %arg8[%dma_start3A_177, %dma_start3A_178] : memref<10240x128xf32, #tpu.memory_space<vmem_shared>> -> memref<10240x128xf32, #tpu.memory_space<vmem_shared>>
          tpu.enqueue_indirect_dma source(%arg11 : memref<128x128xf32, #tpu.memory_space<vmem>>) target(%dma_start3A_179 : memref<10240x128xf32, #tpu.memory_space<vmem_shared>>) offsets(%dma_start3A_176 : memref<128xi32, #tpu.memory_space<vmem>>) semaphore(%run_scoped3A_173 : memref<!tpu.dma_semaphore, #tpu.memory_space<semaphore_mem>>) {add = true}
          %dma_wait3A_180 = arith.constant 0 : i32
          %dma_wait3A_181 = tpu.memref_slice %arg10[%mul3A_139, %dma_wait3A_180] : memref<40x128xi32, #tpu.memory_space<vmem>> -> memref<1x128xi32, #tpu.memory_space<vmem>>
          %dma_wait3A_182 = tpu.memref_squeeze %dma_wait3A_181 : memref<1x128xi32, #tpu.memory_space<vmem>> -> memref<128xi32, #tpu.memory_space<vmem>>
          %dma_wait3A_183 = arith.constant 0 : i32
          %dma_wait3A_184 = arith.constant 0 : i32
          %dma_wait3A_185 = tpu.memref_slice %arg8[%dma_wait3A_183, %dma_wait3A_184] : memref<10240x128xf32, #tpu.memory_space<vmem_shared>> -> memref<10240x128xf32, #tpu.memory_space<vmem_shared>>
          tpu.wait_indirect_dma semaphore(%run_scoped3A_173 : memref<!tpu.dma_semaphore, #tpu.memory_space<semaphore_mem>>) src(%arg11 : memref<128x128xf32, #tpu.memory_space<vmem>>) dst(%dma_wait3A_185 : memref<10240x128xf32, #tpu.memory_space<vmem_shared>>)
          tpu.yield
        }) : () -> ()
        %add3A_154 = arith.constant 1 : i32
        %add3A_155 = arith.addi %mul3A_139, %add3A_154 : i32
        %dma_wait3A_156 = arith.constant 0 : i32
        %dma_wait3A_157 = tpu.memref_slice %arg9[%add3A_155, %dma_wait3A_156] : memref<40x128xi32, #tpu.memory_space<vmem>> -> memref<1x128xi32, #tpu.memory_space<vmem>>
        %dma_wait3A_158 = tpu.memref_squeeze %dma_wait3A_157 : memref<1x128xi32, #tpu.memory_space<vmem>> -> memref<128xi32, #tpu.memory_space<vmem>>
        %dma_wait3A_159 = arith.constant 0 : i32
        %dma_wait3A_160 = arith.constant 0 : i32
        %dma_wait3A_161 = tpu.memref_slice %arg2[%dma_wait3A_159, %dma_wait3A_160] : memref<10240x128xf32, #tpu.memory_space<hbm>> -> memref<10240x128xf32, #tpu.memory_space<hbm>>
        tpu.wait_indirect_dma semaphore(%arg14 : memref<!tpu.dma_semaphore, #tpu.memory_space<semaphore_mem>>) src(%dma_wait3A_161 : memref<10240x128xf32, #tpu.memory_space<hbm>>) dst(%arg12 : memref<128x128xf32, #tpu.memory_space<vmem>>)
        %add3A_162 = arith.constant 2 : i32
        %add3A_163 = arith.addi %mul3A_139, %add3A_162 : i32
        %dma_start3A_164 = arith.constant 0 : i32
        %dma_start3A_165 = tpu.memref_slice %arg9[%add3A_163, %dma_start3A_164] : memref<40x128xi32, #tpu.memory_space<vmem>> -> memref<1x128xi32, #tpu.memory_space<vmem>>
        %dma_start3A_166 = tpu.memref_squeeze %dma_start3A_165 : memref<1x128xi32, #tpu.memory_space<vmem>> -> memref<128xi32, #tpu.memory_space<vmem>>
        %dma_start3A_167 = arith.constant 0 : i32
        %dma_start3A_168 = arith.constant 0 : i32
        %dma_start3A_169 = tpu.memref_slice %arg2[%dma_start3A_167, %dma_start3A_168] : memref<10240x128xf32, #tpu.memory_space<hbm>> -> memref<10240x128xf32, #tpu.memory_space<hbm>>
        tpu.enqueue_indirect_dma source(%dma_start3A_169 : memref<10240x128xf32, #tpu.memory_space<hbm>>) target(%arg11 : memref<128x128xf32, #tpu.memory_space<vmem>>) offsets(%dma_start3A_166 : memref<128xi32, #tpu.memory_space<vmem>>) semaphore(%arg13 : memref<!tpu.dma_semaphore, #tpu.memory_space<semaphore_mem>>)
        %add3A_170 = arith.constant 1 : i32
        %add3A_171 = arith.addi %mul3A_139, %add3A_170 : i32
        "tpu.region"() ({
          %run_scoped3A_173 = tpu.sem_alloc : memref<!tpu.dma_semaphore, #tpu.memory_space<semaphore_mem>>
          %dma_start3A_174 = arith.constant 0 : i32
          %dma_start3A_175 = tpu.memref_slice %arg10[%add3A_171, %dma_start3A_174] : memref<40x128xi32, #tpu.memory_space<vmem>> -> memref<1x128xi32, #tpu.memory_space<vmem>>
          %dma_start3A_176 = tpu.memref_squeeze %dma_start3A_175 : memref<1x128xi32, #tpu.memory_space<vmem>> -> memref<128xi32, #tpu.memory_space<vmem>>
          %dma_start3A_177 = arith.constant 0 : i32
          %dma_start3A_178 = arith.constant 0 : i32
          %dma_start3A_179 = tpu.memref_slice %arg8[%dma_start3A_177, %dma_start3A_178] : memref<10240x128xf32, #tpu.memory_space<vmem_shared>> -> memref<10240x128xf32, #tpu.memory_space<vmem_shared>>
          tpu.enqueue_indirect_dma source(%arg12 : memref<128x128xf32, #tpu.memory_space<vmem>>) target(%dma_start3A_179 : memref<10240x128xf32, #tpu.memory_space<vmem_shared>>) offsets(%dma_start3A_176 : memref<128xi32, #tpu.memory_space<vmem>>) semaphore(%run_scoped3A_173 : memref<!tpu.dma_semaphore, #tpu.memory_space<semaphore_mem>>) {add = true}
          %dma_wait3A_180 = arith.constant 0 : i32
          %dma_wait3A_181 = tpu.memref_slice %arg10[%add3A_171, %dma_wait3A_180] : memref<40x128xi32, #tpu.memory_space<vmem>> -> memref<1x128xi32, #tpu.memory_space<vmem>>
          %dma_wait3A_182 = tpu.memref_squeeze %dma_wait3A_181 : memref<1x128xi32, #tpu.memory_space<vmem>> -> memref<128xi32, #tpu.memory_space<vmem>>
          %dma_wait3A_183 = arith.constant 0 : i32
          %dma_wait3A_184 = arith.constant 0 : i32
          %dma_wait3A_185 = tpu.memref_slice %arg8[%dma_wait3A_183, %dma_wait3A_184] : memref<10240x128xf32, #tpu.memory_space<vmem_shared>> -> memref<10240x128xf32, #tpu.memory_space<vmem_shared>>
          tpu.wait_indirect_dma semaphore(%run_scoped3A_173 : memref<!tpu.dma_semaphore, #tpu.memory_space<semaphore_mem>>) src(%arg12 : memref<128x128xf32, #tpu.memory_space<vmem>>) dst(%dma_wait3A_185 : memref<10240x128xf32, #tpu.memory_space<vmem_shared>>)
          tpu.yield
        }) : () -> ()
        %scan3A_172 = arith.constant 0 : i32
        scf.yield %scan3A_172 : i32
      }
      %scan3A_77 = arith.constant 19 : i32
      %dma_wait3A = arith.constant 38 : i32
      %dma_wait3A_78 = arith.constant 0 : i32
      %dma_wait3A_79 = tpu.memref_slice %arg9[%dma_wait3A, %dma_wait3A_78] : memref<40x128xi32, #tpu.memory_space<vmem>> -> memref<1x128xi32, #tpu.memory_space<vmem>>
      %dma_wait3A_80 = tpu.memref_squeeze %dma_wait3A_79 : memref<1x128xi32, #tpu.memory_space<vmem>> -> memref<128xi32, #tpu.memory_space<vmem>>
      %dma_wait3A_81 = arith.constant 0 : i32
      %dma_wait3A_82 = arith.constant 0 : i32
      %dma_wait3A_83 = tpu.memref_slice %arg2[%dma_wait3A_81, %dma_wait3A_82] : memref<10240x128xf32, #tpu.memory_space<hbm>> -> memref<10240x128xf32, #tpu.memory_space<hbm>>
      tpu.wait_indirect_dma semaphore(%arg13 : memref<!tpu.dma_semaphore, #tpu.memory_space<semaphore_mem>>) src(%dma_wait3A_83 : memref<10240x128xf32, #tpu.memory_space<hbm>>) dst(%arg11 : memref<128x128xf32, #tpu.memory_space<vmem>>)
      %dma_start3A_84 = arith.constant 39 : i32
      %dma_start3A_85 = arith.constant 0 : i32
      %dma_start3A_86 = tpu.memref_slice %arg9[%dma_start3A_84, %dma_start3A_85] : memref<40x128xi32, #tpu.memory_space<vmem>> -> memref<1x128xi32, #tpu.memory_space<vmem>>
      %dma_start3A_87 = tpu.memref_squeeze %dma_start3A_86 : memref<1x128xi32, #tpu.memory_space<vmem>> -> memref<128xi32, #tpu.memory_space<vmem>>
      %dma_start3A_88 = arith.constant 0 : i32
      %dma_start3A_89 = arith.constant 0 : i32
      %dma_start3A_90 = tpu.memref_slice %arg2[%dma_start3A_88, %dma_start3A_89] : memref<10240x128xf32, #tpu.memory_space<hbm>> -> memref<10240x128xf32, #tpu.memory_space<hbm>>
      tpu.enqueue_indirect_dma source(%dma_start3A_90 : memref<10240x128xf32, #tpu.memory_space<hbm>>) target(%arg12 : memref<128x128xf32, #tpu.memory_space<vmem>>) offsets(%dma_start3A_87 : memref<128xi32, #tpu.memory_space<vmem>>) semaphore(%arg14 : memref<!tpu.dma_semaphore, #tpu.memory_space<semaphore_mem>>)
      %run_scoped3A = arith.constant 38 : i32
      "tpu.region"() ({
        %run_scoped3A_136 = tpu.sem_alloc : memref<!tpu.dma_semaphore, #tpu.memory_space<semaphore_mem>>
        %dma_start3A_137 = arith.constant 0 : i32
        %dma_start3A_138 = tpu.memref_slice %arg10[%run_scoped3A, %dma_start3A_137] : memref<40x128xi32, #tpu.memory_space<vmem>> -> memref<1x128xi32, #tpu.memory_space<vmem>>
        %dma_start3A_139 = tpu.memref_squeeze %dma_start3A_138 : memref<1x128xi32, #tpu.memory_space<vmem>> -> memref<128xi32, #tpu.memory_space<vmem>>
        %dma_start3A_140 = arith.constant 0 : i32
        %dma_start3A_141 = arith.constant 0 : i32
        %dma_start3A_142 = tpu.memref_slice %arg8[%dma_start3A_140, %dma_start3A_141] : memref<10240x128xf32, #tpu.memory_space<vmem_shared>> -> memref<10240x128xf32, #tpu.memory_space<vmem_shared>>
        tpu.enqueue_indirect_dma source(%arg11 : memref<128x128xf32, #tpu.memory_space<vmem>>) target(%dma_start3A_142 : memref<10240x128xf32, #tpu.memory_space<vmem_shared>>) offsets(%dma_start3A_139 : memref<128xi32, #tpu.memory_space<vmem>>) semaphore(%run_scoped3A_136 : memref<!tpu.dma_semaphore, #tpu.memory_space<semaphore_mem>>) {add = true}
        %dma_wait3A_143 = arith.constant 0 : i32
        %dma_wait3A_144 = tpu.memref_slice %arg10[%run_scoped3A, %dma_wait3A_143] : memref<40x128xi32, #tpu.memory_space<vmem>> -> memref<1x128xi32, #tpu.memory_space<vmem>>
        %dma_wait3A_145 = tpu.memref_squeeze %dma_wait3A_144 : memref<1x128xi32, #tpu.memory_space<vmem>> -> memref<128xi32, #tpu.memory_space<vmem>>
        %dma_wait3A_146 = arith.constant 0 : i32
        %dma_wait3A_147 = arith.constant 0 : i32
        %dma_wait3A_148 = tpu.memref_slice %arg8[%dma_wait3A_146, %dma_wait3A_147] : memref<10240x128xf32, #tpu.memory_space<vmem_shared>> -> memref<10240x128xf32, #tpu.memory_space<vmem_shared>>
        tpu.wait_indirect_dma semaphore(%run_scoped3A_136 : memref<!tpu.dma_semaphore, #tpu.memory_space<semaphore_mem>>) src(%arg11 : memref<128x128xf32, #tpu.memory_space<vmem>>) dst(%dma_wait3A_148 : memref<10240x128xf32, #tpu.memory_space<vmem_shared>>)
        tpu.yield
      }) : () -> ()
      %dma_wait3A_91 = arith.constant 39 : i32
      %dma_wait3A_92 = arith.constant 0 : i32
      %dma_wait3A_93 = tpu.memref_slice %arg9[%dma_wait3A_91, %dma_wait3A_92] : memref<40x128xi32, #tpu.memory_space<vmem>> -> memref<1x128xi32, #tpu.memory_space<vmem>>
      %dma_wait3A_94 = tpu.memref_squeeze %dma_wait3A_93 : memref<1x128xi32, #tpu.memory_space<vmem>> -> memref<128xi32, #tpu.memory_space<vmem>>
      %dma_wait3A_95 = arith.constant 0 : i32
      %dma_wait3A_96 = arith.constant 0 : i32
      %dma_wait3A_97 = tpu.memref_slice %arg2[%dma_wait3A_95, %dma_wait3A_96] : memref<10240x128xf32, #tpu.memory_space<hbm>> -> memref<10240x128xf32, #tpu.memory_space<hbm>>
      tpu.wait_indirect_dma semaphore(%arg14 : memref<!tpu.dma_semaphore, #tpu.memory_space<semaphore_mem>>) src(%dma_wait3A_97 : memref<10240x128xf32, #tpu.memory_space<hbm>>) dst(%arg12 : memref<128x128xf32, #tpu.memory_space<vmem>>)
      %run_scoped3A_98 = arith.constant 39 : i32
      "tpu.region"() ({
        %run_scoped3A_136 = tpu.sem_alloc : memref<!tpu.dma_semaphore, #tpu.memory_space<semaphore_mem>>
        %dma_start3A_137 = arith.constant 0 : i32
        %dma_start3A_138 = tpu.memref_slice %arg10[%run_scoped3A_98, %dma_start3A_137] : memref<40x128xi32, #tpu.memory_space<vmem>> -> memref<1x128xi32, #tpu.memory_space<vmem>>
        %dma_start3A_139 = tpu.memref_squeeze %dma_start3A_138 : memref<1x128xi32, #tpu.memory_space<vmem>> -> memref<128xi32, #tpu.memory_space<vmem>>
        %dma_start3A_140 = arith.constant 0 : i32
        %dma_start3A_141 = arith.constant 0 : i32
        %dma_start3A_142 = tpu.memref_slice %arg8[%dma_start3A_140, %dma_start3A_141] : memref<10240x128xf32, #tpu.memory_space<vmem_shared>> -> memref<10240x128xf32, #tpu.memory_space<vmem_shared>>
        tpu.enqueue_indirect_dma source(%arg12 : memref<128x128xf32, #tpu.memory_space<vmem>>) target(%dma_start3A_142 : memref<10240x128xf32, #tpu.memory_space<vmem_shared>>) offsets(%dma_start3A_139 : memref<128xi32, #tpu.memory_space<vmem>>) semaphore(%run_scoped3A_136 : memref<!tpu.dma_semaphore, #tpu.memory_space<semaphore_mem>>) {add = true}
        %dma_wait3A_143 = arith.constant 0 : i32
        %dma_wait3A_144 = tpu.memref_slice %arg10[%run_scoped3A_98, %dma_wait3A_143] : memref<40x128xi32, #tpu.memory_space<vmem>> -> memref<1x128xi32, #tpu.memory_space<vmem>>
        %dma_wait3A_145 = tpu.memref_squeeze %dma_wait3A_144 : memref<1x128xi32, #tpu.memory_space<vmem>> -> memref<128xi32, #tpu.memory_space<vmem>>
        %dma_wait3A_146 = arith.constant 0 : i32
        %dma_wait3A_147 = arith.constant 0 : i32
        %dma_wait3A_148 = tpu.memref_slice %arg8[%dma_wait3A_146, %dma_wait3A_147] : memref<10240x128xf32, #tpu.memory_space<vmem_shared>> -> memref<10240x128xf32, #tpu.memory_space<vmem_shared>>
        tpu.wait_indirect_dma semaphore(%run_scoped3A_136 : memref<!tpu.dma_semaphore, #tpu.memory_space<semaphore_mem>>) src(%arg12 : memref<128x128xf32, #tpu.memory_space<vmem>>) dst(%dma_wait3A_148 : memref<10240x128xf32, #tpu.memory_space<vmem_shared>>)
        tpu.yield
      }) : () -> ()
      "tpu.region"() ({
        %run_scoped3A_136 = tpu.sem_alloc : memref<!tpu.dma_semaphore, #tpu.memory_space<semaphore_mem>>
        %dma_start3A_137 = arith.constant 0 : i32
        %dma_start3A_138 = arith.constant 0 : i32
        %dma_start3A_139 = tpu.memref_slice %arg9[%dma_start3A_137, %dma_start3A_138] : memref<40x128xi32, #tpu.memory_space<vmem>> -> memref<40x128xi32, #tpu.memory_space<vmem>>
        %dma_start3A_140 = arith.constant 40 : i32
        %dma_start3A_141 = arith.constant 0 : i32
        %dma_start3A_142 = tpu.memref_slice %arg5[%arg1, %dma_start3A_140, %dma_start3A_141] : memref<16x80x128xi32, #tpu.memory_space<hbm>> -> memref<1x40x128xi32, #tpu.memory_space<hbm>>
        %dma_start3A_143 = tpu.memref_squeeze %dma_start3A_142 : memref<1x40x128xi32, #tpu.memory_space<hbm>> -> memref<40x128xi32, #tpu.memory_space<hbm>>
        %dma_start3A_144 = arith.constant 0 : i32
        %dma_start3A_145 = arith.constant 0 : i32
        %dma_start3A_146 = tpu.memref_slice %arg9[%dma_start3A_144, %dma_start3A_145] : memref<40x128xi32, #tpu.memory_space<vmem>> -> memref<40x128xi32, #tpu.memory_space<vmem>>
        %dma_start3A_147 = arith.constant 40 : i32
        %dma_start3A_148 = arith.constant 0 : i32
        %dma_start3A_149 = tpu.memref_slice %arg5[%arg1, %dma_start3A_147, %dma_start3A_148] : memref<16x80x128xi32, #tpu.memory_space<hbm>> -> memref<1x40x128xi32, #tpu.memory_space<hbm>>
        %dma_start3A_150 = tpu.memref_squeeze %dma_start3A_149 : memref<1x40x128xi32, #tpu.memory_space<hbm>> -> memref<40x128xi32, #tpu.memory_space<hbm>>
        tpu.enqueue_dma source(%dma_start3A_150 : memref<40x128xi32, #tpu.memory_space<hbm>>) target(%dma_start3A_146 : memref<40x128xi32, #tpu.memory_space<vmem>>) target_semaphore(%run_scoped3A_136 : memref<!tpu.dma_semaphore, #tpu.memory_space<semaphore_mem>>)
        %dma_wait3A_151 = arith.constant 0 : i32
        %dma_wait3A_152 = arith.constant 0 : i32
        %dma_wait3A_153 = tpu.memref_slice %arg9[%dma_wait3A_151, %dma_wait3A_152] : memref<40x128xi32, #tpu.memory_space<vmem>> -> memref<40x128xi32, #tpu.memory_space<vmem>>
        %dma_wait3A_154 = arith.constant 40 : i32
        %dma_wait3A_155 = arith.constant 0 : i32
        %dma_wait3A_156 = tpu.memref_slice %arg5[%arg1, %dma_wait3A_154, %dma_wait3A_155] : memref<16x80x128xi32, #tpu.memory_space<hbm>> -> memref<1x40x128xi32, #tpu.memory_space<hbm>>
        %dma_wait3A_157 = tpu.memref_squeeze %dma_wait3A_156 : memref<1x40x128xi32, #tpu.memory_space<hbm>> -> memref<40x128xi32, #tpu.memory_space<hbm>>
        %dma_wait3A_158 = arith.constant 0 : i32
        %dma_wait3A_159 = arith.constant 0 : i32
        %dma_wait3A_160 = tpu.memref_slice %arg9[%dma_wait3A_158, %dma_wait3A_159] : memref<40x128xi32, #tpu.memory_space<vmem>> -> memref<40x128xi32, #tpu.memory_space<vmem>>
        %dma_wait3A_161 = arith.constant 40 : i32
        %dma_wait3A_162 = arith.constant 0 : i32
        %dma_wait3A_163 = tpu.memref_slice %arg5[%arg1, %dma_wait3A_161, %dma_wait3A_162] : memref<16x80x128xi32, #tpu.memory_space<hbm>> -> memref<1x40x128xi32, #tpu.memory_space<hbm>>
        %dma_wait3A_164 = tpu.memref_squeeze %dma_wait3A_163 : memref<1x40x128xi32, #tpu.memory_space<hbm>> -> memref<40x128xi32, #tpu.memory_space<hbm>>
        tpu.wait_dma2 semaphore(%run_scoped3A_136 : memref<!tpu.dma_semaphore, #tpu.memory_space<semaphore_mem>>) src(%dma_wait3A_164 : memref<40x128xi32, #tpu.memory_space<hbm>>) dst(%dma_wait3A_160 : memref<40x128xi32, #tpu.memory_space<vmem>>)
        tpu.yield
      }) : () -> ()
      "tpu.region"() ({
        %run_scoped3A_136 = tpu.sem_alloc : memref<!tpu.dma_semaphore, #tpu.memory_space<semaphore_mem>>
        %dma_start3A_137 = arith.constant 0 : i32
        %dma_start3A_138 = arith.constant 0 : i32
        %dma_start3A_139 = tpu.memref_slice %arg10[%dma_start3A_137, %dma_start3A_138] : memref<40x128xi32, #tpu.memory_space<vmem>> -> memref<40x128xi32, #tpu.memory_space<vmem>>
        %dma_start3A_140 = arith.constant 40 : i32
        %dma_start3A_141 = arith.constant 0 : i32
        %dma_start3A_142 = tpu.memref_slice %arg6[%arg1, %dma_start3A_140, %dma_start3A_141] : memref<16x80x128xi32, #tpu.memory_space<hbm>> -> memref<1x40x128xi32, #tpu.memory_space<hbm>>
        %dma_start3A_143 = tpu.memref_squeeze %dma_start3A_142 : memref<1x40x128xi32, #tpu.memory_space<hbm>> -> memref<40x128xi32, #tpu.memory_space<hbm>>
        %dma_start3A_144 = arith.constant 0 : i32
        %dma_start3A_145 = arith.constant 0 : i32
        %dma_start3A_146 = tpu.memref_slice %arg10[%dma_start3A_144, %dma_start3A_145] : memref<40x128xi32, #tpu.memory_space<vmem>> -> memref<40x128xi32, #tpu.memory_space<vmem>>
        %dma_start3A_147 = arith.constant 40 : i32
        %dma_start3A_148 = arith.constant 0 : i32
        %dma_start3A_149 = tpu.memref_slice %arg6[%arg1, %dma_start3A_147, %dma_start3A_148] : memref<16x80x128xi32, #tpu.memory_space<hbm>> -> memref<1x40x128xi32, #tpu.memory_space<hbm>>
        %dma_start3A_150 = tpu.memref_squeeze %dma_start3A_149 : memref<1x40x128xi32, #tpu.memory_space<hbm>> -> memref<40x128xi32, #tpu.memory_space<hbm>>
        tpu.enqueue_dma source(%dma_start3A_150 : memref<40x128xi32, #tpu.memory_space<hbm>>) target(%dma_start3A_146 : memref<40x128xi32, #tpu.memory_space<vmem>>) target_semaphore(%run_scoped3A_136 : memref<!tpu.dma_semaphore, #tpu.memory_space<semaphore_mem>>)
        %dma_wait3A_151 = arith.constant 0 : i32
        %dma_wait3A_152 = arith.constant 0 : i32
        %dma_wait3A_153 = tpu.memref_slice %arg10[%dma_wait3A_151, %dma_wait3A_152] : memref<40x128xi32, #tpu.memory_space<vmem>> -> memref<40x128xi32, #tpu.memory_space<vmem>>
        %dma_wait3A_154 = arith.constant 40 : i32
        %dma_wait3A_155 = arith.constant 0 : i32
        %dma_wait3A_156 = tpu.memref_slice %arg6[%arg1, %dma_wait3A_154, %dma_wait3A_155] : memref<16x80x128xi32, #tpu.memory_space<hbm>> -> memref<1x40x128xi32, #tpu.memory_space<hbm>>
        %dma_wait3A_157 = tpu.memref_squeeze %dma_wait3A_156 : memref<1x40x128xi32, #tpu.memory_space<hbm>> -> memref<40x128xi32, #tpu.memory_space<hbm>>
        %dma_wait3A_158 = arith.constant 0 : i32
        %dma_wait3A_159 = arith.constant 0 : i32
        %dma_wait3A_160 = tpu.memref_slice %arg10[%dma_wait3A_158, %dma_wait3A_159] : memref<40x128xi32, #tpu.memory_space<vmem>> -> memref<40x128xi32, #tpu.memory_space<vmem>>
        %dma_wait3A_161 = arith.constant 40 : i32
        %dma_wait3A_162 = arith.constant 0 : i32
        %dma_wait3A_163 = tpu.memref_slice %arg6[%arg1, %dma_wait3A_161, %dma_wait3A_162] : memref<16x80x128xi32, #tpu.memory_space<hbm>> -> memref<1x40x128xi32, #tpu.memory_space<hbm>>
        %dma_wait3A_164 = tpu.memref_squeeze %dma_wait3A_163 : memref<1x40x128xi32, #tpu.memory_space<hbm>> -> memref<40x128xi32, #tpu.memory_space<hbm>>
        tpu.wait_dma2 semaphore(%run_scoped3A_136 : memref<!tpu.dma_semaphore, #tpu.memory_space<semaphore_mem>>) src(%dma_wait3A_164 : memref<40x128xi32, #tpu.memory_space<hbm>>) dst(%dma_wait3A_160 : memref<40x128xi32, #tpu.memory_space<vmem>>)
        tpu.yield
      }) : () -> ()
      %dma_start3A_99 = arith.constant 0 : i32
      %dma_start3A_100 = arith.constant 0 : i32
      %dma_start3A_101 = tpu.memref_slice %arg9[%dma_start3A_99, %dma_start3A_100] : memref<40x128xi32, #tpu.memory_space<vmem>> -> memref<1x128xi32, #tpu.memory_space<vmem>>
      %dma_start3A_102 = tpu.memref_squeeze %dma_start3A_101 : memref<1x128xi32, #tpu.memory_space<vmem>> -> memref<128xi32, #tpu.memory_space<vmem>>
      %dma_start3A_103 = arith.constant 0 : i32
      %dma_start3A_104 = arith.constant 0 : i32
      %dma_start3A_105 = tpu.memref_slice %arg2[%dma_start3A_103, %dma_start3A_104] : memref<10240x128xf32, #tpu.memory_space<hbm>> -> memref<10240x128xf32, #tpu.memory_space<hbm>>
      tpu.enqueue_indirect_dma source(%dma_start3A_105 : memref<10240x128xf32, #tpu.memory_space<hbm>>) target(%arg11 : memref<128x128xf32, #tpu.memory_space<vmem>>) offsets(%dma_start3A_102 : memref<128xi32, #tpu.memory_space<vmem>>) semaphore(%arg13 : memref<!tpu.dma_semaphore, #tpu.memory_space<semaphore_mem>>)
      %scan3A_106 = arith.constant 0 : i32
      %scan3A_107 = arith.constant 0 : i32
      %scan3A_108 = arith.constant 19 : i32
      %scan3A_109 = arith.addi %scan3A_107, %scan3A_108 : i32
      %scan3A_110 = arith.constant 1 : i32
      %scan3A_111 = scf.for %scan3A_136 = %scan3A_107 to %scan3A_109 step %scan3A_110 iter_args(%scan3A_137 = %scan3A_106) -> (i32)  : i32 {
        %mul3A_138 = arith.constant 2 : i32
        %mul3A_139 = arith.muli %mul3A_138, %scan3A_136 : i32
        %dma_wait3A_140 = arith.constant 0 : i32
        %dma_wait3A_141 = tpu.memref_slice %arg9[%mul3A_139, %dma_wait3A_140] : memref<40x128xi32, #tpu.memory_space<vmem>> -> memref<1x128xi32, #tpu.memory_space<vmem>>
        %dma_wait3A_142 = tpu.memref_squeeze %dma_wait3A_141 : memref<1x128xi32, #tpu.memory_space<vmem>> -> memref<128xi32, #tpu.memory_space<vmem>>
        %dma_wait3A_143 = arith.constant 0 : i32
        %dma_wait3A_144 = arith.constant 0 : i32
        %dma_wait3A_145 = tpu.memref_slice %arg2[%dma_wait3A_143, %dma_wait3A_144] : memref<10240x128xf32, #tpu.memory_space<hbm>> -> memref<10240x128xf32, #tpu.memory_space<hbm>>
        tpu.wait_indirect_dma semaphore(%arg13 : memref<!tpu.dma_semaphore, #tpu.memory_space<semaphore_mem>>) src(%dma_wait3A_145 : memref<10240x128xf32, #tpu.memory_space<hbm>>) dst(%arg11 : memref<128x128xf32, #tpu.memory_space<vmem>>)
        %add3A_146 = arith.constant 1 : i32
        %add3A_147 = arith.addi %mul3A_139, %add3A_146 : i32
        %dma_start3A_148 = arith.constant 0 : i32
        %dma_start3A_149 = tpu.memref_slice %arg9[%add3A_147, %dma_start3A_148] : memref<40x128xi32, #tpu.memory_space<vmem>> -> memref<1x128xi32, #tpu.memory_space<vmem>>
        %dma_start3A_150 = tpu.memref_squeeze %dma_start3A_149 : memref<1x128xi32, #tpu.memory_space<vmem>> -> memref<128xi32, #tpu.memory_space<vmem>>
        %dma_start3A_151 = arith.constant 0 : i32
        %dma_start3A_152 = arith.constant 0 : i32
        %dma_start3A_153 = tpu.memref_slice %arg2[%dma_start3A_151, %dma_start3A_152] : memref<10240x128xf32, #tpu.memory_space<hbm>> -> memref<10240x128xf32, #tpu.memory_space<hbm>>
        tpu.enqueue_indirect_dma source(%dma_start3A_153 : memref<10240x128xf32, #tpu.memory_space<hbm>>) target(%arg12 : memref<128x128xf32, #tpu.memory_space<vmem>>) offsets(%dma_start3A_150 : memref<128xi32, #tpu.memory_space<vmem>>) semaphore(%arg14 : memref<!tpu.dma_semaphore, #tpu.memory_space<semaphore_mem>>)
        "tpu.region"() ({
          %run_scoped3A_173 = tpu.sem_alloc : memref<!tpu.dma_semaphore, #tpu.memory_space<semaphore_mem>>
          %dma_start3A_174 = arith.constant 0 : i32
          %dma_start3A_175 = tpu.memref_slice %arg10[%mul3A_139, %dma_start3A_174] : memref<40x128xi32, #tpu.memory_space<vmem>> -> memref<1x128xi32, #tpu.memory_space<vmem>>
          %dma_start3A_176 = tpu.memref_squeeze %dma_start3A_175 : memref<1x128xi32, #tpu.memory_space<vmem>> -> memref<128xi32, #tpu.memory_space<vmem>>
          %dma_start3A_177 = arith.constant 0 : i32
          %dma_start3A_178 = arith.constant 0 : i32
          %dma_start3A_179 = tpu.memref_slice %arg8[%dma_start3A_177, %dma_start3A_178] : memref<10240x128xf32, #tpu.memory_space<vmem_shared>> -> memref<10240x128xf32, #tpu.memory_space<vmem_shared>>
          tpu.enqueue_indirect_dma source(%arg11 : memref<128x128xf32, #tpu.memory_space<vmem>>) target(%dma_start3A_179 : memref<10240x128xf32, #tpu.memory_space<vmem_shared>>) offsets(%dma_start3A_176 : memref<128xi32, #tpu.memory_space<vmem>>) semaphore(%run_scoped3A_173 : memref<!tpu.dma_semaphore, #tpu.memory_space<semaphore_mem>>) {add = true}
          %dma_wait3A_180 = arith.constant 0 : i32
          %dma_wait3A_181 = tpu.memref_slice %arg10[%mul3A_139, %dma_wait3A_180] : memref<40x128xi32, #tpu.memory_space<vmem>> -> memref<1x128xi32, #tpu.memory_space<vmem>>
          %dma_wait3A_182 = tpu.memref_squeeze %dma_wait3A_181 : memref<1x128xi32, #tpu.memory_space<vmem>> -> memref<128xi32, #tpu.memory_space<vmem>>
          %dma_wait3A_183 = arith.constant 0 : i32
          %dma_wait3A_184 = arith.constant 0 : i32
          %dma_wait3A_185 = tpu.memref_slice %arg8[%dma_wait3A_183, %dma_wait3A_184] : memref<10240x128xf32, #tpu.memory_space<vmem_shared>> -> memref<10240x128xf32, #tpu.memory_space<vmem_shared>>
          tpu.wait_indirect_dma semaphore(%run_scoped3A_173 : memref<!tpu.dma_semaphore, #tpu.memory_space<semaphore_mem>>) src(%arg11 : memref<128x128xf32, #tpu.memory_space<vmem>>) dst(%dma_wait3A_185 : memref<10240x128xf32, #tpu.memory_space<vmem_shared>>)
          tpu.yield
        }) : () -> ()
        %add3A_154 = arith.constant 1 : i32
        %add3A_155 = arith.addi %mul3A_139, %add3A_154 : i32
        %dma_wait3A_156 = arith.constant 0 : i32
        %dma_wait3A_157 = tpu.memref_slice %arg9[%add3A_155, %dma_wait3A_156] : memref<40x128xi32, #tpu.memory_space<vmem>> -> memref<1x128xi32, #tpu.memory_space<vmem>>
        %dma_wait3A_158 = tpu.memref_squeeze %dma_wait3A_157 : memref<1x128xi32, #tpu.memory_space<vmem>> -> memref<128xi32, #tpu.memory_space<vmem>>
        %dma_wait3A_159 = arith.constant 0 : i32
        %dma_wait3A_160 = arith.constant 0 : i32
        %dma_wait3A_161 = tpu.memref_slice %arg2[%dma_wait3A_159, %dma_wait3A_160] : memref<10240x128xf32, #tpu.memory_space<hbm>> -> memref<10240x128xf32, #tpu.memory_space<hbm>>
        tpu.wait_indirect_dma semaphore(%arg14 : memref<!tpu.dma_semaphore, #tpu.memory_space<semaphore_mem>>) src(%dma_wait3A_161 : memref<10240x128xf32, #tpu.memory_space<hbm>>) dst(%arg12 : memref<128x128xf32, #tpu.memory_space<vmem>>)
        %add3A_162 = arith.constant 2 : i32
        %add3A_163 = arith.addi %mul3A_139, %add3A_162 : i32
        %dma_start3A_164 = arith.constant 0 : i32
        %dma_start3A_165 = tpu.memref_slice %arg9[%add3A_163, %dma_start3A_164] : memref<40x128xi32, #tpu.memory_space<vmem>> -> memref<1x128xi32, #tpu.memory_space<vmem>>
        %dma_start3A_166 = tpu.memref_squeeze %dma_start3A_165 : memref<1x128xi32, #tpu.memory_space<vmem>> -> memref<128xi32, #tpu.memory_space<vmem>>
        %dma_start3A_167 = arith.constant 0 : i32
        %dma_start3A_168 = arith.constant 0 : i32
        %dma_start3A_169 = tpu.memref_slice %arg2[%dma_start3A_167, %dma_start3A_168] : memref<10240x128xf32, #tpu.memory_space<hbm>> -> memref<10240x128xf32, #tpu.memory_space<hbm>>
        tpu.enqueue_indirect_dma source(%dma_start3A_169 : memref<10240x128xf32, #tpu.memory_space<hbm>>) target(%arg11 : memref<128x128xf32, #tpu.memory_space<vmem>>) offsets(%dma_start3A_166 : memref<128xi32, #tpu.memory_space<vmem>>) semaphore(%arg13 : memref<!tpu.dma_semaphore, #tpu.memory_space<semaphore_mem>>)
        %add3A_170 = arith.constant 1 : i32
        %add3A_171 = arith.addi %mul3A_139, %add3A_170 : i32
        "tpu.region"() ({
          %run_scoped3A_173 = tpu.sem_alloc : memref<!tpu.dma_semaphore, #tpu.memory_space<semaphore_mem>>
          %dma_start3A_174 = arith.constant 0 : i32
          %dma_start3A_175 = tpu.memref_slice %arg10[%add3A_171, %dma_start3A_174] : memref<40x128xi32, #tpu.memory_space<vmem>> -> memref<1x128xi32, #tpu.memory_space<vmem>>
          %dma_start3A_176 = tpu.memref_squeeze %dma_start3A_175 : memref<1x128xi32, #tpu.memory_space<vmem>> -> memref<128xi32, #tpu.memory_space<vmem>>
          %dma_start3A_177 = arith.constant 0 : i32
          %dma_start3A_178 = arith.constant 0 : i32
          %dma_start3A_179 = tpu.memref_slice %arg8[%dma_start3A_177, %dma_start3A_178] : memref<10240x128xf32, #tpu.memory_space<vmem_shared>> -> memref<10240x128xf32, #tpu.memory_space<vmem_shared>>
          tpu.enqueue_indirect_dma source(%arg12 : memref<128x128xf32, #tpu.memory_space<vmem>>) target(%dma_start3A_179 : memref<10240x128xf32, #tpu.memory_space<vmem_shared>>) offsets(%dma_start3A_176 : memref<128xi32, #tpu.memory_space<vmem>>) semaphore(%run_scoped3A_173 : memref<!tpu.dma_semaphore, #tpu.memory_space<semaphore_mem>>) {add = true}
          %dma_wait3A_180 = arith.constant 0 : i32
          %dma_wait3A_181 = tpu.memref_slice %arg10[%add3A_171, %dma_wait3A_180] : memref<40x128xi32, #tpu.memory_space<vmem>> -> memref<1x128xi32, #tpu.memory_space<vmem>>
          %dma_wait3A_182 = tpu.memref_squeeze %dma_wait3A_181 : memref<1x128xi32, #tpu.memory_space<vmem>> -> memref<128xi32, #tpu.memory_space<vmem>>
          %dma_wait3A_183 = arith.constant 0 : i32
          %dma_wait3A_184 = arith.constant 0 : i32
          %dma_wait3A_185 = tpu.memref_slice %arg8[%dma_wait3A_183, %dma_wait3A_184] : memref<10240x128xf32, #tpu.memory_space<vmem_shared>> -> memref<10240x128xf32, #tpu.memory_space<vmem_shared>>
          tpu.wait_indirect_dma semaphore(%run_scoped3A_173 : memref<!tpu.dma_semaphore, #tpu.memory_space<semaphore_mem>>) src(%arg12 : memref<128x128xf32, #tpu.memory_space<vmem>>) dst(%dma_wait3A_185 : memref<10240x128xf32, #tpu.memory_space<vmem_shared>>)
          tpu.yield
        }) : () -> ()
        %scan3A_172 = arith.constant 0 : i32
        scf.yield %scan3A_172 : i32
      }
      %scan3A_112 = arith.constant 19 : i32
      %dma_wait3A_113 = arith.constant 38 : i32
      %dma_wait3A_114 = arith.constant 0 : i32
      %dma_wait3A_115 = tpu.memref_slice %arg9[%dma_wait3A_113, %dma_wait3A_114] : memref<40x128xi32, #tpu.memory_space<vmem>> -> memref<1x128xi32, #tpu.memory_space<vmem>>
      %dma_wait3A_116 = tpu.memref_squeeze %dma_wait3A_115 : memref<1x128xi32, #tpu.memory_space<vmem>> -> memref<128xi32, #tpu.memory_space<vmem>>
      %dma_wait3A_117 = arith.constant 0 : i32
      %dma_wait3A_118 = arith.constant 0 : i32
      %dma_wait3A_119 = tpu.memref_slice %arg2[%dma_wait3A_117, %dma_wait3A_118] : memref<10240x128xf32, #tpu.memory_space<hbm>> -> memref<10240x128xf32, #tpu.memory_space<hbm>>
      tpu.wait_indirect_dma semaphore(%arg13 : memref<!tpu.dma_semaphore, #tpu.memory_space<semaphore_mem>>) src(%dma_wait3A_119 : memref<10240x128xf32, #tpu.memory_space<hbm>>) dst(%arg11 : memref<128x128xf32, #tpu.memory_space<vmem>>)
      %dma_start3A_120 = arith.constant 39 : i32
      %dma_start3A_121 = arith.constant 0 : i32
      %dma_start3A_122 = tpu.memref_slice %arg9[%dma_start3A_120, %dma_start3A_121] : memref<40x128xi32, #tpu.memory_space<vmem>> -> memref<1x128xi32, #tpu.memory_space<vmem>>
      %dma_start3A_123 = tpu.memref_squeeze %dma_start3A_122 : memref<1x128xi32, #tpu.memory_space<vmem>> -> memref<128xi32, #tpu.memory_space<vmem>>
      %dma_start3A_124 = arith.constant 0 : i32
      %dma_start3A_125 = arith.constant 0 : i32
      %dma_start3A_126 = tpu.memref_slice %arg2[%dma_start3A_124, %dma_start3A_125] : memref<10240x128xf32, #tpu.memory_space<hbm>> -> memref<10240x128xf32, #tpu.memory_space<hbm>>
      tpu.enqueue_indirect_dma source(%dma_start3A_126 : memref<10240x128xf32, #tpu.memory_space<hbm>>) target(%arg12 : memref<128x128xf32, #tpu.memory_space<vmem>>) offsets(%dma_start3A_123 : memref<128xi32, #tpu.memory_space<vmem>>) semaphore(%arg14 : memref<!tpu.dma_semaphore, #tpu.memory_space<semaphore_mem>>)
      %run_scoped3A_127 = arith.constant 38 : i32
      "tpu.region"() ({
        %run_scoped3A_136 = tpu.sem_alloc : memref<!tpu.dma_semaphore, #tpu.memory_space<semaphore_mem>>
        %dma_start3A_137 = arith.constant 0 : i32
        %dma_start3A_138 = tpu.memref_slice %arg10[%run_scoped3A_127, %dma_start3A_137] : memref<40x128xi32, #tpu.memory_space<vmem>> -> memref<1x128xi32, #tpu.memory_space<vmem>>
        %dma_start3A_139 = tpu.memref_squeeze %dma_start3A_138 : memref<1x128xi32, #tpu.memory_space<vmem>> -> memref<128xi32, #tpu.memory_space<vmem>>
        %dma_start3A_140 = arith.constant 0 : i32
        %dma_start3A_141 = arith.constant 0 : i32
        %dma_start3A_142 = tpu.memref_slice %arg8[%dma_start3A_140, %dma_start3A_141] : memref<10240x128xf32, #tpu.memory_space<vmem_shared>> -> memref<10240x128xf32, #tpu.memory_space<vmem_shared>>
        tpu.enqueue_indirect_dma source(%arg11 : memref<128x128xf32, #tpu.memory_space<vmem>>) target(%dma_start3A_142 : memref<10240x128xf32, #tpu.memory_space<vmem_shared>>) offsets(%dma_start3A_139 : memref<128xi32, #tpu.memory_space<vmem>>) semaphore(%run_scoped3A_136 : memref<!tpu.dma_semaphore, #tpu.memory_space<semaphore_mem>>) {add = true}
        %dma_wait3A_143 = arith.constant 0 : i32
        %dma_wait3A_144 = tpu.memref_slice %arg10[%run_scoped3A_127, %dma_wait3A_143] : memref<40x128xi32, #tpu.memory_space<vmem>> -> memref<1x128xi32, #tpu.memory_space<vmem>>
        %dma_wait3A_145 = tpu.memref_squeeze %dma_wait3A_144 : memref<1x128xi32, #tpu.memory_space<vmem>> -> memref<128xi32, #tpu.memory_space<vmem>>
        %dma_wait3A_146 = arith.constant 0 : i32
        %dma_wait3A_147 = arith.constant 0 : i32
        %dma_wait3A_148 = tpu.memref_slice %arg8[%dma_wait3A_146, %dma_wait3A_147] : memref<10240x128xf32, #tpu.memory_space<vmem_shared>> -> memref<10240x128xf32, #tpu.memory_space<vmem_shared>>
        tpu.wait_indirect_dma semaphore(%run_scoped3A_136 : memref<!tpu.dma_semaphore, #tpu.memory_space<semaphore_mem>>) src(%arg11 : memref<128x128xf32, #tpu.memory_space<vmem>>) dst(%dma_wait3A_148 : memref<10240x128xf32, #tpu.memory_space<vmem_shared>>)
        tpu.yield
      }) : () -> ()
      %dma_wait3A_128 = arith.constant 39 : i32
      %dma_wait3A_129 = arith.constant 0 : i32
      %dma_wait3A_130 = tpu.memref_slice %arg9[%dma_wait3A_128, %dma_wait3A_129] : memref<40x128xi32, #tpu.memory_space<vmem>> -> memref<1x128xi32, #tpu.memory_space<vmem>>
      %dma_wait3A_131 = tpu.memref_squeeze %dma_wait3A_130 : memref<1x128xi32, #tpu.memory_space<vmem>> -> memref<128xi32, #tpu.memory_space<vmem>>
      %dma_wait3A_132 = arith.constant 0 : i32
      %dma_wait3A_133 = arith.constant 0 : i32
      %dma_wait3A_134 = tpu.memref_slice %arg2[%dma_wait3A_132, %dma_wait3A_133] : memref<10240x128xf32, #tpu.memory_space<hbm>> -> memref<10240x128xf32, #tpu.memory_space<hbm>>
      tpu.wait_indirect_dma semaphore(%arg14 : memref<!tpu.dma_semaphore, #tpu.memory_space<semaphore_mem>>) src(%dma_wait3A_134 : memref<10240x128xf32, #tpu.memory_space<hbm>>) dst(%arg12 : memref<128x128xf32, #tpu.memory_space<vmem>>)
      %run_scoped3A_135 = arith.constant 39 : i32
      "tpu.region"() ({
        %run_scoped3A_136 = tpu.sem_alloc : memref<!tpu.dma_semaphore, #tpu.memory_space<semaphore_mem>>
        %dma_start3A_137 = arith.constant 0 : i32
        %dma_start3A_138 = tpu.memref_slice %arg10[%run_scoped3A_135, %dma_start3A_137] : memref<40x128xi32, #tpu.memory_space<vmem>> -> memref<1x128xi32, #tpu.memory_space<vmem>>
        %dma_start3A_139 = tpu.memref_squeeze %dma_start3A_138 : memref<1x128xi32, #tpu.memory_space<vmem>> -> memref<128xi32, #tpu.memory_space<vmem>>
        %dma_start3A_140 = arith.constant 0 : i32
        %dma_start3A_141 = arith.constant 0 : i32
        %dma_start3A_142 = tpu.memref_slice %arg8[%dma_start3A_140, %dma_start3A_141] : memref<10240x128xf32, #tpu.memory_space<vmem_shared>> -> memref<10240x128xf32, #tpu.memory_space<vmem_shared>>
        tpu.enqueue_indirect_dma source(%arg12 : memref<128x128xf32, #tpu.memory_space<vmem>>) target(%dma_start3A_142 : memref<10240x128xf32, #tpu.memory_space<vmem_shared>>) offsets(%dma_start3A_139 : memref<128xi32, #tpu.memory_space<vmem>>) semaphore(%run_scoped3A_136 : memref<!tpu.dma_semaphore, #tpu.memory_space<semaphore_mem>>) {add = true}
        %dma_wait3A_143 = arith.constant 0 : i32
        %dma_wait3A_144 = tpu.memref_slice %arg10[%run_scoped3A_135, %dma_wait3A_143] : memref<40x128xi32, #tpu.memory_space<vmem>> -> memref<1x128xi32, #tpu.memory_space<vmem>>
        %dma_wait3A_145 = tpu.memref_squeeze %dma_wait3A_144 : memref<1x128xi32, #tpu.memory_space<vmem>> -> memref<128xi32, #tpu.memory_space<vmem>>
        %dma_wait3A_146 = arith.constant 0 : i32
        %dma_wait3A_147 = arith.constant 0 : i32
        %dma_wait3A_148 = tpu.memref_slice %arg8[%dma_wait3A_146, %dma_wait3A_147] : memref<10240x128xf32, #tpu.memory_space<vmem_shared>> -> memref<10240x128xf32, #tpu.memory_space<vmem_shared>>
        tpu.wait_indirect_dma semaphore(%run_scoped3A_136 : memref<!tpu.dma_semaphore, #tpu.memory_space<semaphore_mem>>) src(%arg12 : memref<128x128xf32, #tpu.memory_space<vmem>>) dst(%dma_wait3A_148 : memref<10240x128xf32, #tpu.memory_space<vmem_shared>>)
        tpu.yield
      }) : () -> ()
    } else {
    }
    %barrier3A_25 = arith.constant 0 : index
    tpu.barrier barrier_id(%barrier3A_25)
    %mul3A_26 = arith.constant 640 : i32
    %mul3A_27 = arith.muli %arg1, %mul3A_26 : i32
    %add3A_28 = arith.constant 0 : i32
    %add3A_29 = arith.addi %mul3A_27, %add3A_28 : i32
    "tpu.region"() ({
      %run_scoped3A = tpu.sem_alloc : memref<!tpu.dma_semaphore, #tpu.memory_space<semaphore_mem>>
      %dma_start3A = arith.constant 0 : i32
      %dma_start3A_66 = tpu.memref_slice %arg8[%add3A_29, %dma_start3A] : memref<10240x128xf32, #tpu.memory_space<vmem_shared>> -> memref<128x128xf32, #tpu.memory_space<vmem_shared>>
      %dma_start3A_67 = arith.constant 0 : i32
      %dma_start3A_68 = tpu.memref_slice %arg8[%add3A_29, %dma_start3A_67] : memref<10240x128xf32, #tpu.memory_space<vmem_shared>> -> memref<128x128xf32, #tpu.memory_space<vmem_shared>>
      tpu.enqueue_dma source(%dma_start3A_68 : memref<128x128xf32, #tpu.memory_space<vmem_shared>>) target(%arg11 : memref<128x128xf32, #tpu.memory_space<vmem>>) target_semaphore(%run_scoped3A : memref<!tpu.dma_semaphore, #tpu.memory_space<semaphore_mem>>)
      %dma_wait3A = arith.constant 0 : i32
      %dma_wait3A_69 = tpu.memref_slice %arg8[%add3A_29, %dma_wait3A] : memref<10240x128xf32, #tpu.memory_space<vmem_shared>> -> memref<128x128xf32, #tpu.memory_space<vmem_shared>>
      %dma_wait3A_70 = arith.constant 0 : i32
      %dma_wait3A_71 = tpu.memref_slice %arg8[%add3A_29, %dma_wait3A_70] : memref<10240x128xf32, #tpu.memory_space<vmem_shared>> -> memref<128x128xf32, #tpu.memory_space<vmem_shared>>
      tpu.wait_dma2 semaphore(%run_scoped3A : memref<!tpu.dma_semaphore, #tpu.memory_space<semaphore_mem>>) src(%dma_wait3A_71 : memref<128x128xf32, #tpu.memory_space<vmem_shared>>) dst(%arg11 : memref<128x128xf32, #tpu.memory_space<vmem>>)
      tpu.yield
    }) : () -> ()
    %mul3A_30 = arith.constant 640 : i32
    %mul3A_31 = arith.muli %arg1, %mul3A_30 : i32
    %add3A_32 = arith.constant 0 : i32
    %add3A_33 = arith.addi %mul3A_31, %add3A_32 : i32
    "tpu.region"() ({
      %run_scoped3A = tpu.sem_alloc : memref<!tpu.dma_semaphore, #tpu.memory_space<semaphore_mem>>
      %dma_start3A = arith.constant 0 : i32
      %dma_start3A_66 = tpu.memref_slice %arg7[%arg0, %add3A_33, %dma_start3A] : memref<2x10240x128xf32, #tpu.memory_space<hbm>> -> memref<1x128x128xf32, #tpu.memory_space<hbm>>
      %dma_start3A_67 = tpu.memref_squeeze %dma_start3A_66 : memref<1x128x128xf32, #tpu.memory_space<hbm>> -> memref<128x128xf32, #tpu.memory_space<hbm>>
      %dma_start3A_68 = arith.constant 0 : i32
      %dma_start3A_69 = tpu.memref_slice %arg7[%arg0, %add3A_33, %dma_start3A_68] : memref<2x10240x128xf32, #tpu.memory_space<hbm>> -> memref<1x128x128xf32, #tpu.memory_space<hbm>>
      %dma_start3A_70 = tpu.memref_squeeze %dma_start3A_69 : memref<1x128x128xf32, #tpu.memory_space<hbm>> -> memref<128x128xf32, #tpu.memory_space<hbm>>
      tpu.enqueue_dma source(%arg11 : memref<128x128xf32, #tpu.memory_space<vmem>>) target(%dma_start3A_70 : memref<128x128xf32, #tpu.memory_space<hbm>>) target_semaphore(%run_scoped3A : memref<!tpu.dma_semaphore, #tpu.memory_space<semaphore_mem>>)
      %dma_wait3A = arith.constant 0 : i32
      %dma_wait3A_71 = tpu.memref_slice %arg7[%arg0, %add3A_33, %dma_wait3A] : memref<2x10240x128xf32, #tpu.memory_space<hbm>> -> memref<1x128x128xf32, #tpu.memory_space<hbm>>
      %dma_wait3A_72 = tpu.memref_squeeze %dma_wait3A_71 : memref<1x128x128xf32, #tpu.memory_space<hbm>> -> memref<128x128xf32, #tpu.memory_space<hbm>>
      %dma_wait3A_73 = arith.constant 0 : i32
      %dma_wait3A_74 = tpu.memref_slice %arg7[%arg0, %add3A_33, %dma_wait3A_73] : memref<2x10240x128xf32, #tpu.memory_space<hbm>> -> memref<1x128x128xf32, #tpu.memory_space<hbm>>
      %dma_wait3A_75 = tpu.memref_squeeze %dma_wait3A_74 : memref<1x128x128xf32, #tpu.memory_space<hbm>> -> memref<128x128xf32, #tpu.memory_space<hbm>>
      tpu.wait_dma2 semaphore(%run_scoped3A : memref<!tpu.dma_semaphore, #tpu.memory_space<semaphore_mem>>) src(%arg11 : memref<128x128xf32, #tpu.memory_space<vmem>>) dst(%dma_wait3A_75 : memref<128x128xf32, #tpu.memory_space<hbm>>)
      tpu.yield
    }) : () -> ()
    %mul3A_34 = arith.constant 640 : i32
    %mul3A_35 = arith.muli %arg1, %mul3A_34 : i32
    %add3A_36 = arith.constant 128 : i32
    %add3A_37 = arith.addi %mul3A_35, %add3A_36 : i32
    "tpu.region"() ({
      %run_scoped3A = tpu.sem_alloc : memref<!tpu.dma_semaphore, #tpu.memory_space<semaphore_mem>>
      %dma_start3A = arith.constant 0 : i32
      %dma_start3A_66 = tpu.memref_slice %arg8[%add3A_37, %dma_start3A] : memref<10240x128xf32, #tpu.memory_space<vmem_shared>> -> memref<128x128xf32, #tpu.memory_space<vmem_shared>>
      %dma_start3A_67 = arith.constant 0 : i32
      %dma_start3A_68 = tpu.memref_slice %arg8[%add3A_37, %dma_start3A_67] : memref<10240x128xf32, #tpu.memory_space<vmem_shared>> -> memref<128x128xf32, #tpu.memory_space<vmem_shared>>
      tpu.enqueue_dma source(%dma_start3A_68 : memref<128x128xf32, #tpu.memory_space<vmem_shared>>) target(%arg11 : memref<128x128xf32, #tpu.memory_space<vmem>>) target_semaphore(%run_scoped3A : memref<!tpu.dma_semaphore, #tpu.memory_space<semaphore_mem>>)
      %dma_wait3A = arith.constant 0 : i32
      %dma_wait3A_69 = tpu.memref_slice %arg8[%add3A_37, %dma_wait3A] : memref<10240x128xf32, #tpu.memory_space<vmem_shared>> -> memref<128x128xf32, #tpu.memory_space<vmem_shared>>
      %dma_wait3A_70 = arith.constant 0 : i32
      %dma_wait3A_71 = tpu.memref_slice %arg8[%add3A_37, %dma_wait3A_70] : memref<10240x128xf32, #tpu.memory_space<vmem_shared>> -> memref<128x128xf32, #tpu.memory_space<vmem_shared>>
      tpu.wait_dma2 semaphore(%run_scoped3A : memref<!tpu.dma_semaphore, #tpu.memory_space<semaphore_mem>>) src(%dma_wait3A_71 : memref<128x128xf32, #tpu.memory_space<vmem_shared>>) dst(%arg11 : memref<128x128xf32, #tpu.memory_space<vmem>>)
      tpu.yield
    }) : () -> ()
    %mul3A_38 = arith.constant 640 : i32
    %mul3A_39 = arith.muli %arg1, %mul3A_38 : i32
    %add3A_40 = arith.constant 128 : i32
    %add3A_41 = arith.addi %mul3A_39, %add3A_40 : i32
    "tpu.region"() ({
      %run_scoped3A = tpu.sem_alloc : memref<!tpu.dma_semaphore, #tpu.memory_space<semaphore_mem>>
      %dma_start3A = arith.constant 0 : i32
      %dma_start3A_66 = tpu.memref_slice %arg7[%arg0, %add3A_41, %dma_start3A] : memref<2x10240x128xf32, #tpu.memory_space<hbm>> -> memref<1x128x128xf32, #tpu.memory_space<hbm>>
      %dma_start3A_67 = tpu.memref_squeeze %dma_start3A_66 : memref<1x128x128xf32, #tpu.memory_space<hbm>> -> memref<128x128xf32, #tpu.memory_space<hbm>>
      %dma_start3A_68 = arith.constant 0 : i32
      %dma_start3A_69 = tpu.memref_slice %arg7[%arg0, %add3A_41, %dma_start3A_68] : memref<2x10240x128xf32, #tpu.memory_space<hbm>> -> memref<1x128x128xf32, #tpu.memory_space<hbm>>
      %dma_start3A_70 = tpu.memref_squeeze %dma_start3A_69 : memref<1x128x128xf32, #tpu.memory_space<hbm>> -> memref<128x128xf32, #tpu.memory_space<hbm>>
      tpu.enqueue_dma source(%arg11 : memref<128x128xf32, #tpu.memory_space<vmem>>) target(%dma_start3A_70 : memref<128x128xf32, #tpu.memory_space<hbm>>) target_semaphore(%run_scoped3A : memref<!tpu.dma_semaphore, #tpu.memory_space<semaphore_mem>>)
      %dma_wait3A = arith.constant 0 : i32
      %dma_wait3A_71 = tpu.memref_slice %arg7[%arg0, %add3A_41, %dma_wait3A] : memref<2x10240x128xf32, #tpu.memory_space<hbm>> -> memref<1x128x128xf32, #tpu.memory_space<hbm>>
      %dma_wait3A_72 = tpu.memref_squeeze %dma_wait3A_71 : memref<1x128x128xf32, #tpu.memory_space<hbm>> -> memref<128x128xf32, #tpu.memory_space<hbm>>
      %dma_wait3A_73 = arith.constant 0 : i32
      %dma_wait3A_74 = tpu.memref_slice %arg7[%arg0, %add3A_41, %dma_wait3A_73] : memref<2x10240x128xf32, #tpu.memory_space<hbm>> -> memref<1x128x128xf32, #tpu.memory_space<hbm>>
      %dma_wait3A_75 = tpu.memref_squeeze %dma_wait3A_74 : memref<1x128x128xf32, #tpu.memory_space<hbm>> -> memref<128x128xf32, #tpu.memory_space<hbm>>
      tpu.wait_dma2 semaphore(%run_scoped3A : memref<!tpu.dma_semaphore, #tpu.memory_space<semaphore_mem>>) src(%arg11 : memref<128x128xf32, #tpu.memory_space<vmem>>) dst(%dma_wait3A_75 : memref<128x128xf32, #tpu.memory_space<hbm>>)
      tpu.yield
    }) : () -> ()
    %mul3A_42 = arith.constant 640 : i32
    %mul3A_43 = arith.muli %arg1, %mul3A_42 : i32
    %add3A_44 = arith.constant 256 : i32
    %add3A_45 = arith.addi %mul3A_43, %add3A_44 : i32
    "tpu.region"() ({
      %run_scoped3A = tpu.sem_alloc : memref<!tpu.dma_semaphore, #tpu.memory_space<semaphore_mem>>
      %dma_start3A = arith.constant 0 : i32
      %dma_start3A_66 = tpu.memref_slice %arg8[%add3A_45, %dma_start3A] : memref<10240x128xf32, #tpu.memory_space<vmem_shared>> -> memref<128x128xf32, #tpu.memory_space<vmem_shared>>
      %dma_start3A_67 = arith.constant 0 : i32
      %dma_start3A_68 = tpu.memref_slice %arg8[%add3A_45, %dma_start3A_67] : memref<10240x128xf32, #tpu.memory_space<vmem_shared>> -> memref<128x128xf32, #tpu.memory_space<vmem_shared>>
      tpu.enqueue_dma source(%dma_start3A_68 : memref<128x128xf32, #tpu.memory_space<vmem_shared>>) target(%arg11 : memref<128x128xf32, #tpu.memory_space<vmem>>) target_semaphore(%run_scoped3A : memref<!tpu.dma_semaphore, #tpu.memory_space<semaphore_mem>>)
      %dma_wait3A = arith.constant 0 : i32
      %dma_wait3A_69 = tpu.memref_slice %arg8[%add3A_45, %dma_wait3A] : memref<10240x128xf32, #tpu.memory_space<vmem_shared>> -> memref<128x128xf32, #tpu.memory_space<vmem_shared>>
      %dma_wait3A_70 = arith.constant 0 : i32
      %dma_wait3A_71 = tpu.memref_slice %arg8[%add3A_45, %dma_wait3A_70] : memref<10240x128xf32, #tpu.memory_space<vmem_shared>> -> memref<128x128xf32, #tpu.memory_space<vmem_shared>>
      tpu.wait_dma2 semaphore(%run_scoped3A : memref<!tpu.dma_semaphore, #tpu.memory_space<semaphore_mem>>) src(%dma_wait3A_71 : memref<128x128xf32, #tpu.memory_space<vmem_shared>>) dst(%arg11 : memref<128x128xf32, #tpu.memory_space<vmem>>)
      tpu.yield
    }) : () -> ()
    %mul3A_46 = arith.constant 640 : i32
    %mul3A_47 = arith.muli %arg1, %mul3A_46 : i32
    %add3A_48 = arith.constant 256 : i32
    %add3A_49 = arith.addi %mul3A_47, %add3A_48 : i32
    "tpu.region"() ({
      %run_scoped3A = tpu.sem_alloc : memref<!tpu.dma_semaphore, #tpu.memory_space<semaphore_mem>>
      %dma_start3A = arith.constant 0 : i32
      %dma_start3A_66 = tpu.memref_slice %arg7[%arg0, %add3A_49, %dma_start3A] : memref<2x10240x128xf32, #tpu.memory_space<hbm>> -> memref<1x128x128xf32, #tpu.memory_space<hbm>>
      %dma_start3A_67 = tpu.memref_squeeze %dma_start3A_66 : memref<1x128x128xf32, #tpu.memory_space<hbm>> -> memref<128x128xf32, #tpu.memory_space<hbm>>
      %dma_start3A_68 = arith.constant 0 : i32
      %dma_start3A_69 = tpu.memref_slice %arg7[%arg0, %add3A_49, %dma_start3A_68] : memref<2x10240x128xf32, #tpu.memory_space<hbm>> -> memref<1x128x128xf32, #tpu.memory_space<hbm>>
      %dma_start3A_70 = tpu.memref_squeeze %dma_start3A_69 : memref<1x128x128xf32, #tpu.memory_space<hbm>> -> memref<128x128xf32, #tpu.memory_space<hbm>>
      tpu.enqueue_dma source(%arg11 : memref<128x128xf32, #tpu.memory_space<vmem>>) target(%dma_start3A_70 : memref<128x128xf32, #tpu.memory_space<hbm>>) target_semaphore(%run_scoped3A : memref<!tpu.dma_semaphore, #tpu.memory_space<semaphore_mem>>)
      %dma_wait3A = arith.constant 0 : i32
      %dma_wait3A_71 = tpu.memref_slice %arg7[%arg0, %add3A_49, %dma_wait3A] : memref<2x10240x128xf32, #tpu.memory_space<hbm>> -> memref<1x128x128xf32, #tpu.memory_space<hbm>>
      %dma_wait3A_72 = tpu.memref_squeeze %dma_wait3A_71 : memref<1x128x128xf32, #tpu.memory_space<hbm>> -> memref<128x128xf32, #tpu.memory_space<hbm>>
      %dma_wait3A_73 = arith.constant 0 : i32
      %dma_wait3A_74 = tpu.memref_slice %arg7[%arg0, %add3A_49, %dma_wait3A_73] : memref<2x10240x128xf32, #tpu.memory_space<hbm>> -> memref<1x128x128xf32, #tpu.memory_space<hbm>>
      %dma_wait3A_75 = tpu.memref_squeeze %dma_wait3A_74 : memref<1x128x128xf32, #tpu.memory_space<hbm>> -> memref<128x128xf32, #tpu.memory_space<hbm>>
      tpu.wait_dma2 semaphore(%run_scoped3A : memref<!tpu.dma_semaphore, #tpu.memory_space<semaphore_mem>>) src(%arg11 : memref<128x128xf32, #tpu.memory_space<vmem>>) dst(%dma_wait3A_75 : memref<128x128xf32, #tpu.memory_space<hbm>>)
      tpu.yield
    }) : () -> ()
    %mul3A_50 = arith.constant 640 : i32
    %mul3A_51 = arith.muli %arg1, %mul3A_50 : i32
    %add3A_52 = arith.constant 384 : i32
    %add3A_53 = arith.addi %mul3A_51, %add3A_52 : i32
    "tpu.region"() ({
      %run_scoped3A = tpu.sem_alloc : memref<!tpu.dma_semaphore, #tpu.memory_space<semaphore_mem>>
      %dma_start3A = arith.constant 0 : i32
      %dma_start3A_66 = tpu.memref_slice %arg8[%add3A_53, %dma_start3A] : memref<10240x128xf32, #tpu.memory_space<vmem_shared>> -> memref<128x128xf32, #tpu.memory_space<vmem_shared>>
      %dma_start3A_67 = arith.constant 0 : i32
      %dma_start3A_68 = tpu.memref_slice %arg8[%add3A_53, %dma_start3A_67] : memref<10240x128xf32, #tpu.memory_space<vmem_shared>> -> memref<128x128xf32, #tpu.memory_space<vmem_shared>>
      tpu.enqueue_dma source(%dma_start3A_68 : memref<128x128xf32, #tpu.memory_space<vmem_shared>>) target(%arg11 : memref<128x128xf32, #tpu.memory_space<vmem>>) target_semaphore(%run_scoped3A : memref<!tpu.dma_semaphore, #tpu.memory_space<semaphore_mem>>)
      %dma_wait3A = arith.constant 0 : i32
      %dma_wait3A_69 = tpu.memref_slice %arg8[%add3A_53, %dma_wait3A] : memref<10240x128xf32, #tpu.memory_space<vmem_shared>> -> memref<128x128xf32, #tpu.memory_space<vmem_shared>>
      %dma_wait3A_70 = arith.constant 0 : i32
      %dma_wait3A_71 = tpu.memref_slice %arg8[%add3A_53, %dma_wait3A_70] : memref<10240x128xf32, #tpu.memory_space<vmem_shared>> -> memref<128x128xf32, #tpu.memory_space<vmem_shared>>
      tpu.wait_dma2 semaphore(%run_scoped3A : memref<!tpu.dma_semaphore, #tpu.memory_space<semaphore_mem>>) src(%dma_wait3A_71 : memref<128x128xf32, #tpu.memory_space<vmem_shared>>) dst(%arg11 : memref<128x128xf32, #tpu.memory_space<vmem>>)
      tpu.yield
    }) : () -> ()
    %mul3A_54 = arith.constant 640 : i32
    %mul3A_55 = arith.muli %arg1, %mul3A_54 : i32
    %add3A_56 = arith.constant 384 : i32
    %add3A_57 = arith.addi %mul3A_55, %add3A_56 : i32
    "tpu.region"() ({
      %run_scoped3A = tpu.sem_alloc : memref<!tpu.dma_semaphore, #tpu.memory_space<semaphore_mem>>
      %dma_start3A = arith.constant 0 : i32
      %dma_start3A_66 = tpu.memref_slice %arg7[%arg0, %add3A_57, %dma_start3A] : memref<2x10240x128xf32, #tpu.memory_space<hbm>> -> memref<1x128x128xf32, #tpu.memory_space<hbm>>
      %dma_start3A_67 = tpu.memref_squeeze %dma_start3A_66 : memref<1x128x128xf32, #tpu.memory_space<hbm>> -> memref<128x128xf32, #tpu.memory_space<hbm>>
      %dma_start3A_68 = arith.constant 0 : i32
      %dma_start3A_69 = tpu.memref_slice %arg7[%arg0, %add3A_57, %dma_start3A_68] : memref<2x10240x128xf32, #tpu.memory_space<hbm>> -> memref<1x128x128xf32, #tpu.memory_space<hbm>>
      %dma_start3A_70 = tpu.memref_squeeze %dma_start3A_69 : memref<1x128x128xf32, #tpu.memory_space<hbm>> -> memref<128x128xf32, #tpu.memory_space<hbm>>
      tpu.enqueue_dma source(%arg11 : memref<128x128xf32, #tpu.memory_space<vmem>>) target(%dma_start3A_70 : memref<128x128xf32, #tpu.memory_space<hbm>>) target_semaphore(%run_scoped3A : memref<!tpu.dma_semaphore, #tpu.memory_space<semaphore_mem>>)
      %dma_wait3A = arith.constant 0 : i32
      %dma_wait3A_71 = tpu.memref_slice %arg7[%arg0, %add3A_57, %dma_wait3A] : memref<2x10240x128xf32, #tpu.memory_space<hbm>> -> memref<1x128x128xf32, #tpu.memory_space<hbm>>
      %dma_wait3A_72 = tpu.memref_squeeze %dma_wait3A_71 : memref<1x128x128xf32, #tpu.memory_space<hbm>> -> memref<128x128xf32, #tpu.memory_space<hbm>>
      %dma_wait3A_73 = arith.constant 0 : i32
      %dma_wait3A_74 = tpu.memref_slice %arg7[%arg0, %add3A_57, %dma_wait3A_73] : memref<2x10240x128xf32, #tpu.memory_space<hbm>> -> memref<1x128x128xf32, #tpu.memory_space<hbm>>
      %dma_wait3A_75 = tpu.memref_squeeze %dma_wait3A_74 : memref<1x128x128xf32, #tpu.memory_space<hbm>> -> memref<128x128xf32, #tpu.memory_space<hbm>>
      tpu.wait_dma2 semaphore(%run_scoped3A : memref<!tpu.dma_semaphore, #tpu.memory_space<semaphore_mem>>) src(%arg11 : memref<128x128xf32, #tpu.memory_space<vmem>>) dst(%dma_wait3A_75 : memref<128x128xf32, #tpu.memory_space<hbm>>)
      tpu.yield
    }) : () -> ()
    %mul3A_58 = arith.constant 640 : i32
    %mul3A_59 = arith.muli %arg1, %mul3A_58 : i32
    %add3A_60 = arith.constant 512 : i32
    %add3A_61 = arith.addi %mul3A_59, %add3A_60 : i32
    "tpu.region"() ({
      %run_scoped3A = tpu.sem_alloc : memref<!tpu.dma_semaphore, #tpu.memory_space<semaphore_mem>>
      %dma_start3A = arith.constant 0 : i32
      %dma_start3A_66 = tpu.memref_slice %arg8[%add3A_61, %dma_start3A] : memref<10240x128xf32, #tpu.memory_space<vmem_shared>> -> memref<128x128xf32, #tpu.memory_space<vmem_shared>>
      %dma_start3A_67 = arith.constant 0 : i32
      %dma_start3A_68 = tpu.memref_slice %arg8[%add3A_61, %dma_start3A_67] : memref<10240x128xf32, #tpu.memory_space<vmem_shared>> -> memref<128x128xf32, #tpu.memory_space<vmem_shared>>
      tpu.enqueue_dma source(%dma_start3A_68 : memref<128x128xf32, #tpu.memory_space<vmem_shared>>) target(%arg11 : memref<128x128xf32, #tpu.memory_space<vmem>>) target_semaphore(%run_scoped3A : memref<!tpu.dma_semaphore, #tpu.memory_space<semaphore_mem>>)
      %dma_wait3A = arith.constant 0 : i32
      %dma_wait3A_69 = tpu.memref_slice %arg8[%add3A_61, %dma_wait3A] : memref<10240x128xf32, #tpu.memory_space<vmem_shared>> -> memref<128x128xf32, #tpu.memory_space<vmem_shared>>
      %dma_wait3A_70 = arith.constant 0 : i32
      %dma_wait3A_71 = tpu.memref_slice %arg8[%add3A_61, %dma_wait3A_70] : memref<10240x128xf32, #tpu.memory_space<vmem_shared>> -> memref<128x128xf32, #tpu.memory_space<vmem_shared>>
      tpu.wait_dma2 semaphore(%run_scoped3A : memref<!tpu.dma_semaphore, #tpu.memory_space<semaphore_mem>>) src(%dma_wait3A_71 : memref<128x128xf32, #tpu.memory_space<vmem_shared>>) dst(%arg11 : memref<128x128xf32, #tpu.memory_space<vmem>>)
      tpu.yield
    }) : () -> ()
    %mul3A_62 = arith.constant 640 : i32
    %mul3A_63 = arith.muli %arg1, %mul3A_62 : i32
    %add3A_64 = arith.constant 512 : i32
    %add3A_65 = arith.addi %mul3A_63, %add3A_64 : i32
    "tpu.region"() ({
      %run_scoped3A = tpu.sem_alloc : memref<!tpu.dma_semaphore, #tpu.memory_space<semaphore_mem>>
      %dma_start3A = arith.constant 0 : i32
      %dma_start3A_66 = tpu.memref_slice %arg7[%arg0, %add3A_65, %dma_start3A] : memref<2x10240x128xf32, #tpu.memory_space<hbm>> -> memref<1x128x128xf32, #tpu.memory_space<hbm>>
      %dma_start3A_67 = tpu.memref_squeeze %dma_start3A_66 : memref<1x128x128xf32, #tpu.memory_space<hbm>> -> memref<128x128xf32, #tpu.memory_space<hbm>>
      %dma_start3A_68 = arith.constant 0 : i32
      %dma_start3A_69 = tpu.memref_slice %arg7[%arg0, %add3A_65, %dma_start3A_68] : memref<2x10240x128xf32, #tpu.memory_space<hbm>> -> memref<1x128x128xf32, #tpu.memory_space<hbm>>
      %dma_start3A_70 = tpu.memref_squeeze %dma_start3A_69 : memref<1x128x128xf32, #tpu.memory_space<hbm>> -> memref<128x128xf32, #tpu.memory_space<hbm>>
      tpu.enqueue_dma source(%arg11 : memref<128x128xf32, #tpu.memory_space<vmem>>) target(%dma_start3A_70 : memref<128x128xf32, #tpu.memory_space<hbm>>) target_semaphore(%run_scoped3A : memref<!tpu.dma_semaphore, #tpu.memory_space<semaphore_mem>>)
      %dma_wait3A = arith.constant 0 : i32
      %dma_wait3A_71 = tpu.memref_slice %arg7[%arg0, %add3A_65, %dma_wait3A] : memref<2x10240x128xf32, #tpu.memory_space<hbm>> -> memref<1x128x128xf32, #tpu.memory_space<hbm>>
      %dma_wait3A_72 = tpu.memref_squeeze %dma_wait3A_71 : memref<1x128x128xf32, #tpu.memory_space<hbm>> -> memref<128x128xf32, #tpu.memory_space<hbm>>
      %dma_wait3A_73 = arith.constant 0 : i32
      %dma_wait3A_74 = tpu.memref_slice %arg7[%arg0, %add3A_65, %dma_wait3A_73] : memref<2x10240x128xf32, #tpu.memory_space<hbm>> -> memref<1x128x128xf32, #tpu.memory_space<hbm>>
      %dma_wait3A_75 = tpu.memref_squeeze %dma_wait3A_74 : memref<1x128x128xf32, #tpu.memory_space<hbm>> -> memref<128x128xf32, #tpu.memory_space<hbm>>
      tpu.wait_dma2 semaphore(%run_scoped3A : memref<!tpu.dma_semaphore, #tpu.memory_space<semaphore_mem>>) src(%arg11 : memref<128x128xf32, #tpu.memory_space<vmem>>) dst(%dma_wait3A_75 : memref<128x128xf32, #tpu.memory_space<hbm>>)
      tpu.yield
    }) : () -> ()
    return
  }
}

#map = affine_map<(d0, d1) -> (0, 0)>
#map1 = affine_map<(d0, d1) -> (0, 0, 0)>
module attributes {stable_mosaic.version = 14 : i64} {
  func.func @_scatter_body(%arg0: i32, %arg1: i32, %arg2: memref<10240x128xf32, #tpu.memory_space<hbm>>, %arg3: memref<16x80x128xi32, #tpu.memory_space<hbm>>, %arg4: memref<16x80x128xi32, #tpu.memory_space<hbm>>, %arg5: memref<16x80x128xi32, #tpu.memory_space<hbm>>, %arg6: memref<16x80x128xi32, #tpu.memory_space<hbm>>, %arg7: memref<2x10240x128xf32, #tpu.memory_space<hbm>>, %arg8: memref<10240x128xf32, #tpu.memory_space<vmem_shared>>, %arg9: memref<40x128xi32, #tpu.memory_space<vmem>>, %arg10: memref<40x128xi32, #tpu.memory_space<vmem>>, %arg11: memref<128x128xf32, #tpu.memory_space<vmem>>, %arg12: memref<128x128xf32, #tpu.memory_space<vmem>>, %arg13: memref<!tpu.dma_semaphore, #tpu.memory_space<semaphore_mem>>, %arg14: memref<!tpu.dma_semaphore, #tpu.memory_space<semaphore_mem>>) attributes {dimension_semantics = [#tpu.dimension_semantics<core_parallel>, #tpu.dimension_semantics<subcore_parallel>], iteration_bounds = array<i64: 2, 16>, scalar_prefetch = 0 : i64, scratch_operands = 7 : i64, tpu.core_type = #tpu.core_type<sc_vector_subcore>, window_params = [{transform_indices = #map}, {transform_indices = #map1}, {transform_indices = #map1}, {transform_indices = #map1}, {transform_indices = #map1}, {transform_indices = #map1}]} {
    "tpu.region"() ({
      %run_scoped3A = tpu.sem_alloc : memref<!tpu.dma_semaphore, #tpu.memory_space<semaphore_mem>>
      %dma_start3A = arith.constant 10112 : i32
      %dma_start3A_66 = arith.constant 0 : i32
      %dma_start3A_67 = tpu.memref_slice %arg2[%dma_start3A, %dma_start3A_66] : memref<10240x128xf32, #tpu.memory_space<hbm>> -> memref<128x128xf32, #tpu.memory_space<hbm>>
      %dma_start3A_68 = arith.constant 10112 : i32
      %dma_start3A_69 = arith.constant 0 : i32
      %dma_start3A_70 = tpu.memref_slice %arg2[%dma_start3A_68, %dma_start3A_69] : memref<10240x128xf32, #tpu.memory_space<hbm>> -> memref<128x128xf32, #tpu.memory_space<hbm>>
      tpu.enqueue_dma source(%dma_start3A_70 : memref<128x128xf32, #tpu.memory_space<hbm>>) target(%arg11 : memref<128x128xf32, #tpu.memory_space<vmem>>) target_semaphore(%run_scoped3A : memref<!tpu.dma_semaphore, #tpu.memory_space<semaphore_mem>>)
      %dma_wait3A = arith.constant 10112 : i32
      %dma_wait3A_71 = arith.constant 0 : i32
      %dma_wait3A_72 = tpu.memref_slice %arg2[%dma_wait3A, %dma_wait3A_71] : memref<10240x128xf32, #tpu.memory_space<hbm>> -> memref<128x128xf32, #tpu.memory_space<hbm>>
      %dma_wait3A_73 = arith.constant 10112 : i32
      %dma_wait3A_74 = arith.constant 0 : i32
      %dma_wait3A_75 = tpu.memref_slice %arg2[%dma_wait3A_73, %dma_wait3A_74] : memref<10240x128xf32, #tpu.memory_space<hbm>> -> memref<128x128xf32, #tpu.memory_space<hbm>>
      tpu.wait_dma2 semaphore(%run_scoped3A : memref<!tpu.dma_semaphore, #tpu.memory_space<semaphore_mem>>) src(%dma_wait3A_75 : memref<128x128xf32, #tpu.memory_space<hbm>>) dst(%arg11 : memref<128x128xf32, #tpu.memory_space<vmem>>)
      tpu.yield
    }) : () -> ()
    %mul3A = arith.constant 640 : i32
    %mul3A_0 = arith.muli %arg1, %mul3A : i32
    %add3A = arith.constant 0 : i32
    %add3A_1 = arith.addi %mul3A_0, %add3A : i32
    "tpu.region"() ({
      %run_scoped3A = tpu.sem_alloc : memref<!tpu.dma_semaphore, #tpu.memory_space<semaphore_mem>>
      %dma_start3A = arith.constant 0 : i32
      %dma_start3A_66 = tpu.memref_slice %arg8[%add3A_1, %dma_start3A] : memref<10240x128xf32, #tpu.memory_space<vmem_shared>> -> memref<128x128xf32, #tpu.memory_space<vmem_shared>>
      %dma_start3A_67 = arith.constant 0 : i32
      %dma_start3A_68 = tpu.memref_slice %arg8[%add3A_1, %dma_start3A_67] : memref<10240x128xf32, #tpu.memory_space<vmem_shared>> -> memref<128x128xf32, #tpu.memory_space<vmem_shared>>
      tpu.enqueue_dma source(%arg11 : memref<128x128xf32, #tpu.memory_space<vmem>>) target(%dma_start3A_68 : memref<128x128xf32, #tpu.memory_space<vmem_shared>>) target_semaphore(%run_scoped3A : memref<!tpu.dma_semaphore, #tpu.memory_space<semaphore_mem>>)
      %dma_wait3A = arith.constant 0 : i32
      %dma_wait3A_69 = tpu.memref_slice %arg8[%add3A_1, %dma_wait3A] : memref<10240x128xf32, #tpu.memory_space<vmem_shared>> -> memref<128x128xf32, #tpu.memory_space<vmem_shared>>
      %dma_wait3A_70 = arith.constant 0 : i32
      %dma_wait3A_71 = tpu.memref_slice %arg8[%add3A_1, %dma_wait3A_70] : memref<10240x128xf32, #tpu.memory_space<vmem_shared>> -> memref<128x128xf32, #tpu.memory_space<vmem_shared>>
      tpu.wait_dma2 semaphore(%run_scoped3A : memref<!tpu.dma_semaphore, #tpu.memory_space<semaphore_mem>>) src(%arg11 : memref<128x128xf32, #tpu.memory_space<vmem>>) dst(%dma_wait3A_71 : memref<128x128xf32, #tpu.memory_space<vmem_shared>>)
      tpu.yield
    }) : () -> ()
    %mul3A_2 = arith.constant 640 : i32
    %mul3A_3 = arith.muli %arg1, %mul3A_2 : i32
    %add3A_4 = arith.constant 128 : i32
    %add3A_5 = arith.addi %mul3A_3, %add3A_4 : i32
    "tpu.region"() ({
      %run_scoped3A = tpu.sem_alloc : memref<!tpu.dma_semaphore, #tpu.memory_space<semaphore_mem>>
      %dma_start3A = arith.constant 0 : i32
      %dma_start3A_66 = tpu.memref_slice %arg8[%add3A_5, %dma_start3A] : memref<10240x128xf32, #tpu.memory_space<vmem_shared>> -> memref<128x128xf32, #tpu.memory_space<vmem_shared>>
      %dma_start3A_67 = arith.constant 0 : i32
      %dma_start3A_68 = tpu.memref_slice %arg8[%add3A_5, %dma_start3A_67] : memref<10240x128xf32, #tpu.memory_space<vmem_shared>> -> memref<128x128xf32, #tpu.memory_space<vmem_shared>>
      tpu.enqueue_dma source(%arg11 : memref<128x128xf32, #tpu.memory_space<vmem>>) target(%dma_start3A_68 : memref<128x128xf32, #tpu.memory_space<vmem_shared>>) target_semaphore(%run_scoped3A : memref<!tpu.dma_semaphore, #tpu.memory_space<semaphore_mem>>)
      %dma_wait3A = arith.constant 0 : i32
      %dma_wait3A_69 = tpu.memref_slice %arg8[%add3A_5, %dma_wait3A] : memref<10240x128xf32, #tpu.memory_space<vmem_shared>> -> memref<128x128xf32, #tpu.memory_space<vmem_shared>>
      %dma_wait3A_70 = arith.constant 0 : i32
      %dma_wait3A_71 = tpu.memref_slice %arg8[%add3A_5, %dma_wait3A_70] : memref<10240x128xf32, #tpu.memory_space<vmem_shared>> -> memref<128x128xf32, #tpu.memory_space<vmem_shared>>
      tpu.wait_dma2 semaphore(%run_scoped3A : memref<!tpu.dma_semaphore, #tpu.memory_space<semaphore_mem>>) src(%arg11 : memref<128x128xf32, #tpu.memory_space<vmem>>) dst(%dma_wait3A_71 : memref<128x128xf32, #tpu.memory_space<vmem_shared>>)
      tpu.yield
    }) : () -> ()
    %mul3A_6 = arith.constant 640 : i32
    %mul3A_7 = arith.muli %arg1, %mul3A_6 : i32
    %add3A_8 = arith.constant 256 : i32
    %add3A_9 = arith.addi %mul3A_7, %add3A_8 : i32
    "tpu.region"() ({
      %run_scoped3A = tpu.sem_alloc : memref<!tpu.dma_semaphore, #tpu.memory_space<semaphore_mem>>
      %dma_start3A = arith.constant 0 : i32
      %dma_start3A_66 = tpu.memref_slice %arg8[%add3A_9, %dma_start3A] : memref<10240x128xf32, #tpu.memory_space<vmem_shared>> -> memref<128x128xf32, #tpu.memory_space<vmem_shared>>
      %dma_start3A_67 = arith.constant 0 : i32
      %dma_start3A_68 = tpu.memref_slice %arg8[%add3A_9, %dma_start3A_67] : memref<10240x128xf32, #tpu.memory_space<vmem_shared>> -> memref<128x128xf32, #tpu.memory_space<vmem_shared>>
      tpu.enqueue_dma source(%arg11 : memref<128x128xf32, #tpu.memory_space<vmem>>) target(%dma_start3A_68 : memref<128x128xf32, #tpu.memory_space<vmem_shared>>) target_semaphore(%run_scoped3A : memref<!tpu.dma_semaphore, #tpu.memory_space<semaphore_mem>>)
      %dma_wait3A = arith.constant 0 : i32
      %dma_wait3A_69 = tpu.memref_slice %arg8[%add3A_9, %dma_wait3A] : memref<10240x128xf32, #tpu.memory_space<vmem_shared>> -> memref<128x128xf32, #tpu.memory_space<vmem_shared>>
      %dma_wait3A_70 = arith.constant 0 : i32
      %dma_wait3A_71 = tpu.memref_slice %arg8[%add3A_9, %dma_wait3A_70] : memref<10240x128xf32, #tpu.memory_space<vmem_shared>> -> memref<128x128xf32, #tpu.memory_space<vmem_shared>>
      tpu.wait_dma2 semaphore(%run_scoped3A : memref<!tpu.dma_semaphore, #tpu.memory_space<semaphore_mem>>) src(%arg11 : memref<128x128xf32, #tpu.memory_space<vmem>>) dst(%dma_wait3A_71 : memref<128x128xf32, #tpu.memory_space<vmem_shared>>)
      tpu.yield
    }) : () -> ()
    %mul3A_10 = arith.constant 640 : i32
    %mul3A_11 = arith.muli %arg1, %mul3A_10 : i32
    %add3A_12 = arith.constant 384 : i32
    %add3A_13 = arith.addi %mul3A_11, %add3A_12 : i32
    "tpu.region"() ({
      %run_scoped3A = tpu.sem_alloc : memref<!tpu.dma_semaphore, #tpu.memory_space<semaphore_mem>>
      %dma_start3A = arith.constant 0 : i32
      %dma_start3A_66 = tpu.memref_slice %arg8[%add3A_13, %dma_start3A] : memref<10240x128xf32, #tpu.memory_space<vmem_shared>> -> memref<128x128xf32, #tpu.memory_space<vmem_shared>>
      %dma_start3A_67 = arith.constant 0 : i32
      %dma_start3A_68 = tpu.memref_slice %arg8[%add3A_13, %dma_start3A_67] : memref<10240x128xf32, #tpu.memory_space<vmem_shared>> -> memref<128x128xf32, #tpu.memory_space<vmem_shared>>
      tpu.enqueue_dma source(%arg11 : memref<128x128xf32, #tpu.memory_space<vmem>>) target(%dma_start3A_68 : memref<128x128xf32, #tpu.memory_space<vmem_shared>>) target_semaphore(%run_scoped3A : memref<!tpu.dma_semaphore, #tpu.memory_space<semaphore_mem>>)
      %dma_wait3A = arith.constant 0 : i32
      %dma_wait3A_69 = tpu.memref_slice %arg8[%add3A_13, %dma_wait3A] : memref<10240x128xf32, #tpu.memory_space<vmem_shared>> -> memref<128x128xf32, #tpu.memory_space<vmem_shared>>
      %dma_wait3A_70 = arith.constant 0 : i32
      %dma_wait3A_71 = tpu.memref_slice %arg8[%add3A_13, %dma_wait3A_70] : memref<10240x128xf32, #tpu.memory_space<vmem_shared>> -> memref<128x128xf32, #tpu.memory_space<vmem_shared>>
      tpu.wait_dma2 semaphore(%run_scoped3A : memref<!tpu.dma_semaphore, #tpu.memory_space<semaphore_mem>>) src(%arg11 : memref<128x128xf32, #tpu.memory_space<vmem>>) dst(%dma_wait3A_71 : memref<128x128xf32, #tpu.memory_space<vmem_shared>>)
      tpu.yield
    }) : () -> ()
    %mul3A_14 = arith.constant 640 : i32
    %mul3A_15 = arith.muli %arg1, %mul3A_14 : i32
    %add3A_16 = arith.constant 512 : i32
    %add3A_17 = arith.addi %mul3A_15, %add3A_16 : i32
    "tpu.region"() ({
      %run_scoped3A = tpu.sem_alloc : memref<!tpu.dma_semaphore, #tpu.memory_space<semaphore_mem>>
      %dma_start3A = arith.constant 0 : i32
      %dma_start3A_66 = tpu.memref_slice %arg8[%add3A_17, %dma_start3A] : memref<10240x128xf32, #tpu.memory_space<vmem_shared>> -> memref<128x128xf32, #tpu.memory_space<vmem_shared>>
      %dma_start3A_67 = arith.constant 0 : i32
      %dma_start3A_68 = tpu.memref_slice %arg8[%add3A_17, %dma_start3A_67] : memref<10240x128xf32, #tpu.memory_space<vmem_shared>> -> memref<128x128xf32, #tpu.memory_space<vmem_shared>>
      tpu.enqueue_dma source(%arg11 : memref<128x128xf32, #tpu.memory_space<vmem>>) target(%dma_start3A_68 : memref<128x128xf32, #tpu.memory_space<vmem_shared>>) target_semaphore(%run_scoped3A : memref<!tpu.dma_semaphore, #tpu.memory_space<semaphore_mem>>)
      %dma_wait3A = arith.constant 0 : i32
      %dma_wait3A_69 = tpu.memref_slice %arg8[%add3A_17, %dma_wait3A] : memref<10240x128xf32, #tpu.memory_space<vmem_shared>> -> memref<128x128xf32, #tpu.memory_space<vmem_shared>>
      %dma_wait3A_70 = arith.constant 0 : i32
      %dma_wait3A_71 = tpu.memref_slice %arg8[%add3A_17, %dma_wait3A_70] : memref<10240x128xf32, #tpu.memory_space<vmem_shared>> -> memref<128x128xf32, #tpu.memory_space<vmem_shared>>
      tpu.wait_dma2 semaphore(%run_scoped3A : memref<!tpu.dma_semaphore, #tpu.memory_space<semaphore_mem>>) src(%arg11 : memref<128x128xf32, #tpu.memory_space<vmem>>) dst(%dma_wait3A_71 : memref<128x128xf32, #tpu.memory_space<vmem_shared>>)
      tpu.yield
    }) : () -> ()
    %barrier3A = arith.constant 0 : index
    tpu.barrier barrier_id(%barrier3A)
    %eq3A = arith.constant 1 : i32
    %eq3A_18 = arith.cmpi eq, %arg0, %eq3A : i32
    %convert_element_type3A = arith.extui %eq3A_18 : i1 to i32
    %cond3A = arith.constant 0 : i32
    %cond3A_19 = arith.cmpi ne, %convert_element_type3A, %cond3A : i32
    scf.if %cond3A_19 {
      "tpu.region"() ({
        %run_scoped3A_136 = tpu.sem_alloc : memref<!tpu.dma_semaphore, #tpu.memory_space<semaphore_mem>>
        %dma_start3A_137 = arith.constant 0 : i32
        %dma_start3A_138 = arith.constant 0 : i32
        %dma_start3A_139 = tpu.memref_slice %arg9[%dma_start3A_137, %dma_start3A_138] : memref<40x128xi32, #tpu.memory_space<vmem>> -> memref<40x128xi32, #tpu.memory_space<vmem>>
        %dma_start3A_140 = arith.constant 0 : i32
        %dma_start3A_141 = arith.constant 0 : i32
        %dma_start3A_142 = tpu.memref_slice %arg3[%arg1, %dma_start3A_140, %dma_start3A_141] : memref<16x80x128xi32, #tpu.memory_space<hbm>> -> memref<1x40x128xi32, #tpu.memory_space<hbm>>
        %dma_start3A_143 = tpu.memref_squeeze %dma_start3A_142 : memref<1x40x128xi32, #tpu.memory_space<hbm>> -> memref<40x128xi32, #tpu.memory_space<hbm>>
        %dma_start3A_144 = arith.constant 0 : i32
        %dma_start3A_145 = arith.constant 0 : i32
        %dma_start3A_146 = tpu.memref_slice %arg9[%dma_start3A_144, %dma_start3A_145] : memref<40x128xi32, #tpu.memory_space<vmem>> -> memref<40x128xi32, #tpu.memory_space<vmem>>
        %dma_start3A_147 = arith.constant 0 : i32
        %dma_start3A_148 = arith.constant 0 : i32
        %dma_start3A_149 = tpu.memref_slice %arg3[%arg1, %dma_start3A_147, %dma_start3A_148] : memref<16x80x128xi32, #tpu.memory_space<hbm>> -> memref<1x40x128xi32, #tpu.memory_space<hbm>>
        %dma_start3A_150 = tpu.memref_squeeze %dma_start3A_149 : memref<1x40x128xi32, #tpu.memory_space<hbm>> -> memref<40x128xi32, #tpu.memory_space<hbm>>
        tpu.enqueue_dma source(%dma_start3A_150 : memref<40x128xi32, #tpu.memory_space<hbm>>) target(%dma_start3A_146 : memref<40x128xi32, #tpu.memory_space<vmem>>) target_semaphore(%run_scoped3A_136 : memref<!tpu.dma_semaphore, #tpu.memory_space<semaphore_mem>>)
        %dma_wait3A_151 = arith.constant 0 : i32
        %dma_wait3A_152 = arith.constant 0 : i32
        %dma_wait3A_153 = tpu.memref_slice %arg9[%dma_wait3A_151, %dma_wait3A_152] : memref<40x128xi32, #tpu.memory_space<vmem>> -> memref<40x128xi32, #tpu.memory_space<vmem>>
        %dma_wait3A_154 = arith.constant 0 : i32
        %dma_wait3A_155 = arith.constant 0 : i32
        %dma_wait3A_156 = tpu.memref_slice %arg3[%arg1, %dma_wait3A_154, %dma_wait3A_155] : memref<16x80x128xi32, #tpu.memory_space<hbm>> -> memref<1x40x128xi32, #tpu.memory_space<hbm>>
        %dma_wait3A_157 = tpu.memref_squeeze %dma_wait3A_156 : memref<1x40x128xi32, #tpu.memory_space<hbm>> -> memref<40x128xi32, #tpu.memory_space<hbm>>
        %dma_wait3A_158 = arith.constant 0 : i32
        %dma_wait3A_159 = arith.constant 0 : i32
        %dma_wait3A_160 = tpu.memref_slice %arg9[%dma_wait3A_158, %dma_wait3A_159] : memref<40x128xi32, #tpu.memory_space<vmem>> -> memref<40x128xi32, #tpu.memory_space<vmem>>
        %dma_wait3A_161 = arith.constant 0 : i32
        %dma_wait3A_162 = arith.constant 0 : i32
        %dma_wait3A_163 = tpu.memref_slice %arg3[%arg1, %dma_wait3A_161, %dma_wait3A_162] : memref<16x80x128xi32, #tpu.memory_space<hbm>> -> memref<1x40x128xi32, #tpu.memory_space<hbm>>
        %dma_wait3A_164 = tpu.memref_squeeze %dma_wait3A_163 : memref<1x40x128xi32, #tpu.memory_space<hbm>> -> memref<40x128xi32, #tpu.memory_space<hbm>>
        tpu.wait_dma2 semaphore(%run_scoped3A_136 : memref<!tpu.dma_semaphore, #tpu.memory_space<semaphore_mem>>) src(%dma_wait3A_164 : memref<40x128xi32, #tpu.memory_space<hbm>>) dst(%dma_wait3A_160 : memref<40x128xi32, #tpu.memory_space<vmem>>)
        tpu.yield
      }) : () -> ()
      "tpu.region"() ({
        %run_scoped3A_136 = tpu.sem_alloc : memref<!tpu.dma_semaphore, #tpu.memory_space<semaphore_mem>>
        %dma_start3A_137 = arith.constant 0 : i32
        %dma_start3A_138 = arith.constant 0 : i32
        %dma_start3A_139 = tpu.memref_slice %arg10[%dma_start3A_137, %dma_start3A_138] : memref<40x128xi32, #tpu.memory_space<vmem>> -> memref<40x128xi32, #tpu.memory_space<vmem>>
        %dma_start3A_140 = arith.constant 0 : i32
        %dma_start3A_141 = arith.constant 0 : i32
        %dma_start3A_142 = tpu.memref_slice %arg4[%arg1, %dma_start3A_140, %dma_start3A_141] : memref<16x80x128xi32, #tpu.memory_space<hbm>> -> memref<1x40x128xi32, #tpu.memory_space<hbm>>
        %dma_start3A_143 = tpu.memref_squeeze %dma_start3A_142 : memref<1x40x128xi32, #tpu.memory_space<hbm>> -> memref<40x128xi32, #tpu.memory_space<hbm>>
        %dma_start3A_144 = arith.constant 0 : i32
        %dma_start3A_145 = arith.constant 0 : i32
        %dma_start3A_146 = tpu.memref_slice %arg10[%dma_start3A_144, %dma_start3A_145] : memref<40x128xi32, #tpu.memory_space<vmem>> -> memref<40x128xi32, #tpu.memory_space<vmem>>
        %dma_start3A_147 = arith.constant 0 : i32
        %dma_start3A_148 = arith.constant 0 : i32
        %dma_start3A_149 = tpu.memref_slice %arg4[%arg1, %dma_start3A_147, %dma_start3A_148] : memref<16x80x128xi32, #tpu.memory_space<hbm>> -> memref<1x40x128xi32, #tpu.memory_space<hbm>>
        %dma_start3A_150 = tpu.memref_squeeze %dma_start3A_149 : memref<1x40x128xi32, #tpu.memory_space<hbm>> -> memref<40x128xi32, #tpu.memory_space<hbm>>
        tpu.enqueue_dma source(%dma_start3A_150 : memref<40x128xi32, #tpu.memory_space<hbm>>) target(%dma_start3A_146 : memref<40x128xi32, #tpu.memory_space<vmem>>) target_semaphore(%run_scoped3A_136 : memref<!tpu.dma_semaphore, #tpu.memory_space<semaphore_mem>>)
        %dma_wait3A_151 = arith.constant 0 : i32
        %dma_wait3A_152 = arith.constant 0 : i32
        %dma_wait3A_153 = tpu.memref_slice %arg10[%dma_wait3A_151, %dma_wait3A_152] : memref<40x128xi32, #tpu.memory_space<vmem>> -> memref<40x128xi32, #tpu.memory_space<vmem>>
        %dma_wait3A_154 = arith.constant 0 : i32
        %dma_wait3A_155 = arith.constant 0 : i32
        %dma_wait3A_156 = tpu.memref_slice %arg4[%arg1, %dma_wait3A_154, %dma_wait3A_155] : memref<16x80x128xi32, #tpu.memory_space<hbm>> -> memref<1x40x128xi32, #tpu.memory_space<hbm>>
        %dma_wait3A_157 = tpu.memref_squeeze %dma_wait3A_156 : memref<1x40x128xi32, #tpu.memory_space<hbm>> -> memref<40x128xi32, #tpu.memory_space<hbm>>
        %dma_wait3A_158 = arith.constant 0 : i32
        %dma_wait3A_159 = arith.constant 0 : i32
        %dma_wait3A_160 = tpu.memref_slice %arg10[%dma_wait3A_158, %dma_wait3A_159] : memref<40x128xi32, #tpu.memory_space<vmem>> -> memref<40x128xi32, #tpu.memory_space<vmem>>
        %dma_wait3A_161 = arith.constant 0 : i32
        %dma_wait3A_162 = arith.constant 0 : i32
        %dma_wait3A_163 = tpu.memref_slice %arg4[%arg1, %dma_wait3A_161, %dma_wait3A_162] : memref<16x80x128xi32, #tpu.memory_space<hbm>> -> memref<1x40x128xi32, #tpu.memory_space<hbm>>
        %dma_wait3A_164 = tpu.memref_squeeze %dma_wait3A_163 : memref<1x40x128xi32, #tpu.memory_space<hbm>> -> memref<40x128xi32, #tpu.memory_space<hbm>>
        tpu.wait_dma2 semaphore(%run_scoped3A_136 : memref<!tpu.dma_semaphore, #tpu.memory_space<semaphore_mem>>) src(%dma_wait3A_164 : memref<40x128xi32, #tpu.memory_space<hbm>>) dst(%dma_wait3A_160 : memref<40x128xi32, #tpu.memory_space<vmem>>)
        tpu.yield
      }) : () -> ()
      %dma_start3A = arith.constant 0 : i32
      %dma_start3A_66 = arith.constant 0 : i32
      %dma_start3A_67 = tpu.memref_slice %arg9[%dma_start3A, %dma_start3A_66] : memref<40x128xi32, #tpu.memory_space<vmem>> -> memref<1x128xi32, #tpu.memory_space<vmem>>
      %dma_start3A_68 = tpu.memref_squeeze %dma_start3A_67 : memref<1x128xi32, #tpu.memory_space<vmem>> -> memref<128xi32, #tpu.memory_space<vmem>>
      %dma_start3A_69 = arith.constant 0 : i32
      %dma_start3A_70 = arith.constant 0 : i32
      %dma_start3A_71 = tpu.memref_slice %arg2[%dma_start3A_69, %dma_start3A_70] : memref<10240x128xf32, #tpu.memory_space<hbm>> -> memref<10240x128xf32, #tpu.memory_space<hbm>>
      tpu.enqueue_indirect_dma source(%dma_start3A_71 : memref<10240x128xf32, #tpu.memory_space<hbm>>) target(%arg11 : memref<128x128xf32, #tpu.memory_space<vmem>>) offsets(%dma_start3A_68 : memref<128xi32, #tpu.memory_space<vmem>>) semaphore(%arg13 : memref<!tpu.dma_semaphore, #tpu.memory_space<semaphore_mem>>)
      %scan3A = arith.constant 0 : i32
      %scan3A_72 = arith.constant 0 : i32
      %scan3A_73 = arith.constant 19 : i32
      %scan3A_74 = arith.addi %scan3A_72, %scan3A_73 : i32
      %scan3A_75 = arith.constant 1 : i32
      %scan3A_76 = scf.for %scan3A_136 = %scan3A_72 to %scan3A_74 step %scan3A_75 iter_args(%scan3A_137 = %scan3A) -> (i32)  : i32 {
        %mul3A_138 = arith.constant 2 : i32
        %mul3A_139 = arith.muli %mul3A_138, %scan3A_136 : i32
        %dma_wait3A_140 = arith.constant 0 : i32
        %dma_wait3A_141 = tpu.memref_slice %arg9[%mul3A_139, %dma_wait3A_140] : memref<40x128xi32, #tpu.memory_space<vmem>> -> memref<1x128xi32, #tpu.memory_space<vmem>>
        %dma_wait3A_142 = tpu.memref_squeeze %dma_wait3A_141 : memref<1x128xi32, #tpu.memory_space<vmem>> -> memref<128xi32, #tpu.memory_space<vmem>>
        %dma_wait3A_143 = arith.constant 0 : i32
        %dma_wait3A_144 = arith.constant 0 : i32
        %dma_wait3A_145 = tpu.memref_slice %arg2[%dma_wait3A_143, %dma_wait3A_144] : memref<10240x128xf32, #tpu.memory_space<hbm>> -> memref<10240x128xf32, #tpu.memory_space<hbm>>
        tpu.wait_indirect_dma semaphore(%arg13 : memref<!tpu.dma_semaphore, #tpu.memory_space<semaphore_mem>>) src(%dma_wait3A_145 : memref<10240x128xf32, #tpu.memory_space<hbm>>) dst(%arg11 : memref<128x128xf32, #tpu.memory_space<vmem>>)
        %add3A_146 = arith.constant 1 : i32
        %add3A_147 = arith.addi %mul3A_139, %add3A_146 : i32
        %dma_start3A_148 = arith.constant 0 : i32
        %dma_start3A_149 = tpu.memref_slice %arg9[%add3A_147, %dma_start3A_148] : memref<40x128xi32, #tpu.memory_space<vmem>> -> memref<1x128xi32, #tpu.memory_space<vmem>>
        %dma_start3A_150 = tpu.memref_squeeze %dma_start3A_149 : memref<1x128xi32, #tpu.memory_space<vmem>> -> memref<128xi32, #tpu.memory_space<vmem>>
        %dma_start3A_151 = arith.constant 0 : i32
        %dma_start3A_152 = arith.constant 0 : i32
        %dma_start3A_153 = tpu.memref_slice %arg2[%dma_start3A_151, %dma_start3A_152] : memref<10240x128xf32, #tpu.memory_space<hbm>> -> memref<10240x128xf32, #tpu.memory_space<hbm>>
        tpu.enqueue_indirect_dma source(%dma_start3A_153 : memref<10240x128xf32, #tpu.memory_space<hbm>>) target(%arg12 : memref<128x128xf32, #tpu.memory_space<vmem>>) offsets(%dma_start3A_150 : memref<128xi32, #tpu.memory_space<vmem>>) semaphore(%arg14 : memref<!tpu.dma_semaphore, #tpu.memory_space<semaphore_mem>>)
        "tpu.region"() ({
          %run_scoped3A_173 = tpu.sem_alloc : memref<!tpu.dma_semaphore, #tpu.memory_space<semaphore_mem>>
          %dma_start3A_174 = arith.constant 0 : i32
          %dma_start3A_175 = tpu.memref_slice %arg10[%mul3A_139, %dma_start3A_174] : memref<40x128xi32, #tpu.memory_space<vmem>> -> memref<1x128xi32, #tpu.memory_space<vmem>>
          %dma_start3A_176 = tpu.memref_squeeze %dma_start3A_175 : memref<1x128xi32, #tpu.memory_space<vmem>> -> memref<128xi32, #tpu.memory_space<vmem>>
          %dma_start3A_177 = arith.constant 0 : i32
          %dma_start3A_178 = arith.constant 0 : i32
          %dma_start3A_179 = tpu.memref_slice %arg8[%dma_start3A_177, %dma_start3A_178] : memref<10240x128xf32, #tpu.memory_space<vmem_shared>> -> memref<10240x128xf32, #tpu.memory_space<vmem_shared>>
          tpu.enqueue_indirect_dma source(%arg11 : memref<128x128xf32, #tpu.memory_space<vmem>>) target(%dma_start3A_179 : memref<10240x128xf32, #tpu.memory_space<vmem_shared>>) offsets(%dma_start3A_176 : memref<128xi32, #tpu.memory_space<vmem>>) semaphore(%run_scoped3A_173 : memref<!tpu.dma_semaphore, #tpu.memory_space<semaphore_mem>>) {add = true}
          %dma_wait3A_180 = arith.constant 0 : i32
          %dma_wait3A_181 = tpu.memref_slice %arg10[%mul3A_139, %dma_wait3A_180] : memref<40x128xi32, #tpu.memory_space<vmem>> -> memref<1x128xi32, #tpu.memory_space<vmem>>
          %dma_wait3A_182 = tpu.memref_squeeze %dma_wait3A_181 : memref<1x128xi32, #tpu.memory_space<vmem>> -> memref<128xi32, #tpu.memory_space<vmem>>
          %dma_wait3A_183 = arith.constant 0 : i32
          %dma_wait3A_184 = arith.constant 0 : i32
          %dma_wait3A_185 = tpu.memref_slice %arg8[%dma_wait3A_183, %dma_wait3A_184] : memref<10240x128xf32, #tpu.memory_space<vmem_shared>> -> memref<10240x128xf32, #tpu.memory_space<vmem_shared>>
          tpu.wait_indirect_dma semaphore(%run_scoped3A_173 : memref<!tpu.dma_semaphore, #tpu.memory_space<semaphore_mem>>) src(%arg11 : memref<128x128xf32, #tpu.memory_space<vmem>>) dst(%dma_wait3A_185 : memref<10240x128xf32, #tpu.memory_space<vmem_shared>>)
          tpu.yield
        }) : () -> ()
        %add3A_154 = arith.constant 1 : i32
        %add3A_155 = arith.addi %mul3A_139, %add3A_154 : i32
        %dma_wait3A_156 = arith.constant 0 : i32
        %dma_wait3A_157 = tpu.memref_slice %arg9[%add3A_155, %dma_wait3A_156] : memref<40x128xi32, #tpu.memory_space<vmem>> -> memref<1x128xi32, #tpu.memory_space<vmem>>
        %dma_wait3A_158 = tpu.memref_squeeze %dma_wait3A_157 : memref<1x128xi32, #tpu.memory_space<vmem>> -> memref<128xi32, #tpu.memory_space<vmem>>
        %dma_wait3A_159 = arith.constant 0 : i32
        %dma_wait3A_160 = arith.constant 0 : i32
        %dma_wait3A_161 = tpu.memref_slice %arg2[%dma_wait3A_159, %dma_wait3A_160] : memref<10240x128xf32, #tpu.memory_space<hbm>> -> memref<10240x128xf32, #tpu.memory_space<hbm>>
        tpu.wait_indirect_dma semaphore(%arg14 : memref<!tpu.dma_semaphore, #tpu.memory_space<semaphore_mem>>) src(%dma_wait3A_161 : memref<10240x128xf32, #tpu.memory_space<hbm>>) dst(%arg12 : memref<128x128xf32, #tpu.memory_space<vmem>>)
        %add3A_162 = arith.constant 2 : i32
        %add3A_163 = arith.addi %mul3A_139, %add3A_162 : i32
        %dma_start3A_164 = arith.constant 0 : i32
        %dma_start3A_165 = tpu.memref_slice %arg9[%add3A_163, %dma_start3A_164] : memref<40x128xi32, #tpu.memory_space<vmem>> -> memref<1x128xi32, #tpu.memory_space<vmem>>
        %dma_start3A_166 = tpu.memref_squeeze %dma_start3A_165 : memref<1x128xi32, #tpu.memory_space<vmem>> -> memref<128xi32, #tpu.memory_space<vmem>>
        %dma_start3A_167 = arith.constant 0 : i32
        %dma_start3A_168 = arith.constant 0 : i32
        %dma_start3A_169 = tpu.memref_slice %arg2[%dma_start3A_167, %dma_start3A_168] : memref<10240x128xf32, #tpu.memory_space<hbm>> -> memref<10240x128xf32, #tpu.memory_space<hbm>>
        tpu.enqueue_indirect_dma source(%dma_start3A_169 : memref<10240x128xf32, #tpu.memory_space<hbm>>) target(%arg11 : memref<128x128xf32, #tpu.memory_space<vmem>>) offsets(%dma_start3A_166 : memref<128xi32, #tpu.memory_space<vmem>>) semaphore(%arg13 : memref<!tpu.dma_semaphore, #tpu.memory_space<semaphore_mem>>)
        %add3A_170 = arith.constant 1 : i32
        %add3A_171 = arith.addi %mul3A_139, %add3A_170 : i32
        "tpu.region"() ({
          %run_scoped3A_173 = tpu.sem_alloc : memref<!tpu.dma_semaphore, #tpu.memory_space<semaphore_mem>>
          %dma_start3A_174 = arith.constant 0 : i32
          %dma_start3A_175 = tpu.memref_slice %arg10[%add3A_171, %dma_start3A_174] : memref<40x128xi32, #tpu.memory_space<vmem>> -> memref<1x128xi32, #tpu.memory_space<vmem>>
          %dma_start3A_176 = tpu.memref_squeeze %dma_start3A_175 : memref<1x128xi32, #tpu.memory_space<vmem>> -> memref<128xi32, #tpu.memory_space<vmem>>
          %dma_start3A_177 = arith.constant 0 : i32
          %dma_start3A_178 = arith.constant 0 : i32
          %dma_start3A_179 = tpu.memref_slice %arg8[%dma_start3A_177, %dma_start3A_178] : memref<10240x128xf32, #tpu.memory_space<vmem_shared>> -> memref<10240x128xf32, #tpu.memory_space<vmem_shared>>
          tpu.enqueue_indirect_dma source(%arg12 : memref<128x128xf32, #tpu.memory_space<vmem>>) target(%dma_start3A_179 : memref<10240x128xf32, #tpu.memory_space<vmem_shared>>) offsets(%dma_start3A_176 : memref<128xi32, #tpu.memory_space<vmem>>) semaphore(%run_scoped3A_173 : memref<!tpu.dma_semaphore, #tpu.memory_space<semaphore_mem>>) {add = true}
          %dma_wait3A_180 = arith.constant 0 : i32
          %dma_wait3A_181 = tpu.memref_slice %arg10[%add3A_171, %dma_wait3A_180] : memref<40x128xi32, #tpu.memory_space<vmem>> -> memref<1x128xi32, #tpu.memory_space<vmem>>
          %dma_wait3A_182 = tpu.memref_squeeze %dma_wait3A_181 : memref<1x128xi32, #tpu.memory_space<vmem>> -> memref<128xi32, #tpu.memory_space<vmem>>
          %dma_wait3A_183 = arith.constant 0 : i32
          %dma_wait3A_184 = arith.constant 0 : i32
          %dma_wait3A_185 = tpu.memref_slice %arg8[%dma_wait3A_183, %dma_wait3A_184] : memref<10240x128xf32, #tpu.memory_space<vmem_shared>> -> memref<10240x128xf32, #tpu.memory_space<vmem_shared>>
          tpu.wait_indirect_dma semaphore(%run_scoped3A_173 : memref<!tpu.dma_semaphore, #tpu.memory_space<semaphore_mem>>) src(%arg12 : memref<128x128xf32, #tpu.memory_space<vmem>>) dst(%dma_wait3A_185 : memref<10240x128xf32, #tpu.memory_space<vmem_shared>>)
          tpu.yield
        }) : () -> ()
        %scan3A_172 = arith.constant 0 : i32
        scf.yield %scan3A_172 : i32
      }
      %scan3A_77 = arith.constant 19 : i32
      %dma_wait3A = arith.constant 38 : i32
      %dma_wait3A_78 = arith.constant 0 : i32
      %dma_wait3A_79 = tpu.memref_slice %arg9[%dma_wait3A, %dma_wait3A_78] : memref<40x128xi32, #tpu.memory_space<vmem>> -> memref<1x128xi32, #tpu.memory_space<vmem>>
      %dma_wait3A_80 = tpu.memref_squeeze %dma_wait3A_79 : memref<1x128xi32, #tpu.memory_space<vmem>> -> memref<128xi32, #tpu.memory_space<vmem>>
      %dma_wait3A_81 = arith.constant 0 : i32
      %dma_wait3A_82 = arith.constant 0 : i32
      %dma_wait3A_83 = tpu.memref_slice %arg2[%dma_wait3A_81, %dma_wait3A_82] : memref<10240x128xf32, #tpu.memory_space<hbm>> -> memref<10240x128xf32, #tpu.memory_space<hbm>>
      tpu.wait_indirect_dma semaphore(%arg13 : memref<!tpu.dma_semaphore, #tpu.memory_space<semaphore_mem>>) src(%dma_wait3A_83 : memref<10240x128xf32, #tpu.memory_space<hbm>>) dst(%arg11 : memref<128x128xf32, #tpu.memory_space<vmem>>)
      %dma_start3A_84 = arith.constant 39 : i32
      %dma_start3A_85 = arith.constant 0 : i32
      %dma_start3A_86 = tpu.memref_slice %arg9[%dma_start3A_84, %dma_start3A_85] : memref<40x128xi32, #tpu.memory_space<vmem>> -> memref<1x128xi32, #tpu.memory_space<vmem>>
      %dma_start3A_87 = tpu.memref_squeeze %dma_start3A_86 : memref<1x128xi32, #tpu.memory_space<vmem>> -> memref<128xi32, #tpu.memory_space<vmem>>
      %dma_start3A_88 = arith.constant 0 : i32
      %dma_start3A_89 = arith.constant 0 : i32
      %dma_start3A_90 = tpu.memref_slice %arg2[%dma_start3A_88, %dma_start3A_89] : memref<10240x128xf32, #tpu.memory_space<hbm>> -> memref<10240x128xf32, #tpu.memory_space<hbm>>
      tpu.enqueue_indirect_dma source(%dma_start3A_90 : memref<10240x128xf32, #tpu.memory_space<hbm>>) target(%arg12 : memref<128x128xf32, #tpu.memory_space<vmem>>) offsets(%dma_start3A_87 : memref<128xi32, #tpu.memory_space<vmem>>) semaphore(%arg14 : memref<!tpu.dma_semaphore, #tpu.memory_space<semaphore_mem>>)
      %run_scoped3A = arith.constant 38 : i32
      "tpu.region"() ({
        %run_scoped3A_136 = tpu.sem_alloc : memref<!tpu.dma_semaphore, #tpu.memory_space<semaphore_mem>>
        %dma_start3A_137 = arith.constant 0 : i32
        %dma_start3A_138 = tpu.memref_slice %arg10[%run_scoped3A, %dma_start3A_137] : memref<40x128xi32, #tpu.memory_space<vmem>> -> memref<1x128xi32, #tpu.memory_space<vmem>>
        %dma_start3A_139 = tpu.memref_squeeze %dma_start3A_138 : memref<1x128xi32, #tpu.memory_space<vmem>> -> memref<128xi32, #tpu.memory_space<vmem>>
        %dma_start3A_140 = arith.constant 0 : i32
        %dma_start3A_141 = arith.constant 0 : i32
        %dma_start3A_142 = tpu.memref_slice %arg8[%dma_start3A_140, %dma_start3A_141] : memref<10240x128xf32, #tpu.memory_space<vmem_shared>> -> memref<10240x128xf32, #tpu.memory_space<vmem_shared>>
        tpu.enqueue_indirect_dma source(%arg11 : memref<128x128xf32, #tpu.memory_space<vmem>>) target(%dma_start3A_142 : memref<10240x128xf32, #tpu.memory_space<vmem_shared>>) offsets(%dma_start3A_139 : memref<128xi32, #tpu.memory_space<vmem>>) semaphore(%run_scoped3A_136 : memref<!tpu.dma_semaphore, #tpu.memory_space<semaphore_mem>>) {add = true}
        %dma_wait3A_143 = arith.constant 0 : i32
        %dma_wait3A_144 = tpu.memref_slice %arg10[%run_scoped3A, %dma_wait3A_143] : memref<40x128xi32, #tpu.memory_space<vmem>> -> memref<1x128xi32, #tpu.memory_space<vmem>>
        %dma_wait3A_145 = tpu.memref_squeeze %dma_wait3A_144 : memref<1x128xi32, #tpu.memory_space<vmem>> -> memref<128xi32, #tpu.memory_space<vmem>>
        %dma_wait3A_146 = arith.constant 0 : i32
        %dma_wait3A_147 = arith.constant 0 : i32
        %dma_wait3A_148 = tpu.memref_slice %arg8[%dma_wait3A_146, %dma_wait3A_147] : memref<10240x128xf32, #tpu.memory_space<vmem_shared>> -> memref<10240x128xf32, #tpu.memory_space<vmem_shared>>
        tpu.wait_indirect_dma semaphore(%run_scoped3A_136 : memref<!tpu.dma_semaphore, #tpu.memory_space<semaphore_mem>>) src(%arg11 : memref<128x128xf32, #tpu.memory_space<vmem>>) dst(%dma_wait3A_148 : memref<10240x128xf32, #tpu.memory_space<vmem_shared>>)
        tpu.yield
      }) : () -> ()
      %dma_wait3A_91 = arith.constant 39 : i32
      %dma_wait3A_92 = arith.constant 0 : i32
      %dma_wait3A_93 = tpu.memref_slice %arg9[%dma_wait3A_91, %dma_wait3A_92] : memref<40x128xi32, #tpu.memory_space<vmem>> -> memref<1x128xi32, #tpu.memory_space<vmem>>
      %dma_wait3A_94 = tpu.memref_squeeze %dma_wait3A_93 : memref<1x128xi32, #tpu.memory_space<vmem>> -> memref<128xi32, #tpu.memory_space<vmem>>
      %dma_wait3A_95 = arith.constant 0 : i32
      %dma_wait3A_96 = arith.constant 0 : i32
      %dma_wait3A_97 = tpu.memref_slice %arg2[%dma_wait3A_95, %dma_wait3A_96] : memref<10240x128xf32, #tpu.memory_space<hbm>> -> memref<10240x128xf32, #tpu.memory_space<hbm>>
      tpu.wait_indirect_dma semaphore(%arg14 : memref<!tpu.dma_semaphore, #tpu.memory_space<semaphore_mem>>) src(%dma_wait3A_97 : memref<10240x128xf32, #tpu.memory_space<hbm>>) dst(%arg12 : memref<128x128xf32, #tpu.memory_space<vmem>>)
      %run_scoped3A_98 = arith.constant 39 : i32
      "tpu.region"() ({
        %run_scoped3A_136 = tpu.sem_alloc : memref<!tpu.dma_semaphore, #tpu.memory_space<semaphore_mem>>
        %dma_start3A_137 = arith.constant 0 : i32
        %dma_start3A_138 = tpu.memref_slice %arg10[%run_scoped3A_98, %dma_start3A_137] : memref<40x128xi32, #tpu.memory_space<vmem>> -> memref<1x128xi32, #tpu.memory_space<vmem>>
        %dma_start3A_139 = tpu.memref_squeeze %dma_start3A_138 : memref<1x128xi32, #tpu.memory_space<vmem>> -> memref<128xi32, #tpu.memory_space<vmem>>
        %dma_start3A_140 = arith.constant 0 : i32
        %dma_start3A_141 = arith.constant 0 : i32
        %dma_start3A_142 = tpu.memref_slice %arg8[%dma_start3A_140, %dma_start3A_141] : memref<10240x128xf32, #tpu.memory_space<vmem_shared>> -> memref<10240x128xf32, #tpu.memory_space<vmem_shared>>
        tpu.enqueue_indirect_dma source(%arg12 : memref<128x128xf32, #tpu.memory_space<vmem>>) target(%dma_start3A_142 : memref<10240x128xf32, #tpu.memory_space<vmem_shared>>) offsets(%dma_start3A_139 : memref<128xi32, #tpu.memory_space<vmem>>) semaphore(%run_scoped3A_136 : memref<!tpu.dma_semaphore, #tpu.memory_space<semaphore_mem>>) {add = true}
        %dma_wait3A_143 = arith.constant 0 : i32
        %dma_wait3A_144 = tpu.memref_slice %arg10[%run_scoped3A_98, %dma_wait3A_143] : memref<40x128xi32, #tpu.memory_space<vmem>> -> memref<1x128xi32, #tpu.memory_space<vmem>>
        %dma_wait3A_145 = tpu.memref_squeeze %dma_wait3A_144 : memref<1x128xi32, #tpu.memory_space<vmem>> -> memref<128xi32, #tpu.memory_space<vmem>>
        %dma_wait3A_146 = arith.constant 0 : i32
        %dma_wait3A_147 = arith.constant 0 : i32
        %dma_wait3A_148 = tpu.memref_slice %arg8[%dma_wait3A_146, %dma_wait3A_147] : memref<10240x128xf32, #tpu.memory_space<vmem_shared>> -> memref<10240x128xf32, #tpu.memory_space<vmem_shared>>
        tpu.wait_indirect_dma semaphore(%run_scoped3A_136 : memref<!tpu.dma_semaphore, #tpu.memory_space<semaphore_mem>>) src(%arg12 : memref<128x128xf32, #tpu.memory_space<vmem>>) dst(%dma_wait3A_148 : memref<10240x128xf32, #tpu.memory_space<vmem_shared>>)
        tpu.yield
      }) : () -> ()
      "tpu.region"() ({
        %run_scoped3A_136 = tpu.sem_alloc : memref<!tpu.dma_semaphore, #tpu.memory_space<semaphore_mem>>
        %dma_start3A_137 = arith.constant 0 : i32
        %dma_start3A_138 = arith.constant 0 : i32
        %dma_start3A_139 = tpu.memref_slice %arg9[%dma_start3A_137, %dma_start3A_138] : memref<40x128xi32, #tpu.memory_space<vmem>> -> memref<40x128xi32, #tpu.memory_space<vmem>>
        %dma_start3A_140 = arith.constant 40 : i32
        %dma_start3A_141 = arith.constant 0 : i32
        %dma_start3A_142 = tpu.memref_slice %arg3[%arg1, %dma_start3A_140, %dma_start3A_141] : memref<16x80x128xi32, #tpu.memory_space<hbm>> -> memref<1x40x128xi32, #tpu.memory_space<hbm>>
        %dma_start3A_143 = tpu.memref_squeeze %dma_start3A_142 : memref<1x40x128xi32, #tpu.memory_space<hbm>> -> memref<40x128xi32, #tpu.memory_space<hbm>>
        %dma_start3A_144 = arith.constant 0 : i32
        %dma_start3A_145 = arith.constant 0 : i32
        %dma_start3A_146 = tpu.memref_slice %arg9[%dma_start3A_144, %dma_start3A_145] : memref<40x128xi32, #tpu.memory_space<vmem>> -> memref<40x128xi32, #tpu.memory_space<vmem>>
        %dma_start3A_147 = arith.constant 40 : i32
        %dma_start3A_148 = arith.constant 0 : i32
        %dma_start3A_149 = tpu.memref_slice %arg3[%arg1, %dma_start3A_147, %dma_start3A_148] : memref<16x80x128xi32, #tpu.memory_space<hbm>> -> memref<1x40x128xi32, #tpu.memory_space<hbm>>
        %dma_start3A_150 = tpu.memref_squeeze %dma_start3A_149 : memref<1x40x128xi32, #tpu.memory_space<hbm>> -> memref<40x128xi32, #tpu.memory_space<hbm>>
        tpu.enqueue_dma source(%dma_start3A_150 : memref<40x128xi32, #tpu.memory_space<hbm>>) target(%dma_start3A_146 : memref<40x128xi32, #tpu.memory_space<vmem>>) target_semaphore(%run_scoped3A_136 : memref<!tpu.dma_semaphore, #tpu.memory_space<semaphore_mem>>)
        %dma_wait3A_151 = arith.constant 0 : i32
        %dma_wait3A_152 = arith.constant 0 : i32
        %dma_wait3A_153 = tpu.memref_slice %arg9[%dma_wait3A_151, %dma_wait3A_152] : memref<40x128xi32, #tpu.memory_space<vmem>> -> memref<40x128xi32, #tpu.memory_space<vmem>>
        %dma_wait3A_154 = arith.constant 40 : i32
        %dma_wait3A_155 = arith.constant 0 : i32
        %dma_wait3A_156 = tpu.memref_slice %arg3[%arg1, %dma_wait3A_154, %dma_wait3A_155] : memref<16x80x128xi32, #tpu.memory_space<hbm>> -> memref<1x40x128xi32, #tpu.memory_space<hbm>>
        %dma_wait3A_157 = tpu.memref_squeeze %dma_wait3A_156 : memref<1x40x128xi32, #tpu.memory_space<hbm>> -> memref<40x128xi32, #tpu.memory_space<hbm>>
        %dma_wait3A_158 = arith.constant 0 : i32
        %dma_wait3A_159 = arith.constant 0 : i32
        %dma_wait3A_160 = tpu.memref_slice %arg9[%dma_wait3A_158, %dma_wait3A_159] : memref<40x128xi32, #tpu.memory_space<vmem>> -> memref<40x128xi32, #tpu.memory_space<vmem>>
        %dma_wait3A_161 = arith.constant 40 : i32
        %dma_wait3A_162 = arith.constant 0 : i32
        %dma_wait3A_163 = tpu.memref_slice %arg3[%arg1, %dma_wait3A_161, %dma_wait3A_162] : memref<16x80x128xi32, #tpu.memory_space<hbm>> -> memref<1x40x128xi32, #tpu.memory_space<hbm>>
        %dma_wait3A_164 = tpu.memref_squeeze %dma_wait3A_163 : memref<1x40x128xi32, #tpu.memory_space<hbm>> -> memref<40x128xi32, #tpu.memory_space<hbm>>
        tpu.wait_dma2 semaphore(%run_scoped3A_136 : memref<!tpu.dma_semaphore, #tpu.memory_space<semaphore_mem>>) src(%dma_wait3A_164 : memref<40x128xi32, #tpu.memory_space<hbm>>) dst(%dma_wait3A_160 : memref<40x128xi32, #tpu.memory_space<vmem>>)
        tpu.yield
      }) : () -> ()
      "tpu.region"() ({
        %run_scoped3A_136 = tpu.sem_alloc : memref<!tpu.dma_semaphore, #tpu.memory_space<semaphore_mem>>
        %dma_start3A_137 = arith.constant 0 : i32
        %dma_start3A_138 = arith.constant 0 : i32
        %dma_start3A_139 = tpu.memref_slice %arg10[%dma_start3A_137, %dma_start3A_138] : memref<40x128xi32, #tpu.memory_space<vmem>> -> memref<40x128xi32, #tpu.memory_space<vmem>>
        %dma_start3A_140 = arith.constant 40 : i32
        %dma_start3A_141 = arith.constant 0 : i32
        %dma_start3A_142 = tpu.memref_slice %arg4[%arg1, %dma_start3A_140, %dma_start3A_141] : memref<16x80x128xi32, #tpu.memory_space<hbm>> -> memref<1x40x128xi32, #tpu.memory_space<hbm>>
        %dma_start3A_143 = tpu.memref_squeeze %dma_start3A_142 : memref<1x40x128xi32, #tpu.memory_space<hbm>> -> memref<40x128xi32, #tpu.memory_space<hbm>>
        %dma_start3A_144 = arith.constant 0 : i32
        %dma_start3A_145 = arith.constant 0 : i32
        %dma_start3A_146 = tpu.memref_slice %arg10[%dma_start3A_144, %dma_start3A_145] : memref<40x128xi32, #tpu.memory_space<vmem>> -> memref<40x128xi32, #tpu.memory_space<vmem>>
        %dma_start3A_147 = arith.constant 40 : i32
        %dma_start3A_148 = arith.constant 0 : i32
        %dma_start3A_149 = tpu.memref_slice %arg4[%arg1, %dma_start3A_147, %dma_start3A_148] : memref<16x80x128xi32, #tpu.memory_space<hbm>> -> memref<1x40x128xi32, #tpu.memory_space<hbm>>
        %dma_start3A_150 = tpu.memref_squeeze %dma_start3A_149 : memref<1x40x128xi32, #tpu.memory_space<hbm>> -> memref<40x128xi32, #tpu.memory_space<hbm>>
        tpu.enqueue_dma source(%dma_start3A_150 : memref<40x128xi32, #tpu.memory_space<hbm>>) target(%dma_start3A_146 : memref<40x128xi32, #tpu.memory_space<vmem>>) target_semaphore(%run_scoped3A_136 : memref<!tpu.dma_semaphore, #tpu.memory_space<semaphore_mem>>)
        %dma_wait3A_151 = arith.constant 0 : i32
        %dma_wait3A_152 = arith.constant 0 : i32
        %dma_wait3A_153 = tpu.memref_slice %arg10[%dma_wait3A_151, %dma_wait3A_152] : memref<40x128xi32, #tpu.memory_space<vmem>> -> memref<40x128xi32, #tpu.memory_space<vmem>>
        %dma_wait3A_154 = arith.constant 40 : i32
        %dma_wait3A_155 = arith.constant 0 : i32
        %dma_wait3A_156 = tpu.memref_slice %arg4[%arg1, %dma_wait3A_154, %dma_wait3A_155] : memref<16x80x128xi32, #tpu.memory_space<hbm>> -> memref<1x40x128xi32, #tpu.memory_space<hbm>>
        %dma_wait3A_157 = tpu.memref_squeeze %dma_wait3A_156 : memref<1x40x128xi32, #tpu.memory_space<hbm>> -> memref<40x128xi32, #tpu.memory_space<hbm>>
        %dma_wait3A_158 = arith.constant 0 : i32
        %dma_wait3A_159 = arith.constant 0 : i32
        %dma_wait3A_160 = tpu.memref_slice %arg10[%dma_wait3A_158, %dma_wait3A_159] : memref<40x128xi32, #tpu.memory_space<vmem>> -> memref<40x128xi32, #tpu.memory_space<vmem>>
        %dma_wait3A_161 = arith.constant 40 : i32
        %dma_wait3A_162 = arith.constant 0 : i32
        %dma_wait3A_163 = tpu.memref_slice %arg4[%arg1, %dma_wait3A_161, %dma_wait3A_162] : memref<16x80x128xi32, #tpu.memory_space<hbm>> -> memref<1x40x128xi32, #tpu.memory_space<hbm>>
        %dma_wait3A_164 = tpu.memref_squeeze %dma_wait3A_163 : memref<1x40x128xi32, #tpu.memory_space<hbm>> -> memref<40x128xi32, #tpu.memory_space<hbm>>
        tpu.wait_dma2 semaphore(%run_scoped3A_136 : memref<!tpu.dma_semaphore, #tpu.memory_space<semaphore_mem>>) src(%dma_wait3A_164 : memref<40x128xi32, #tpu.memory_space<hbm>>) dst(%dma_wait3A_160 : memref<40x128xi32, #tpu.memory_space<vmem>>)
        tpu.yield
      }) : () -> ()
      %dma_start3A_99 = arith.constant 0 : i32
      %dma_start3A_100 = arith.constant 0 : i32
      %dma_start3A_101 = tpu.memref_slice %arg9[%dma_start3A_99, %dma_start3A_100] : memref<40x128xi32, #tpu.memory_space<vmem>> -> memref<1x128xi32, #tpu.memory_space<vmem>>
      %dma_start3A_102 = tpu.memref_squeeze %dma_start3A_101 : memref<1x128xi32, #tpu.memory_space<vmem>> -> memref<128xi32, #tpu.memory_space<vmem>>
      %dma_start3A_103 = arith.constant 0 : i32
      %dma_start3A_104 = arith.constant 0 : i32
      %dma_start3A_105 = tpu.memref_slice %arg2[%dma_start3A_103, %dma_start3A_104] : memref<10240x128xf32, #tpu.memory_space<hbm>> -> memref<10240x128xf32, #tpu.memory_space<hbm>>
      tpu.enqueue_indirect_dma source(%dma_start3A_105 : memref<10240x128xf32, #tpu.memory_space<hbm>>) target(%arg11 : memref<128x128xf32, #tpu.memory_space<vmem>>) offsets(%dma_start3A_102 : memref<128xi32, #tpu.memory_space<vmem>>) semaphore(%arg13 : memref<!tpu.dma_semaphore, #tpu.memory_space<semaphore_mem>>)
      %scan3A_106 = arith.constant 0 : i32
      %scan3A_107 = arith.constant 0 : i32
      %scan3A_108 = arith.constant 19 : i32
      %scan3A_109 = arith.addi %scan3A_107, %scan3A_108 : i32
      %scan3A_110 = arith.constant 1 : i32
      %scan3A_111 = scf.for %scan3A_136 = %scan3A_107 to %scan3A_109 step %scan3A_110 iter_args(%scan3A_137 = %scan3A_106) -> (i32)  : i32 {
        %mul3A_138 = arith.constant 2 : i32
        %mul3A_139 = arith.muli %mul3A_138, %scan3A_136 : i32
        %dma_wait3A_140 = arith.constant 0 : i32
        %dma_wait3A_141 = tpu.memref_slice %arg9[%mul3A_139, %dma_wait3A_140] : memref<40x128xi32, #tpu.memory_space<vmem>> -> memref<1x128xi32, #tpu.memory_space<vmem>>
        %dma_wait3A_142 = tpu.memref_squeeze %dma_wait3A_141 : memref<1x128xi32, #tpu.memory_space<vmem>> -> memref<128xi32, #tpu.memory_space<vmem>>
        %dma_wait3A_143 = arith.constant 0 : i32
        %dma_wait3A_144 = arith.constant 0 : i32
        %dma_wait3A_145 = tpu.memref_slice %arg2[%dma_wait3A_143, %dma_wait3A_144] : memref<10240x128xf32, #tpu.memory_space<hbm>> -> memref<10240x128xf32, #tpu.memory_space<hbm>>
        tpu.wait_indirect_dma semaphore(%arg13 : memref<!tpu.dma_semaphore, #tpu.memory_space<semaphore_mem>>) src(%dma_wait3A_145 : memref<10240x128xf32, #tpu.memory_space<hbm>>) dst(%arg11 : memref<128x128xf32, #tpu.memory_space<vmem>>)
        %add3A_146 = arith.constant 1 : i32
        %add3A_147 = arith.addi %mul3A_139, %add3A_146 : i32
        %dma_start3A_148 = arith.constant 0 : i32
        %dma_start3A_149 = tpu.memref_slice %arg9[%add3A_147, %dma_start3A_148] : memref<40x128xi32, #tpu.memory_space<vmem>> -> memref<1x128xi32, #tpu.memory_space<vmem>>
        %dma_start3A_150 = tpu.memref_squeeze %dma_start3A_149 : memref<1x128xi32, #tpu.memory_space<vmem>> -> memref<128xi32, #tpu.memory_space<vmem>>
        %dma_start3A_151 = arith.constant 0 : i32
        %dma_start3A_152 = arith.constant 0 : i32
        %dma_start3A_153 = tpu.memref_slice %arg2[%dma_start3A_151, %dma_start3A_152] : memref<10240x128xf32, #tpu.memory_space<hbm>> -> memref<10240x128xf32, #tpu.memory_space<hbm>>
        tpu.enqueue_indirect_dma source(%dma_start3A_153 : memref<10240x128xf32, #tpu.memory_space<hbm>>) target(%arg12 : memref<128x128xf32, #tpu.memory_space<vmem>>) offsets(%dma_start3A_150 : memref<128xi32, #tpu.memory_space<vmem>>) semaphore(%arg14 : memref<!tpu.dma_semaphore, #tpu.memory_space<semaphore_mem>>)
        "tpu.region"() ({
          %run_scoped3A_173 = tpu.sem_alloc : memref<!tpu.dma_semaphore, #tpu.memory_space<semaphore_mem>>
          %dma_start3A_174 = arith.constant 0 : i32
          %dma_start3A_175 = tpu.memref_slice %arg10[%mul3A_139, %dma_start3A_174] : memref<40x128xi32, #tpu.memory_space<vmem>> -> memref<1x128xi32, #tpu.memory_space<vmem>>
          %dma_start3A_176 = tpu.memref_squeeze %dma_start3A_175 : memref<1x128xi32, #tpu.memory_space<vmem>> -> memref<128xi32, #tpu.memory_space<vmem>>
          %dma_start3A_177 = arith.constant 0 : i32
          %dma_start3A_178 = arith.constant 0 : i32
          %dma_start3A_179 = tpu.memref_slice %arg8[%dma_start3A_177, %dma_start3A_178] : memref<10240x128xf32, #tpu.memory_space<vmem_shared>> -> memref<10240x128xf32, #tpu.memory_space<vmem_shared>>
          tpu.enqueue_indirect_dma source(%arg11 : memref<128x128xf32, #tpu.memory_space<vmem>>) target(%dma_start3A_179 : memref<10240x128xf32, #tpu.memory_space<vmem_shared>>) offsets(%dma_start3A_176 : memref<128xi32, #tpu.memory_space<vmem>>) semaphore(%run_scoped3A_173 : memref<!tpu.dma_semaphore, #tpu.memory_space<semaphore_mem>>) {add = true}
          %dma_wait3A_180 = arith.constant 0 : i32
          %dma_wait3A_181 = tpu.memref_slice %arg10[%mul3A_139, %dma_wait3A_180] : memref<40x128xi32, #tpu.memory_space<vmem>> -> memref<1x128xi32, #tpu.memory_space<vmem>>
          %dma_wait3A_182 = tpu.memref_squeeze %dma_wait3A_181 : memref<1x128xi32, #tpu.memory_space<vmem>> -> memref<128xi32, #tpu.memory_space<vmem>>
          %dma_wait3A_183 = arith.constant 0 : i32
          %dma_wait3A_184 = arith.constant 0 : i32
          %dma_wait3A_185 = tpu.memref_slice %arg8[%dma_wait3A_183, %dma_wait3A_184] : memref<10240x128xf32, #tpu.memory_space<vmem_shared>> -> memref<10240x128xf32, #tpu.memory_space<vmem_shared>>
          tpu.wait_indirect_dma semaphore(%run_scoped3A_173 : memref<!tpu.dma_semaphore, #tpu.memory_space<semaphore_mem>>) src(%arg11 : memref<128x128xf32, #tpu.memory_space<vmem>>) dst(%dma_wait3A_185 : memref<10240x128xf32, #tpu.memory_space<vmem_shared>>)
          tpu.yield
        }) : () -> ()
        %add3A_154 = arith.constant 1 : i32
        %add3A_155 = arith.addi %mul3A_139, %add3A_154 : i32
        %dma_wait3A_156 = arith.constant 0 : i32
        %dma_wait3A_157 = tpu.memref_slice %arg9[%add3A_155, %dma_wait3A_156] : memref<40x128xi32, #tpu.memory_space<vmem>> -> memref<1x128xi32, #tpu.memory_space<vmem>>
        %dma_wait3A_158 = tpu.memref_squeeze %dma_wait3A_157 : memref<1x128xi32, #tpu.memory_space<vmem>> -> memref<128xi32, #tpu.memory_space<vmem>>
        %dma_wait3A_159 = arith.constant 0 : i32
        %dma_wait3A_160 = arith.constant 0 : i32
        %dma_wait3A_161 = tpu.memref_slice %arg2[%dma_wait3A_159, %dma_wait3A_160] : memref<10240x128xf32, #tpu.memory_space<hbm>> -> memref<10240x128xf32, #tpu.memory_space<hbm>>
        tpu.wait_indirect_dma semaphore(%arg14 : memref<!tpu.dma_semaphore, #tpu.memory_space<semaphore_mem>>) src(%dma_wait3A_161 : memref<10240x128xf32, #tpu.memory_space<hbm>>) dst(%arg12 : memref<128x128xf32, #tpu.memory_space<vmem>>)
        %add3A_162 = arith.constant 2 : i32
        %add3A_163 = arith.addi %mul3A_139, %add3A_162 : i32
        %dma_start3A_164 = arith.constant 0 : i32
        %dma_start3A_165 = tpu.memref_slice %arg9[%add3A_163, %dma_start3A_164] : memref<40x128xi32, #tpu.memory_space<vmem>> -> memref<1x128xi32, #tpu.memory_space<vmem>>
        %dma_start3A_166 = tpu.memref_squeeze %dma_start3A_165 : memref<1x128xi32, #tpu.memory_space<vmem>> -> memref<128xi32, #tpu.memory_space<vmem>>
        %dma_start3A_167 = arith.constant 0 : i32
        %dma_start3A_168 = arith.constant 0 : i32
        %dma_start3A_169 = tpu.memref_slice %arg2[%dma_start3A_167, %dma_start3A_168] : memref<10240x128xf32, #tpu.memory_space<hbm>> -> memref<10240x128xf32, #tpu.memory_space<hbm>>
        tpu.enqueue_indirect_dma source(%dma_start3A_169 : memref<10240x128xf32, #tpu.memory_space<hbm>>) target(%arg11 : memref<128x128xf32, #tpu.memory_space<vmem>>) offsets(%dma_start3A_166 : memref<128xi32, #tpu.memory_space<vmem>>) semaphore(%arg13 : memref<!tpu.dma_semaphore, #tpu.memory_space<semaphore_mem>>)
        %add3A_170 = arith.constant 1 : i32
        %add3A_171 = arith.addi %mul3A_139, %add3A_170 : i32
        "tpu.region"() ({
          %run_scoped3A_173 = tpu.sem_alloc : memref<!tpu.dma_semaphore, #tpu.memory_space<semaphore_mem>>
          %dma_start3A_174 = arith.constant 0 : i32
          %dma_start3A_175 = tpu.memref_slice %arg10[%add3A_171, %dma_start3A_174] : memref<40x128xi32, #tpu.memory_space<vmem>> -> memref<1x128xi32, #tpu.memory_space<vmem>>
          %dma_start3A_176 = tpu.memref_squeeze %dma_start3A_175 : memref<1x128xi32, #tpu.memory_space<vmem>> -> memref<128xi32, #tpu.memory_space<vmem>>
          %dma_start3A_177 = arith.constant 0 : i32
          %dma_start3A_178 = arith.constant 0 : i32
          %dma_start3A_179 = tpu.memref_slice %arg8[%dma_start3A_177, %dma_start3A_178] : memref<10240x128xf32, #tpu.memory_space<vmem_shared>> -> memref<10240x128xf32, #tpu.memory_space<vmem_shared>>
          tpu.enqueue_indirect_dma source(%arg12 : memref<128x128xf32, #tpu.memory_space<vmem>>) target(%dma_start3A_179 : memref<10240x128xf32, #tpu.memory_space<vmem_shared>>) offsets(%dma_start3A_176 : memref<128xi32, #tpu.memory_space<vmem>>) semaphore(%run_scoped3A_173 : memref<!tpu.dma_semaphore, #tpu.memory_space<semaphore_mem>>) {add = true}
          %dma_wait3A_180 = arith.constant 0 : i32
          %dma_wait3A_181 = tpu.memref_slice %arg10[%add3A_171, %dma_wait3A_180] : memref<40x128xi32, #tpu.memory_space<vmem>> -> memref<1x128xi32, #tpu.memory_space<vmem>>
          %dma_wait3A_182 = tpu.memref_squeeze %dma_wait3A_181 : memref<1x128xi32, #tpu.memory_space<vmem>> -> memref<128xi32, #tpu.memory_space<vmem>>
          %dma_wait3A_183 = arith.constant 0 : i32
          %dma_wait3A_184 = arith.constant 0 : i32
          %dma_wait3A_185 = tpu.memref_slice %arg8[%dma_wait3A_183, %dma_wait3A_184] : memref<10240x128xf32, #tpu.memory_space<vmem_shared>> -> memref<10240x128xf32, #tpu.memory_space<vmem_shared>>
          tpu.wait_indirect_dma semaphore(%run_scoped3A_173 : memref<!tpu.dma_semaphore, #tpu.memory_space<semaphore_mem>>) src(%arg12 : memref<128x128xf32, #tpu.memory_space<vmem>>) dst(%dma_wait3A_185 : memref<10240x128xf32, #tpu.memory_space<vmem_shared>>)
          tpu.yield
        }) : () -> ()
        %scan3A_172 = arith.constant 0 : i32
        scf.yield %scan3A_172 : i32
      }
      %scan3A_112 = arith.constant 19 : i32
      %dma_wait3A_113 = arith.constant 38 : i32
      %dma_wait3A_114 = arith.constant 0 : i32
      %dma_wait3A_115 = tpu.memref_slice %arg9[%dma_wait3A_113, %dma_wait3A_114] : memref<40x128xi32, #tpu.memory_space<vmem>> -> memref<1x128xi32, #tpu.memory_space<vmem>>
      %dma_wait3A_116 = tpu.memref_squeeze %dma_wait3A_115 : memref<1x128xi32, #tpu.memory_space<vmem>> -> memref<128xi32, #tpu.memory_space<vmem>>
      %dma_wait3A_117 = arith.constant 0 : i32
      %dma_wait3A_118 = arith.constant 0 : i32
      %dma_wait3A_119 = tpu.memref_slice %arg2[%dma_wait3A_117, %dma_wait3A_118] : memref<10240x128xf32, #tpu.memory_space<hbm>> -> memref<10240x128xf32, #tpu.memory_space<hbm>>
      tpu.wait_indirect_dma semaphore(%arg13 : memref<!tpu.dma_semaphore, #tpu.memory_space<semaphore_mem>>) src(%dma_wait3A_119 : memref<10240x128xf32, #tpu.memory_space<hbm>>) dst(%arg11 : memref<128x128xf32, #tpu.memory_space<vmem>>)
      %dma_start3A_120 = arith.constant 39 : i32
      %dma_start3A_121 = arith.constant 0 : i32
      %dma_start3A_122 = tpu.memref_slice %arg9[%dma_start3A_120, %dma_start3A_121] : memref<40x128xi32, #tpu.memory_space<vmem>> -> memref<1x128xi32, #tpu.memory_space<vmem>>
      %dma_start3A_123 = tpu.memref_squeeze %dma_start3A_122 : memref<1x128xi32, #tpu.memory_space<vmem>> -> memref<128xi32, #tpu.memory_space<vmem>>
      %dma_start3A_124 = arith.constant 0 : i32
      %dma_start3A_125 = arith.constant 0 : i32
      %dma_start3A_126 = tpu.memref_slice %arg2[%dma_start3A_124, %dma_start3A_125] : memref<10240x128xf32, #tpu.memory_space<hbm>> -> memref<10240x128xf32, #tpu.memory_space<hbm>>
      tpu.enqueue_indirect_dma source(%dma_start3A_126 : memref<10240x128xf32, #tpu.memory_space<hbm>>) target(%arg12 : memref<128x128xf32, #tpu.memory_space<vmem>>) offsets(%dma_start3A_123 : memref<128xi32, #tpu.memory_space<vmem>>) semaphore(%arg14 : memref<!tpu.dma_semaphore, #tpu.memory_space<semaphore_mem>>)
      %run_scoped3A_127 = arith.constant 38 : i32
      "tpu.region"() ({
        %run_scoped3A_136 = tpu.sem_alloc : memref<!tpu.dma_semaphore, #tpu.memory_space<semaphore_mem>>
        %dma_start3A_137 = arith.constant 0 : i32
        %dma_start3A_138 = tpu.memref_slice %arg10[%run_scoped3A_127, %dma_start3A_137] : memref<40x128xi32, #tpu.memory_space<vmem>> -> memref<1x128xi32, #tpu.memory_space<vmem>>
        %dma_start3A_139 = tpu.memref_squeeze %dma_start3A_138 : memref<1x128xi32, #tpu.memory_space<vmem>> -> memref<128xi32, #tpu.memory_space<vmem>>
        %dma_start3A_140 = arith.constant 0 : i32
        %dma_start3A_141 = arith.constant 0 : i32
        %dma_start3A_142 = tpu.memref_slice %arg8[%dma_start3A_140, %dma_start3A_141] : memref<10240x128xf32, #tpu.memory_space<vmem_shared>> -> memref<10240x128xf32, #tpu.memory_space<vmem_shared>>
        tpu.enqueue_indirect_dma source(%arg11 : memref<128x128xf32, #tpu.memory_space<vmem>>) target(%dma_start3A_142 : memref<10240x128xf32, #tpu.memory_space<vmem_shared>>) offsets(%dma_start3A_139 : memref<128xi32, #tpu.memory_space<vmem>>) semaphore(%run_scoped3A_136 : memref<!tpu.dma_semaphore, #tpu.memory_space<semaphore_mem>>) {add = true}
        %dma_wait3A_143 = arith.constant 0 : i32
        %dma_wait3A_144 = tpu.memref_slice %arg10[%run_scoped3A_127, %dma_wait3A_143] : memref<40x128xi32, #tpu.memory_space<vmem>> -> memref<1x128xi32, #tpu.memory_space<vmem>>
        %dma_wait3A_145 = tpu.memref_squeeze %dma_wait3A_144 : memref<1x128xi32, #tpu.memory_space<vmem>> -> memref<128xi32, #tpu.memory_space<vmem>>
        %dma_wait3A_146 = arith.constant 0 : i32
        %dma_wait3A_147 = arith.constant 0 : i32
        %dma_wait3A_148 = tpu.memref_slice %arg8[%dma_wait3A_146, %dma_wait3A_147] : memref<10240x128xf32, #tpu.memory_space<vmem_shared>> -> memref<10240x128xf32, #tpu.memory_space<vmem_shared>>
        tpu.wait_indirect_dma semaphore(%run_scoped3A_136 : memref<!tpu.dma_semaphore, #tpu.memory_space<semaphore_mem>>) src(%arg11 : memref<128x128xf32, #tpu.memory_space<vmem>>) dst(%dma_wait3A_148 : memref<10240x128xf32, #tpu.memory_space<vmem_shared>>)
        tpu.yield
      }) : () -> ()
      %dma_wait3A_128 = arith.constant 39 : i32
      %dma_wait3A_129 = arith.constant 0 : i32
      %dma_wait3A_130 = tpu.memref_slice %arg9[%dma_wait3A_128, %dma_wait3A_129] : memref<40x128xi32, #tpu.memory_space<vmem>> -> memref<1x128xi32, #tpu.memory_space<vmem>>
      %dma_wait3A_131 = tpu.memref_squeeze %dma_wait3A_130 : memref<1x128xi32, #tpu.memory_space<vmem>> -> memref<128xi32, #tpu.memory_space<vmem>>
      %dma_wait3A_132 = arith.constant 0 : i32
      %dma_wait3A_133 = arith.constant 0 : i32
      %dma_wait3A_134 = tpu.memref_slice %arg2[%dma_wait3A_132, %dma_wait3A_133] : memref<10240x128xf32, #tpu.memory_space<hbm>> -> memref<10240x128xf32, #tpu.memory_space<hbm>>
      tpu.wait_indirect_dma semaphore(%arg14 : memref<!tpu.dma_semaphore, #tpu.memory_space<semaphore_mem>>) src(%dma_wait3A_134 : memref<10240x128xf32, #tpu.memory_space<hbm>>) dst(%arg12 : memref<128x128xf32, #tpu.memory_space<vmem>>)
      %run_scoped3A_135 = arith.constant 39 : i32
      "tpu.region"() ({
        %run_scoped3A_136 = tpu.sem_alloc : memref<!tpu.dma_semaphore, #tpu.memory_space<semaphore_mem>>
        %dma_start3A_137 = arith.constant 0 : i32
        %dma_start3A_138 = tpu.memref_slice %arg10[%run_scoped3A_135, %dma_start3A_137] : memref<40x128xi32, #tpu.memory_space<vmem>> -> memref<1x128xi32, #tpu.memory_space<vmem>>
        %dma_start3A_139 = tpu.memref_squeeze %dma_start3A_138 : memref<1x128xi32, #tpu.memory_space<vmem>> -> memref<128xi32, #tpu.memory_space<vmem>>
        %dma_start3A_140 = arith.constant 0 : i32
        %dma_start3A_141 = arith.constant 0 : i32
        %dma_start3A_142 = tpu.memref_slice %arg8[%dma_start3A_140, %dma_start3A_141] : memref<10240x128xf32, #tpu.memory_space<vmem_shared>> -> memref<10240x128xf32, #tpu.memory_space<vmem_shared>>
        tpu.enqueue_indirect_dma source(%arg12 : memref<128x128xf32, #tpu.memory_space<vmem>>) target(%dma_start3A_142 : memref<10240x128xf32, #tpu.memory_space<vmem_shared>>) offsets(%dma_start3A_139 : memref<128xi32, #tpu.memory_space<vmem>>) semaphore(%run_scoped3A_136 : memref<!tpu.dma_semaphore, #tpu.memory_space<semaphore_mem>>) {add = true}
        %dma_wait3A_143 = arith.constant 0 : i32
        %dma_wait3A_144 = tpu.memref_slice %arg10[%run_scoped3A_135, %dma_wait3A_143] : memref<40x128xi32, #tpu.memory_space<vmem>> -> memref<1x128xi32, #tpu.memory_space<vmem>>
        %dma_wait3A_145 = tpu.memref_squeeze %dma_wait3A_144 : memref<1x128xi32, #tpu.memory_space<vmem>> -> memref<128xi32, #tpu.memory_space<vmem>>
        %dma_wait3A_146 = arith.constant 0 : i32
        %dma_wait3A_147 = arith.constant 0 : i32
        %dma_wait3A_148 = tpu.memref_slice %arg8[%dma_wait3A_146, %dma_wait3A_147] : memref<10240x128xf32, #tpu.memory_space<vmem_shared>> -> memref<10240x128xf32, #tpu.memory_space<vmem_shared>>
        tpu.wait_indirect_dma semaphore(%run_scoped3A_136 : memref<!tpu.dma_semaphore, #tpu.memory_space<semaphore_mem>>) src(%arg12 : memref<128x128xf32, #tpu.memory_space<vmem>>) dst(%dma_wait3A_148 : memref<10240x128xf32, #tpu.memory_space<vmem_shared>>)
        tpu.yield
      }) : () -> ()
    } else {
    }
    %eq3A_20 = arith.constant 0 : i32
    %eq3A_21 = arith.cmpi eq, %arg0, %eq3A_20 : i32
    %convert_element_type3A_22 = arith.extui %eq3A_21 : i1 to i32
    %cond3A_23 = arith.constant 0 : i32
    %cond3A_24 = arith.cmpi ne, %convert_element_type3A_22, %cond3A_23 : i32
    scf.if %cond3A_24 {
      "tpu.region"() ({
        %run_scoped3A_136 = tpu.sem_alloc : memref<!tpu.dma_semaphore, #tpu.memory_space<semaphore_mem>>
        %dma_start3A_137 = arith.constant 0 : i32
        %dma_start3A_138 = arith.constant 0 : i32
        %dma_start3A_139 = tpu.memref_slice %arg9[%dma_start3A_137, %dma_start3A_138] : memref<40x128xi32, #tpu.memory_space<vmem>> -> memref<40x128xi32, #tpu.memory_space<vmem>>
        %dma_start3A_140 = arith.constant 0 : i32
        %dma_start3A_141 = arith.constant 0 : i32
        %dma_start3A_142 = tpu.memref_slice %arg5[%arg1, %dma_start3A_140, %dma_start3A_141] : memref<16x80x128xi32, #tpu.memory_space<hbm>> -> memref<1x40x128xi32, #tpu.memory_space<hbm>>
        %dma_start3A_143 = tpu.memref_squeeze %dma_start3A_142 : memref<1x40x128xi32, #tpu.memory_space<hbm>> -> memref<40x128xi32, #tpu.memory_space<hbm>>
        %dma_start3A_144 = arith.constant 0 : i32
        %dma_start3A_145 = arith.constant 0 : i32
        %dma_start3A_146 = tpu.memref_slice %arg9[%dma_start3A_144, %dma_start3A_145] : memref<40x128xi32, #tpu.memory_space<vmem>> -> memref<40x128xi32, #tpu.memory_space<vmem>>
        %dma_start3A_147 = arith.constant 0 : i32
        %dma_start3A_148 = arith.constant 0 : i32
        %dma_start3A_149 = tpu.memref_slice %arg5[%arg1, %dma_start3A_147, %dma_start3A_148] : memref<16x80x128xi32, #tpu.memory_space<hbm>> -> memref<1x40x128xi32, #tpu.memory_space<hbm>>
        %dma_start3A_150 = tpu.memref_squeeze %dma_start3A_149 : memref<1x40x128xi32, #tpu.memory_space<hbm>> -> memref<40x128xi32, #tpu.memory_space<hbm>>
        tpu.enqueue_dma source(%dma_start3A_150 : memref<40x128xi32, #tpu.memory_space<hbm>>) target(%dma_start3A_146 : memref<40x128xi32, #tpu.memory_space<vmem>>) target_semaphore(%run_scoped3A_136 : memref<!tpu.dma_semaphore, #tpu.memory_space<semaphore_mem>>)
        %dma_wait3A_151 = arith.constant 0 : i32
        %dma_wait3A_152 = arith.constant 0 : i32
        %dma_wait3A_153 = tpu.memref_slice %arg9[%dma_wait3A_151, %dma_wait3A_152] : memref<40x128xi32, #tpu.memory_space<vmem>> -> memref<40x128xi32, #tpu.memory_space<vmem>>
        %dma_wait3A_154 = arith.constant 0 : i32
        %dma_wait3A_155 = arith.constant 0 : i32
        %dma_wait3A_156 = tpu.memref_slice %arg5[%arg1, %dma_wait3A_154, %dma_wait3A_155] : memref<16x80x128xi32, #tpu.memory_space<hbm>> -> memref<1x40x128xi32, #tpu.memory_space<hbm>>
        %dma_wait3A_157 = tpu.memref_squeeze %dma_wait3A_156 : memref<1x40x128xi32, #tpu.memory_space<hbm>> -> memref<40x128xi32, #tpu.memory_space<hbm>>
        %dma_wait3A_158 = arith.constant 0 : i32
        %dma_wait3A_159 = arith.constant 0 : i32
        %dma_wait3A_160 = tpu.memref_slice %arg9[%dma_wait3A_158, %dma_wait3A_159] : memref<40x128xi32, #tpu.memory_space<vmem>> -> memref<40x128xi32, #tpu.memory_space<vmem>>
        %dma_wait3A_161 = arith.constant 0 : i32
        %dma_wait3A_162 = arith.constant 0 : i32
        %dma_wait3A_163 = tpu.memref_slice %arg5[%arg1, %dma_wait3A_161, %dma_wait3A_162] : memref<16x80x128xi32, #tpu.memory_space<hbm>> -> memref<1x40x128xi32, #tpu.memory_space<hbm>>
        %dma_wait3A_164 = tpu.memref_squeeze %dma_wait3A_163 : memref<1x40x128xi32, #tpu.memory_space<hbm>> -> memref<40x128xi32, #tpu.memory_space<hbm>>
        tpu.wait_dma2 semaphore(%run_scoped3A_136 : memref<!tpu.dma_semaphore, #tpu.memory_space<semaphore_mem>>) src(%dma_wait3A_164 : memref<40x128xi32, #tpu.memory_space<hbm>>) dst(%dma_wait3A_160 : memref<40x128xi32, #tpu.memory_space<vmem>>)
        tpu.yield
      }) : () -> ()
      "tpu.region"() ({
        %run_scoped3A_136 = tpu.sem_alloc : memref<!tpu.dma_semaphore, #tpu.memory_space<semaphore_mem>>
        %dma_start3A_137 = arith.constant 0 : i32
        %dma_start3A_138 = arith.constant 0 : i32
        %dma_start3A_139 = tpu.memref_slice %arg10[%dma_start3A_137, %dma_start3A_138] : memref<40x128xi32, #tpu.memory_space<vmem>> -> memref<40x128xi32, #tpu.memory_space<vmem>>
        %dma_start3A_140 = arith.constant 0 : i32
        %dma_start3A_141 = arith.constant 0 : i32
        %dma_start3A_142 = tpu.memref_slice %arg6[%arg1, %dma_start3A_140, %dma_start3A_141] : memref<16x80x128xi32, #tpu.memory_space<hbm>> -> memref<1x40x128xi32, #tpu.memory_space<hbm>>
        %dma_start3A_143 = tpu.memref_squeeze %dma_start3A_142 : memref<1x40x128xi32, #tpu.memory_space<hbm>> -> memref<40x128xi32, #tpu.memory_space<hbm>>
        %dma_start3A_144 = arith.constant 0 : i32
        %dma_start3A_145 = arith.constant 0 : i32
        %dma_start3A_146 = tpu.memref_slice %arg10[%dma_start3A_144, %dma_start3A_145] : memref<40x128xi32, #tpu.memory_space<vmem>> -> memref<40x128xi32, #tpu.memory_space<vmem>>
        %dma_start3A_147 = arith.constant 0 : i32
        %dma_start3A_148 = arith.constant 0 : i32
        %dma_start3A_149 = tpu.memref_slice %arg6[%arg1, %dma_start3A_147, %dma_start3A_148] : memref<16x80x128xi32, #tpu.memory_space<hbm>> -> memref<1x40x128xi32, #tpu.memory_space<hbm>>
        %dma_start3A_150 = tpu.memref_squeeze %dma_start3A_149 : memref<1x40x128xi32, #tpu.memory_space<hbm>> -> memref<40x128xi32, #tpu.memory_space<hbm>>
        tpu.enqueue_dma source(%dma_start3A_150 : memref<40x128xi32, #tpu.memory_space<hbm>>) target(%dma_start3A_146 : memref<40x128xi32, #tpu.memory_space<vmem>>) target_semaphore(%run_scoped3A_136 : memref<!tpu.dma_semaphore, #tpu.memory_space<semaphore_mem>>)
        %dma_wait3A_151 = arith.constant 0 : i32
        %dma_wait3A_152 = arith.constant 0 : i32
        %dma_wait3A_153 = tpu.memref_slice %arg10[%dma_wait3A_151, %dma_wait3A_152] : memref<40x128xi32, #tpu.memory_space<vmem>> -> memref<40x128xi32, #tpu.memory_space<vmem>>
        %dma_wait3A_154 = arith.constant 0 : i32
        %dma_wait3A_155 = arith.constant 0 : i32
        %dma_wait3A_156 = tpu.memref_slice %arg6[%arg1, %dma_wait3A_154, %dma_wait3A_155] : memref<16x80x128xi32, #tpu.memory_space<hbm>> -> memref<1x40x128xi32, #tpu.memory_space<hbm>>
        %dma_wait3A_157 = tpu.memref_squeeze %dma_wait3A_156 : memref<1x40x128xi32, #tpu.memory_space<hbm>> -> memref<40x128xi32, #tpu.memory_space<hbm>>
        %dma_wait3A_158 = arith.constant 0 : i32
        %dma_wait3A_159 = arith.constant 0 : i32
        %dma_wait3A_160 = tpu.memref_slice %arg10[%dma_wait3A_158, %dma_wait3A_159] : memref<40x128xi32, #tpu.memory_space<vmem>> -> memref<40x128xi32, #tpu.memory_space<vmem>>
        %dma_wait3A_161 = arith.constant 0 : i32
        %dma_wait3A_162 = arith.constant 0 : i32
        %dma_wait3A_163 = tpu.memref_slice %arg6[%arg1, %dma_wait3A_161, %dma_wait3A_162] : memref<16x80x128xi32, #tpu.memory_space<hbm>> -> memref<1x40x128xi32, #tpu.memory_space<hbm>>
        %dma_wait3A_164 = tpu.memref_squeeze %dma_wait3A_163 : memref<1x40x128xi32, #tpu.memory_space<hbm>> -> memref<40x128xi32, #tpu.memory_space<hbm>>
        tpu.wait_dma2 semaphore(%run_scoped3A_136 : memref<!tpu.dma_semaphore, #tpu.memory_space<semaphore_mem>>) src(%dma_wait3A_164 : memref<40x128xi32, #tpu.memory_space<hbm>>) dst(%dma_wait3A_160 : memref<40x128xi32, #tpu.memory_space<vmem>>)
        tpu.yield
      }) : () -> ()
      %dma_start3A = arith.constant 0 : i32
      %dma_start3A_66 = arith.constant 0 : i32
      %dma_start3A_67 = tpu.memref_slice %arg9[%dma_start3A, %dma_start3A_66] : memref<40x128xi32, #tpu.memory_space<vmem>> -> memref<1x128xi32, #tpu.memory_space<vmem>>
      %dma_start3A_68 = tpu.memref_squeeze %dma_start3A_67 : memref<1x128xi32, #tpu.memory_space<vmem>> -> memref<128xi32, #tpu.memory_space<vmem>>
      %dma_start3A_69 = arith.constant 0 : i32
      %dma_start3A_70 = arith.constant 0 : i32
      %dma_start3A_71 = tpu.memref_slice %arg2[%dma_start3A_69, %dma_start3A_70] : memref<10240x128xf32, #tpu.memory_space<hbm>> -> memref<10240x128xf32, #tpu.memory_space<hbm>>
      tpu.enqueue_indirect_dma source(%dma_start3A_71 : memref<10240x128xf32, #tpu.memory_space<hbm>>) target(%arg11 : memref<128x128xf32, #tpu.memory_space<vmem>>) offsets(%dma_start3A_68 : memref<128xi32, #tpu.memory_space<vmem>>) semaphore(%arg13 : memref<!tpu.dma_semaphore, #tpu.memory_space<semaphore_mem>>)
      %scan3A = arith.constant 0 : i32
      %scan3A_72 = arith.constant 0 : i32
      %scan3A_73 = arith.constant 19 : i32
      %scan3A_74 = arith.addi %scan3A_72, %scan3A_73 : i32
      %scan3A_75 = arith.constant 1 : i32
      %scan3A_76 = scf.for %scan3A_136 = %scan3A_72 to %scan3A_74 step %scan3A_75 iter_args(%scan3A_137 = %scan3A) -> (i32)  : i32 {
        %mul3A_138 = arith.constant 2 : i32
        %mul3A_139 = arith.muli %mul3A_138, %scan3A_136 : i32
        %dma_wait3A_140 = arith.constant 0 : i32
        %dma_wait3A_141 = tpu.memref_slice %arg9[%mul3A_139, %dma_wait3A_140] : memref<40x128xi32, #tpu.memory_space<vmem>> -> memref<1x128xi32, #tpu.memory_space<vmem>>
        %dma_wait3A_142 = tpu.memref_squeeze %dma_wait3A_141 : memref<1x128xi32, #tpu.memory_space<vmem>> -> memref<128xi32, #tpu.memory_space<vmem>>
        %dma_wait3A_143 = arith.constant 0 : i32
        %dma_wait3A_144 = arith.constant 0 : i32
        %dma_wait3A_145 = tpu.memref_slice %arg2[%dma_wait3A_143, %dma_wait3A_144] : memref<10240x128xf32, #tpu.memory_space<hbm>> -> memref<10240x128xf32, #tpu.memory_space<hbm>>
        tpu.wait_indirect_dma semaphore(%arg13 : memref<!tpu.dma_semaphore, #tpu.memory_space<semaphore_mem>>) src(%dma_wait3A_145 : memref<10240x128xf32, #tpu.memory_space<hbm>>) dst(%arg11 : memref<128x128xf32, #tpu.memory_space<vmem>>)
        %add3A_146 = arith.constant 1 : i32
        %add3A_147 = arith.addi %mul3A_139, %add3A_146 : i32
        %dma_start3A_148 = arith.constant 0 : i32
        %dma_start3A_149 = tpu.memref_slice %arg9[%add3A_147, %dma_start3A_148] : memref<40x128xi32, #tpu.memory_space<vmem>> -> memref<1x128xi32, #tpu.memory_space<vmem>>
        %dma_start3A_150 = tpu.memref_squeeze %dma_start3A_149 : memref<1x128xi32, #tpu.memory_space<vmem>> -> memref<128xi32, #tpu.memory_space<vmem>>
        %dma_start3A_151 = arith.constant 0 : i32
        %dma_start3A_152 = arith.constant 0 : i32
        %dma_start3A_153 = tpu.memref_slice %arg2[%dma_start3A_151, %dma_start3A_152] : memref<10240x128xf32, #tpu.memory_space<hbm>> -> memref<10240x128xf32, #tpu.memory_space<hbm>>
        tpu.enqueue_indirect_dma source(%dma_start3A_153 : memref<10240x128xf32, #tpu.memory_space<hbm>>) target(%arg12 : memref<128x128xf32, #tpu.memory_space<vmem>>) offsets(%dma_start3A_150 : memref<128xi32, #tpu.memory_space<vmem>>) semaphore(%arg14 : memref<!tpu.dma_semaphore, #tpu.memory_space<semaphore_mem>>)
        "tpu.region"() ({
          %run_scoped3A_173 = tpu.sem_alloc : memref<!tpu.dma_semaphore, #tpu.memory_space<semaphore_mem>>
          %dma_start3A_174 = arith.constant 0 : i32
          %dma_start3A_175 = tpu.memref_slice %arg10[%mul3A_139, %dma_start3A_174] : memref<40x128xi32, #tpu.memory_space<vmem>> -> memref<1x128xi32, #tpu.memory_space<vmem>>
          %dma_start3A_176 = tpu.memref_squeeze %dma_start3A_175 : memref<1x128xi32, #tpu.memory_space<vmem>> -> memref<128xi32, #tpu.memory_space<vmem>>
          %dma_start3A_177 = arith.constant 0 : i32
          %dma_start3A_178 = arith.constant 0 : i32
          %dma_start3A_179 = tpu.memref_slice %arg8[%dma_start3A_177, %dma_start3A_178] : memref<10240x128xf32, #tpu.memory_space<vmem_shared>> -> memref<10240x128xf32, #tpu.memory_space<vmem_shared>>
          tpu.enqueue_indirect_dma source(%arg11 : memref<128x128xf32, #tpu.memory_space<vmem>>) target(%dma_start3A_179 : memref<10240x128xf32, #tpu.memory_space<vmem_shared>>) offsets(%dma_start3A_176 : memref<128xi32, #tpu.memory_space<vmem>>) semaphore(%run_scoped3A_173 : memref<!tpu.dma_semaphore, #tpu.memory_space<semaphore_mem>>) {add = true}
          %dma_wait3A_180 = arith.constant 0 : i32
          %dma_wait3A_181 = tpu.memref_slice %arg10[%mul3A_139, %dma_wait3A_180] : memref<40x128xi32, #tpu.memory_space<vmem>> -> memref<1x128xi32, #tpu.memory_space<vmem>>
          %dma_wait3A_182 = tpu.memref_squeeze %dma_wait3A_181 : memref<1x128xi32, #tpu.memory_space<vmem>> -> memref<128xi32, #tpu.memory_space<vmem>>
          %dma_wait3A_183 = arith.constant 0 : i32
          %dma_wait3A_184 = arith.constant 0 : i32
          %dma_wait3A_185 = tpu.memref_slice %arg8[%dma_wait3A_183, %dma_wait3A_184] : memref<10240x128xf32, #tpu.memory_space<vmem_shared>> -> memref<10240x128xf32, #tpu.memory_space<vmem_shared>>
          tpu.wait_indirect_dma semaphore(%run_scoped3A_173 : memref<!tpu.dma_semaphore, #tpu.memory_space<semaphore_mem>>) src(%arg11 : memref<128x128xf32, #tpu.memory_space<vmem>>) dst(%dma_wait3A_185 : memref<10240x128xf32, #tpu.memory_space<vmem_shared>>)
          tpu.yield
        }) : () -> ()
        %add3A_154 = arith.constant 1 : i32
        %add3A_155 = arith.addi %mul3A_139, %add3A_154 : i32
        %dma_wait3A_156 = arith.constant 0 : i32
        %dma_wait3A_157 = tpu.memref_slice %arg9[%add3A_155, %dma_wait3A_156] : memref<40x128xi32, #tpu.memory_space<vmem>> -> memref<1x128xi32, #tpu.memory_space<vmem>>
        %dma_wait3A_158 = tpu.memref_squeeze %dma_wait3A_157 : memref<1x128xi32, #tpu.memory_space<vmem>> -> memref<128xi32, #tpu.memory_space<vmem>>
        %dma_wait3A_159 = arith.constant 0 : i32
        %dma_wait3A_160 = arith.constant 0 : i32
        %dma_wait3A_161 = tpu.memref_slice %arg2[%dma_wait3A_159, %dma_wait3A_160] : memref<10240x128xf32, #tpu.memory_space<hbm>> -> memref<10240x128xf32, #tpu.memory_space<hbm>>
        tpu.wait_indirect_dma semaphore(%arg14 : memref<!tpu.dma_semaphore, #tpu.memory_space<semaphore_mem>>) src(%dma_wait3A_161 : memref<10240x128xf32, #tpu.memory_space<hbm>>) dst(%arg12 : memref<128x128xf32, #tpu.memory_space<vmem>>)
        %add3A_162 = arith.constant 2 : i32
        %add3A_163 = arith.addi %mul3A_139, %add3A_162 : i32
        %dma_start3A_164 = arith.constant 0 : i32
        %dma_start3A_165 = tpu.memref_slice %arg9[%add3A_163, %dma_start3A_164] : memref<40x128xi32, #tpu.memory_space<vmem>> -> memref<1x128xi32, #tpu.memory_space<vmem>>
        %dma_start3A_166 = tpu.memref_squeeze %dma_start3A_165 : memref<1x128xi32, #tpu.memory_space<vmem>> -> memref<128xi32, #tpu.memory_space<vmem>>
        %dma_start3A_167 = arith.constant 0 : i32
        %dma_start3A_168 = arith.constant 0 : i32
        %dma_start3A_169 = tpu.memref_slice %arg2[%dma_start3A_167, %dma_start3A_168] : memref<10240x128xf32, #tpu.memory_space<hbm>> -> memref<10240x128xf32, #tpu.memory_space<hbm>>
        tpu.enqueue_indirect_dma source(%dma_start3A_169 : memref<10240x128xf32, #tpu.memory_space<hbm>>) target(%arg11 : memref<128x128xf32, #tpu.memory_space<vmem>>) offsets(%dma_start3A_166 : memref<128xi32, #tpu.memory_space<vmem>>) semaphore(%arg13 : memref<!tpu.dma_semaphore, #tpu.memory_space<semaphore_mem>>)
        %add3A_170 = arith.constant 1 : i32
        %add3A_171 = arith.addi %mul3A_139, %add3A_170 : i32
        "tpu.region"() ({
          %run_scoped3A_173 = tpu.sem_alloc : memref<!tpu.dma_semaphore, #tpu.memory_space<semaphore_mem>>
          %dma_start3A_174 = arith.constant 0 : i32
          %dma_start3A_175 = tpu.memref_slice %arg10[%add3A_171, %dma_start3A_174] : memref<40x128xi32, #tpu.memory_space<vmem>> -> memref<1x128xi32, #tpu.memory_space<vmem>>
          %dma_start3A_176 = tpu.memref_squeeze %dma_start3A_175 : memref<1x128xi32, #tpu.memory_space<vmem>> -> memref<128xi32, #tpu.memory_space<vmem>>
          %dma_start3A_177 = arith.constant 0 : i32
          %dma_start3A_178 = arith.constant 0 : i32
          %dma_start3A_179 = tpu.memref_slice %arg8[%dma_start3A_177, %dma_start3A_178] : memref<10240x128xf32, #tpu.memory_space<vmem_shared>> -> memref<10240x128xf32, #tpu.memory_space<vmem_shared>>
          tpu.enqueue_indirect_dma source(%arg12 : memref<128x128xf32, #tpu.memory_space<vmem>>) target(%dma_start3A_179 : memref<10240x128xf32, #tpu.memory_space<vmem_shared>>) offsets(%dma_start3A_176 : memref<128xi32, #tpu.memory_space<vmem>>) semaphore(%run_scoped3A_173 : memref<!tpu.dma_semaphore, #tpu.memory_space<semaphore_mem>>) {add = true}
          %dma_wait3A_180 = arith.constant 0 : i32
          %dma_wait3A_181 = tpu.memref_slice %arg10[%add3A_171, %dma_wait3A_180] : memref<40x128xi32, #tpu.memory_space<vmem>> -> memref<1x128xi32, #tpu.memory_space<vmem>>
          %dma_wait3A_182 = tpu.memref_squeeze %dma_wait3A_181 : memref<1x128xi32, #tpu.memory_space<vmem>> -> memref<128xi32, #tpu.memory_space<vmem>>
          %dma_wait3A_183 = arith.constant 0 : i32
          %dma_wait3A_184 = arith.constant 0 : i32
          %dma_wait3A_185 = tpu.memref_slice %arg8[%dma_wait3A_183, %dma_wait3A_184] : memref<10240x128xf32, #tpu.memory_space<vmem_shared>> -> memref<10240x128xf32, #tpu.memory_space<vmem_shared>>
          tpu.wait_indirect_dma semaphore(%run_scoped3A_173 : memref<!tpu.dma_semaphore, #tpu.memory_space<semaphore_mem>>) src(%arg12 : memref<128x128xf32, #tpu.memory_space<vmem>>) dst(%dma_wait3A_185 : memref<10240x128xf32, #tpu.memory_space<vmem_shared>>)
          tpu.yield
        }) : () -> ()
        %scan3A_172 = arith.constant 0 : i32
        scf.yield %scan3A_172 : i32
      }
      %scan3A_77 = arith.constant 19 : i32
      %dma_wait3A = arith.constant 38 : i32
      %dma_wait3A_78 = arith.constant 0 : i32
      %dma_wait3A_79 = tpu.memref_slice %arg9[%dma_wait3A, %dma_wait3A_78] : memref<40x128xi32, #tpu.memory_space<vmem>> -> memref<1x128xi32, #tpu.memory_space<vmem>>
      %dma_wait3A_80 = tpu.memref_squeeze %dma_wait3A_79 : memref<1x128xi32, #tpu.memory_space<vmem>> -> memref<128xi32, #tpu.memory_space<vmem>>
      %dma_wait3A_81 = arith.constant 0 : i32
      %dma_wait3A_82 = arith.constant 0 : i32
      %dma_wait3A_83 = tpu.memref_slice %arg2[%dma_wait3A_81, %dma_wait3A_82] : memref<10240x128xf32, #tpu.memory_space<hbm>> -> memref<10240x128xf32, #tpu.memory_space<hbm>>
      tpu.wait_indirect_dma semaphore(%arg13 : memref<!tpu.dma_semaphore, #tpu.memory_space<semaphore_mem>>) src(%dma_wait3A_83 : memref<10240x128xf32, #tpu.memory_space<hbm>>) dst(%arg11 : memref<128x128xf32, #tpu.memory_space<vmem>>)
      %dma_start3A_84 = arith.constant 39 : i32
      %dma_start3A_85 = arith.constant 0 : i32
      %dma_start3A_86 = tpu.memref_slice %arg9[%dma_start3A_84, %dma_start3A_85] : memref<40x128xi32, #tpu.memory_space<vmem>> -> memref<1x128xi32, #tpu.memory_space<vmem>>
      %dma_start3A_87 = tpu.memref_squeeze %dma_start3A_86 : memref<1x128xi32, #tpu.memory_space<vmem>> -> memref<128xi32, #tpu.memory_space<vmem>>
      %dma_start3A_88 = arith.constant 0 : i32
      %dma_start3A_89 = arith.constant 0 : i32
      %dma_start3A_90 = tpu.memref_slice %arg2[%dma_start3A_88, %dma_start3A_89] : memref<10240x128xf32, #tpu.memory_space<hbm>> -> memref<10240x128xf32, #tpu.memory_space<hbm>>
      tpu.enqueue_indirect_dma source(%dma_start3A_90 : memref<10240x128xf32, #tpu.memory_space<hbm>>) target(%arg12 : memref<128x128xf32, #tpu.memory_space<vmem>>) offsets(%dma_start3A_87 : memref<128xi32, #tpu.memory_space<vmem>>) semaphore(%arg14 : memref<!tpu.dma_semaphore, #tpu.memory_space<semaphore_mem>>)
      %run_scoped3A = arith.constant 38 : i32
      "tpu.region"() ({
        %run_scoped3A_136 = tpu.sem_alloc : memref<!tpu.dma_semaphore, #tpu.memory_space<semaphore_mem>>
        %dma_start3A_137 = arith.constant 0 : i32
        %dma_start3A_138 = tpu.memref_slice %arg10[%run_scoped3A, %dma_start3A_137] : memref<40x128xi32, #tpu.memory_space<vmem>> -> memref<1x128xi32, #tpu.memory_space<vmem>>
        %dma_start3A_139 = tpu.memref_squeeze %dma_start3A_138 : memref<1x128xi32, #tpu.memory_space<vmem>> -> memref<128xi32, #tpu.memory_space<vmem>>
        %dma_start3A_140 = arith.constant 0 : i32
        %dma_start3A_141 = arith.constant 0 : i32
        %dma_start3A_142 = tpu.memref_slice %arg8[%dma_start3A_140, %dma_start3A_141] : memref<10240x128xf32, #tpu.memory_space<vmem_shared>> -> memref<10240x128xf32, #tpu.memory_space<vmem_shared>>
        tpu.enqueue_indirect_dma source(%arg11 : memref<128x128xf32, #tpu.memory_space<vmem>>) target(%dma_start3A_142 : memref<10240x128xf32, #tpu.memory_space<vmem_shared>>) offsets(%dma_start3A_139 : memref<128xi32, #tpu.memory_space<vmem>>) semaphore(%run_scoped3A_136 : memref<!tpu.dma_semaphore, #tpu.memory_space<semaphore_mem>>) {add = true}
        %dma_wait3A_143 = arith.constant 0 : i32
        %dma_wait3A_144 = tpu.memref_slice %arg10[%run_scoped3A, %dma_wait3A_143] : memref<40x128xi32, #tpu.memory_space<vmem>> -> memref<1x128xi32, #tpu.memory_space<vmem>>
        %dma_wait3A_145 = tpu.memref_squeeze %dma_wait3A_144 : memref<1x128xi32, #tpu.memory_space<vmem>> -> memref<128xi32, #tpu.memory_space<vmem>>
        %dma_wait3A_146 = arith.constant 0 : i32
        %dma_wait3A_147 = arith.constant 0 : i32
        %dma_wait3A_148 = tpu.memref_slice %arg8[%dma_wait3A_146, %dma_wait3A_147] : memref<10240x128xf32, #tpu.memory_space<vmem_shared>> -> memref<10240x128xf32, #tpu.memory_space<vmem_shared>>
        tpu.wait_indirect_dma semaphore(%run_scoped3A_136 : memref<!tpu.dma_semaphore, #tpu.memory_space<semaphore_mem>>) src(%arg11 : memref<128x128xf32, #tpu.memory_space<vmem>>) dst(%dma_wait3A_148 : memref<10240x128xf32, #tpu.memory_space<vmem_shared>>)
        tpu.yield
      }) : () -> ()
      %dma_wait3A_91 = arith.constant 39 : i32
      %dma_wait3A_92 = arith.constant 0 : i32
      %dma_wait3A_93 = tpu.memref_slice %arg9[%dma_wait3A_91, %dma_wait3A_92] : memref<40x128xi32, #tpu.memory_space<vmem>> -> memref<1x128xi32, #tpu.memory_space<vmem>>
      %dma_wait3A_94 = tpu.memref_squeeze %dma_wait3A_93 : memref<1x128xi32, #tpu.memory_space<vmem>> -> memref<128xi32, #tpu.memory_space<vmem>>
      %dma_wait3A_95 = arith.constant 0 : i32
      %dma_wait3A_96 = arith.constant 0 : i32
      %dma_wait3A_97 = tpu.memref_slice %arg2[%dma_wait3A_95, %dma_wait3A_96] : memref<10240x128xf32, #tpu.memory_space<hbm>> -> memref<10240x128xf32, #tpu.memory_space<hbm>>
      tpu.wait_indirect_dma semaphore(%arg14 : memref<!tpu.dma_semaphore, #tpu.memory_space<semaphore_mem>>) src(%dma_wait3A_97 : memref<10240x128xf32, #tpu.memory_space<hbm>>) dst(%arg12 : memref<128x128xf32, #tpu.memory_space<vmem>>)
      %run_scoped3A_98 = arith.constant 39 : i32
      "tpu.region"() ({
        %run_scoped3A_136 = tpu.sem_alloc : memref<!tpu.dma_semaphore, #tpu.memory_space<semaphore_mem>>
        %dma_start3A_137 = arith.constant 0 : i32
        %dma_start3A_138 = tpu.memref_slice %arg10[%run_scoped3A_98, %dma_start3A_137] : memref<40x128xi32, #tpu.memory_space<vmem>> -> memref<1x128xi32, #tpu.memory_space<vmem>>
        %dma_start3A_139 = tpu.memref_squeeze %dma_start3A_138 : memref<1x128xi32, #tpu.memory_space<vmem>> -> memref<128xi32, #tpu.memory_space<vmem>>
        %dma_start3A_140 = arith.constant 0 : i32
        %dma_start3A_141 = arith.constant 0 : i32
        %dma_start3A_142 = tpu.memref_slice %arg8[%dma_start3A_140, %dma_start3A_141] : memref<10240x128xf32, #tpu.memory_space<vmem_shared>> -> memref<10240x128xf32, #tpu.memory_space<vmem_shared>>
        tpu.enqueue_indirect_dma source(%arg12 : memref<128x128xf32, #tpu.memory_space<vmem>>) target(%dma_start3A_142 : memref<10240x128xf32, #tpu.memory_space<vmem_shared>>) offsets(%dma_start3A_139 : memref<128xi32, #tpu.memory_space<vmem>>) semaphore(%run_scoped3A_136 : memref<!tpu.dma_semaphore, #tpu.memory_space<semaphore_mem>>) {add = true}
        %dma_wait3A_143 = arith.constant 0 : i32
        %dma_wait3A_144 = tpu.memref_slice %arg10[%run_scoped3A_98, %dma_wait3A_143] : memref<40x128xi32, #tpu.memory_space<vmem>> -> memref<1x128xi32, #tpu.memory_space<vmem>>
        %dma_wait3A_145 = tpu.memref_squeeze %dma_wait3A_144 : memref<1x128xi32, #tpu.memory_space<vmem>> -> memref<128xi32, #tpu.memory_space<vmem>>
        %dma_wait3A_146 = arith.constant 0 : i32
        %dma_wait3A_147 = arith.constant 0 : i32
        %dma_wait3A_148 = tpu.memref_slice %arg8[%dma_wait3A_146, %dma_wait3A_147] : memref<10240x128xf32, #tpu.memory_space<vmem_shared>> -> memref<10240x128xf32, #tpu.memory_space<vmem_shared>>
        tpu.wait_indirect_dma semaphore(%run_scoped3A_136 : memref<!tpu.dma_semaphore, #tpu.memory_space<semaphore_mem>>) src(%arg12 : memref<128x128xf32, #tpu.memory_space<vmem>>) dst(%dma_wait3A_148 : memref<10240x128xf32, #tpu.memory_space<vmem_shared>>)
        tpu.yield
      }) : () -> ()
      "tpu.region"() ({
        %run_scoped3A_136 = tpu.sem_alloc : memref<!tpu.dma_semaphore, #tpu.memory_space<semaphore_mem>>
        %dma_start3A_137 = arith.constant 0 : i32
        %dma_start3A_138 = arith.constant 0 : i32
        %dma_start3A_139 = tpu.memref_slice %arg9[%dma_start3A_137, %dma_start3A_138] : memref<40x128xi32, #tpu.memory_space<vmem>> -> memref<40x128xi32, #tpu.memory_space<vmem>>
        %dma_start3A_140 = arith.constant 40 : i32
        %dma_start3A_141 = arith.constant 0 : i32
        %dma_start3A_142 = tpu.memref_slice %arg5[%arg1, %dma_start3A_140, %dma_start3A_141] : memref<16x80x128xi32, #tpu.memory_space<hbm>> -> memref<1x40x128xi32, #tpu.memory_space<hbm>>
        %dma_start3A_143 = tpu.memref_squeeze %dma_start3A_142 : memref<1x40x128xi32, #tpu.memory_space<hbm>> -> memref<40x128xi32, #tpu.memory_space<hbm>>
        %dma_start3A_144 = arith.constant 0 : i32
        %dma_start3A_145 = arith.constant 0 : i32
        %dma_start3A_146 = tpu.memref_slice %arg9[%dma_start3A_144, %dma_start3A_145] : memref<40x128xi32, #tpu.memory_space<vmem>> -> memref<40x128xi32, #tpu.memory_space<vmem>>
        %dma_start3A_147 = arith.constant 40 : i32
        %dma_start3A_148 = arith.constant 0 : i32
        %dma_start3A_149 = tpu.memref_slice %arg5[%arg1, %dma_start3A_147, %dma_start3A_148] : memref<16x80x128xi32, #tpu.memory_space<hbm>> -> memref<1x40x128xi32, #tpu.memory_space<hbm>>
        %dma_start3A_150 = tpu.memref_squeeze %dma_start3A_149 : memref<1x40x128xi32, #tpu.memory_space<hbm>> -> memref<40x128xi32, #tpu.memory_space<hbm>>
        tpu.enqueue_dma source(%dma_start3A_150 : memref<40x128xi32, #tpu.memory_space<hbm>>) target(%dma_start3A_146 : memref<40x128xi32, #tpu.memory_space<vmem>>) target_semaphore(%run_scoped3A_136 : memref<!tpu.dma_semaphore, #tpu.memory_space<semaphore_mem>>)
        %dma_wait3A_151 = arith.constant 0 : i32
        %dma_wait3A_152 = arith.constant 0 : i32
        %dma_wait3A_153 = tpu.memref_slice %arg9[%dma_wait3A_151, %dma_wait3A_152] : memref<40x128xi32, #tpu.memory_space<vmem>> -> memref<40x128xi32, #tpu.memory_space<vmem>>
        %dma_wait3A_154 = arith.constant 40 : i32
        %dma_wait3A_155 = arith.constant 0 : i32
        %dma_wait3A_156 = tpu.memref_slice %arg5[%arg1, %dma_wait3A_154, %dma_wait3A_155] : memref<16x80x128xi32, #tpu.memory_space<hbm>> -> memref<1x40x128xi32, #tpu.memory_space<hbm>>
        %dma_wait3A_157 = tpu.memref_squeeze %dma_wait3A_156 : memref<1x40x128xi32, #tpu.memory_space<hbm>> -> memref<40x128xi32, #tpu.memory_space<hbm>>
        %dma_wait3A_158 = arith.constant 0 : i32
        %dma_wait3A_159 = arith.constant 0 : i32
        %dma_wait3A_160 = tpu.memref_slice %arg9[%dma_wait3A_158, %dma_wait3A_159] : memref<40x128xi32, #tpu.memory_space<vmem>> -> memref<40x128xi32, #tpu.memory_space<vmem>>
        %dma_wait3A_161 = arith.constant 40 : i32
        %dma_wait3A_162 = arith.constant 0 : i32
        %dma_wait3A_163 = tpu.memref_slice %arg5[%arg1, %dma_wait3A_161, %dma_wait3A_162] : memref<16x80x128xi32, #tpu.memory_space<hbm>> -> memref<1x40x128xi32, #tpu.memory_space<hbm>>
        %dma_wait3A_164 = tpu.memref_squeeze %dma_wait3A_163 : memref<1x40x128xi32, #tpu.memory_space<hbm>> -> memref<40x128xi32, #tpu.memory_space<hbm>>
        tpu.wait_dma2 semaphore(%run_scoped3A_136 : memref<!tpu.dma_semaphore, #tpu.memory_space<semaphore_mem>>) src(%dma_wait3A_164 : memref<40x128xi32, #tpu.memory_space<hbm>>) dst(%dma_wait3A_160 : memref<40x128xi32, #tpu.memory_space<vmem>>)
        tpu.yield
      }) : () -> ()
      "tpu.region"() ({
        %run_scoped3A_136 = tpu.sem_alloc : memref<!tpu.dma_semaphore, #tpu.memory_space<semaphore_mem>>
        %dma_start3A_137 = arith.constant 0 : i32
        %dma_start3A_138 = arith.constant 0 : i32
        %dma_start3A_139 = tpu.memref_slice %arg10[%dma_start3A_137, %dma_start3A_138] : memref<40x128xi32, #tpu.memory_space<vmem>> -> memref<40x128xi32, #tpu.memory_space<vmem>>
        %dma_start3A_140 = arith.constant 40 : i32
        %dma_start3A_141 = arith.constant 0 : i32
        %dma_start3A_142 = tpu.memref_slice %arg6[%arg1, %dma_start3A_140, %dma_start3A_141] : memref<16x80x128xi32, #tpu.memory_space<hbm>> -> memref<1x40x128xi32, #tpu.memory_space<hbm>>
        %dma_start3A_143 = tpu.memref_squeeze %dma_start3A_142 : memref<1x40x128xi32, #tpu.memory_space<hbm>> -> memref<40x128xi32, #tpu.memory_space<hbm>>
        %dma_start3A_144 = arith.constant 0 : i32
        %dma_start3A_145 = arith.constant 0 : i32
        %dma_start3A_146 = tpu.memref_slice %arg10[%dma_start3A_144, %dma_start3A_145] : memref<40x128xi32, #tpu.memory_space<vmem>> -> memref<40x128xi32, #tpu.memory_space<vmem>>
        %dma_start3A_147 = arith.constant 40 : i32
        %dma_start3A_148 = arith.constant 0 : i32
        %dma_start3A_149 = tpu.memref_slice %arg6[%arg1, %dma_start3A_147, %dma_start3A_148] : memref<16x80x128xi32, #tpu.memory_space<hbm>> -> memref<1x40x128xi32, #tpu.memory_space<hbm>>
        %dma_start3A_150 = tpu.memref_squeeze %dma_start3A_149 : memref<1x40x128xi32, #tpu.memory_space<hbm>> -> memref<40x128xi32, #tpu.memory_space<hbm>>
        tpu.enqueue_dma source(%dma_start3A_150 : memref<40x128xi32, #tpu.memory_space<hbm>>) target(%dma_start3A_146 : memref<40x128xi32, #tpu.memory_space<vmem>>) target_semaphore(%run_scoped3A_136 : memref<!tpu.dma_semaphore, #tpu.memory_space<semaphore_mem>>)
        %dma_wait3A_151 = arith.constant 0 : i32
        %dma_wait3A_152 = arith.constant 0 : i32
        %dma_wait3A_153 = tpu.memref_slice %arg10[%dma_wait3A_151, %dma_wait3A_152] : memref<40x128xi32, #tpu.memory_space<vmem>> -> memref<40x128xi32, #tpu.memory_space<vmem>>
        %dma_wait3A_154 = arith.constant 40 : i32
        %dma_wait3A_155 = arith.constant 0 : i32
        %dma_wait3A_156 = tpu.memref_slice %arg6[%arg1, %dma_wait3A_154, %dma_wait3A_155] : memref<16x80x128xi32, #tpu.memory_space<hbm>> -> memref<1x40x128xi32, #tpu.memory_space<hbm>>
        %dma_wait3A_157 = tpu.memref_squeeze %dma_wait3A_156 : memref<1x40x128xi32, #tpu.memory_space<hbm>> -> memref<40x128xi32, #tpu.memory_space<hbm>>
        %dma_wait3A_158 = arith.constant 0 : i32
        %dma_wait3A_159 = arith.constant 0 : i32
        %dma_wait3A_160 = tpu.memref_slice %arg10[%dma_wait3A_158, %dma_wait3A_159] : memref<40x128xi32, #tpu.memory_space<vmem>> -> memref<40x128xi32, #tpu.memory_space<vmem>>
        %dma_wait3A_161 = arith.constant 40 : i32
        %dma_wait3A_162 = arith.constant 0 : i32
        %dma_wait3A_163 = tpu.memref_slice %arg6[%arg1, %dma_wait3A_161, %dma_wait3A_162] : memref<16x80x128xi32, #tpu.memory_space<hbm>> -> memref<1x40x128xi32, #tpu.memory_space<hbm>>
        %dma_wait3A_164 = tpu.memref_squeeze %dma_wait3A_163 : memref<1x40x128xi32, #tpu.memory_space<hbm>> -> memref<40x128xi32, #tpu.memory_space<hbm>>
        tpu.wait_dma2 semaphore(%run_scoped3A_136 : memref<!tpu.dma_semaphore, #tpu.memory_space<semaphore_mem>>) src(%dma_wait3A_164 : memref<40x128xi32, #tpu.memory_space<hbm>>) dst(%dma_wait3A_160 : memref<40x128xi32, #tpu.memory_space<vmem>>)
        tpu.yield
      }) : () -> ()
      %dma_start3A_99 = arith.constant 0 : i32
      %dma_start3A_100 = arith.constant 0 : i32
      %dma_start3A_101 = tpu.memref_slice %arg9[%dma_start3A_99, %dma_start3A_100] : memref<40x128xi32, #tpu.memory_space<vmem>> -> memref<1x128xi32, #tpu.memory_space<vmem>>
      %dma_start3A_102 = tpu.memref_squeeze %dma_start3A_101 : memref<1x128xi32, #tpu.memory_space<vmem>> -> memref<128xi32, #tpu.memory_space<vmem>>
      %dma_start3A_103 = arith.constant 0 : i32
      %dma_start3A_104 = arith.constant 0 : i32
      %dma_start3A_105 = tpu.memref_slice %arg2[%dma_start3A_103, %dma_start3A_104] : memref<10240x128xf32, #tpu.memory_space<hbm>> -> memref<10240x128xf32, #tpu.memory_space<hbm>>
      tpu.enqueue_indirect_dma source(%dma_start3A_105 : memref<10240x128xf32, #tpu.memory_space<hbm>>) target(%arg11 : memref<128x128xf32, #tpu.memory_space<vmem>>) offsets(%dma_start3A_102 : memref<128xi32, #tpu.memory_space<vmem>>) semaphore(%arg13 : memref<!tpu.dma_semaphore, #tpu.memory_space<semaphore_mem>>)
      %scan3A_106 = arith.constant 0 : i32
      %scan3A_107 = arith.constant 0 : i32
      %scan3A_108 = arith.constant 19 : i32
      %scan3A_109 = arith.addi %scan3A_107, %scan3A_108 : i32
      %scan3A_110 = arith.constant 1 : i32
      %scan3A_111 = scf.for %scan3A_136 = %scan3A_107 to %scan3A_109 step %scan3A_110 iter_args(%scan3A_137 = %scan3A_106) -> (i32)  : i32 {
        %mul3A_138 = arith.constant 2 : i32
        %mul3A_139 = arith.muli %mul3A_138, %scan3A_136 : i32
        %dma_wait3A_140 = arith.constant 0 : i32
        %dma_wait3A_141 = tpu.memref_slice %arg9[%mul3A_139, %dma_wait3A_140] : memref<40x128xi32, #tpu.memory_space<vmem>> -> memref<1x128xi32, #tpu.memory_space<vmem>>
        %dma_wait3A_142 = tpu.memref_squeeze %dma_wait3A_141 : memref<1x128xi32, #tpu.memory_space<vmem>> -> memref<128xi32, #tpu.memory_space<vmem>>
        %dma_wait3A_143 = arith.constant 0 : i32
        %dma_wait3A_144 = arith.constant 0 : i32
        %dma_wait3A_145 = tpu.memref_slice %arg2[%dma_wait3A_143, %dma_wait3A_144] : memref<10240x128xf32, #tpu.memory_space<hbm>> -> memref<10240x128xf32, #tpu.memory_space<hbm>>
        tpu.wait_indirect_dma semaphore(%arg13 : memref<!tpu.dma_semaphore, #tpu.memory_space<semaphore_mem>>) src(%dma_wait3A_145 : memref<10240x128xf32, #tpu.memory_space<hbm>>) dst(%arg11 : memref<128x128xf32, #tpu.memory_space<vmem>>)
        %add3A_146 = arith.constant 1 : i32
        %add3A_147 = arith.addi %mul3A_139, %add3A_146 : i32
        %dma_start3A_148 = arith.constant 0 : i32
        %dma_start3A_149 = tpu.memref_slice %arg9[%add3A_147, %dma_start3A_148] : memref<40x128xi32, #tpu.memory_space<vmem>> -> memref<1x128xi32, #tpu.memory_space<vmem>>
        %dma_start3A_150 = tpu.memref_squeeze %dma_start3A_149 : memref<1x128xi32, #tpu.memory_space<vmem>> -> memref<128xi32, #tpu.memory_space<vmem>>
        %dma_start3A_151 = arith.constant 0 : i32
        %dma_start3A_152 = arith.constant 0 : i32
        %dma_start3A_153 = tpu.memref_slice %arg2[%dma_start3A_151, %dma_start3A_152] : memref<10240x128xf32, #tpu.memory_space<hbm>> -> memref<10240x128xf32, #tpu.memory_space<hbm>>
        tpu.enqueue_indirect_dma source(%dma_start3A_153 : memref<10240x128xf32, #tpu.memory_space<hbm>>) target(%arg12 : memref<128x128xf32, #tpu.memory_space<vmem>>) offsets(%dma_start3A_150 : memref<128xi32, #tpu.memory_space<vmem>>) semaphore(%arg14 : memref<!tpu.dma_semaphore, #tpu.memory_space<semaphore_mem>>)
        "tpu.region"() ({
          %run_scoped3A_173 = tpu.sem_alloc : memref<!tpu.dma_semaphore, #tpu.memory_space<semaphore_mem>>
          %dma_start3A_174 = arith.constant 0 : i32
          %dma_start3A_175 = tpu.memref_slice %arg10[%mul3A_139, %dma_start3A_174] : memref<40x128xi32, #tpu.memory_space<vmem>> -> memref<1x128xi32, #tpu.memory_space<vmem>>
          %dma_start3A_176 = tpu.memref_squeeze %dma_start3A_175 : memref<1x128xi32, #tpu.memory_space<vmem>> -> memref<128xi32, #tpu.memory_space<vmem>>
          %dma_start3A_177 = arith.constant 0 : i32
          %dma_start3A_178 = arith.constant 0 : i32
          %dma_start3A_179 = tpu.memref_slice %arg8[%dma_start3A_177, %dma_start3A_178] : memref<10240x128xf32, #tpu.memory_space<vmem_shared>> -> memref<10240x128xf32, #tpu.memory_space<vmem_shared>>
          tpu.enqueue_indirect_dma source(%arg11 : memref<128x128xf32, #tpu.memory_space<vmem>>) target(%dma_start3A_179 : memref<10240x128xf32, #tpu.memory_space<vmem_shared>>) offsets(%dma_start3A_176 : memref<128xi32, #tpu.memory_space<vmem>>) semaphore(%run_scoped3A_173 : memref<!tpu.dma_semaphore, #tpu.memory_space<semaphore_mem>>) {add = true}
          %dma_wait3A_180 = arith.constant 0 : i32
          %dma_wait3A_181 = tpu.memref_slice %arg10[%mul3A_139, %dma_wait3A_180] : memref<40x128xi32, #tpu.memory_space<vmem>> -> memref<1x128xi32, #tpu.memory_space<vmem>>
          %dma_wait3A_182 = tpu.memref_squeeze %dma_wait3A_181 : memref<1x128xi32, #tpu.memory_space<vmem>> -> memref<128xi32, #tpu.memory_space<vmem>>
          %dma_wait3A_183 = arith.constant 0 : i32
          %dma_wait3A_184 = arith.constant 0 : i32
          %dma_wait3A_185 = tpu.memref_slice %arg8[%dma_wait3A_183, %dma_wait3A_184] : memref<10240x128xf32, #tpu.memory_space<vmem_shared>> -> memref<10240x128xf32, #tpu.memory_space<vmem_shared>>
          tpu.wait_indirect_dma semaphore(%run_scoped3A_173 : memref<!tpu.dma_semaphore, #tpu.memory_space<semaphore_mem>>) src(%arg11 : memref<128x128xf32, #tpu.memory_space<vmem>>) dst(%dma_wait3A_185 : memref<10240x128xf32, #tpu.memory_space<vmem_shared>>)
          tpu.yield
        }) : () -> ()
        %add3A_154 = arith.constant 1 : i32
        %add3A_155 = arith.addi %mul3A_139, %add3A_154 : i32
        %dma_wait3A_156 = arith.constant 0 : i32
        %dma_wait3A_157 = tpu.memref_slice %arg9[%add3A_155, %dma_wait3A_156] : memref<40x128xi32, #tpu.memory_space<vmem>> -> memref<1x128xi32, #tpu.memory_space<vmem>>
        %dma_wait3A_158 = tpu.memref_squeeze %dma_wait3A_157 : memref<1x128xi32, #tpu.memory_space<vmem>> -> memref<128xi32, #tpu.memory_space<vmem>>
        %dma_wait3A_159 = arith.constant 0 : i32
        %dma_wait3A_160 = arith.constant 0 : i32
        %dma_wait3A_161 = tpu.memref_slice %arg2[%dma_wait3A_159, %dma_wait3A_160] : memref<10240x128xf32, #tpu.memory_space<hbm>> -> memref<10240x128xf32, #tpu.memory_space<hbm>>
        tpu.wait_indirect_dma semaphore(%arg14 : memref<!tpu.dma_semaphore, #tpu.memory_space<semaphore_mem>>) src(%dma_wait3A_161 : memref<10240x128xf32, #tpu.memory_space<hbm>>) dst(%arg12 : memref<128x128xf32, #tpu.memory_space<vmem>>)
        %add3A_162 = arith.constant 2 : i32
        %add3A_163 = arith.addi %mul3A_139, %add3A_162 : i32
        %dma_start3A_164 = arith.constant 0 : i32
        %dma_start3A_165 = tpu.memref_slice %arg9[%add3A_163, %dma_start3A_164] : memref<40x128xi32, #tpu.memory_space<vmem>> -> memref<1x128xi32, #tpu.memory_space<vmem>>
        %dma_start3A_166 = tpu.memref_squeeze %dma_start3A_165 : memref<1x128xi32, #tpu.memory_space<vmem>> -> memref<128xi32, #tpu.memory_space<vmem>>
        %dma_start3A_167 = arith.constant 0 : i32
        %dma_start3A_168 = arith.constant 0 : i32
        %dma_start3A_169 = tpu.memref_slice %arg2[%dma_start3A_167, %dma_start3A_168] : memref<10240x128xf32, #tpu.memory_space<hbm>> -> memref<10240x128xf32, #tpu.memory_space<hbm>>
        tpu.enqueue_indirect_dma source(%dma_start3A_169 : memref<10240x128xf32, #tpu.memory_space<hbm>>) target(%arg11 : memref<128x128xf32, #tpu.memory_space<vmem>>) offsets(%dma_start3A_166 : memref<128xi32, #tpu.memory_space<vmem>>) semaphore(%arg13 : memref<!tpu.dma_semaphore, #tpu.memory_space<semaphore_mem>>)
        %add3A_170 = arith.constant 1 : i32
        %add3A_171 = arith.addi %mul3A_139, %add3A_170 : i32
        "tpu.region"() ({
          %run_scoped3A_173 = tpu.sem_alloc : memref<!tpu.dma_semaphore, #tpu.memory_space<semaphore_mem>>
          %dma_start3A_174 = arith.constant 0 : i32
          %dma_start3A_175 = tpu.memref_slice %arg10[%add3A_171, %dma_start3A_174] : memref<40x128xi32, #tpu.memory_space<vmem>> -> memref<1x128xi32, #tpu.memory_space<vmem>>
          %dma_start3A_176 = tpu.memref_squeeze %dma_start3A_175 : memref<1x128xi32, #tpu.memory_space<vmem>> -> memref<128xi32, #tpu.memory_space<vmem>>
          %dma_start3A_177 = arith.constant 0 : i32
          %dma_start3A_178 = arith.constant 0 : i32
          %dma_start3A_179 = tpu.memref_slice %arg8[%dma_start3A_177, %dma_start3A_178] : memref<10240x128xf32, #tpu.memory_space<vmem_shared>> -> memref<10240x128xf32, #tpu.memory_space<vmem_shared>>
          tpu.enqueue_indirect_dma source(%arg12 : memref<128x128xf32, #tpu.memory_space<vmem>>) target(%dma_start3A_179 : memref<10240x128xf32, #tpu.memory_space<vmem_shared>>) offsets(%dma_start3A_176 : memref<128xi32, #tpu.memory_space<vmem>>) semaphore(%run_scoped3A_173 : memref<!tpu.dma_semaphore, #tpu.memory_space<semaphore_mem>>) {add = true}
          %dma_wait3A_180 = arith.constant 0 : i32
          %dma_wait3A_181 = tpu.memref_slice %arg10[%add3A_171, %dma_wait3A_180] : memref<40x128xi32, #tpu.memory_space<vmem>> -> memref<1x128xi32, #tpu.memory_space<vmem>>
          %dma_wait3A_182 = tpu.memref_squeeze %dma_wait3A_181 : memref<1x128xi32, #tpu.memory_space<vmem>> -> memref<128xi32, #tpu.memory_space<vmem>>
          %dma_wait3A_183 = arith.constant 0 : i32
          %dma_wait3A_184 = arith.constant 0 : i32
          %dma_wait3A_185 = tpu.memref_slice %arg8[%dma_wait3A_183, %dma_wait3A_184] : memref<10240x128xf32, #tpu.memory_space<vmem_shared>> -> memref<10240x128xf32, #tpu.memory_space<vmem_shared>>
          tpu.wait_indirect_dma semaphore(%run_scoped3A_173 : memref<!tpu.dma_semaphore, #tpu.memory_space<semaphore_mem>>) src(%arg12 : memref<128x128xf32, #tpu.memory_space<vmem>>) dst(%dma_wait3A_185 : memref<10240x128xf32, #tpu.memory_space<vmem_shared>>)
          tpu.yield
        }) : () -> ()
        %scan3A_172 = arith.constant 0 : i32
        scf.yield %scan3A_172 : i32
      }
      %scan3A_112 = arith.constant 19 : i32
      %dma_wait3A_113 = arith.constant 38 : i32
      %dma_wait3A_114 = arith.constant 0 : i32
      %dma_wait3A_115 = tpu.memref_slice %arg9[%dma_wait3A_113, %dma_wait3A_114] : memref<40x128xi32, #tpu.memory_space<vmem>> -> memref<1x128xi32, #tpu.memory_space<vmem>>
      %dma_wait3A_116 = tpu.memref_squeeze %dma_wait3A_115 : memref<1x128xi32, #tpu.memory_space<vmem>> -> memref<128xi32, #tpu.memory_space<vmem>>
      %dma_wait3A_117 = arith.constant 0 : i32
      %dma_wait3A_118 = arith.constant 0 : i32
      %dma_wait3A_119 = tpu.memref_slice %arg2[%dma_wait3A_117, %dma_wait3A_118] : memref<10240x128xf32, #tpu.memory_space<hbm>> -> memref<10240x128xf32, #tpu.memory_space<hbm>>
      tpu.wait_indirect_dma semaphore(%arg13 : memref<!tpu.dma_semaphore, #tpu.memory_space<semaphore_mem>>) src(%dma_wait3A_119 : memref<10240x128xf32, #tpu.memory_space<hbm>>) dst(%arg11 : memref<128x128xf32, #tpu.memory_space<vmem>>)
      %dma_start3A_120 = arith.constant 39 : i32
      %dma_start3A_121 = arith.constant 0 : i32
      %dma_start3A_122 = tpu.memref_slice %arg9[%dma_start3A_120, %dma_start3A_121] : memref<40x128xi32, #tpu.memory_space<vmem>> -> memref<1x128xi32, #tpu.memory_space<vmem>>
      %dma_start3A_123 = tpu.memref_squeeze %dma_start3A_122 : memref<1x128xi32, #tpu.memory_space<vmem>> -> memref<128xi32, #tpu.memory_space<vmem>>
      %dma_start3A_124 = arith.constant 0 : i32
      %dma_start3A_125 = arith.constant 0 : i32
      %dma_start3A_126 = tpu.memref_slice %arg2[%dma_start3A_124, %dma_start3A_125] : memref<10240x128xf32, #tpu.memory_space<hbm>> -> memref<10240x128xf32, #tpu.memory_space<hbm>>
      tpu.enqueue_indirect_dma source(%dma_start3A_126 : memref<10240x128xf32, #tpu.memory_space<hbm>>) target(%arg12 : memref<128x128xf32, #tpu.memory_space<vmem>>) offsets(%dma_start3A_123 : memref<128xi32, #tpu.memory_space<vmem>>) semaphore(%arg14 : memref<!tpu.dma_semaphore, #tpu.memory_space<semaphore_mem>>)
      %run_scoped3A_127 = arith.constant 38 : i32
      "tpu.region"() ({
        %run_scoped3A_136 = tpu.sem_alloc : memref<!tpu.dma_semaphore, #tpu.memory_space<semaphore_mem>>
        %dma_start3A_137 = arith.constant 0 : i32
        %dma_start3A_138 = tpu.memref_slice %arg10[%run_scoped3A_127, %dma_start3A_137] : memref<40x128xi32, #tpu.memory_space<vmem>> -> memref<1x128xi32, #tpu.memory_space<vmem>>
        %dma_start3A_139 = tpu.memref_squeeze %dma_start3A_138 : memref<1x128xi32, #tpu.memory_space<vmem>> -> memref<128xi32, #tpu.memory_space<vmem>>
        %dma_start3A_140 = arith.constant 0 : i32
        %dma_start3A_141 = arith.constant 0 : i32
        %dma_start3A_142 = tpu.memref_slice %arg8[%dma_start3A_140, %dma_start3A_141] : memref<10240x128xf32, #tpu.memory_space<vmem_shared>> -> memref<10240x128xf32, #tpu.memory_space<vmem_shared>>
        tpu.enqueue_indirect_dma source(%arg11 : memref<128x128xf32, #tpu.memory_space<vmem>>) target(%dma_start3A_142 : memref<10240x128xf32, #tpu.memory_space<vmem_shared>>) offsets(%dma_start3A_139 : memref<128xi32, #tpu.memory_space<vmem>>) semaphore(%run_scoped3A_136 : memref<!tpu.dma_semaphore, #tpu.memory_space<semaphore_mem>>) {add = true}
        %dma_wait3A_143 = arith.constant 0 : i32
        %dma_wait3A_144 = tpu.memref_slice %arg10[%run_scoped3A_127, %dma_wait3A_143] : memref<40x128xi32, #tpu.memory_space<vmem>> -> memref<1x128xi32, #tpu.memory_space<vmem>>
        %dma_wait3A_145 = tpu.memref_squeeze %dma_wait3A_144 : memref<1x128xi32, #tpu.memory_space<vmem>> -> memref<128xi32, #tpu.memory_space<vmem>>
        %dma_wait3A_146 = arith.constant 0 : i32
        %dma_wait3A_147 = arith.constant 0 : i32
        %dma_wait3A_148 = tpu.memref_slice %arg8[%dma_wait3A_146, %dma_wait3A_147] : memref<10240x128xf32, #tpu.memory_space<vmem_shared>> -> memref<10240x128xf32, #tpu.memory_space<vmem_shared>>
        tpu.wait_indirect_dma semaphore(%run_scoped3A_136 : memref<!tpu.dma_semaphore, #tpu.memory_space<semaphore_mem>>) src(%arg11 : memref<128x128xf32, #tpu.memory_space<vmem>>) dst(%dma_wait3A_148 : memref<10240x128xf32, #tpu.memory_space<vmem_shared>>)
        tpu.yield
      }) : () -> ()
      %dma_wait3A_128 = arith.constant 39 : i32
      %dma_wait3A_129 = arith.constant 0 : i32
      %dma_wait3A_130 = tpu.memref_slice %arg9[%dma_wait3A_128, %dma_wait3A_129] : memref<40x128xi32, #tpu.memory_space<vmem>> -> memref<1x128xi32, #tpu.memory_space<vmem>>
      %dma_wait3A_131 = tpu.memref_squeeze %dma_wait3A_130 : memref<1x128xi32, #tpu.memory_space<vmem>> -> memref<128xi32, #tpu.memory_space<vmem>>
      %dma_wait3A_132 = arith.constant 0 : i32
      %dma_wait3A_133 = arith.constant 0 : i32
      %dma_wait3A_134 = tpu.memref_slice %arg2[%dma_wait3A_132, %dma_wait3A_133] : memref<10240x128xf32, #tpu.memory_space<hbm>> -> memref<10240x128xf32, #tpu.memory_space<hbm>>
      tpu.wait_indirect_dma semaphore(%arg14 : memref<!tpu.dma_semaphore, #tpu.memory_space<semaphore_mem>>) src(%dma_wait3A_134 : memref<10240x128xf32, #tpu.memory_space<hbm>>) dst(%arg12 : memref<128x128xf32, #tpu.memory_space<vmem>>)
      %run_scoped3A_135 = arith.constant 39 : i32
      "tpu.region"() ({
        %run_scoped3A_136 = tpu.sem_alloc : memref<!tpu.dma_semaphore, #tpu.memory_space<semaphore_mem>>
        %dma_start3A_137 = arith.constant 0 : i32
        %dma_start3A_138 = tpu.memref_slice %arg10[%run_scoped3A_135, %dma_start3A_137] : memref<40x128xi32, #tpu.memory_space<vmem>> -> memref<1x128xi32, #tpu.memory_space<vmem>>
        %dma_start3A_139 = tpu.memref_squeeze %dma_start3A_138 : memref<1x128xi32, #tpu.memory_space<vmem>> -> memref<128xi32, #tpu.memory_space<vmem>>
        %dma_start3A_140 = arith.constant 0 : i32
        %dma_start3A_141 = arith.constant 0 : i32
        %dma_start3A_142 = tpu.memref_slice %arg8[%dma_start3A_140, %dma_start3A_141] : memref<10240x128xf32, #tpu.memory_space<vmem_shared>> -> memref<10240x128xf32, #tpu.memory_space<vmem_shared>>
        tpu.enqueue_indirect_dma source(%arg12 : memref<128x128xf32, #tpu.memory_space<vmem>>) target(%dma_start3A_142 : memref<10240x128xf32, #tpu.memory_space<vmem_shared>>) offsets(%dma_start3A_139 : memref<128xi32, #tpu.memory_space<vmem>>) semaphore(%run_scoped3A_136 : memref<!tpu.dma_semaphore, #tpu.memory_space<semaphore_mem>>) {add = true}
        %dma_wait3A_143 = arith.constant 0 : i32
        %dma_wait3A_144 = tpu.memref_slice %arg10[%run_scoped3A_135, %dma_wait3A_143] : memref<40x128xi32, #tpu.memory_space<vmem>> -> memref<1x128xi32, #tpu.memory_space<vmem>>
        %dma_wait3A_145 = tpu.memref_squeeze %dma_wait3A_144 : memref<1x128xi32, #tpu.memory_space<vmem>> -> memref<128xi32, #tpu.memory_space<vmem>>
        %dma_wait3A_146 = arith.constant 0 : i32
        %dma_wait3A_147 = arith.constant 0 : i32
        %dma_wait3A_148 = tpu.memref_slice %arg8[%dma_wait3A_146, %dma_wait3A_147] : memref<10240x128xf32, #tpu.memory_space<vmem_shared>> -> memref<10240x128xf32, #tpu.memory_space<vmem_shared>>
        tpu.wait_indirect_dma semaphore(%run_scoped3A_136 : memref<!tpu.dma_semaphore, #tpu.memory_space<semaphore_mem>>) src(%arg12 : memref<128x128xf32, #tpu.memory_space<vmem>>) dst(%dma_wait3A_148 : memref<10240x128xf32, #tpu.memory_space<vmem_shared>>)
        tpu.yield
      }) : () -> ()
    } else {
    }
    %barrier3A_25 = arith.constant 0 : index
    tpu.barrier barrier_id(%barrier3A_25)
    %mul3A_26 = arith.constant 640 : i32
    %mul3A_27 = arith.muli %arg1, %mul3A_26 : i32
    %add3A_28 = arith.constant 0 : i32
    %add3A_29 = arith.addi %mul3A_27, %add3A_28 : i32
    "tpu.region"() ({
      %run_scoped3A = tpu.sem_alloc : memref<!tpu.dma_semaphore, #tpu.memory_space<semaphore_mem>>
      %dma_start3A = arith.constant 0 : i32
      %dma_start3A_66 = tpu.memref_slice %arg8[%add3A_29, %dma_start3A] : memref<10240x128xf32, #tpu.memory_space<vmem_shared>> -> memref<128x128xf32, #tpu.memory_space<vmem_shared>>
      %dma_start3A_67 = arith.constant 0 : i32
      %dma_start3A_68 = tpu.memref_slice %arg8[%add3A_29, %dma_start3A_67] : memref<10240x128xf32, #tpu.memory_space<vmem_shared>> -> memref<128x128xf32, #tpu.memory_space<vmem_shared>>
      tpu.enqueue_dma source(%dma_start3A_68 : memref<128x128xf32, #tpu.memory_space<vmem_shared>>) target(%arg11 : memref<128x128xf32, #tpu.memory_space<vmem>>) target_semaphore(%run_scoped3A : memref<!tpu.dma_semaphore, #tpu.memory_space<semaphore_mem>>)
      %dma_wait3A = arith.constant 0 : i32
      %dma_wait3A_69 = tpu.memref_slice %arg8[%add3A_29, %dma_wait3A] : memref<10240x128xf32, #tpu.memory_space<vmem_shared>> -> memref<128x128xf32, #tpu.memory_space<vmem_shared>>
      %dma_wait3A_70 = arith.constant 0 : i32
      %dma_wait3A_71 = tpu.memref_slice %arg8[%add3A_29, %dma_wait3A_70] : memref<10240x128xf32, #tpu.memory_space<vmem_shared>> -> memref<128x128xf32, #tpu.memory_space<vmem_shared>>
      tpu.wait_dma2 semaphore(%run_scoped3A : memref<!tpu.dma_semaphore, #tpu.memory_space<semaphore_mem>>) src(%dma_wait3A_71 : memref<128x128xf32, #tpu.memory_space<vmem_shared>>) dst(%arg11 : memref<128x128xf32, #tpu.memory_space<vmem>>)
      tpu.yield
    }) : () -> ()
    %mul3A_30 = arith.constant 640 : i32
    %mul3A_31 = arith.muli %arg1, %mul3A_30 : i32
    %add3A_32 = arith.constant 0 : i32
    %add3A_33 = arith.addi %mul3A_31, %add3A_32 : i32
    "tpu.region"() ({
      %run_scoped3A = tpu.sem_alloc : memref<!tpu.dma_semaphore, #tpu.memory_space<semaphore_mem>>
      %dma_start3A = arith.constant 0 : i32
      %dma_start3A_66 = tpu.memref_slice %arg7[%arg0, %add3A_33, %dma_start3A] : memref<2x10240x128xf32, #tpu.memory_space<hbm>> -> memref<1x128x128xf32, #tpu.memory_space<hbm>>
      %dma_start3A_67 = tpu.memref_squeeze %dma_start3A_66 : memref<1x128x128xf32, #tpu.memory_space<hbm>> -> memref<128x128xf32, #tpu.memory_space<hbm>>
      %dma_start3A_68 = arith.constant 0 : i32
      %dma_start3A_69 = tpu.memref_slice %arg7[%arg0, %add3A_33, %dma_start3A_68] : memref<2x10240x128xf32, #tpu.memory_space<hbm>> -> memref<1x128x128xf32, #tpu.memory_space<hbm>>
      %dma_start3A_70 = tpu.memref_squeeze %dma_start3A_69 : memref<1x128x128xf32, #tpu.memory_space<hbm>> -> memref<128x128xf32, #tpu.memory_space<hbm>>
      tpu.enqueue_dma source(%arg11 : memref<128x128xf32, #tpu.memory_space<vmem>>) target(%dma_start3A_70 : memref<128x128xf32, #tpu.memory_space<hbm>>) target_semaphore(%run_scoped3A : memref<!tpu.dma_semaphore, #tpu.memory_space<semaphore_mem>>)
      %dma_wait3A = arith.constant 0 : i32
      %dma_wait3A_71 = tpu.memref_slice %arg7[%arg0, %add3A_33, %dma_wait3A] : memref<2x10240x128xf32, #tpu.memory_space<hbm>> -> memref<1x128x128xf32, #tpu.memory_space<hbm>>
      %dma_wait3A_72 = tpu.memref_squeeze %dma_wait3A_71 : memref<1x128x128xf32, #tpu.memory_space<hbm>> -> memref<128x128xf32, #tpu.memory_space<hbm>>
      %dma_wait3A_73 = arith.constant 0 : i32
      %dma_wait3A_74 = tpu.memref_slice %arg7[%arg0, %add3A_33, %dma_wait3A_73] : memref<2x10240x128xf32, #tpu.memory_space<hbm>> -> memref<1x128x128xf32, #tpu.memory_space<hbm>>
      %dma_wait3A_75 = tpu.memref_squeeze %dma_wait3A_74 : memref<1x128x128xf32, #tpu.memory_space<hbm>> -> memref<128x128xf32, #tpu.memory_space<hbm>>
      tpu.wait_dma2 semaphore(%run_scoped3A : memref<!tpu.dma_semaphore, #tpu.memory_space<semaphore_mem>>) src(%arg11 : memref<128x128xf32, #tpu.memory_space<vmem>>) dst(%dma_wait3A_75 : memref<128x128xf32, #tpu.memory_space<hbm>>)
      tpu.yield
    }) : () -> ()
    %mul3A_34 = arith.constant 640 : i32
    %mul3A_35 = arith.muli %arg1, %mul3A_34 : i32
    %add3A_36 = arith.constant 128 : i32
    %add3A_37 = arith.addi %mul3A_35, %add3A_36 : i32
    "tpu.region"() ({
      %run_scoped3A = tpu.sem_alloc : memref<!tpu.dma_semaphore, #tpu.memory_space<semaphore_mem>>
      %dma_start3A = arith.constant 0 : i32
      %dma_start3A_66 = tpu.memref_slice %arg8[%add3A_37, %dma_start3A] : memref<10240x128xf32, #tpu.memory_space<vmem_shared>> -> memref<128x128xf32, #tpu.memory_space<vmem_shared>>
      %dma_start3A_67 = arith.constant 0 : i32
      %dma_start3A_68 = tpu.memref_slice %arg8[%add3A_37, %dma_start3A_67] : memref<10240x128xf32, #tpu.memory_space<vmem_shared>> -> memref<128x128xf32, #tpu.memory_space<vmem_shared>>
      tpu.enqueue_dma source(%dma_start3A_68 : memref<128x128xf32, #tpu.memory_space<vmem_shared>>) target(%arg11 : memref<128x128xf32, #tpu.memory_space<vmem>>) target_semaphore(%run_scoped3A : memref<!tpu.dma_semaphore, #tpu.memory_space<semaphore_mem>>)
      %dma_wait3A = arith.constant 0 : i32
      %dma_wait3A_69 = tpu.memref_slice %arg8[%add3A_37, %dma_wait3A] : memref<10240x128xf32, #tpu.memory_space<vmem_shared>> -> memref<128x128xf32, #tpu.memory_space<vmem_shared>>
      %dma_wait3A_70 = arith.constant 0 : i32
      %dma_wait3A_71 = tpu.memref_slice %arg8[%add3A_37, %dma_wait3A_70] : memref<10240x128xf32, #tpu.memory_space<vmem_shared>> -> memref<128x128xf32, #tpu.memory_space<vmem_shared>>
      tpu.wait_dma2 semaphore(%run_scoped3A : memref<!tpu.dma_semaphore, #tpu.memory_space<semaphore_mem>>) src(%dma_wait3A_71 : memref<128x128xf32, #tpu.memory_space<vmem_shared>>) dst(%arg11 : memref<128x128xf32, #tpu.memory_space<vmem>>)
      tpu.yield
    }) : () -> ()
    %mul3A_38 = arith.constant 640 : i32
    %mul3A_39 = arith.muli %arg1, %mul3A_38 : i32
    %add3A_40 = arith.constant 128 : i32
    %add3A_41 = arith.addi %mul3A_39, %add3A_40 : i32
    "tpu.region"() ({
      %run_scoped3A = tpu.sem_alloc : memref<!tpu.dma_semaphore, #tpu.memory_space<semaphore_mem>>
      %dma_start3A = arith.constant 0 : i32
      %dma_start3A_66 = tpu.memref_slice %arg7[%arg0, %add3A_41, %dma_start3A] : memref<2x10240x128xf32, #tpu.memory_space<hbm>> -> memref<1x128x128xf32, #tpu.memory_space<hbm>>
      %dma_start3A_67 = tpu.memref_squeeze %dma_start3A_66 : memref<1x128x128xf32, #tpu.memory_space<hbm>> -> memref<128x128xf32, #tpu.memory_space<hbm>>
      %dma_start3A_68 = arith.constant 0 : i32
      %dma_start3A_69 = tpu.memref_slice %arg7[%arg0, %add3A_41, %dma_start3A_68] : memref<2x10240x128xf32, #tpu.memory_space<hbm>> -> memref<1x128x128xf32, #tpu.memory_space<hbm>>
      %dma_start3A_70 = tpu.memref_squeeze %dma_start3A_69 : memref<1x128x128xf32, #tpu.memory_space<hbm>> -> memref<128x128xf32, #tpu.memory_space<hbm>>
      tpu.enqueue_dma source(%arg11 : memref<128x128xf32, #tpu.memory_space<vmem>>) target(%dma_start3A_70 : memref<128x128xf32, #tpu.memory_space<hbm>>) target_semaphore(%run_scoped3A : memref<!tpu.dma_semaphore, #tpu.memory_space<semaphore_mem>>)
      %dma_wait3A = arith.constant 0 : i32
      %dma_wait3A_71 = tpu.memref_slice %arg7[%arg0, %add3A_41, %dma_wait3A] : memref<2x10240x128xf32, #tpu.memory_space<hbm>> -> memref<1x128x128xf32, #tpu.memory_space<hbm>>
      %dma_wait3A_72 = tpu.memref_squeeze %dma_wait3A_71 : memref<1x128x128xf32, #tpu.memory_space<hbm>> -> memref<128x128xf32, #tpu.memory_space<hbm>>
      %dma_wait3A_73 = arith.constant 0 : i32
      %dma_wait3A_74 = tpu.memref_slice %arg7[%arg0, %add3A_41, %dma_wait3A_73] : memref<2x10240x128xf32, #tpu.memory_space<hbm>> -> memref<1x128x128xf32, #tpu.memory_space<hbm>>
      %dma_wait3A_75 = tpu.memref_squeeze %dma_wait3A_74 : memref<1x128x128xf32, #tpu.memory_space<hbm>> -> memref<128x128xf32, #tpu.memory_space<hbm>>
      tpu.wait_dma2 semaphore(%run_scoped3A : memref<!tpu.dma_semaphore, #tpu.memory_space<semaphore_mem>>) src(%arg11 : memref<128x128xf32, #tpu.memory_space<vmem>>) dst(%dma_wait3A_75 : memref<128x128xf32, #tpu.memory_space<hbm>>)
      tpu.yield
    }) : () -> ()
    %mul3A_42 = arith.constant 640 : i32
    %mul3A_43 = arith.muli %arg1, %mul3A_42 : i32
    %add3A_44 = arith.constant 256 : i32
    %add3A_45 = arith.addi %mul3A_43, %add3A_44 : i32
    "tpu.region"() ({
      %run_scoped3A = tpu.sem_alloc : memref<!tpu.dma_semaphore, #tpu.memory_space<semaphore_mem>>
      %dma_start3A = arith.constant 0 : i32
      %dma_start3A_66 = tpu.memref_slice %arg8[%add3A_45, %dma_start3A] : memref<10240x128xf32, #tpu.memory_space<vmem_shared>> -> memref<128x128xf32, #tpu.memory_space<vmem_shared>>
      %dma_start3A_67 = arith.constant 0 : i32
      %dma_start3A_68 = tpu.memref_slice %arg8[%add3A_45, %dma_start3A_67] : memref<10240x128xf32, #tpu.memory_space<vmem_shared>> -> memref<128x128xf32, #tpu.memory_space<vmem_shared>>
      tpu.enqueue_dma source(%dma_start3A_68 : memref<128x128xf32, #tpu.memory_space<vmem_shared>>) target(%arg11 : memref<128x128xf32, #tpu.memory_space<vmem>>) target_semaphore(%run_scoped3A : memref<!tpu.dma_semaphore, #tpu.memory_space<semaphore_mem>>)
      %dma_wait3A = arith.constant 0 : i32
      %dma_wait3A_69 = tpu.memref_slice %arg8[%add3A_45, %dma_wait3A] : memref<10240x128xf32, #tpu.memory_space<vmem_shared>> -> memref<128x128xf32, #tpu.memory_space<vmem_shared>>
      %dma_wait3A_70 = arith.constant 0 : i32
      %dma_wait3A_71 = tpu.memref_slice %arg8[%add3A_45, %dma_wait3A_70] : memref<10240x128xf32, #tpu.memory_space<vmem_shared>> -> memref<128x128xf32, #tpu.memory_space<vmem_shared>>
      tpu.wait_dma2 semaphore(%run_scoped3A : memref<!tpu.dma_semaphore, #tpu.memory_space<semaphore_mem>>) src(%dma_wait3A_71 : memref<128x128xf32, #tpu.memory_space<vmem_shared>>) dst(%arg11 : memref<128x128xf32, #tpu.memory_space<vmem>>)
      tpu.yield
    }) : () -> ()
    %mul3A_46 = arith.constant 640 : i32
    %mul3A_47 = arith.muli %arg1, %mul3A_46 : i32
    %add3A_48 = arith.constant 256 : i32
    %add3A_49 = arith.addi %mul3A_47, %add3A_48 : i32
    "tpu.region"() ({
      %run_scoped3A = tpu.sem_alloc : memref<!tpu.dma_semaphore, #tpu.memory_space<semaphore_mem>>
      %dma_start3A = arith.constant 0 : i32
      %dma_start3A_66 = tpu.memref_slice %arg7[%arg0, %add3A_49, %dma_start3A] : memref<2x10240x128xf32, #tpu.memory_space<hbm>> -> memref<1x128x128xf32, #tpu.memory_space<hbm>>
      %dma_start3A_67 = tpu.memref_squeeze %dma_start3A_66 : memref<1x128x128xf32, #tpu.memory_space<hbm>> -> memref<128x128xf32, #tpu.memory_space<hbm>>
      %dma_start3A_68 = arith.constant 0 : i32
      %dma_start3A_69 = tpu.memref_slice %arg7[%arg0, %add3A_49, %dma_start3A_68] : memref<2x10240x128xf32, #tpu.memory_space<hbm>> -> memref<1x128x128xf32, #tpu.memory_space<hbm>>
      %dma_start3A_70 = tpu.memref_squeeze %dma_start3A_69 : memref<1x128x128xf32, #tpu.memory_space<hbm>> -> memref<128x128xf32, #tpu.memory_space<hbm>>
      tpu.enqueue_dma source(%arg11 : memref<128x128xf32, #tpu.memory_space<vmem>>) target(%dma_start3A_70 : memref<128x128xf32, #tpu.memory_space<hbm>>) target_semaphore(%run_scoped3A : memref<!tpu.dma_semaphore, #tpu.memory_space<semaphore_mem>>)
      %dma_wait3A = arith.constant 0 : i32
      %dma_wait3A_71 = tpu.memref_slice %arg7[%arg0, %add3A_49, %dma_wait3A] : memref<2x10240x128xf32, #tpu.memory_space<hbm>> -> memref<1x128x128xf32, #tpu.memory_space<hbm>>
      %dma_wait3A_72 = tpu.memref_squeeze %dma_wait3A_71 : memref<1x128x128xf32, #tpu.memory_space<hbm>> -> memref<128x128xf32, #tpu.memory_space<hbm>>
      %dma_wait3A_73 = arith.constant 0 : i32
      %dma_wait3A_74 = tpu.memref_slice %arg7[%arg0, %add3A_49, %dma_wait3A_73] : memref<2x10240x128xf32, #tpu.memory_space<hbm>> -> memref<1x128x128xf32, #tpu.memory_space<hbm>>
      %dma_wait3A_75 = tpu.memref_squeeze %dma_wait3A_74 : memref<1x128x128xf32, #tpu.memory_space<hbm>> -> memref<128x128xf32, #tpu.memory_space<hbm>>
      tpu.wait_dma2 semaphore(%run_scoped3A : memref<!tpu.dma_semaphore, #tpu.memory_space<semaphore_mem>>) src(%arg11 : memref<128x128xf32, #tpu.memory_space<vmem>>) dst(%dma_wait3A_75 : memref<128x128xf32, #tpu.memory_space<hbm>>)
      tpu.yield
    }) : () -> ()
    %mul3A_50 = arith.constant 640 : i32
    %mul3A_51 = arith.muli %arg1, %mul3A_50 : i32
    %add3A_52 = arith.constant 384 : i32
    %add3A_53 = arith.addi %mul3A_51, %add3A_52 : i32
    "tpu.region"() ({
      %run_scoped3A = tpu.sem_alloc : memref<!tpu.dma_semaphore, #tpu.memory_space<semaphore_mem>>
      %dma_start3A = arith.constant 0 : i32
      %dma_start3A_66 = tpu.memref_slice %arg8[%add3A_53, %dma_start3A] : memref<10240x128xf32, #tpu.memory_space<vmem_shared>> -> memref<128x128xf32, #tpu.memory_space<vmem_shared>>
      %dma_start3A_67 = arith.constant 0 : i32
      %dma_start3A_68 = tpu.memref_slice %arg8[%add3A_53, %dma_start3A_67] : memref<10240x128xf32, #tpu.memory_space<vmem_shared>> -> memref<128x128xf32, #tpu.memory_space<vmem_shared>>
      tpu.enqueue_dma source(%dma_start3A_68 : memref<128x128xf32, #tpu.memory_space<vmem_shared>>) target(%arg11 : memref<128x128xf32, #tpu.memory_space<vmem>>) target_semaphore(%run_scoped3A : memref<!tpu.dma_semaphore, #tpu.memory_space<semaphore_mem>>)
      %dma_wait3A = arith.constant 0 : i32
      %dma_wait3A_69 = tpu.memref_slice %arg8[%add3A_53, %dma_wait3A] : memref<10240x128xf32, #tpu.memory_space<vmem_shared>> -> memref<128x128xf32, #tpu.memory_space<vmem_shared>>
      %dma_wait3A_70 = arith.constant 0 : i32
      %dma_wait3A_71 = tpu.memref_slice %arg8[%add3A_53, %dma_wait3A_70] : memref<10240x128xf32, #tpu.memory_space<vmem_shared>> -> memref<128x128xf32, #tpu.memory_space<vmem_shared>>
      tpu.wait_dma2 semaphore(%run_scoped3A : memref<!tpu.dma_semaphore, #tpu.memory_space<semaphore_mem>>) src(%dma_wait3A_71 : memref<128x128xf32, #tpu.memory_space<vmem_shared>>) dst(%arg11 : memref<128x128xf32, #tpu.memory_space<vmem>>)
      tpu.yield
    }) : () -> ()
    %mul3A_54 = arith.constant 640 : i32
    %mul3A_55 = arith.muli %arg1, %mul3A_54 : i32
    %add3A_56 = arith.constant 384 : i32
    %add3A_57 = arith.addi %mul3A_55, %add3A_56 : i32
    "tpu.region"() ({
      %run_scoped3A = tpu.sem_alloc : memref<!tpu.dma_semaphore, #tpu.memory_space<semaphore_mem>>
      %dma_start3A = arith.constant 0 : i32
      %dma_start3A_66 = tpu.memref_slice %arg7[%arg0, %add3A_57, %dma_start3A] : memref<2x10240x128xf32, #tpu.memory_space<hbm>> -> memref<1x128x128xf32, #tpu.memory_space<hbm>>
      %dma_start3A_67 = tpu.memref_squeeze %dma_start3A_66 : memref<1x128x128xf32, #tpu.memory_space<hbm>> -> memref<128x128xf32, #tpu.memory_space<hbm>>
      %dma_start3A_68 = arith.constant 0 : i32
      %dma_start3A_69 = tpu.memref_slice %arg7[%arg0, %add3A_57, %dma_start3A_68] : memref<2x10240x128xf32, #tpu.memory_space<hbm>> -> memref<1x128x128xf32, #tpu.memory_space<hbm>>
      %dma_start3A_70 = tpu.memref_squeeze %dma_start3A_69 : memref<1x128x128xf32, #tpu.memory_space<hbm>> -> memref<128x128xf32, #tpu.memory_space<hbm>>
      tpu.enqueue_dma source(%arg11 : memref<128x128xf32, #tpu.memory_space<vmem>>) target(%dma_start3A_70 : memref<128x128xf32, #tpu.memory_space<hbm>>) target_semaphore(%run_scoped3A : memref<!tpu.dma_semaphore, #tpu.memory_space<semaphore_mem>>)
      %dma_wait3A = arith.constant 0 : i32
      %dma_wait3A_71 = tpu.memref_slice %arg7[%arg0, %add3A_57, %dma_wait3A] : memref<2x10240x128xf32, #tpu.memory_space<hbm>> -> memref<1x128x128xf32, #tpu.memory_space<hbm>>
      %dma_wait3A_72 = tpu.memref_squeeze %dma_wait3A_71 : memref<1x128x128xf32, #tpu.memory_space<hbm>> -> memref<128x128xf32, #tpu.memory_space<hbm>>
      %dma_wait3A_73 = arith.constant 0 : i32
      %dma_wait3A_74 = tpu.memref_slice %arg7[%arg0, %add3A_57, %dma_wait3A_73] : memref<2x10240x128xf32, #tpu.memory_space<hbm>> -> memref<1x128x128xf32, #tpu.memory_space<hbm>>
      %dma_wait3A_75 = tpu.memref_squeeze %dma_wait3A_74 : memref<1x128x128xf32, #tpu.memory_space<hbm>> -> memref<128x128xf32, #tpu.memory_space<hbm>>
      tpu.wait_dma2 semaphore(%run_scoped3A : memref<!tpu.dma_semaphore, #tpu.memory_space<semaphore_mem>>) src(%arg11 : memref<128x128xf32, #tpu.memory_space<vmem>>) dst(%dma_wait3A_75 : memref<128x128xf32, #tpu.memory_space<hbm>>)
      tpu.yield
    }) : () -> ()
    %mul3A_58 = arith.constant 640 : i32
    %mul3A_59 = arith.muli %arg1, %mul3A_58 : i32
    %add3A_60 = arith.constant 512 : i32
    %add3A_61 = arith.addi %mul3A_59, %add3A_60 : i32
    "tpu.region"() ({
      %run_scoped3A = tpu.sem_alloc : memref<!tpu.dma_semaphore, #tpu.memory_space<semaphore_mem>>
      %dma_start3A = arith.constant 0 : i32
      %dma_start3A_66 = tpu.memref_slice %arg8[%add3A_61, %dma_start3A] : memref<10240x128xf32, #tpu.memory_space<vmem_shared>> -> memref<128x128xf32, #tpu.memory_space<vmem_shared>>
      %dma_start3A_67 = arith.constant 0 : i32
      %dma_start3A_68 = tpu.memref_slice %arg8[%add3A_61, %dma_start3A_67] : memref<10240x128xf32, #tpu.memory_space<vmem_shared>> -> memref<128x128xf32, #tpu.memory_space<vmem_shared>>
      tpu.enqueue_dma source(%dma_start3A_68 : memref<128x128xf32, #tpu.memory_space<vmem_shared>>) target(%arg11 : memref<128x128xf32, #tpu.memory_space<vmem>>) target_semaphore(%run_scoped3A : memref<!tpu.dma_semaphore, #tpu.memory_space<semaphore_mem>>)
      %dma_wait3A = arith.constant 0 : i32
      %dma_wait3A_69 = tpu.memref_slice %arg8[%add3A_61, %dma_wait3A] : memref<10240x128xf32, #tpu.memory_space<vmem_shared>> -> memref<128x128xf32, #tpu.memory_space<vmem_shared>>
      %dma_wait3A_70 = arith.constant 0 : i32
      %dma_wait3A_71 = tpu.memref_slice %arg8[%add3A_61, %dma_wait3A_70] : memref<10240x128xf32, #tpu.memory_space<vmem_shared>> -> memref<128x128xf32, #tpu.memory_space<vmem_shared>>
      tpu.wait_dma2 semaphore(%run_scoped3A : memref<!tpu.dma_semaphore, #tpu.memory_space<semaphore_mem>>) src(%dma_wait3A_71 : memref<128x128xf32, #tpu.memory_space<vmem_shared>>) dst(%arg11 : memref<128x128xf32, #tpu.memory_space<vmem>>)
      tpu.yield
    }) : () -> ()
    %mul3A_62 = arith.constant 640 : i32
    %mul3A_63 = arith.muli %arg1, %mul3A_62 : i32
    %add3A_64 = arith.constant 512 : i32
    %add3A_65 = arith.addi %mul3A_63, %add3A_64 : i32
    "tpu.region"() ({
      %run_scoped3A = tpu.sem_alloc : memref<!tpu.dma_semaphore, #tpu.memory_space<semaphore_mem>>
      %dma_start3A = arith.constant 0 : i32
      %dma_start3A_66 = tpu.memref_slice %arg7[%arg0, %add3A_65, %dma_start3A] : memref<2x10240x128xf32, #tpu.memory_space<hbm>> -> memref<1x128x128xf32, #tpu.memory_space<hbm>>
      %dma_start3A_67 = tpu.memref_squeeze %dma_start3A_66 : memref<1x128x128xf32, #tpu.memory_space<hbm>> -> memref<128x128xf32, #tpu.memory_space<hbm>>
      %dma_start3A_68 = arith.constant 0 : i32
      %dma_start3A_69 = tpu.memref_slice %arg7[%arg0, %add3A_65, %dma_start3A_68] : memref<2x10240x128xf32, #tpu.memory_space<hbm>> -> memref<1x128x128xf32, #tpu.memory_space<hbm>>
      %dma_start3A_70 = tpu.memref_squeeze %dma_start3A_69 : memref<1x128x128xf32, #tpu.memory_space<hbm>> -> memref<128x128xf32, #tpu.memory_space<hbm>>
      tpu.enqueue_dma source(%arg11 : memref<128x128xf32, #tpu.memory_space<vmem>>) target(%dma_start3A_70 : memref<128x128xf32, #tpu.memory_space<hbm>>) target_semaphore(%run_scoped3A : memref<!tpu.dma_semaphore, #tpu.memory_space<semaphore_mem>>)
      %dma_wait3A = arith.constant 0 : i32
      %dma_wait3A_71 = tpu.memref_slice %arg7[%arg0, %add3A_65, %dma_wait3A] : memref<2x10240x128xf32, #tpu.memory_space<hbm>> -> memref<1x128x128xf32, #tpu.memory_space<hbm>>
      %dma_wait3A_72 = tpu.memref_squeeze %dma_wait3A_71 : memref<1x128x128xf32, #tpu.memory_space<hbm>> -> memref<128x128xf32, #tpu.memory_space<hbm>>
      %dma_wait3A_73 = arith.constant 0 : i32
      %dma_wait3A_74 = tpu.memref_slice %arg7[%arg0, %add3A_65, %dma_wait3A_73] : memref<2x10240x128xf32, #tpu.memory_space<hbm>> -> memref<1x128x128xf32, #tpu.memory_space<hbm>>
      %dma_wait3A_75 = tpu.memref_squeeze %dma_wait3A_74 : memref<1x128x128xf32, #tpu.memory_space<hbm>> -> memref<128x128xf32, #tpu.memory_space<hbm>>
      tpu.wait_dma2 semaphore(%run_scoped3A : memref<!tpu.dma_semaphore, #tpu.memory_space<semaphore_mem>>) src(%arg11 : memref<128x128xf32, #tpu.memory_space<vmem>>) dst(%dma_wait3A_75 : memref<128x128xf32, #tpu.memory_space<hbm>>)
      tpu.yield
    }) : () -> ()
    return
  }
}

#map = affine_map<(d0, d1) -> (0, 0, 0)>
#map1 = affine_map<(d0, d1) -> (0, 0)>
module attributes {stable_mosaic.version = 14 : i64} {
  func.func @_deg_body(%arg0: i32, %arg1: i32, %arg2: memref<32x80x128xi32, #tpu.memory_space<hbm>>, %arg3: memref<256x128xf32, #tpu.memory_space<hbm>>, %arg4: memref<2x10240x128xf32, #tpu.memory_space<hbm>>, %arg5: memref<10240x128xf32, #tpu.memory_space<vmem_shared>>, %arg6: memref<80x128xi32, #tpu.memory_space<vmem>>, %arg7: memref<128x128xf32, #tpu.memory_space<vmem>>, %arg8: memref<128x128xf32, #tpu.memory_space<vmem>>) attributes {dimension_semantics = [#tpu.dimension_semantics<core_parallel>, #tpu.dimension_semantics<subcore_parallel>], iteration_bounds = array<i64: 2, 16>, scalar_prefetch = 0 : i64, scratch_operands = 4 : i64, tpu.core_type = #tpu.core_type<sc_vector_subcore>, window_params = [{transform_indices = #map}, {transform_indices = #map1}, {transform_indices = #map}]} {
    %mul3A = arith.constant 16 : i32
    %mul3A_0 = arith.muli %arg0, %mul3A : i32
    %add3A = arith.addi %mul3A_0, %arg1 : i32
    "tpu.region"() ({
      %run_scoped3A = tpu.sem_alloc : memref<!tpu.dma_semaphore, #tpu.memory_space<semaphore_mem>>
      %dma_start3A = arith.constant 0 : i32
      %dma_start3A_68 = arith.constant 0 : i32
      %dma_start3A_69 = tpu.memref_slice %arg3[%dma_start3A, %dma_start3A_68] : memref<256x128xf32, #tpu.memory_space<hbm>> -> memref<128x128xf32, #tpu.memory_space<hbm>>
      %dma_start3A_70 = arith.constant 0 : i32
      %dma_start3A_71 = arith.constant 0 : i32
      %dma_start3A_72 = tpu.memref_slice %arg3[%dma_start3A_70, %dma_start3A_71] : memref<256x128xf32, #tpu.memory_space<hbm>> -> memref<128x128xf32, #tpu.memory_space<hbm>>
      tpu.enqueue_dma source(%dma_start3A_72 : memref<128x128xf32, #tpu.memory_space<hbm>>) target(%arg7 : memref<128x128xf32, #tpu.memory_space<vmem>>) target_semaphore(%run_scoped3A : memref<!tpu.dma_semaphore, #tpu.memory_space<semaphore_mem>>)
      %dma_wait3A = arith.constant 0 : i32
      %dma_wait3A_73 = arith.constant 0 : i32
      %dma_wait3A_74 = tpu.memref_slice %arg3[%dma_wait3A, %dma_wait3A_73] : memref<256x128xf32, #tpu.memory_space<hbm>> -> memref<128x128xf32, #tpu.memory_space<hbm>>
      %dma_wait3A_75 = arith.constant 0 : i32
      %dma_wait3A_76 = arith.constant 0 : i32
      %dma_wait3A_77 = tpu.memref_slice %arg3[%dma_wait3A_75, %dma_wait3A_76] : memref<256x128xf32, #tpu.memory_space<hbm>> -> memref<128x128xf32, #tpu.memory_space<hbm>>
      tpu.wait_dma2 semaphore(%run_scoped3A : memref<!tpu.dma_semaphore, #tpu.memory_space<semaphore_mem>>) src(%dma_wait3A_77 : memref<128x128xf32, #tpu.memory_space<hbm>>) dst(%arg7 : memref<128x128xf32, #tpu.memory_space<vmem>>)
      tpu.yield
    }) : () -> ()
    "tpu.region"() ({
      %run_scoped3A = tpu.sem_alloc : memref<!tpu.dma_semaphore, #tpu.memory_space<semaphore_mem>>
      %dma_start3A = arith.constant 128 : i32
      %dma_start3A_68 = arith.constant 0 : i32
      %dma_start3A_69 = tpu.memref_slice %arg3[%dma_start3A, %dma_start3A_68] : memref<256x128xf32, #tpu.memory_space<hbm>> -> memref<128x128xf32, #tpu.memory_space<hbm>>
      %dma_start3A_70 = arith.constant 128 : i32
      %dma_start3A_71 = arith.constant 0 : i32
      %dma_start3A_72 = tpu.memref_slice %arg3[%dma_start3A_70, %dma_start3A_71] : memref<256x128xf32, #tpu.memory_space<hbm>> -> memref<128x128xf32, #tpu.memory_space<hbm>>
      tpu.enqueue_dma source(%dma_start3A_72 : memref<128x128xf32, #tpu.memory_space<hbm>>) target(%arg8 : memref<128x128xf32, #tpu.memory_space<vmem>>) target_semaphore(%run_scoped3A : memref<!tpu.dma_semaphore, #tpu.memory_space<semaphore_mem>>)
      %dma_wait3A = arith.constant 128 : i32
      %dma_wait3A_73 = arith.constant 0 : i32
      %dma_wait3A_74 = tpu.memref_slice %arg3[%dma_wait3A, %dma_wait3A_73] : memref<256x128xf32, #tpu.memory_space<hbm>> -> memref<128x128xf32, #tpu.memory_space<hbm>>
      %dma_wait3A_75 = arith.constant 128 : i32
      %dma_wait3A_76 = arith.constant 0 : i32
      %dma_wait3A_77 = tpu.memref_slice %arg3[%dma_wait3A_75, %dma_wait3A_76] : memref<256x128xf32, #tpu.memory_space<hbm>> -> memref<128x128xf32, #tpu.memory_space<hbm>>
      tpu.wait_dma2 semaphore(%run_scoped3A : memref<!tpu.dma_semaphore, #tpu.memory_space<semaphore_mem>>) src(%dma_wait3A_77 : memref<128x128xf32, #tpu.memory_space<hbm>>) dst(%arg8 : memref<128x128xf32, #tpu.memory_space<vmem>>)
      tpu.yield
    }) : () -> ()
    %mul3A_1 = arith.constant 640 : i32
    %mul3A_2 = arith.muli %arg1, %mul3A_1 : i32
    %add3A_3 = arith.constant 0 : i32
    %add3A_4 = arith.addi %mul3A_2, %add3A_3 : i32
    "tpu.region"() ({
      %run_scoped3A = tpu.sem_alloc : memref<!tpu.dma_semaphore, #tpu.memory_space<semaphore_mem>>
      %dma_start3A = arith.constant 0 : i32
      %dma_start3A_68 = tpu.memref_slice %arg5[%add3A_4, %dma_start3A] : memref<10240x128xf32, #tpu.memory_space<vmem_shared>> -> memref<128x128xf32, #tpu.memory_space<vmem_shared>>
      %dma_start3A_69 = arith.constant 0 : i32
      %dma_start3A_70 = tpu.memref_slice %arg5[%add3A_4, %dma_start3A_69] : memref<10240x128xf32, #tpu.memory_space<vmem_shared>> -> memref<128x128xf32, #tpu.memory_space<vmem_shared>>
      tpu.enqueue_dma source(%arg8 : memref<128x128xf32, #tpu.memory_space<vmem>>) target(%dma_start3A_70 : memref<128x128xf32, #tpu.memory_space<vmem_shared>>) target_semaphore(%run_scoped3A : memref<!tpu.dma_semaphore, #tpu.memory_space<semaphore_mem>>)
      %dma_wait3A = arith.constant 0 : i32
      %dma_wait3A_71 = tpu.memref_slice %arg5[%add3A_4, %dma_wait3A] : memref<10240x128xf32, #tpu.memory_space<vmem_shared>> -> memref<128x128xf32, #tpu.memory_space<vmem_shared>>
      %dma_wait3A_72 = arith.constant 0 : i32
      %dma_wait3A_73 = tpu.memref_slice %arg5[%add3A_4, %dma_wait3A_72] : memref<10240x128xf32, #tpu.memory_space<vmem_shared>> -> memref<128x128xf32, #tpu.memory_space<vmem_shared>>
      tpu.wait_dma2 semaphore(%run_scoped3A : memref<!tpu.dma_semaphore, #tpu.memory_space<semaphore_mem>>) src(%arg8 : memref<128x128xf32, #tpu.memory_space<vmem>>) dst(%dma_wait3A_73 : memref<128x128xf32, #tpu.memory_space<vmem_shared>>)
      tpu.yield
    }) : () -> ()
    %mul3A_5 = arith.constant 640 : i32
    %mul3A_6 = arith.muli %arg1, %mul3A_5 : i32
    %add3A_7 = arith.constant 128 : i32
    %add3A_8 = arith.addi %mul3A_6, %add3A_7 : i32
    "tpu.region"() ({
      %run_scoped3A = tpu.sem_alloc : memref<!tpu.dma_semaphore, #tpu.memory_space<semaphore_mem>>
      %dma_start3A = arith.constant 0 : i32
      %dma_start3A_68 = tpu.memref_slice %arg5[%add3A_8, %dma_start3A] : memref<10240x128xf32, #tpu.memory_space<vmem_shared>> -> memref<128x128xf32, #tpu.memory_space<vmem_shared>>
      %dma_start3A_69 = arith.constant 0 : i32
      %dma_start3A_70 = tpu.memref_slice %arg5[%add3A_8, %dma_start3A_69] : memref<10240x128xf32, #tpu.memory_space<vmem_shared>> -> memref<128x128xf32, #tpu.memory_space<vmem_shared>>
      tpu.enqueue_dma source(%arg8 : memref<128x128xf32, #tpu.memory_space<vmem>>) target(%dma_start3A_70 : memref<128x128xf32, #tpu.memory_space<vmem_shared>>) target_semaphore(%run_scoped3A : memref<!tpu.dma_semaphore, #tpu.memory_space<semaphore_mem>>)
      %dma_wait3A = arith.constant 0 : i32
      %dma_wait3A_71 = tpu.memref_slice %arg5[%add3A_8, %dma_wait3A] : memref<10240x128xf32, #tpu.memory_space<vmem_shared>> -> memref<128x128xf32, #tpu.memory_space<vmem_shared>>
      %dma_wait3A_72 = arith.constant 0 : i32
      %dma_wait3A_73 = tpu.memref_slice %arg5[%add3A_8, %dma_wait3A_72] : memref<10240x128xf32, #tpu.memory_space<vmem_shared>> -> memref<128x128xf32, #tpu.memory_space<vmem_shared>>
      tpu.wait_dma2 semaphore(%run_scoped3A : memref<!tpu.dma_semaphore, #tpu.memory_space<semaphore_mem>>) src(%arg8 : memref<128x128xf32, #tpu.memory_space<vmem>>) dst(%dma_wait3A_73 : memref<128x128xf32, #tpu.memory_space<vmem_shared>>)
      tpu.yield
    }) : () -> ()
    %mul3A_9 = arith.constant 640 : i32
    %mul3A_10 = arith.muli %arg1, %mul3A_9 : i32
    %add3A_11 = arith.constant 256 : i32
    %add3A_12 = arith.addi %mul3A_10, %add3A_11 : i32
    "tpu.region"() ({
      %run_scoped3A = tpu.sem_alloc : memref<!tpu.dma_semaphore, #tpu.memory_space<semaphore_mem>>
      %dma_start3A = arith.constant 0 : i32
      %dma_start3A_68 = tpu.memref_slice %arg5[%add3A_12, %dma_start3A] : memref<10240x128xf32, #tpu.memory_space<vmem_shared>> -> memref<128x128xf32, #tpu.memory_space<vmem_shared>>
      %dma_start3A_69 = arith.constant 0 : i32
      %dma_start3A_70 = tpu.memref_slice %arg5[%add3A_12, %dma_start3A_69] : memref<10240x128xf32, #tpu.memory_space<vmem_shared>> -> memref<128x128xf32, #tpu.memory_space<vmem_shared>>
      tpu.enqueue_dma source(%arg8 : memref<128x128xf32, #tpu.memory_space<vmem>>) target(%dma_start3A_70 : memref<128x128xf32, #tpu.memory_space<vmem_shared>>) target_semaphore(%run_scoped3A : memref<!tpu.dma_semaphore, #tpu.memory_space<semaphore_mem>>)
      %dma_wait3A = arith.constant 0 : i32
      %dma_wait3A_71 = tpu.memref_slice %arg5[%add3A_12, %dma_wait3A] : memref<10240x128xf32, #tpu.memory_space<vmem_shared>> -> memref<128x128xf32, #tpu.memory_space<vmem_shared>>
      %dma_wait3A_72 = arith.constant 0 : i32
      %dma_wait3A_73 = tpu.memref_slice %arg5[%add3A_12, %dma_wait3A_72] : memref<10240x128xf32, #tpu.memory_space<vmem_shared>> -> memref<128x128xf32, #tpu.memory_space<vmem_shared>>
      tpu.wait_dma2 semaphore(%run_scoped3A : memref<!tpu.dma_semaphore, #tpu.memory_space<semaphore_mem>>) src(%arg8 : memref<128x128xf32, #tpu.memory_space<vmem>>) dst(%dma_wait3A_73 : memref<128x128xf32, #tpu.memory_space<vmem_shared>>)
      tpu.yield
    }) : () -> ()
    %mul3A_13 = arith.constant 640 : i32
    %mul3A_14 = arith.muli %arg1, %mul3A_13 : i32
    %add3A_15 = arith.constant 384 : i32
    %add3A_16 = arith.addi %mul3A_14, %add3A_15 : i32
    "tpu.region"() ({
      %run_scoped3A = tpu.sem_alloc : memref<!tpu.dma_semaphore, #tpu.memory_space<semaphore_mem>>
      %dma_start3A = arith.constant 0 : i32
      %dma_start3A_68 = tpu.memref_slice %arg5[%add3A_16, %dma_start3A] : memref<10240x128xf32, #tpu.memory_space<vmem_shared>> -> memref<128x128xf32, #tpu.memory_space<vmem_shared>>
      %dma_start3A_69 = arith.constant 0 : i32
      %dma_start3A_70 = tpu.memref_slice %arg5[%add3A_16, %dma_start3A_69] : memref<10240x128xf32, #tpu.memory_space<vmem_shared>> -> memref<128x128xf32, #tpu.memory_space<vmem_shared>>
      tpu.enqueue_dma source(%arg8 : memref<128x128xf32, #tpu.memory_space<vmem>>) target(%dma_start3A_70 : memref<128x128xf32, #tpu.memory_space<vmem_shared>>) target_semaphore(%run_scoped3A : memref<!tpu.dma_semaphore, #tpu.memory_space<semaphore_mem>>)
      %dma_wait3A = arith.constant 0 : i32
      %dma_wait3A_71 = tpu.memref_slice %arg5[%add3A_16, %dma_wait3A] : memref<10240x128xf32, #tpu.memory_space<vmem_shared>> -> memref<128x128xf32, #tpu.memory_space<vmem_shared>>
      %dma_wait3A_72 = arith.constant 0 : i32
      %dma_wait3A_73 = tpu.memref_slice %arg5[%add3A_16, %dma_wait3A_72] : memref<10240x128xf32, #tpu.memory_space<vmem_shared>> -> memref<128x128xf32, #tpu.memory_space<vmem_shared>>
      tpu.wait_dma2 semaphore(%run_scoped3A : memref<!tpu.dma_semaphore, #tpu.memory_space<semaphore_mem>>) src(%arg8 : memref<128x128xf32, #tpu.memory_space<vmem>>) dst(%dma_wait3A_73 : memref<128x128xf32, #tpu.memory_space<vmem_shared>>)
      tpu.yield
    }) : () -> ()
    %mul3A_17 = arith.constant 640 : i32
    %mul3A_18 = arith.muli %arg1, %mul3A_17 : i32
    %add3A_19 = arith.constant 512 : i32
    %add3A_20 = arith.addi %mul3A_18, %add3A_19 : i32
    "tpu.region"() ({
      %run_scoped3A = tpu.sem_alloc : memref<!tpu.dma_semaphore, #tpu.memory_space<semaphore_mem>>
      %dma_start3A = arith.constant 0 : i32
      %dma_start3A_68 = tpu.memref_slice %arg5[%add3A_20, %dma_start3A] : memref<10240x128xf32, #tpu.memory_space<vmem_shared>> -> memref<128x128xf32, #tpu.memory_space<vmem_shared>>
      %dma_start3A_69 = arith.constant 0 : i32
      %dma_start3A_70 = tpu.memref_slice %arg5[%add3A_20, %dma_start3A_69] : memref<10240x128xf32, #tpu.memory_space<vmem_shared>> -> memref<128x128xf32, #tpu.memory_space<vmem_shared>>
      tpu.enqueue_dma source(%arg8 : memref<128x128xf32, #tpu.memory_space<vmem>>) target(%dma_start3A_70 : memref<128x128xf32, #tpu.memory_space<vmem_shared>>) target_semaphore(%run_scoped3A : memref<!tpu.dma_semaphore, #tpu.memory_space<semaphore_mem>>)
      %dma_wait3A = arith.constant 0 : i32
      %dma_wait3A_71 = tpu.memref_slice %arg5[%add3A_20, %dma_wait3A] : memref<10240x128xf32, #tpu.memory_space<vmem_shared>> -> memref<128x128xf32, #tpu.memory_space<vmem_shared>>
      %dma_wait3A_72 = arith.constant 0 : i32
      %dma_wait3A_73 = tpu.memref_slice %arg5[%add3A_20, %dma_wait3A_72] : memref<10240x128xf32, #tpu.memory_space<vmem_shared>> -> memref<128x128xf32, #tpu.memory_space<vmem_shared>>
      tpu.wait_dma2 semaphore(%run_scoped3A : memref<!tpu.dma_semaphore, #tpu.memory_space<semaphore_mem>>) src(%arg8 : memref<128x128xf32, #tpu.memory_space<vmem>>) dst(%dma_wait3A_73 : memref<128x128xf32, #tpu.memory_space<vmem_shared>>)
      tpu.yield
    }) : () -> ()
    %barrier3A = arith.constant 0 : index
    tpu.barrier barrier_id(%barrier3A)
    "tpu.region"() ({
      %run_scoped3A = tpu.sem_alloc : memref<!tpu.dma_semaphore, #tpu.memory_space<semaphore_mem>>
      %dma_start3A = arith.constant 0 : i32
      %dma_start3A_68 = arith.constant 0 : i32
      %dma_start3A_69 = tpu.memref_slice %arg2[%add3A, %dma_start3A, %dma_start3A_68] : memref<32x80x128xi32, #tpu.memory_space<hbm>> -> memref<1x80x128xi32, #tpu.memory_space<hbm>>
      %dma_start3A_70 = tpu.memref_squeeze %dma_start3A_69 : memref<1x80x128xi32, #tpu.memory_space<hbm>> -> memref<80x128xi32, #tpu.memory_space<hbm>>
      %dma_start3A_71 = arith.constant 0 : i32
      %dma_start3A_72 = arith.constant 0 : i32
      %dma_start3A_73 = tpu.memref_slice %arg2[%add3A, %dma_start3A_71, %dma_start3A_72] : memref<32x80x128xi32, #tpu.memory_space<hbm>> -> memref<1x80x128xi32, #tpu.memory_space<hbm>>
      %dma_start3A_74 = tpu.memref_squeeze %dma_start3A_73 : memref<1x80x128xi32, #tpu.memory_space<hbm>> -> memref<80x128xi32, #tpu.memory_space<hbm>>
      tpu.enqueue_dma source(%dma_start3A_74 : memref<80x128xi32, #tpu.memory_space<hbm>>) target(%arg6 : memref<80x128xi32, #tpu.memory_space<vmem>>) target_semaphore(%run_scoped3A : memref<!tpu.dma_semaphore, #tpu.memory_space<semaphore_mem>>)
      %dma_wait3A = arith.constant 0 : i32
      %dma_wait3A_75 = arith.constant 0 : i32
      %dma_wait3A_76 = tpu.memref_slice %arg2[%add3A, %dma_wait3A, %dma_wait3A_75] : memref<32x80x128xi32, #tpu.memory_space<hbm>> -> memref<1x80x128xi32, #tpu.memory_space<hbm>>
      %dma_wait3A_77 = tpu.memref_squeeze %dma_wait3A_76 : memref<1x80x128xi32, #tpu.memory_space<hbm>> -> memref<80x128xi32, #tpu.memory_space<hbm>>
      %dma_wait3A_78 = arith.constant 0 : i32
      %dma_wait3A_79 = arith.constant 0 : i32
      %dma_wait3A_80 = tpu.memref_slice %arg2[%add3A, %dma_wait3A_78, %dma_wait3A_79] : memref<32x80x128xi32, #tpu.memory_space<hbm>> -> memref<1x80x128xi32, #tpu.memory_space<hbm>>
      %dma_wait3A_81 = tpu.memref_squeeze %dma_wait3A_80 : memref<1x80x128xi32, #tpu.memory_space<hbm>> -> memref<80x128xi32, #tpu.memory_space<hbm>>
      tpu.wait_dma2 semaphore(%run_scoped3A : memref<!tpu.dma_semaphore, #tpu.memory_space<semaphore_mem>>) src(%dma_wait3A_81 : memref<80x128xi32, #tpu.memory_space<hbm>>) dst(%arg6 : memref<80x128xi32, #tpu.memory_space<vmem>>)
      tpu.yield
    }) : () -> ()
    %scan3A = arith.constant 0 : i32
    %scan3A_21 = arith.constant 0 : i32
    %scan3A_22 = arith.constant 80 : i32
    %scan3A_23 = arith.addi %scan3A_21, %scan3A_22 : i32
    %scan3A_24 = arith.constant 1 : i32
    %scan3A_25 = scf.for %scan3A_68 = %scan3A_21 to %scan3A_23 step %scan3A_24 iter_args(%scan3A_69 = %scan3A) -> (i32)  : i32 {
      "tpu.region"() ({
        %run_scoped3A = tpu.sem_alloc : memref<!tpu.dma_semaphore, #tpu.memory_space<semaphore_mem>>
        %dma_start3A = arith.constant 0 : i32
        %dma_start3A_71 = tpu.memref_slice %arg6[%scan3A_68, %dma_start3A] : memref<80x128xi32, #tpu.memory_space<vmem>> -> memref<1x128xi32, #tpu.memory_space<vmem>>
        %dma_start3A_72 = tpu.memref_squeeze %dma_start3A_71 : memref<1x128xi32, #tpu.memory_space<vmem>> -> memref<128xi32, #tpu.memory_space<vmem>>
        %dma_start3A_73 = arith.constant 0 : i32
        %dma_start3A_74 = arith.constant 0 : i32
        %dma_start3A_75 = tpu.memref_slice %arg5[%dma_start3A_73, %dma_start3A_74] : memref<10240x128xf32, #tpu.memory_space<vmem_shared>> -> memref<10240x128xf32, #tpu.memory_space<vmem_shared>>
        tpu.enqueue_indirect_dma source(%arg7 : memref<128x128xf32, #tpu.memory_space<vmem>>) target(%dma_start3A_75 : memref<10240x128xf32, #tpu.memory_space<vmem_shared>>) offsets(%dma_start3A_72 : memref<128xi32, #tpu.memory_space<vmem>>) semaphore(%run_scoped3A : memref<!tpu.dma_semaphore, #tpu.memory_space<semaphore_mem>>) {add = true}
        %dma_wait3A = arith.constant 0 : i32
        %dma_wait3A_76 = tpu.memref_slice %arg6[%scan3A_68, %dma_wait3A] : memref<80x128xi32, #tpu.memory_space<vmem>> -> memref<1x128xi32, #tpu.memory_space<vmem>>
        %dma_wait3A_77 = tpu.memref_squeeze %dma_wait3A_76 : memref<1x128xi32, #tpu.memory_space<vmem>> -> memref<128xi32, #tpu.memory_space<vmem>>
        %dma_wait3A_78 = arith.constant 0 : i32
        %dma_wait3A_79 = arith.constant 0 : i32
        %dma_wait3A_80 = tpu.memref_slice %arg5[%dma_wait3A_78, %dma_wait3A_79] : memref<10240x128xf32, #tpu.memory_space<vmem_shared>> -> memref<10240x128xf32, #tpu.memory_space<vmem_shared>>
        tpu.wait_indirect_dma semaphore(%run_scoped3A : memref<!tpu.dma_semaphore, #tpu.memory_space<semaphore_mem>>) src(%arg7 : memref<128x128xf32, #tpu.memory_space<vmem>>) dst(%dma_wait3A_80 : memref<10240x128xf32, #tpu.memory_space<vmem_shared>>)
        tpu.yield
      }) : () -> ()
      %scan3A_70 = arith.constant 0 : i32
      scf.yield %scan3A_70 : i32
    }
    %scan3A_26 = arith.constant 80 : i32
    %barrier3A_27 = arith.constant 0 : index
    tpu.barrier barrier_id(%barrier3A_27)
    %mul3A_28 = arith.constant 640 : i32
    %mul3A_29 = arith.muli %arg1, %mul3A_28 : i32
    %add3A_30 = arith.constant 0 : i32
    %add3A_31 = arith.addi %mul3A_29, %add3A_30 : i32
    "tpu.region"() ({
      %run_scoped3A = tpu.sem_alloc : memref<!tpu.dma_semaphore, #tpu.memory_space<semaphore_mem>>
      %dma_start3A = arith.constant 0 : i32
      %dma_start3A_68 = tpu.memref_slice %arg5[%add3A_31, %dma_start3A] : memref<10240x128xf32, #tpu.memory_space<vmem_shared>> -> memref<128x128xf32, #tpu.memory_space<vmem_shared>>
      %dma_start3A_69 = arith.constant 0 : i32
      %dma_start3A_70 = tpu.memref_slice %arg5[%add3A_31, %dma_start3A_69] : memref<10240x128xf32, #tpu.memory_space<vmem_shared>> -> memref<128x128xf32, #tpu.memory_space<vmem_shared>>
      tpu.enqueue_dma source(%dma_start3A_70 : memref<128x128xf32, #tpu.memory_space<vmem_shared>>) target(%arg8 : memref<128x128xf32, #tpu.memory_space<vmem>>) target_semaphore(%run_scoped3A : memref<!tpu.dma_semaphore, #tpu.memory_space<semaphore_mem>>)
      %dma_wait3A = arith.constant 0 : i32
      %dma_wait3A_71 = tpu.memref_slice %arg5[%add3A_31, %dma_wait3A] : memref<10240x128xf32, #tpu.memory_space<vmem_shared>> -> memref<128x128xf32, #tpu.memory_space<vmem_shared>>
      %dma_wait3A_72 = arith.constant 0 : i32
      %dma_wait3A_73 = tpu.memref_slice %arg5[%add3A_31, %dma_wait3A_72] : memref<10240x128xf32, #tpu.memory_space<vmem_shared>> -> memref<128x128xf32, #tpu.memory_space<vmem_shared>>
      tpu.wait_dma2 semaphore(%run_scoped3A : memref<!tpu.dma_semaphore, #tpu.memory_space<semaphore_mem>>) src(%dma_wait3A_73 : memref<128x128xf32, #tpu.memory_space<vmem_shared>>) dst(%arg8 : memref<128x128xf32, #tpu.memory_space<vmem>>)
      tpu.yield
    }) : () -> ()
    %mul3A_32 = arith.constant 640 : i32
    %mul3A_33 = arith.muli %arg1, %mul3A_32 : i32
    %add3A_34 = arith.constant 0 : i32
    %add3A_35 = arith.addi %mul3A_33, %add3A_34 : i32
    "tpu.region"() ({
      %run_scoped3A = tpu.sem_alloc : memref<!tpu.dma_semaphore, #tpu.memory_space<semaphore_mem>>
      %dma_start3A = arith.constant 0 : i32
      %dma_start3A_68 = tpu.memref_slice %arg4[%arg0, %add3A_35, %dma_start3A] : memref<2x10240x128xf32, #tpu.memory_space<hbm>> -> memref<1x128x128xf32, #tpu.memory_space<hbm>>
      %dma_start3A_69 = tpu.memref_squeeze %dma_start3A_68 : memref<1x128x128xf32, #tpu.memory_space<hbm>> -> memref<128x128xf32, #tpu.memory_space<hbm>>
      %dma_start3A_70 = arith.constant 0 : i32
      %dma_start3A_71 = tpu.memref_slice %arg4[%arg0, %add3A_35, %dma_start3A_70] : memref<2x10240x128xf32, #tpu.memory_space<hbm>> -> memref<1x128x128xf32, #tpu.memory_space<hbm>>
      %dma_start3A_72 = tpu.memref_squeeze %dma_start3A_71 : memref<1x128x128xf32, #tpu.memory_space<hbm>> -> memref<128x128xf32, #tpu.memory_space<hbm>>
      tpu.enqueue_dma source(%arg8 : memref<128x128xf32, #tpu.memory_space<vmem>>) target(%dma_start3A_72 : memref<128x128xf32, #tpu.memory_space<hbm>>) target_semaphore(%run_scoped3A : memref<!tpu.dma_semaphore, #tpu.memory_space<semaphore_mem>>)
      %dma_wait3A = arith.constant 0 : i32
      %dma_wait3A_73 = tpu.memref_slice %arg4[%arg0, %add3A_35, %dma_wait3A] : memref<2x10240x128xf32, #tpu.memory_space<hbm>> -> memref<1x128x128xf32, #tpu.memory_space<hbm>>
      %dma_wait3A_74 = tpu.memref_squeeze %dma_wait3A_73 : memref<1x128x128xf32, #tpu.memory_space<hbm>> -> memref<128x128xf32, #tpu.memory_space<hbm>>
      %dma_wait3A_75 = arith.constant 0 : i32
      %dma_wait3A_76 = tpu.memref_slice %arg4[%arg0, %add3A_35, %dma_wait3A_75] : memref<2x10240x128xf32, #tpu.memory_space<hbm>> -> memref<1x128x128xf32, #tpu.memory_space<hbm>>
      %dma_wait3A_77 = tpu.memref_squeeze %dma_wait3A_76 : memref<1x128x128xf32, #tpu.memory_space<hbm>> -> memref<128x128xf32, #tpu.memory_space<hbm>>
      tpu.wait_dma2 semaphore(%run_scoped3A : memref<!tpu.dma_semaphore, #tpu.memory_space<semaphore_mem>>) src(%arg8 : memref<128x128xf32, #tpu.memory_space<vmem>>) dst(%dma_wait3A_77 : memref<128x128xf32, #tpu.memory_space<hbm>>)
      tpu.yield
    }) : () -> ()
    %mul3A_36 = arith.constant 640 : i32
    %mul3A_37 = arith.muli %arg1, %mul3A_36 : i32
    %add3A_38 = arith.constant 128 : i32
    %add3A_39 = arith.addi %mul3A_37, %add3A_38 : i32
    "tpu.region"() ({
      %run_scoped3A = tpu.sem_alloc : memref<!tpu.dma_semaphore, #tpu.memory_space<semaphore_mem>>
      %dma_start3A = arith.constant 0 : i32
      %dma_start3A_68 = tpu.memref_slice %arg5[%add3A_39, %dma_start3A] : memref<10240x128xf32, #tpu.memory_space<vmem_shared>> -> memref<128x128xf32, #tpu.memory_space<vmem_shared>>
      %dma_start3A_69 = arith.constant 0 : i32
      %dma_start3A_70 = tpu.memref_slice %arg5[%add3A_39, %dma_start3A_69] : memref<10240x128xf32, #tpu.memory_space<vmem_shared>> -> memref<128x128xf32, #tpu.memory_space<vmem_shared>>
      tpu.enqueue_dma source(%dma_start3A_70 : memref<128x128xf32, #tpu.memory_space<vmem_shared>>) target(%arg8 : memref<128x128xf32, #tpu.memory_space<vmem>>) target_semaphore(%run_scoped3A : memref<!tpu.dma_semaphore, #tpu.memory_space<semaphore_mem>>)
      %dma_wait3A = arith.constant 0 : i32
      %dma_wait3A_71 = tpu.memref_slice %arg5[%add3A_39, %dma_wait3A] : memref<10240x128xf32, #tpu.memory_space<vmem_shared>> -> memref<128x128xf32, #tpu.memory_space<vmem_shared>>
      %dma_wait3A_72 = arith.constant 0 : i32
      %dma_wait3A_73 = tpu.memref_slice %arg5[%add3A_39, %dma_wait3A_72] : memref<10240x128xf32, #tpu.memory_space<vmem_shared>> -> memref<128x128xf32, #tpu.memory_space<vmem_shared>>
      tpu.wait_dma2 semaphore(%run_scoped3A : memref<!tpu.dma_semaphore, #tpu.memory_space<semaphore_mem>>) src(%dma_wait3A_73 : memref<128x128xf32, #tpu.memory_space<vmem_shared>>) dst(%arg8 : memref<128x128xf32, #tpu.memory_space<vmem>>)
      tpu.yield
    }) : () -> ()
    %mul3A_40 = arith.constant 640 : i32
    %mul3A_41 = arith.muli %arg1, %mul3A_40 : i32
    %add3A_42 = arith.constant 128 : i32
    %add3A_43 = arith.addi %mul3A_41, %add3A_42 : i32
    "tpu.region"() ({
      %run_scoped3A = tpu.sem_alloc : memref<!tpu.dma_semaphore, #tpu.memory_space<semaphore_mem>>
      %dma_start3A = arith.constant 0 : i32
      %dma_start3A_68 = tpu.memref_slice %arg4[%arg0, %add3A_43, %dma_start3A] : memref<2x10240x128xf32, #tpu.memory_space<hbm>> -> memref<1x128x128xf32, #tpu.memory_space<hbm>>
      %dma_start3A_69 = tpu.memref_squeeze %dma_start3A_68 : memref<1x128x128xf32, #tpu.memory_space<hbm>> -> memref<128x128xf32, #tpu.memory_space<hbm>>
      %dma_start3A_70 = arith.constant 0 : i32
      %dma_start3A_71 = tpu.memref_slice %arg4[%arg0, %add3A_43, %dma_start3A_70] : memref<2x10240x128xf32, #tpu.memory_space<hbm>> -> memref<1x128x128xf32, #tpu.memory_space<hbm>>
      %dma_start3A_72 = tpu.memref_squeeze %dma_start3A_71 : memref<1x128x128xf32, #tpu.memory_space<hbm>> -> memref<128x128xf32, #tpu.memory_space<hbm>>
      tpu.enqueue_dma source(%arg8 : memref<128x128xf32, #tpu.memory_space<vmem>>) target(%dma_start3A_72 : memref<128x128xf32, #tpu.memory_space<hbm>>) target_semaphore(%run_scoped3A : memref<!tpu.dma_semaphore, #tpu.memory_space<semaphore_mem>>)
      %dma_wait3A = arith.constant 0 : i32
      %dma_wait3A_73 = tpu.memref_slice %arg4[%arg0, %add3A_43, %dma_wait3A] : memref<2x10240x128xf32, #tpu.memory_space<hbm>> -> memref<1x128x128xf32, #tpu.memory_space<hbm>>
      %dma_wait3A_74 = tpu.memref_squeeze %dma_wait3A_73 : memref<1x128x128xf32, #tpu.memory_space<hbm>> -> memref<128x128xf32, #tpu.memory_space<hbm>>
      %dma_wait3A_75 = arith.constant 0 : i32
      %dma_wait3A_76 = tpu.memref_slice %arg4[%arg0, %add3A_43, %dma_wait3A_75] : memref<2x10240x128xf32, #tpu.memory_space<hbm>> -> memref<1x128x128xf32, #tpu.memory_space<hbm>>
      %dma_wait3A_77 = tpu.memref_squeeze %dma_wait3A_76 : memref<1x128x128xf32, #tpu.memory_space<hbm>> -> memref<128x128xf32, #tpu.memory_space<hbm>>
      tpu.wait_dma2 semaphore(%run_scoped3A : memref<!tpu.dma_semaphore, #tpu.memory_space<semaphore_mem>>) src(%arg8 : memref<128x128xf32, #tpu.memory_space<vmem>>) dst(%dma_wait3A_77 : memref<128x128xf32, #tpu.memory_space<hbm>>)
      tpu.yield
    }) : () -> ()
    %mul3A_44 = arith.constant 640 : i32
    %mul3A_45 = arith.muli %arg1, %mul3A_44 : i32
    %add3A_46 = arith.constant 256 : i32
    %add3A_47 = arith.addi %mul3A_45, %add3A_46 : i32
    "tpu.region"() ({
      %run_scoped3A = tpu.sem_alloc : memref<!tpu.dma_semaphore, #tpu.memory_space<semaphore_mem>>
      %dma_start3A = arith.constant 0 : i32
      %dma_start3A_68 = tpu.memref_slice %arg5[%add3A_47, %dma_start3A] : memref<10240x128xf32, #tpu.memory_space<vmem_shared>> -> memref<128x128xf32, #tpu.memory_space<vmem_shared>>
      %dma_start3A_69 = arith.constant 0 : i32
      %dma_start3A_70 = tpu.memref_slice %arg5[%add3A_47, %dma_start3A_69] : memref<10240x128xf32, #tpu.memory_space<vmem_shared>> -> memref<128x128xf32, #tpu.memory_space<vmem_shared>>
      tpu.enqueue_dma source(%dma_start3A_70 : memref<128x128xf32, #tpu.memory_space<vmem_shared>>) target(%arg8 : memref<128x128xf32, #tpu.memory_space<vmem>>) target_semaphore(%run_scoped3A : memref<!tpu.dma_semaphore, #tpu.memory_space<semaphore_mem>>)
      %dma_wait3A = arith.constant 0 : i32
      %dma_wait3A_71 = tpu.memref_slice %arg5[%add3A_47, %dma_wait3A] : memref<10240x128xf32, #tpu.memory_space<vmem_shared>> -> memref<128x128xf32, #tpu.memory_space<vmem_shared>>
      %dma_wait3A_72 = arith.constant 0 : i32
      %dma_wait3A_73 = tpu.memref_slice %arg5[%add3A_47, %dma_wait3A_72] : memref<10240x128xf32, #tpu.memory_space<vmem_shared>> -> memref<128x128xf32, #tpu.memory_space<vmem_shared>>
      tpu.wait_dma2 semaphore(%run_scoped3A : memref<!tpu.dma_semaphore, #tpu.memory_space<semaphore_mem>>) src(%dma_wait3A_73 : memref<128x128xf32, #tpu.memory_space<vmem_shared>>) dst(%arg8 : memref<128x128xf32, #tpu.memory_space<vmem>>)
      tpu.yield
    }) : () -> ()
    %mul3A_48 = arith.constant 640 : i32
    %mul3A_49 = arith.muli %arg1, %mul3A_48 : i32
    %add3A_50 = arith.constant 256 : i32
    %add3A_51 = arith.addi %mul3A_49, %add3A_50 : i32
    "tpu.region"() ({
      %run_scoped3A = tpu.sem_alloc : memref<!tpu.dma_semaphore, #tpu.memory_space<semaphore_mem>>
      %dma_start3A = arith.constant 0 : i32
      %dma_start3A_68 = tpu.memref_slice %arg4[%arg0, %add3A_51, %dma_start3A] : memref<2x10240x128xf32, #tpu.memory_space<hbm>> -> memref<1x128x128xf32, #tpu.memory_space<hbm>>
      %dma_start3A_69 = tpu.memref_squeeze %dma_start3A_68 : memref<1x128x128xf32, #tpu.memory_space<hbm>> -> memref<128x128xf32, #tpu.memory_space<hbm>>
      %dma_start3A_70 = arith.constant 0 : i32
      %dma_start3A_71 = tpu.memref_slice %arg4[%arg0, %add3A_51, %dma_start3A_70] : memref<2x10240x128xf32, #tpu.memory_space<hbm>> -> memref<1x128x128xf32, #tpu.memory_space<hbm>>
      %dma_start3A_72 = tpu.memref_squeeze %dma_start3A_71 : memref<1x128x128xf32, #tpu.memory_space<hbm>> -> memref<128x128xf32, #tpu.memory_space<hbm>>
      tpu.enqueue_dma source(%arg8 : memref<128x128xf32, #tpu.memory_space<vmem>>) target(%dma_start3A_72 : memref<128x128xf32, #tpu.memory_space<hbm>>) target_semaphore(%run_scoped3A : memref<!tpu.dma_semaphore, #tpu.memory_space<semaphore_mem>>)
      %dma_wait3A = arith.constant 0 : i32
      %dma_wait3A_73 = tpu.memref_slice %arg4[%arg0, %add3A_51, %dma_wait3A] : memref<2x10240x128xf32, #tpu.memory_space<hbm>> -> memref<1x128x128xf32, #tpu.memory_space<hbm>>
      %dma_wait3A_74 = tpu.memref_squeeze %dma_wait3A_73 : memref<1x128x128xf32, #tpu.memory_space<hbm>> -> memref<128x128xf32, #tpu.memory_space<hbm>>
      %dma_wait3A_75 = arith.constant 0 : i32
      %dma_wait3A_76 = tpu.memref_slice %arg4[%arg0, %add3A_51, %dma_wait3A_75] : memref<2x10240x128xf32, #tpu.memory_space<hbm>> -> memref<1x128x128xf32, #tpu.memory_space<hbm>>
      %dma_wait3A_77 = tpu.memref_squeeze %dma_wait3A_76 : memref<1x128x128xf32, #tpu.memory_space<hbm>> -> memref<128x128xf32, #tpu.memory_space<hbm>>
      tpu.wait_dma2 semaphore(%run_scoped3A : memref<!tpu.dma_semaphore, #tpu.memory_space<semaphore_mem>>) src(%arg8 : memref<128x128xf32, #tpu.memory_space<vmem>>) dst(%dma_wait3A_77 : memref<128x128xf32, #tpu.memory_space<hbm>>)
      tpu.yield
    }) : () -> ()
    %mul3A_52 = arith.constant 640 : i32
    %mul3A_53 = arith.muli %arg1, %mul3A_52 : i32
    %add3A_54 = arith.constant 384 : i32
    %add3A_55 = arith.addi %mul3A_53, %add3A_54 : i32
    "tpu.region"() ({
      %run_scoped3A = tpu.sem_alloc : memref<!tpu.dma_semaphore, #tpu.memory_space<semaphore_mem>>
      %dma_start3A = arith.constant 0 : i32
      %dma_start3A_68 = tpu.memref_slice %arg5[%add3A_55, %dma_start3A] : memref<10240x128xf32, #tpu.memory_space<vmem_shared>> -> memref<128x128xf32, #tpu.memory_space<vmem_shared>>
      %dma_start3A_69 = arith.constant 0 : i32
      %dma_start3A_70 = tpu.memref_slice %arg5[%add3A_55, %dma_start3A_69] : memref<10240x128xf32, #tpu.memory_space<vmem_shared>> -> memref<128x128xf32, #tpu.memory_space<vmem_shared>>
      tpu.enqueue_dma source(%dma_start3A_70 : memref<128x128xf32, #tpu.memory_space<vmem_shared>>) target(%arg8 : memref<128x128xf32, #tpu.memory_space<vmem>>) target_semaphore(%run_scoped3A : memref<!tpu.dma_semaphore, #tpu.memory_space<semaphore_mem>>)
      %dma_wait3A = arith.constant 0 : i32
      %dma_wait3A_71 = tpu.memref_slice %arg5[%add3A_55, %dma_wait3A] : memref<10240x128xf32, #tpu.memory_space<vmem_shared>> -> memref<128x128xf32, #tpu.memory_space<vmem_shared>>
      %dma_wait3A_72 = arith.constant 0 : i32
      %dma_wait3A_73 = tpu.memref_slice %arg5[%add3A_55, %dma_wait3A_72] : memref<10240x128xf32, #tpu.memory_space<vmem_shared>> -> memref<128x128xf32, #tpu.memory_space<vmem_shared>>
      tpu.wait_dma2 semaphore(%run_scoped3A : memref<!tpu.dma_semaphore, #tpu.memory_space<semaphore_mem>>) src(%dma_wait3A_73 : memref<128x128xf32, #tpu.memory_space<vmem_shared>>) dst(%arg8 : memref<128x128xf32, #tpu.memory_space<vmem>>)
      tpu.yield
    }) : () -> ()
    %mul3A_56 = arith.constant 640 : i32
    %mul3A_57 = arith.muli %arg1, %mul3A_56 : i32
    %add3A_58 = arith.constant 384 : i32
    %add3A_59 = arith.addi %mul3A_57, %add3A_58 : i32
    "tpu.region"() ({
      %run_scoped3A = tpu.sem_alloc : memref<!tpu.dma_semaphore, #tpu.memory_space<semaphore_mem>>
      %dma_start3A = arith.constant 0 : i32
      %dma_start3A_68 = tpu.memref_slice %arg4[%arg0, %add3A_59, %dma_start3A] : memref<2x10240x128xf32, #tpu.memory_space<hbm>> -> memref<1x128x128xf32, #tpu.memory_space<hbm>>
      %dma_start3A_69 = tpu.memref_squeeze %dma_start3A_68 : memref<1x128x128xf32, #tpu.memory_space<hbm>> -> memref<128x128xf32, #tpu.memory_space<hbm>>
      %dma_start3A_70 = arith.constant 0 : i32
      %dma_start3A_71 = tpu.memref_slice %arg4[%arg0, %add3A_59, %dma_start3A_70] : memref<2x10240x128xf32, #tpu.memory_space<hbm>> -> memref<1x128x128xf32, #tpu.memory_space<hbm>>
      %dma_start3A_72 = tpu.memref_squeeze %dma_start3A_71 : memref<1x128x128xf32, #tpu.memory_space<hbm>> -> memref<128x128xf32, #tpu.memory_space<hbm>>
      tpu.enqueue_dma source(%arg8 : memref<128x128xf32, #tpu.memory_space<vmem>>) target(%dma_start3A_72 : memref<128x128xf32, #tpu.memory_space<hbm>>) target_semaphore(%run_scoped3A : memref<!tpu.dma_semaphore, #tpu.memory_space<semaphore_mem>>)
      %dma_wait3A = arith.constant 0 : i32
      %dma_wait3A_73 = tpu.memref_slice %arg4[%arg0, %add3A_59, %dma_wait3A] : memref<2x10240x128xf32, #tpu.memory_space<hbm>> -> memref<1x128x128xf32, #tpu.memory_space<hbm>>
      %dma_wait3A_74 = tpu.memref_squeeze %dma_wait3A_73 : memref<1x128x128xf32, #tpu.memory_space<hbm>> -> memref<128x128xf32, #tpu.memory_space<hbm>>
      %dma_wait3A_75 = arith.constant 0 : i32
      %dma_wait3A_76 = tpu.memref_slice %arg4[%arg0, %add3A_59, %dma_wait3A_75] : memref<2x10240x128xf32, #tpu.memory_space<hbm>> -> memref<1x128x128xf32, #tpu.memory_space<hbm>>
      %dma_wait3A_77 = tpu.memref_squeeze %dma_wait3A_76 : memref<1x128x128xf32, #tpu.memory_space<hbm>> -> memref<128x128xf32, #tpu.memory_space<hbm>>
      tpu.wait_dma2 semaphore(%run_scoped3A : memref<!tpu.dma_semaphore, #tpu.memory_space<semaphore_mem>>) src(%arg8 : memref<128x128xf32, #tpu.memory_space<vmem>>) dst(%dma_wait3A_77 : memref<128x128xf32, #tpu.memory_space<hbm>>)
      tpu.yield
    }) : () -> ()
    %mul3A_60 = arith.constant 640 : i32
    %mul3A_61 = arith.muli %arg1, %mul3A_60 : i32
    %add3A_62 = arith.constant 512 : i32
    %add3A_63 = arith.addi %mul3A_61, %add3A_62 : i32
    "tpu.region"() ({
      %run_scoped3A = tpu.sem_alloc : memref<!tpu.dma_semaphore, #tpu.memory_space<semaphore_mem>>
      %dma_start3A = arith.constant 0 : i32
      %dma_start3A_68 = tpu.memref_slice %arg5[%add3A_63, %dma_start3A] : memref<10240x128xf32, #tpu.memory_space<vmem_shared>> -> memref<128x128xf32, #tpu.memory_space<vmem_shared>>
      %dma_start3A_69 = arith.constant 0 : i32
      %dma_start3A_70 = tpu.memref_slice %arg5[%add3A_63, %dma_start3A_69] : memref<10240x128xf32, #tpu.memory_space<vmem_shared>> -> memref<128x128xf32, #tpu.memory_space<vmem_shared>>
      tpu.enqueue_dma source(%dma_start3A_70 : memref<128x128xf32, #tpu.memory_space<vmem_shared>>) target(%arg8 : memref<128x128xf32, #tpu.memory_space<vmem>>) target_semaphore(%run_scoped3A : memref<!tpu.dma_semaphore, #tpu.memory_space<semaphore_mem>>)
      %dma_wait3A = arith.constant 0 : i32
      %dma_wait3A_71 = tpu.memref_slice %arg5[%add3A_63, %dma_wait3A] : memref<10240x128xf32, #tpu.memory_space<vmem_shared>> -> memref<128x128xf32, #tpu.memory_space<vmem_shared>>
      %dma_wait3A_72 = arith.constant 0 : i32
      %dma_wait3A_73 = tpu.memref_slice %arg5[%add3A_63, %dma_wait3A_72] : memref<10240x128xf32, #tpu.memory_space<vmem_shared>> -> memref<128x128xf32, #tpu.memory_space<vmem_shared>>
      tpu.wait_dma2 semaphore(%run_scoped3A : memref<!tpu.dma_semaphore, #tpu.memory_space<semaphore_mem>>) src(%dma_wait3A_73 : memref<128x128xf32, #tpu.memory_space<vmem_shared>>) dst(%arg8 : memref<128x128xf32, #tpu.memory_space<vmem>>)
      tpu.yield
    }) : () -> ()
    %mul3A_64 = arith.constant 640 : i32
    %mul3A_65 = arith.muli %arg1, %mul3A_64 : i32
    %add3A_66 = arith.constant 512 : i32
    %add3A_67 = arith.addi %mul3A_65, %add3A_66 : i32
    "tpu.region"() ({
      %run_scoped3A = tpu.sem_alloc : memref<!tpu.dma_semaphore, #tpu.memory_space<semaphore_mem>>
      %dma_start3A = arith.constant 0 : i32
      %dma_start3A_68 = tpu.memref_slice %arg4[%arg0, %add3A_67, %dma_start3A] : memref<2x10240x128xf32, #tpu.memory_space<hbm>> -> memref<1x128x128xf32, #tpu.memory_space<hbm>>
      %dma_start3A_69 = tpu.memref_squeeze %dma_start3A_68 : memref<1x128x128xf32, #tpu.memory_space<hbm>> -> memref<128x128xf32, #tpu.memory_space<hbm>>
      %dma_start3A_70 = arith.constant 0 : i32
      %dma_start3A_71 = tpu.memref_slice %arg4[%arg0, %add3A_67, %dma_start3A_70] : memref<2x10240x128xf32, #tpu.memory_space<hbm>> -> memref<1x128x128xf32, #tpu.memory_space<hbm>>
      %dma_start3A_72 = tpu.memref_squeeze %dma_start3A_71 : memref<1x128x128xf32, #tpu.memory_space<hbm>> -> memref<128x128xf32, #tpu.memory_space<hbm>>
      tpu.enqueue_dma source(%arg8 : memref<128x128xf32, #tpu.memory_space<vmem>>) target(%dma_start3A_72 : memref<128x128xf32, #tpu.memory_space<hbm>>) target_semaphore(%run_scoped3A : memref<!tpu.dma_semaphore, #tpu.memory_space<semaphore_mem>>)
      %dma_wait3A = arith.constant 0 : i32
      %dma_wait3A_73 = tpu.memref_slice %arg4[%arg0, %add3A_67, %dma_wait3A] : memref<2x10240x128xf32, #tpu.memory_space<hbm>> -> memref<1x128x128xf32, #tpu.memory_space<hbm>>
      %dma_wait3A_74 = tpu.memref_squeeze %dma_wait3A_73 : memref<1x128x128xf32, #tpu.memory_space<hbm>> -> memref<128x128xf32, #tpu.memory_space<hbm>>
      %dma_wait3A_75 = arith.constant 0 : i32
      %dma_wait3A_76 = tpu.memref_slice %arg4[%arg0, %add3A_67, %dma_wait3A_75] : memref<2x10240x128xf32, #tpu.memory_space<hbm>> -> memref<1x128x128xf32, #tpu.memory_space<hbm>>
      %dma_wait3A_77 = tpu.memref_squeeze %dma_wait3A_76 : memref<1x128x128xf32, #tpu.memory_space<hbm>> -> memref<128x128xf32, #tpu.memory_space<hbm>>
      tpu.wait_dma2 semaphore(%run_scoped3A : memref<!tpu.dma_semaphore, #tpu.memory_space<semaphore_mem>>) src(%arg8 : memref<128x128xf32, #tpu.memory_space<vmem>>) dst(%dma_wait3A_77 : memref<128x128xf32, #tpu.memory_space<hbm>>)
      tpu.yield
    }) : () -> ()
    return
  }
}

module attributes {stable_mosaic.version = 14 : i64} {
  func.func @_pre_body(%arg0: i32, %arg1: memref<1024x128xf32, #tpu.memory_space<vmem>>, %arg2: memref<1024x128xf32, #tpu.memory_space<vmem>>, %arg3: memref<1024x128xf32, #tpu.memory_space<vmem>>, %arg4: memref<128x128xf32, #tpu.memory_space<vmem>>, %arg5: memref<128x128xf32, #tpu.memory_space<vmem>>, %arg6: memref<1024x128xf32, #tpu.memory_space<vmem>>, %arg7: memref<1024x128xf32, #tpu.memory_space<vmem>>, %arg8: memref<1024x1xf32, #tpu.memory_space<vmem>>) attributes {dimension_semantics = [#tpu.dimension_semantics<arbitrary>], iteration_bounds = array<i64: 10>, scalar_prefetch = 0 : i64, scratch_operands = 0 : i64, tpu.core_type = #tpu.core_type<tc>, window_params = [{transform_indices = @transform_0, window_bounds = array<i64: 1024, 128>}, {transform_indices = @transform_1, window_bounds = array<i64: 1024, 128>}, {transform_indices = @transform_2, window_bounds = array<i64: 1024, 128>}, {pipeline_mode = #tpu.pipeline_mode<synchronous>, transform_indices = @transform_3, window_bounds = array<i64: 128, 128>}, {pipeline_mode = #tpu.pipeline_mode<synchronous>, transform_indices = @transform_4, window_bounds = array<i64: 128, 128>}, {transform_indices = @transform_5, window_bounds = array<i64: 1024, 128>}, {transform_indices = @transform_6, window_bounds = array<i64: 1024, 128>}, {transform_indices = @transform_7, window_bounds = array<i64: 1024, 1>}]} {
    %get3A = arith.constant 0 : index
    %get3A_0 = arith.constant 0 : index
    %get3A_1 = vector.load %arg1[%get3A, %get3A_0] : memref<1024x128xf32, #tpu.memory_space<vmem>>, vector<1024x128xf32>
    %get3A_2 = arith.constant 0 : index
    %get3A_3 = arith.constant 0 : index
    %get3A_4 = vector.load %arg2[%get3A_2, %get3A_3] : memref<1024x128xf32, #tpu.memory_space<vmem>>, vector<1024x128xf32>
    %add3A = arith.addf %get3A_1, %get3A_4 : vector<1024x128xf32>
    %iota3A = tpu.iota {dimensions = array<i32: 0>} : vector<128x1xi32>
    %eq3A = arith.constant 0 : i32
    %eq3A_5 = vector.broadcast %eq3A : i32 to vector<128x1xi32>
    %eq3A_6 = arith.cmpi eq, %iota3A, %eq3A_5 : vector<128x1xi32>
    %convert_element_type3A = arith.extui %eq3A_6 : vector<128x1xi1> to vector<128x1xi32>
    %convert_element_type3A_7 = arith.sitofp %convert_element_type3A : vector<128x1xi32> to vector<128x1xf32>
    %dot_general3A = arith.constant dense<0.000000e+00> : vector<1024x1xf32>
    %dot_general3A_8 = tpu.matmul %add3A, %convert_element_type3A_7, %dot_general3A {dimension_numbers = #tpu.dot_dimension_numbers<[1], [0], [0], [1], [0, 0, 1, 1], [], []>, transpose_lhs_hint = false} : vector<1024x128xf32>, vector<128x1xf32>, vector<1024x1xf32> -> vector<1024x1xf32>
    %iota3A_9 = tpu.iota {dimensions = array<i32: 0>} : vector<1024x1xi32>
    %mul3A = arith.constant 1024 : i32
    %mul3A_10 = arith.muli %arg0, %mul3A : i32
    %add3A_11 = vector.broadcast %mul3A_10 : i32 to vector<1024x1xi32>
    %add3A_12 = arith.addi %iota3A_9, %add3A_11 : vector<1024x1xi32>
    %gt3A = arith.constant 0.000000e+00 : f32
    %gt3A_13 = vector.broadcast %gt3A : f32 to vector<1024x1xf32>
    %gt3A_14 = arith.cmpf ogt, %dot_general3A_8, %gt3A_13 : vector<1024x1xf32>
    %lt3A = arith.constant 10000 : i32
    %lt3A_15 = vector.broadcast %lt3A : i32 to vector<1024x1xi32>
    %lt3A_16 = arith.cmpi slt, %add3A_12, %lt3A_15 : vector<1024x1xi32>
    %and3A = arith.andi %gt3A_14, %lt3A_16 : vector<1024x1xi1>
    %max3A = arith.constant 1.000000e+00 : f32
    %max3A_17 = vector.broadcast %max3A : f32 to vector<1024x1xf32>
    %max3A_18 = arith.maximumf %dot_general3A_8, %max3A_17 : vector<1024x1xf32>
    %rsqrt3A = math.rsqrt %max3A_18 : vector<1024x1xf32>
    %jit3A = arith.constant 0.000000e+00 : f32
    %broadcast_in_dim3A = vector.broadcast %jit3A : f32 to vector<1024x1xf32>
    %select_n3A = arith.select %and3A, %rsqrt3A, %broadcast_in_dim3A : vector<1024x1xi1>, vector<1024x1xf32>
    %get3A_19 = arith.constant 0 : index
    %get3A_20 = arith.constant 0 : index
    %get3A_21 = vector.load %arg3[%get3A_19, %get3A_20] : memref<1024x128xf32, #tpu.memory_space<vmem>>, vector<1024x128xf32>
    %get3A_22 = arith.constant 0 : index
    %get3A_23 = arith.constant 0 : index
    %get3A_24 = vector.load %arg4[%get3A_22, %get3A_23] : memref<128x128xf32, #tpu.memory_space<vmem>>, vector<128x128xf32>
    %dot_general3A_25 = arith.constant dense<0.000000e+00> : vector<1024x128xf32>
    %dot_general3A_26 = tpu.matmul %get3A_21, %get3A_24, %dot_general3A_25 {dimension_numbers = #tpu.dot_dimension_numbers<[1], [0], [0], [1], [0, 0, 1, 1], [], []>, transpose_lhs_hint = false} : vector<1024x128xf32>, vector<128x128xf32>, vector<1024x128xf32> -> vector<1024x128xf32>
    %swap3A = arith.constant 0 : index
    %swap3A_27 = arith.constant 0 : index
    %swap3A_28 = vector.load %arg6[%swap3A, %swap3A_27] : memref<1024x128xf32, #tpu.memory_space<vmem>>, vector<1024x128xf32>
    tpu.vector_store %arg6[%swap3A, %swap3A_27], %dot_general3A_26 {strides = array<i32>} : memref<1024x128xf32, #tpu.memory_space<vmem>>, vector<1024x128xf32>,
    %mul3A_29 = vector.broadcast %select_n3A : vector<1024x1xf32> to vector<1024x128xf32>
    %mul3A_30 = arith.mulf %mul3A_29, %get3A_21 : vector<1024x128xf32>
    %get3A_31 = arith.constant 0 : index
    %get3A_32 = arith.constant 0 : index
    %get3A_33 = vector.load %arg5[%get3A_31, %get3A_32] : memref<128x128xf32, #tpu.memory_space<vmem>>, vector<128x128xf32>
    %dot_general3A_34 = arith.constant dense<0.000000e+00> : vector<1024x128xf32>
    %dot_general3A_35 = tpu.matmul %mul3A_30, %get3A_33, %dot_general3A_34 {dimension_numbers = #tpu.dot_dimension_numbers<[1], [0], [0], [1], [0, 0, 1, 1], [], []>, transpose_lhs_hint = false} : vector<1024x128xf32>, vector<128x128xf32>, vector<1024x128xf32> -> vector<1024x128xf32>
    %swap3A_36 = arith.constant 0 : index
    %swap3A_37 = arith.constant 0 : index
    %swap3A_38 = vector.load %arg7[%swap3A_36, %swap3A_37] : memref<1024x128xf32, #tpu.memory_space<vmem>>, vector<1024x128xf32>
    tpu.vector_store %arg7[%swap3A_36, %swap3A_37], %dot_general3A_35 {strides = array<i32>} : memref<1024x128xf32, #tpu.memory_space<vmem>>, vector<1024x128xf32>,
    %swap3A_39 = arith.constant 0 : index
    %swap3A_40 = arith.constant 0 : index
    %swap3A_41 = vector.load %arg8[%swap3A_39, %swap3A_40] : memref<1024x1xf32, #tpu.memory_space<vmem>>, vector<1024x1xf32>
    tpu.vector_store %arg8[%swap3A_39, %swap3A_40], %select_n3A {strides = array<i32>} : memref<1024x1xf32, #tpu.memory_space<vmem>>, vector<1024x1xf32>,
    return
  }
  func.func @transform_0(%arg0: i32) -> (i32, i32) {
    %c0_i32 = arith.constant 0 : i32
    %c0_i32_0 = arith.constant 0 : i32
    return %arg0, %c0_i32 : i32, i32
  }
  func.func @transform_1(%arg0: i32) -> (i32, i32) {
    %c0_i32 = arith.constant 0 : i32
    %c0_i32_0 = arith.constant 0 : i32
    return %arg0, %c0_i32 : i32, i32
  }
  func.func @transform_2(%arg0: i32) -> (i32, i32) {
    %c0_i32 = arith.constant 0 : i32
    %c0_i32_0 = arith.constant 0 : i32
    return %arg0, %c0_i32 : i32, i32
  }
  func.func @transform_3(%arg0: i32) -> (i32, i32) {
    %c0_i32 = arith.constant 0 : i32
    %c0_i32_0 = arith.constant 0 : i32
    %c0_i32_1 = arith.constant 0 : i32
    return %c0_i32, %c0_i32_0 : i32, i32
  }
  func.func @transform_4(%arg0: i32) -> (i32, i32) {
    %c0_i32 = arith.constant 0 : i32
    %c0_i32_0 = arith.constant 0 : i32
    %c0_i32_1 = arith.constant 0 : i32
    return %c0_i32, %c0_i32_0 : i32, i32
  }
  func.func @transform_5(%arg0: i32) -> (i32, i32) {
    %c0_i32 = arith.constant 0 : i32
    %c0_i32_0 = arith.constant 0 : i32
    return %arg0, %c0_i32 : i32, i32
  }
  func.func @transform_6(%arg0: i32) -> (i32, i32) {
    %c0_i32 = arith.constant 0 : i32
    %c0_i32_0 = arith.constant 0 : i32
    return %arg0, %c0_i32 : i32, i32
  }
  func.func @transform_7(%arg0: i32) -> (i32, i32) {
    %c0_i32 = arith.constant 0 : i32
    %c0_i32_0 = arith.constant 0 : i32
    return %arg0, %c0_i32 : i32, i32
  }
}

module attributes {stable_mosaic.version = 14 : i64} {
  func.func @_mid_body(%arg0: i32, %arg1: memref<1024x128xf32, #tpu.memory_space<vmem>>, %arg2: memref<1024x128xf32, #tpu.memory_space<vmem>>, %arg3: memref<1024x128xf32, #tpu.memory_space<vmem>>, %arg4: memref<1024x1xf32, #tpu.memory_space<vmem>>, %arg5: memref<1x128xf32, #tpu.memory_space<vmem>>, %arg6: memref<128x128xf32, #tpu.memory_space<vmem>>, %arg7: memref<128x128xf32, #tpu.memory_space<vmem>>, %arg8: memref<1024x128xf32, #tpu.memory_space<vmem>>, %arg9: memref<1024x128xf32, #tpu.memory_space<vmem>>, %arg10: memref<1024x128xf32, #tpu.memory_space<vmem>>) attributes {dimension_semantics = [#tpu.dimension_semantics<arbitrary>], iteration_bounds = array<i64: 10>, scalar_prefetch = 0 : i64, scratch_operands = 0 : i64, tpu.core_type = #tpu.core_type<tc>, window_params = [{transform_indices = @transform_0, window_bounds = array<i64: 1024, 128>}, {transform_indices = @transform_1, window_bounds = array<i64: 1024, 128>}, {transform_indices = @transform_2, window_bounds = array<i64: 1024, 128>}, {transform_indices = @transform_3, window_bounds = array<i64: 1024, 1>}, {pipeline_mode = #tpu.pipeline_mode<synchronous>, transform_indices = @transform_4, window_bounds = array<i64: 1, 128>}, {pipeline_mode = #tpu.pipeline_mode<synchronous>, transform_indices = @transform_5, window_bounds = array<i64: 128, 128>}, {pipeline_mode = #tpu.pipeline_mode<synchronous>, transform_indices = @transform_6, window_bounds = array<i64: 128, 128>}, {transform_indices = @transform_7, window_bounds = array<i64: 1024, 128>}, {transform_indices = @transform_8, window_bounds = array<i64: 1024, 128>}, {transform_indices = @transform_9, window_bounds = array<i64: 1024, 128>}]} {
    %get3A = arith.constant 0 : index
    %get3A_0 = arith.constant 0 : index
    %get3A_1 = vector.load %arg4[%get3A, %get3A_0] : memref<1024x1xf32, #tpu.memory_space<vmem>>, vector<1024x1xf32>
    %get3A_2 = arith.constant 0 : index
    %get3A_3 = arith.constant 0 : index
    %get3A_4 = vector.load %arg1[%get3A_2, %get3A_3] : memref<1024x128xf32, #tpu.memory_space<vmem>>, vector<1024x128xf32>
    %get3A_5 = arith.constant 0 : index
    %get3A_6 = arith.constant 0 : index
    %get3A_7 = vector.load %arg2[%get3A_5, %get3A_6] : memref<1024x128xf32, #tpu.memory_space<vmem>>, vector<1024x128xf32>
    %get3A_8 = arith.constant 0 : index
    %get3A_9 = arith.constant 0 : index
    %get3A_10 = vector.load %arg3[%get3A_8, %get3A_9] : memref<1024x128xf32, #tpu.memory_space<vmem>>, vector<1024x128xf32>
    %add3A = arith.addf %get3A_7, %get3A_10 : vector<1024x128xf32>
    %mul3A = vector.broadcast %get3A_1 : vector<1024x1xf32> to vector<1024x128xf32>
    %mul3A_11 = arith.mulf %mul3A, %add3A : vector<1024x128xf32>
    %sub3A = arith.subf %get3A_4, %mul3A_11 : vector<1024x128xf32>
    %get3A_12 = arith.constant 0 : index
    %get3A_13 = arith.constant 0 : index
    %get3A_14 = vector.load %arg5[%get3A_12, %get3A_13] : memref<1x128xf32, #tpu.memory_space<vmem>>, vector<1x128xf32>
    %add3A_15 = vector.broadcast %get3A_14 : vector<1x128xf32> to vector<1024x128xf32>
    %add3A_16 = arith.addf %sub3A, %add3A_15 : vector<1024x128xf32>
    %max3A = arith.constant 0.000000e+00 : f32
    %max3A_17 = vector.broadcast %max3A : f32 to vector<1024x128xf32>
    %max3A_18 = arith.maximumf %add3A_16, %max3A_17 : vector<1024x128xf32>
    %swap3A = arith.constant 0 : index
    %swap3A_19 = arith.constant 0 : index
    %swap3A_20 = vector.load %arg8[%swap3A, %swap3A_19] : memref<1024x128xf32, #tpu.memory_space<vmem>>, vector<1024x128xf32>
    tpu.vector_store %arg8[%swap3A, %swap3A_19], %max3A_18 {strides = array<i32>} : memref<1024x128xf32, #tpu.memory_space<vmem>>, vector<1024x128xf32>,
    %get3A_21 = arith.constant 0 : index
    %get3A_22 = arith.constant 0 : index
    %get3A_23 = vector.load %arg6[%get3A_21, %get3A_22] : memref<128x128xf32, #tpu.memory_space<vmem>>, vector<128x128xf32>
    %dot_general3A = arith.constant dense<0.000000e+00> : vector<1024x128xf32>
    %dot_general3A_24 = tpu.matmul %max3A_18, %get3A_23, %dot_general3A {dimension_numbers = #tpu.dot_dimension_numbers<[1], [0], [0], [1], [0, 0, 1, 1], [], []>, transpose_lhs_hint = false} : vector<1024x128xf32>, vector<128x128xf32>, vector<1024x128xf32> -> vector<1024x128xf32>
    %swap3A_25 = arith.constant 0 : index
    %swap3A_26 = arith.constant 0 : index
    %swap3A_27 = vector.load %arg9[%swap3A_25, %swap3A_26] : memref<1024x128xf32, #tpu.memory_space<vmem>>, vector<1024x128xf32>
    tpu.vector_store %arg9[%swap3A_25, %swap3A_26], %dot_general3A_24 {strides = array<i32>} : memref<1024x128xf32, #tpu.memory_space<vmem>>, vector<1024x128xf32>,
    %mul3A_28 = vector.broadcast %get3A_1 : vector<1024x1xf32> to vector<1024x128xf32>
    %mul3A_29 = arith.mulf %mul3A_28, %max3A_18 : vector<1024x128xf32>
    %get3A_30 = arith.constant 0 : index
    %get3A_31 = arith.constant 0 : index
    %get3A_32 = vector.load %arg7[%get3A_30, %get3A_31] : memref<128x128xf32, #tpu.memory_space<vmem>>, vector<128x128xf32>
    %dot_general3A_33 = arith.constant dense<0.000000e+00> : vector<1024x128xf32>
    %dot_general3A_34 = tpu.matmul %mul3A_29, %get3A_32, %dot_general3A_33 {dimension_numbers = #tpu.dot_dimension_numbers<[1], [0], [0], [1], [0, 0, 1, 1], [], []>, transpose_lhs_hint = false} : vector<1024x128xf32>, vector<128x128xf32>, vector<1024x128xf32> -> vector<1024x128xf32>
    %swap3A_35 = arith.constant 0 : index
    %swap3A_36 = arith.constant 0 : index
    %swap3A_37 = vector.load %arg10[%swap3A_35, %swap3A_36] : memref<1024x128xf32, #tpu.memory_space<vmem>>, vector<1024x128xf32>
    tpu.vector_store %arg10[%swap3A_35, %swap3A_36], %dot_general3A_34 {strides = array<i32>} : memref<1024x128xf32, #tpu.memory_space<vmem>>, vector<1024x128xf32>,
    return
  }
  func.func @transform_0(%arg0: i32) -> (i32, i32) {
    %c0_i32 = arith.constant 0 : i32
    %c0_i32_0 = arith.constant 0 : i32
    return %arg0, %c0_i32 : i32, i32
  }
  func.func @transform_1(%arg0: i32) -> (i32, i32) {
    %c0_i32 = arith.constant 0 : i32
    %c0_i32_0 = arith.constant 0 : i32
    return %arg0, %c0_i32 : i32, i32
  }
  func.func @transform_2(%arg0: i32) -> (i32, i32) {
    %c0_i32 = arith.constant 0 : i32
    %c0_i32_0 = arith.constant 0 : i32
    return %arg0, %c0_i32 : i32, i32
  }
  func.func @transform_3(%arg0: i32) -> (i32, i32) {
    %c0_i32 = arith.constant 0 : i32
    %c0_i32_0 = arith.constant 0 : i32
    return %arg0, %c0_i32 : i32, i32
  }
  func.func @transform_4(%arg0: i32) -> (i32, i32) {
    %c0_i32 = arith.constant 0 : i32
    %c0_i32_0 = arith.constant 0 : i32
    %c0_i32_1 = arith.constant 0 : i32
    return %c0_i32, %c0_i32_0 : i32, i32
  }
  func.func @transform_5(%arg0: i32) -> (i32, i32) {
    %c0_i32 = arith.constant 0 : i32
    %c0_i32_0 = arith.constant 0 : i32
    %c0_i32_1 = arith.constant 0 : i32
    return %c0_i32, %c0_i32_0 : i32, i32
  }
  func.func @transform_6(%arg0: i32) -> (i32, i32) {
    %c0_i32 = arith.constant 0 : i32
    %c0_i32_0 = arith.constant 0 : i32
    %c0_i32_1 = arith.constant 0 : i32
    return %c0_i32, %c0_i32_0 : i32, i32
  }
  func.func @transform_7(%arg0: i32) -> (i32, i32) {
    %c0_i32 = arith.constant 0 : i32
    %c0_i32_0 = arith.constant 0 : i32
    return %arg0, %c0_i32 : i32, i32
  }
  func.func @transform_8(%arg0: i32) -> (i32, i32) {
    %c0_i32 = arith.constant 0 : i32
    %c0_i32_0 = arith.constant 0 : i32
    return %arg0, %c0_i32 : i32, i32
  }
  func.func @transform_9(%arg0: i32) -> (i32, i32) {
    %c0_i32 = arith.constant 0 : i32
    %c0_i32_0 = arith.constant 0 : i32
    return %arg0, %c0_i32 : i32, i32
  }
}

module attributes {stable_mosaic.version = 14 : i64} {
  func.func @_post_body(%arg0: i32, %arg1: memref<1024x128xf32, #tpu.memory_space<vmem>>, %arg2: memref<1024x128xf32, #tpu.memory_space<vmem>>, %arg3: memref<1024x128xf32, #tpu.memory_space<vmem>>, %arg4: memref<1024x128xf32, #tpu.memory_space<vmem>>, %arg5: memref<1024x1xf32, #tpu.memory_space<vmem>>, %arg6: memref<1x128xf32, #tpu.memory_space<vmem>>, %arg7: memref<1024x128xf32, #tpu.memory_space<vmem>>) attributes {dimension_semantics = [#tpu.dimension_semantics<arbitrary>], iteration_bounds = array<i64: 10>, scalar_prefetch = 0 : i64, scratch_operands = 0 : i64, tpu.core_type = #tpu.core_type<tc>, window_params = [{transform_indices = @transform_0, window_bounds = array<i64: 1024, 128>}, {transform_indices = @transform_1, window_bounds = array<i64: 1024, 128>}, {transform_indices = @transform_2, window_bounds = array<i64: 1024, 128>}, {transform_indices = @transform_3, window_bounds = array<i64: 1024, 128>}, {transform_indices = @transform_4, window_bounds = array<i64: 1024, 1>}, {pipeline_mode = #tpu.pipeline_mode<synchronous>, transform_indices = @transform_5, window_bounds = array<i64: 1, 128>}, {transform_indices = @transform_6, window_bounds = array<i64: 1024, 128>}]} {
    %get3A = arith.constant 0 : index
    %get3A_0 = arith.constant 0 : index
    %get3A_1 = vector.load %arg2[%get3A, %get3A_0] : memref<1024x128xf32, #tpu.memory_space<vmem>>, vector<1024x128xf32>
    %get3A_2 = arith.constant 0 : index
    %get3A_3 = arith.constant 0 : index
    %get3A_4 = vector.load %arg5[%get3A_2, %get3A_3] : memref<1024x1xf32, #tpu.memory_space<vmem>>, vector<1024x1xf32>
    %get3A_5 = arith.constant 0 : index
    %get3A_6 = arith.constant 0 : index
    %get3A_7 = vector.load %arg3[%get3A_5, %get3A_6] : memref<1024x128xf32, #tpu.memory_space<vmem>>, vector<1024x128xf32>
    %get3A_8 = arith.constant 0 : index
    %get3A_9 = arith.constant 0 : index
    %get3A_10 = vector.load %arg4[%get3A_8, %get3A_9] : memref<1024x128xf32, #tpu.memory_space<vmem>>, vector<1024x128xf32>
    %add3A = arith.addf %get3A_7, %get3A_10 : vector<1024x128xf32>
    %mul3A = vector.broadcast %get3A_4 : vector<1024x1xf32> to vector<1024x128xf32>
    %mul3A_11 = arith.mulf %mul3A, %add3A : vector<1024x128xf32>
    %sub3A = arith.subf %get3A_1, %mul3A_11 : vector<1024x128xf32>
    %get3A_12 = arith.constant 0 : index
    %get3A_13 = arith.constant 0 : index
    %get3A_14 = vector.load %arg6[%get3A_12, %get3A_13] : memref<1x128xf32, #tpu.memory_space<vmem>>, vector<1x128xf32>
    %add3A_15 = vector.broadcast %get3A_14 : vector<1x128xf32> to vector<1024x128xf32>
    %add3A_16 = arith.addf %sub3A, %add3A_15 : vector<1024x128xf32>
    %max3A = arith.constant 0.000000e+00 : f32
    %max3A_17 = vector.broadcast %max3A : f32 to vector<1024x128xf32>
    %max3A_18 = arith.maximumf %add3A_16, %max3A_17 : vector<1024x128xf32>
    %get3A_19 = arith.constant 0 : index
    %get3A_20 = arith.constant 0 : index
    %get3A_21 = vector.load %arg1[%get3A_19, %get3A_20] : memref<1024x128xf32, #tpu.memory_space<vmem>>, vector<1024x128xf32>
    %add3A_22 = arith.addf %get3A_21, %max3A_18 : vector<1024x128xf32>
    %mul3A_23 = arith.constant 5.000000e-01 : f32
    %mul3A_24 = vector.broadcast %mul3A_23 : f32 to vector<1024x128xf32>
    %mul3A_25 = arith.mulf %add3A_22, %mul3A_24 : vector<1024x128xf32>
    %swap3A = arith.constant 0 : index
    %swap3A_26 = arith.constant 0 : index
    %swap3A_27 = vector.load %arg7[%swap3A, %swap3A_26] : memref<1024x128xf32, #tpu.memory_space<vmem>>, vector<1024x128xf32>
    tpu.vector_store %arg7[%swap3A, %swap3A_26], %mul3A_25 {strides = array<i32>} : memref<1024x128xf32, #tpu.memory_space<vmem>>, vector<1024x128xf32>,
    return
  }
  func.func @transform_0(%arg0: i32) -> (i32, i32) {
    %c0_i32 = arith.constant 0 : i32
    %c0_i32_0 = arith.constant 0 : i32
    return %arg0, %c0_i32 : i32, i32
  }
  func.func @transform_1(%arg0: i32) -> (i32, i32) {
    %c0_i32 = arith.constant 0 : i32
    %c0_i32_0 = arith.constant 0 : i32
    return %arg0, %c0_i32 : i32, i32
  }
  func.func @transform_2(%arg0: i32) -> (i32, i32) {
    %c0_i32 = arith.constant 0 : i32
    %c0_i32_0 = arith.constant 0 : i32
    return %arg0, %c0_i32 : i32, i32
  }
  func.func @transform_3(%arg0: i32) -> (i32, i32) {
    %c0_i32 = arith.constant 0 : i32
    %c0_i32_0 = arith.constant 0 : i32
    return %arg0, %c0_i32 : i32, i32
  }
  func.func @transform_4(%arg0: i32) -> (i32, i32) {
    %c0_i32 = arith.constant 0 : i32
    %c0_i32_0 = arith.constant 0 : i32
    return %arg0, %c0_i32 : i32, i32
  }
  func.func @transform_5(%arg0: i32) -> (i32, i32) {
    %c0_i32 = arith.constant 0 : i32
    %c0_i32_0 = arith.constant 0 : i32
    %c0_i32_1 = arith.constant 0 : i32
    return %c0_i32, %c0_i32_0 : i32, i32
  }
  func.func @transform_6(%arg0: i32) -> (i32, i32) {
    %c0_i32 = arith.constant 0 : i32
    %c0_i32_0 = arith.constant 0 : i32
    return %arg0, %c0_i32 : i32, i32
  }
}

</mosaic_0001>

<sc_bundles>
// kernel: kernel.11.cloned.1.call-start
scs
__scs_entry_jumppad:
0x0: {  	(pc) =	sbr.rel $0x88, $3  }
0x1: {  	(tag) =	ssettag $0x0;
	lr =	simm.s32 $0x1  }
0x2: {  	[smem:$0x3F99] =	sst lr;
	_ =	strace $0xD0000000  }
0x3: {  	_ = 	snop  }
0x4: {  	_ = 	snop  }
0x5: {  	_ = 	snop  }
0x6: {  	_ = 	snop  }
0x7: {  	_ = 	snop  }
__scs_overlays_trampoline_lowered:
0x8: {  	[smem:$0x3FA8] =	sst s0  }
0x9: {  	[smem:$0x3FA9] =	sst s1  }
0xa: {  	[smem:$0x3FAA] =	sst s2  }
0xb: {  	[smem:$0x3FAB] =	sst s3  }
0xc: {  	[smem:$0x3FAC] =	sst s4  }
0xd: {  	[smem:$0x3FAD] =	sst s5  }
0xe: {  	[smem:$0x3FAE] =	sst s6  }
0xf: {  	[smem:$0x3FAF] =	sst s7  }
0x10: {  	[smem:$0x3FB0] =	sst s8  }
0x11: {  	[smem:$0x3FB1] =	sst s9;
	s0 =	simm.s32 @!p0 $0x0  }
0x12: {  	s1 =	sld [smem:$0x3F97];
	s0 =	simm.s32 @p0 $0x1  }
0x13: {  	[smem:$0x3FB2] =	sst s0;
	s0 =	simm.s32 @!p1 $0x0  }
0x14: {  	s2 =	sld [smem:$0x3F96];
	s0 =	simm.s32 @p1 $0x1  }
0x15: {  	[smem:$0x3FB3] =	sst s0;
	s0 =	simm.s32 @!p2 $0x0  }
0x16: {  	s3 =	sld [smem:$0x3FDB];
	s0 =	simm.s32 @p2 $0x1  }
0x17: {  	s4 =	simm.s32 $0x1BF5;
	[smem:$0x3FB5] =	sst s0  }
0x18: {  	s0 =	sld [smem:$0x3F98];
	_ =	swait.ge [sflag:s4], $0x0  }
0x19: {  	s7 =	sld [smem:$0x3F99]  }
0x1a: {  	s8 =	sadd.s32 $0xFFFFE003, lr  }
0x1b: {  	s9 =	sadd.s32 $0xFFFFFEF7, lr;
	s5 =	simm.s32 $0xFFFFFFFF;
	p2 =	slt.u32 s8, $0xFFFFF086  }
0x1c: {  	p1 =	slt.u32 s9, $0xF7A;
	s5 =	simm.s32 @!p2 $0x0  }
0x1d: {  	s5 =	simm.s32 @p1 $0x1;
	p0 =	seq.s32 s7, s2  }
0x1e: {  	s7 =	smul.u32 @!p0 $0xF7A, s2;
	p2 =	seq.s32 @!p0 s5, $0x0  }
0x1f: {  	s9 =	smul.u32 $0xF7A, s1;
	s8 =	simm.s32 @!p0 $0x1BF5;
	p2 =	por !p2, p0  }
0x20: {  	[sflag:s8] =	ssyncset.s32 @!p0 $0xFFFFF086;
	s6 =	sadd.s32 @!p0 s3, s7;
	s7 =	simm.s32 @!p0 $0x108  }
0x21: {  	s3 =	sadd.s32 s3, s9;
	s6 =	sadd.s32 @!p0 $0x88, s6;
	s7 =	simm.s32 @p2 $0x1082  }
0x22: {  	[simem:s7], [sflag:s8] =	dma.local @!p0 [hbm:s6], $0xF7A  }
0x23: {  	s9 =	sor.u32 $0xD0000000, s2;
	s6 =	simm.s32 $0x108;
	_ =	swait.ge @!p0 [sflag:s8], $0x0  }
0x24: {  	s3 =	sadd.s32 $0x88, s3;
	s6 =	simm.s32 @!p1 $0x1082;
	[sflag:s4] =	ssyncset.s32 $0xFFFFF086  }
0x25: {  	[simem:s6], [sflag:s4] =	dma.local [hbm:s3], $0xF7A  }
0x26: {  	[smem:$0x3F99] =	sst s1;
	(tag) =	ssettag s2;
	_ =	strace s9  }
0x27: {  	s1 =	sld [smem:$0x3FA9]  }
0x28: {  	s2 =	sld [smem:$0x3FAA]  }
0x29: {  	s4 =	sld [smem:$0x3FAC]  }
0x2a: {  	p0 =	seq.s32 s5, $0x0;
	s5 =	sld [smem:$0x3FAD]  }
0x2b: {  	s6 =	sld [smem:$0x3FAE]  }
0x2c: {  	s7 =	sld [smem:$0x3FAF]  }
0x2d: {  	s3 =	simm.s32 $0x108;
	s8 =	sld [smem:$0x3FB0]  }
0x2e: {  	s3 =	simm.s32 @!p0 $0x1082;
	s9 =	sld [smem:$0x3FB1]  }
0x2f: {  	lr =	sadd.s32 s0, s3;
	s0 =	sld [smem:$0x3FA8]  }
0x30: {  	s3 =	sld [smem:$0x3FAB]  }
0x31: {  	[smem:$0x3FB4] =	sst s10  }
0x32: {  	s10 =	sld [smem:$0x3FB2];
	_ =	sdelay $0x3  }
0x33: {  	p0 =	seq.s32 s10, $0x1;
	s10 =	sld [smem:$0x3FB4];
	_ =	sdelay $0x3  }
0x34: {  	[smem:$0x3FB4] =	sst s10  }
0x35: {  	s10 =	sld [smem:$0x3FB3];
	_ =	sdelay $0x3  }
0x36: {  	p1 =	seq.s32 s10, $0x1;
	s10 =	sld [smem:$0x3FB4];
	_ =	sdelay $0x3  }
0x37: {  	[smem:$0x3FB4] =	sst s10  }
0x38: {  	s10 =	sld [smem:$0x3FB5]  }
0x39: {  	_ = 	snop;
	(pc) =	sbr.ind lr, $3  }
0x3a: {  	_ = 	snop  }
0x3b: {  	_ = 	snop  }
0x3c: {  	p2 =	seq.s32 s10, $0x1;
	s10 =	sld [smem:$0x3FB4]  }
0x3d: {  	_ =	shalt  }
0x3e: {  	_ =	shalt  }
0x3f: {  	_ =	shalt  }
0x40: {  	_ =	shalt  }
0x41: {  	_ =	shalt  }
0x42: {  	_ =	shalt  }
0x43: {  	_ =	shalt  }
0x44: {  	_ =	shalt  }
0x45: {  	_ =	shalt  }
0x46: {  	_ =	shalt  }
0x47: {  	_ =	shalt  }
0x48: {  	_ =	shalt  }
0x49: {  	_ =	shalt  }
0x4a: {  	_ =	shalt  }
0x4b: {  	_ =	shalt  }
0x4c: {  	_ =	shalt  }
0x4d: {  	_ =	shalt  }
0x4e: {  	_ =	shalt  }
0x4f: {  	_ =	shalt  }
0x50: {  	_ =	shalt  }
0x51: {  	_ =	shalt  }
0x52: {  	_ =	shalt  }
0x53: {  	_ =	shalt  }
0x54: {  	_ =	shalt  }
0x55: {  	_ =	shalt  }
0x56: {  	_ =	shalt  }
0x57: {  	_ =	shalt  }
0x58: {  	_ =	shalt  }
0x59: {  	_ =	shalt  }
0x5a: {  	_ =	shalt  }
0x5b: {  	_ =	shalt  }
0x5c: {  	_ =	shalt  }
0x5d: {  	_ =	shalt  }
0x5e: {  	_ =	shalt  }
0x5f: {  	_ =	shalt  }
0x60: {  	_ =	shalt  }
0x61: {  	_ =	shalt  }
0x62: {  	_ =	shalt  }
0x63: {  	_ =	shalt  }
0x64: {  	_ =	shalt  }
0x65: {  	_ =	shalt  }
0x66: {  	_ =	shalt  }
0x67: {  	_ =	shalt  }
0x68: {  	_ =	shalt  }
0x69: {  	_ =	shalt  }
0x6a: {  	_ =	shalt  }
0x6b: {  	_ =	shalt  }
0x6c: {  	_ =	shalt  }
0x6d: {  	_ =	shalt  }
0x6e: {  	_ =	shalt  }
0x6f: {  	_ =	shalt  }
0x70: {  	_ =	shalt  }
0x71: {  	_ =	shalt  }
0x72: {  	_ =	shalt  }
0x73: {  	_ =	shalt  }
0x74: {  	_ =	shalt  }
0x75: {  	_ =	shalt  }
0x76: {  	_ =	shalt  }
0x77: {  	_ =	shalt  }
0x78: {  	_ =	shalt  }
0x79: {  	_ =	shalt  }
0x7a: {  	_ =	shalt  }
0x7b: {  	_ =	shalt  }
0x7c: {  	_ =	shalt  }
0x7d: {  	_ =	shalt  }
0x7e: {  	_ =	shalt  }
0x7f: {  	_ =	shalt  }
0x80: {  	_ =	shalt  }
0x81: {  	_ =	shalt  }
0x82: {  	_ =	shalt  }
0x83: {  	_ =	shalt  }
0x84: {  	_ =	shalt  }
0x85: {  	_ =	shalt  }
0x86: {  	_ =	shalt  }
0x87: {  	_ =	shalt  }
.Lfunc_end0:
.L_simem_size_0:
called_computation.1_lowered:
.L_overlay_start_0:
0x88: {  	s2 =	sld [smem:$0x3FD9]  }
0x89: {  	s3 =	sld [smem:$0x3FFE];
	_ =	sdelay $0x1  }
0x8a: {  	s1 =	srdreg.scid  }
0x8b: {  	s0 =	sand.u32 $0x1, s1  }
0x8c: {  	s16 =	sshll.u32 s0, $0xA;
	s2 =	sadd.s32 s3, s2  }
0x8d: {  	s2 =	sadd.s32 s2, s16  }
0x8e: {  	[smem:$0x3FC0] =	sst s2  }
0x8f: {  	_ = 	snop  }
0x90: {  	(tm) =	ssettm $0x1  }
0x91: {  	s17 =	sld [smem:$0x3FFB];
	_ =	sdelay $0x3  }
0x92: {  	_ =	strace s17  }
0x93: {  	s2 =	sld [smem:$0x3FFC];
	_ =	sdelay $0x3  }
0x94: {  	_ =	strace s2  }
0x95: {  	s2 =	sld [smem:$0x3FFD];
	_ =	sdelay $0x3  }
0x96: {  	_ =	strace s2  }
0x97: {  	_ =	strace $0x8FFFFFFF  }
0x98: {  	s18 =	sld [smem:$0x3FDB];
	_ =	sdelay $0x1  }
0x99: {  	s19 =	simm.s32 $_scs_section_size  }
0x9a: {  	s4 =	simm.s32 $_size__tile_overlayer_lowered;
	s5 =	simm.s32 $_tile_overlayer_lowered  }
0x9b: {  	s22 =	simm.s32 $0x1BFF;
	s21 =	sshll.u32 s5, $0x1;
	s2 =	sadd.s32 s19, s18  }
0x9c: {  	s6 =	simm.s32 $0x0;
	s20 =	sshll.u32 s4, $0x1;
	s4 =	sadd.s32 s21, s2  }
0x9d: {  	[timem:s6], [sflag:s22] =	dma.local [hbm:s4], s20  }
0x9e: {  	_ =	swait.ge [sflag:s22], s20  }
0x9f: {  	s3 =	ssub.s32 $0x0, s20;
	[sflag:s22] =	ssyncset.done $0x0  }
0xa0: {  	[sflag:s22] =	ssyncadd.s32 s3;
	_ =	sdelay $0x1  }
0xa1: {  	s23 =	simm.s32 $0x1B8B  }
0xa2: {  	_ =	swait.ge [sflag:s23], $0x1  }
0xa3: {  	[sflag:s23] =	ssyncset.done $0x0  }
0xa4: {  	s25 =	simm.s32 $0x1B8E;
	s24 =	sld [smem:$0x3FFE];
	[sflag:s23] =	ssyncadd.s32 $0xFFFFFFFF  }
0xa5: {  	s26 =	simm.s32 $execute0_lowered;
	[smem:$0x3FD2] =	sst s25  }
0xa6: {  	s4 =	sshll.u32 s26, $0x1;
	_ =	strace $0x80000049;
	[dreg:$0x1] =	wrdreg $0xFFFFFFFF  }
0xa7: {  	s28 =	simm.s32 $_size_execute0_lowered;
	s2 =	sadd.s32 s2, s4;
	[dreg:$0x0] =	wrdreg $0x0  }
0xa8: {  	s4 =	sshll.u32 s28, $0x1;
	[dreg:$0x2] =	wrdreg s2  }
0xa9: {  	[dreg:$0x3] =	wrdreg s4  }
0xaa: {  	[dreg:$0x4] =	wrdreg $0xC0  }
0xab: {  	_ =	task [dreg:s6], $0x5FFFF  }
0xac: {  	[dreg:$0x1] =	wrdreg $0xFFFFFFFF  }
0xad: {  	[dreg:$0x0] =	wrdreg $0x60  }
0xae: {  	[dreg:$0x2] =	wrdreg s24  }
0xaf: {  	[dreg:$0x3] =	wrdreg $0x0  }
0xb0: {  	[dreg:$0x4] =	wrdreg $0x9  }
0xb1: {  	_ =	task.clear_ibuf [dreg:s6], $0x5FFFF;
	_ =	strace $0x90000049  }
0xb2: {  	s29 =	simm.s32 $0x9;
	_ =	strace $0x8000004B  }
0xb3: {  	_ =	swait.ge [sflag:s29], $0x1  }
0xb4: {  	[sflag:s29] =	ssyncadd.s32 $0xFFFFFFFF  }
0xb5: {  	_ =	strace $0x9000004B  }
0xb6: {  	_ =	sfence  }
0xb7: {  	s30 =	sld [smem:$0x0];
	_ =	sdelay $0x2  }
0xb8: {  	s31 =	sshll.u32 s1, $0xD;
	s1 =	sshrl.u32 s1, $0x2  }
0xb9: {  	s3 =	sand.u32 $0x4000, s31;
	s1 =	sadd.s32 s1, s30  }
0xba: {  	s0 =	sor.u32 s3, s0;
	s1 =	sshll.u32 s1, $0x11  }
0xbb: {  	s0 =	sor.u32 s1, s0  }
0xbc: {  	s0 =	sadd.s32 $0x8F2B, s0  }
0xbd: {  	[sflag:s0] =	ssyncadd.remote.s32 $0x1  }
0xbe: {  	_ =	sfence.sel $0xFFFF  }
0xbf: {  	[dreg:$0x0] =	wrdreg $0xFFFFFFFF;
	(pc) =	sbr.abs _section_cstart, $3  }
0xc0: {  	[dreg:$0x1] =	wrdreg $0xFFFFFFFF  }
0xc1: {  	_ =	task.clear_ibuf [dreg:s6], $0x2FFFF;
	_ =	strace $0x9FFFFFFF  }
0xc2: {  	(tm) =	ssettm $0x7FFFFFFF  }
0xc3: {  	_ =	shalt  }
tec
execute0_lowered:
.L_overlay_start_1:
0x0: {  	(tag) =	ssettag $0x1  }
0x1: {  	s0 =	rddreg [dreg:$0x0]  }
0x2: {  	s1 =	rddreg [dreg:$0x1];
	s2 =	simm.s32 $0x0;
	s5 =	srdreg.scid  }
0x3: {  	s8 =	stileid.u32;
	s28 =	simm.s32 $0x14000;
	s29 =	simm.s32 $0x15400  }
0x4: {  	s30 =	simm.s32 $0x80;
	s31 =	simm.s32 $0x1;
	[smem:$0x7FF] =	sst s2  }
0x5: {  	s4 =	sadd.s32 $0x5DE00, s0;
	s3 =	sadd.s32 $0x8AE00, s0;
	s10 =	sadd.s32 $0x85E00, s0  }
0x6: {  	s11 =	sand.u32 $0x1, s5;
	s12 =	sadd.s32 $0x53E00, s0;
	s6 =	smul.u32 $0x50000, s8  }
0x7: {  	s13 =	sadd.s32 $0x58E00, s0;
	s14 =	smul.u32 $0x14000, s8;
	s23 =	sadd.s32 $0x8FE00, s0  }
0x8: {  	s9 =	smul.u32 $0x2800, s8;
	_ =	strace $0x8000004A;
	s5 =	ssub.s32 $0x2, s11  }
0x9: {  	p0 =	seq.s32 s11, $0x1;
	s11 =	smul.u32 $0x140000, s11;
	s7 =	sshrl.u32 s5, $0x1  }
0xa: {  	s19 =	sshrl.u32 s6, $0x2;
	s18 =	sadd.s32 $0x4000, s14;
	s20 =	sadd.s32 $0x8000, s14  }
0xb: {  	s15 =	sshrl.u32 s9, $0x3;
	s24 =	ssub.s32 s5, s7;
	s5 =	sadd.s32 $0x85600, s0  }
0xc: {  	s6 =	sadd.s32 s19, s1;
	s7 =	sadd.s32 s18, s1;
	s8 =	sadd.s32 s20, s1  }
0xd: {  	s19 =	sadd.s32 $0xC000, s14;
	s17 =	sadd.s32 $0x280, s15;
	s16 =	sadd.s32 s12, s15  }
0xe: {  	s21 =	sadd.s32 s13, s15;
	s25 =	sadd.s32 s3, s15;
	[dreg:$0x3] =	wrdreg s16  }
0xf: {  	s26 =	sadd.s32 s10, s15;
	s15 =	sadd.s32 s11, s18;
	[dreg:$0x4] =	wrdreg s21  }
0x10: {  	s0 =	sadd.s32 s11, s20;
	s9 =	sadd.s32 s19, s1;
	[dreg:$0x7] =	wrdreg s25  }
0x11: {  	s12 =	sadd.s32 s12, s17;
	s22 =	sadd.s32 s13, s17;
	[dreg:$0x8] =	wrdreg s26  }
0x12: {  	s3 =	sadd.s32 s3, s17;
	s17 =	sadd.s32 s10, s17;
	s13 =	sadd.s32 $0x10000, s14  }
0x13: {  	s14 =	sadd.s32 s14, s11;
	s16 =	sadd.s32 s11, s19;
	[dreg:$0x5] =	wrdreg s12  }
0x14: {  	s0 =	sshrl.u32 s0, $0x3;
	s24 =	smax.u32 s24, $0x1;
	[dreg:$0x6] =	wrdreg s22  }
0x15: {  	s10 =	simm.s32 $0x15380;
	[dreg:$0x9] =	wrdreg s3;
	s11 =	sadd.s32 s11, s13  }
0x16: {  	s18 =	sadd.s32 s13, s1;
	s21 =	sshrl.u32 s14, $0x3;
	s22 =	sshrl.u32 s15, $0x3  }
.Ltmp0:
0x17: {  	s25 =	sshrl.u32 s16, $0x3;
	s3 =	simm.s32 $0x2;
	(pc) =	sbr.rel .LBB2_1-.Ltmp0, $4  }
0x18: {  	s12 =	simm.s32 $0x16780;
	s13 =	simm.s32 $0x0;
	s19 =	sadd.s32 s23, s21  }
0x19: {  	s20 =	sadd.s32 s23, s22;
	s21 =	sadd.s32 s23, s0;
	s26 =	sshrl.u32 s11, $0x3  }
0x1a: {  	s22 =	sadd.s32 s23, s25;
	s25 =	simm.s32 $0x16800;
	s0 =	simm.s32 $0x1A800  }
0x1b: {  	s11 =	simm.s32 $0x16700;
	s23 =	sadd.s32 s23, s26;
	s26 =	simm.s32 $0x3  }
.LBB2_11:
0x1c: {  	[sflag:s26] =	ssyncadd.s32 $0xFFFFC000  }
.LBB2_12:
0x1d: {  	_ =	swait.ge [sflag:s31], $0x4000  }
0x1e: {  	[sflag:s31] =	ssyncset.done $0x0  }
0x1f: {  	[sflag:s31] =	ssyncadd.s32 $0xFFFFC000  }
0x20: {  	[tilespmem:s0], [sflag:$0x2] =	stream.indirect.gather [hbm4b:s4+s30], $0x80, s10, s30, $0xb8;
	[tilespmem:$0x1E800] =	vst v63  }
0x21: {  	_ = 	snop  }
0x22: {  	[spmem:s1] =	stream.indirect.scatter.add.f32 [tilespmem:s25], [sflag:$0x3], $0x80, s11, s30, $0xb8;
	[tilespmem:$0x1E800] =	vst v63  }
0x23: {  	_ =	swait.ge [sflag:s26], $0x4000  }
0x24: {  	[sflag:s26] =	ssyncset.done $0x0  }
0x25: {  	[sflag:s26] =	ssyncadd.s32 $0xFFFFC000  }
0x26: {  	_ =	swait.ge [sflag:s3], $0x4000  }
0x27: {  	[sflag:s3] =	ssyncset.done $0x0  }
0x28: {  	[sflag:s3] =	ssyncadd.s32 $0xFFFFC000  }
0x29: {  	[spmem:s1] =	stream.indirect.scatter.add.f32 [tilespmem:s0], [sflag:$0x3], $0x80, s12, s30, $0xb8;
	[tilespmem:$0x1E800] =	vst v63  }
0x2a: {  	_ =	swait.ge [sflag:s26], $0x4000  }
0x2b: {  	[sflag:s26] =	ssyncset.done $0x0  }
0x2c: {  	[sflag:s26] =	ssyncadd.s32 $0xFFFFC000  }
0x2d: {  	[bflag:$0x0] =	sbarrier.arrive $0xFFFF  }
0x2e: {  	[tilespmem:s25], [sflag:$0x3] =	stream.linear.gather [spmem:s6], $0x4000, $0x38;
	[tilespmem:$0x1E800] =	vst v63  }
0x2f: {  	_ =	swait.ge [sflag:s26], $0x4000  }
0x30: {  	[sflag:s26] =	ssyncset.done $0x0  }
0x31: {  	[sflag:s26] =	ssyncadd.s32 $0xFFFFC000  }
0x32: {  	[hbm4b:s19+s2] =	stream.linear.scatter [tilespmem:s25], [sflag:$0x3], $0x4000, $0x38;
	[tilespmem:$0x1E800] =	vst v63  }
0x33: {  	_ =	swait.ge [sflag:s26], $0x4000  }
0x34: {  	[sflag:s26] =	ssyncset.done $0x0  }
0x35: {  	[sflag:s26] =	ssyncadd.s32 $0xFFFFC000  }
0x36: {  	[tilespmem:s25], [sflag:$0x3] =	stream.linear.gather [spmem:s7], $0x4000, $0x38;
	[tilespmem:$0x1E800] =	vst v63  }
0x37: {  	_ =	swait.ge [sflag:s26], $0x4000  }
0x38: {  	[sflag:s26] =	ssyncset.done $0x0  }
0x39: {  	[sflag:s26] =	ssyncadd.s32 $0xFFFFC000  }
0x3a: {  	[hbm4b:s20+s2] =	stream.linear.scatter [tilespmem:s25], [sflag:$0x3], $0x4000, $0x38;
	[tilespmem:$0x1E800] =	vst v63  }
0x3b: {  	_ =	swait.ge [sflag:s26], $0x4000  }
0x3c: {  	[sflag:s26] =	ssyncset.done $0x0  }
0x3d: {  	[sflag:s26] =	ssyncadd.s32 $0xFFFFC000  }
0x3e: {  	[tilespmem:s25], [sflag:$0x3] =	stream.linear.gather [spmem:s8], $0x4000, $0x38;
	[tilespmem:$0x1E800] =	vst v63  }
0x3f: {  	_ =	swait.ge [sflag:s26], $0x4000  }
0x40: {  	[sflag:s26] =	ssyncset.done $0x0  }
0x41: {  	[sflag:s26] =	ssyncadd.s32 $0xFFFFC000  }
0x42: {  	[hbm4b:s21+s2] =	stream.linear.scatter [tilespmem:s25], [sflag:$0x3], $0x4000, $0x38;
	[tilespmem:$0x1E800] =	vst v63  }
0x43: {  	_ =	swait.ge [sflag:s26], $0x4000  }
0x44: {  	[sflag:s26] =	ssyncset.done $0x0  }
0x45: {  	[sflag:s26] =	ssyncadd.s32 $0xFFFFC000  }
0x46: {  	[tilespmem:s25], [sflag:$0x3] =	stream.linear.gather [spmem:s9], $0x4000, $0x38;
	[tilespmem:$0x1E800] =	vst v63  }
0x47: {  	_ =	swait.ge [sflag:s26], $0x4000  }
0x48: {  	[sflag:s26] =	ssyncset.done $0x0  }
0x49: {  	[sflag:s26] =	ssyncadd.s32 $0xFFFFC000  }
0x4a: {  	[hbm4b:s22+s2] =	stream.linear.scatter [tilespmem:s25], [sflag:$0x3], $0x4000, $0x38;
	[tilespmem:$0x1E800] =	vst v63  }
0x4b: {  	_ =	swait.ge [sflag:s26], $0x4000  }
0x4c: {  	[sflag:s26] =	ssyncset.done $0x0  }
0x4d: {  	[sflag:s26] =	ssyncadd.s32 $0xFFFFC000  }
0x4e: {  	[tilespmem:s25], [sflag:$0x3] =	stream.linear.gather [spmem:s18], $0x4000, $0x38;
	[tilespmem:$0x1E800] =	vst v63  }
0x4f: {  	s13 =	sadd.s32 $0x1, s13;
	_ =	swait.ge [sflag:s26], $0x4000  }
0x50: {  	p1 =	sne.s32 s13, s24;
	[sflag:s26] =	ssyncset.done $0x0  }
.Ltmp1:
0x51: {  	[sflag:s26] =	ssyncadd.s32 $0xFFFFC000;
	(pc) =	sbr.rel @!p1 .LBB2_13-.Ltmp1, $4  }
0x52: {  	[hbm4b:s23+s2] =	stream.linear.scatter [tilespmem:s25], [sflag:$0x3], $0x4000, $0x38;
	[tilespmem:$0x1E800] =	vst v63  }
0x53: {  	_ =	swait.ge [sflag:s26], $0x4000  }
0x54: {  	[sflag:s26] =	ssyncset.done $0x0  }
0x55: {  	[sflag:s26] =	ssyncadd.s32 $0xFFFFC000  }
.LBB2_1:
0x56: {  	[tilespmem:s25], [sflag:$0x3] =	stream.linear.gather [hbm4b:s5+s2], $0x4000, $0x38;
	[tilespmem:$0x1E800] =	vst v63  }
0x57: {  	_ =	swait.ge [sflag:s26], $0x4000  }
0x58: {  	[sflag:s26] =	ssyncset.done $0x0  }
0x59: {  	[sflag:s26] =	ssyncadd.s32 $0xFFFFC000  }
0x5a: {  	[spmem:s6] =	stream.linear.scatter [tilespmem:s25], [sflag:$0x3], $0x4000, $0x38;
	[tilespmem:$0x1E800] =	vst v63  }
0x5b: {  	_ =	swait.ge [sflag:s26], $0x4000  }
0x5c: {  	[sflag:s26] =	ssyncset.done $0x0  }
0x5d: {  	[sflag:s26] =	ssyncadd.s32 $0xFFFFC000  }
0x5e: {  	[spmem:s7] =	stream.linear.scatter [tilespmem:s25], [sflag:$0x3], $0x4000, $0x38;
	[tilespmem:$0x1E800] =	vst v63  }
0x5f: {  	_ =	swait.ge [sflag:s26], $0x4000  }
0x60: {  	[sflag:s26] =	ssyncset.done $0x0  }
0x61: {  	[sflag:s26] =	ssyncadd.s32 $0xFFFFC000  }
0x62: {  	[spmem:s8] =	stream.linear.scatter [tilespmem:s25], [sflag:$0x3], $0x4000, $0x38;
	[tilespmem:$0x1E800] =	vst v63  }
0x63: {  	_ =	swait.ge [sflag:s26], $0x4000  }
0x64: {  	[sflag:s26] =	ssyncset.done $0x0  }
0x65: {  	[sflag:s26] =	ssyncadd.s32 $0xFFFFC000  }
0x66: {  	[spmem:s9] =	stream.linear.scatter [tilespmem:s25], [sflag:$0x3], $0x4000, $0x38;
	[tilespmem:$0x1E800] =	vst v63  }
0x67: {  	_ =	swait.ge [sflag:s26], $0x4000  }
0x68: {  	[sflag:s26] =	ssyncset.done $0x0  }
0x69: {  	[sflag:s26] =	ssyncadd.s32 $0xFFFFC000  }
0x6a: {  	[spmem:s18] =	stream.linear.scatter [tilespmem:s25], [sflag:$0x3], $0x4000, $0x38;
	[tilespmem:$0x1E800] =	vst v63  }
.Ltmp2:
0x6b: {  	_ =	swait.ge [sflag:s26], $0x4000;
	(pc) =	sbr.rel @!p0 .LBB2_7-.Ltmp2, $4  }
0x6c: {  	[sflag:s26] =	ssyncset.done $0x0  }
0x6d: {  	[sflag:s26] =	ssyncadd.s32 $0xFFFFC000  }
0x6e: {  	[bflag:$0x0] =	sbarrier.arrive $0xFFFF  }
0x6f: {  	s14 =	simm.s32 $0x0  }
0x70: {  	s15 =	rddreg [dreg:$0x7]  }
0x71: {  	[tilespmem:s28], [sflag:$0x3] =	stream.linear.gather [hbm4b:s15+s14], $0x1400, $0x38;
	[tilespmem:$0x1E800] =	vst v63  }
0x72: {  	_ =	swait.ge [sflag:s26], $0x1400  }
0x73: {  	[sflag:s26] =	ssyncset.done $0x0  }
0x74: {  	s16 =	rddreg [dreg:$0x8];
	[sflag:s26] =	ssyncadd.s32 $0xFFFFEC00  }
0x75: {  	[tilespmem:s29], [sflag:$0x3] =	stream.linear.gather [hbm4b:s16+s14], $0x1400, $0x38;
	[tilespmem:$0x1E800] =	vst v63  }
0x76: {  	_ =	swait.ge [sflag:s26], $0x1400  }
0x77: {  	[sflag:s26] =	ssyncset.done $0x0  }
0x78: {  	[sflag:s26] =	ssyncadd.s32 $0xFFFFEC00  }
0x79: {  	[tilespmem:s25], [sflag:$0x1] =	stream.indirect.gather [hbm4b:s4+s30], $0x80, s28, s30, $0xb8;
	[tilespmem:$0x1E800] =	vst v63  }
0x7a: {  	_ =	swait.ge [sflag:s31], $0x4000  }
0x7b: {  	[sflag:s31] =	ssyncset.done $0x0  }
0x7c: {  	s15 =	simm.s32 $0x14080;
	[sflag:s31] =	ssyncadd.s32 $0xFFFFC000  }
0x7d: {  	[tilespmem:s0], [sflag:$0x2] =	stream.indirect.gather [hbm4b:s4+s30], $0x80, s15, s30, $0xb8;
	[tilespmem:$0x1E800] =	vst v63  }
0x7e: {  	s16 =	simm.s32 $0x15400  }
0x7f: {  	[spmem:s1] =	stream.indirect.scatter.add.f32 [tilespmem:s25], [sflag:$0x3], $0x80, s16, s30, $0xb8;
	[tilespmem:$0x1E800] =	vst v63  }
0x80: {  	_ =	swait.ge [sflag:s26], $0x4000  }
0x81: {  	[sflag:s26] =	ssyncset.done $0x0  }
0x82: {  	[sflag:s26] =	ssyncadd.s32 $0xFFFFC000  }
0x83: {  	_ =	swait.ge [sflag:s3], $0x4000  }
0x84: {  	[sflag:s3] =	ssyncset.done $0x0  }
0x85: {  	s15 =	simm.s32 $0x14100;
	[sflag:s3] =	ssyncadd.s32 $0xFFFFC000  }
0x86: {  	[tilespmem:s25], [sflag:$0x1] =	stream.indirect.gather [hbm4b:s4+s30], $0x80, s15, s30, $0xb8;
	[tilespmem:$0x1E800] =	vst v63  }
0x87: {  	s16 =	simm.s32 $0x15480  }
0x88: {  	[spmem:s1] =	stream.indirect.scatter.add.f32 [tilespmem:s0], [sflag:$0x3], $0x80, s16, s30, $0xb8;
	[tilespmem:$0x1E800] =	vst v63  }
0x89: {  	_ =	swait.ge [sflag:s26], $0x4000  }
0x8a: {  	s14 =	simm.s32 $0x400;
	[sflag:s26] =	ssyncset.done $0x0  }
.LBB2_3:
0x8b: {  	p1 =	sne.s32 s14, $0x4800  }
0x8c: {  	[sflag:s26] =	ssyncadd.s32 $0xFFFFC000;
	s15 =	smov.u32 s14;
	s14 =	sadd.s32 $0x400, s14  }
0x8d: {  	_ = 	snop  }
0x8e: {  	_ =	swait.ge [sflag:s31], $0x4000  }
0x8f: {  	s15 =	sshra.s32 s15, $0x2;
	[sflag:s31] =	ssyncset.done $0x0  }
0x90: {  	s16 =	sadd.s32 $0x14080, s15;
	[sflag:s31] =	ssyncadd.s32 $0xFFFFC000  }
0x91: {  	[tilespmem:s0], [sflag:$0x2] =	stream.indirect.gather [hbm4b:s4+s30], $0x80, s16, s30, $0xb8;
	[tilespmem:$0x1E800] =	vst v63  }
0x92: {  	s16 =	sadd.s32 $0x15400, s15  }
0x93: {  	[spmem:s1] =	stream.indirect.scatter.add.f32 [tilespmem:s25], [sflag:$0x3], $0x80, s16, s30, $0xb8;
	[tilespmem:$0x1E800] =	vst v63  }
0x94: {  	_ =	swait.ge [sflag:s26], $0x4000  }
0x95: {  	[sflag:s26] =	ssyncset.done $0x0  }
0x96: {  	[sflag:s26] =	ssyncadd.s32 $0xFFFFC000  }
0x97: {  	_ =	swait.ge [sflag:s3], $0x4000  }
0x98: {  	[sflag:s3] =	ssyncset.done $0x0  }
0x99: {  	s16 =	sadd.s32 $0x14100, s15;
	[sflag:s3] =	ssyncadd.s32 $0xFFFFC000  }
0x9a: {  	[tilespmem:s25], [sflag:$0x1] =	stream.indirect.gather [hbm4b:s4+s30], $0x80, s16, s30, $0xb8;
	[tilespmem:$0x1E800] =	vst v63  }
.Ltmp3:
0x9b: {  	_ = 	snop;
	(pc) =	sbr.rel @p1 .LBB2_3-.Ltmp3, $4  }
0x9c: {  	s15 =	sadd.s32 $0x15480, s15  }
0x9d: {  	[spmem:s1] =	stream.indirect.scatter.add.f32 [tilespmem:s0], [sflag:$0x3], $0x80, s15, s30, $0xb8;
	[tilespmem:$0x1E800] =	vst v63  }
0x9e: {  	_ =	swait.ge [sflag:s26], $0x4000  }
0x9f: {  	[sflag:s26] =	ssyncset.done $0x0  }
0xa0: {  	[sflag:s26] =	ssyncadd.s32 $0xFFFFC000  }
0xa1: {  	_ =	swait.ge [sflag:s31], $0x4000  }
0xa2: {  	[sflag:s31] =	ssyncset.done $0x0  }
0xa3: {  	[sflag:s31] =	ssyncadd.s32 $0xFFFFC000  }
0xa4: {  	[tilespmem:s0], [sflag:$0x2] =	stream.indirect.gather [hbm4b:s4+s30], $0x80, s10, s30, $0xb8;
	[tilespmem:$0x1E800] =	vst v63  }
0xa5: {  	_ = 	snop  }
0xa6: {  	[spmem:s1] =	stream.indirect.scatter.add.f32 [tilespmem:s25], [sflag:$0x3], $0x80, s11, s30, $0xb8;
	[tilespmem:$0x1E800] =	vst v63  }
0xa7: {  	_ =	swait.ge [sflag:s26], $0x4000  }
0xa8: {  	[sflag:s26] =	ssyncset.done $0x0  }
0xa9: {  	[sflag:s26] =	ssyncadd.s32 $0xFFFFC000  }
0xaa: {  	_ =	swait.ge [sflag:s3], $0x4000  }
0xab: {  	[sflag:s3] =	ssyncset.done $0x0  }
0xac: {  	[sflag:s3] =	ssyncadd.s32 $0xFFFFC000  }
0xad: {  	[spmem:s1] =	stream.indirect.scatter.add.f32 [tilespmem:s0], [sflag:$0x3], $0x80, s12, s30, $0xb8;
	[tilespmem:$0x1E800] =	vst v63  }
0xae: {  	_ =	swait.ge [sflag:s26], $0x4000  }
0xaf: {  	[sflag:s26] =	ssyncset.done $0x0  }
0xb0: {  	s14 =	simm.s32 $0x0;
	s15 =	rddreg [dreg:$0x9];
	[sflag:s26] =	ssyncadd.s32 $0xFFFFC000  }
0xb1: {  	[tilespmem:s28], [sflag:$0x3] =	stream.linear.gather [hbm4b:s15+s14], $0x1400, $0x38;
	[tilespmem:$0x1E800] =	vst v63  }
0xb2: {  	_ =	swait.ge [sflag:s26], $0x1400  }
0xb3: {  	[sflag:s26] =	ssyncset.done $0x0  }
0xb4: {  	[sflag:s26] =	ssyncadd.s32 $0xFFFFEC00  }
0xb5: {  	[tilespmem:s29], [sflag:$0x3] =	stream.linear.gather [hbm4b:s17+s14], $0x1400, $0x38;
	[tilespmem:$0x1E800] =	vst v63  }
0xb6: {  	_ =	swait.ge [sflag:s26], $0x1400  }
0xb7: {  	[sflag:s26] =	ssyncset.done $0x0  }
0xb8: {  	[sflag:s26] =	ssyncadd.s32 $0xFFFFEC00  }
0xb9: {  	[tilespmem:s25], [sflag:$0x1] =	stream.indirect.gather [hbm4b:s4+s30], $0x80, s28, s30, $0xb8;
	[tilespmem:$0x1E800] =	vst v63  }
0xba: {  	_ =	swait.ge [sflag:s31], $0x4000  }
0xbb: {  	[sflag:s31] =	ssyncset.done $0x0  }
0xbc: {  	s15 =	simm.s32 $0x14080;
	[sflag:s31] =	ssyncadd.s32 $0xFFFFC000  }
0xbd: {  	[tilespmem:s0], [sflag:$0x2] =	stream.indirect.gather [hbm4b:s4+s30], $0x80, s15, s30, $0xb8;
	[tilespmem:$0x1E800] =	vst v63  }
0xbe: {  	s16 =	simm.s32 $0x15400  }
0xbf: {  	[spmem:s1] =	stream.indirect.scatter.add.f32 [tilespmem:s25], [sflag:$0x3], $0x80, s16, s30, $0xb8;
	[tilespmem:$0x1E800] =	vst v63  }
0xc0: {  	_ =	swait.ge [sflag:s26], $0x4000  }
0xc1: {  	[sflag:s26] =	ssyncset.done $0x0  }
0xc2: {  	[sflag:s26] =	ssyncadd.s32 $0xFFFFC000  }
0xc3: {  	_ =	swait.ge [sflag:s3], $0x4000  }
0xc4: {  	[sflag:s3] =	ssyncset.done $0x0  }
0xc5: {  	s15 =	simm.s32 $0x14100;
	[sflag:s3] =	ssyncadd.s32 $0xFFFFC000  }
0xc6: {  	[tilespmem:s25], [sflag:$0x1] =	stream.indirect.gather [hbm4b:s4+s30], $0x80, s15, s30, $0xb8;
	[tilespmem:$0x1E800] =	vst v63  }
0xc7: {  	s16 =	simm.s32 $0x15480  }
0xc8: {  	[spmem:s1] =	stream.indirect.scatter.add.f32 [tilespmem:s0], [sflag:$0x3], $0x80, s16, s30, $0xb8;
	[tilespmem:$0x1E800] =	vst v63  }
0xc9: {  	_ =	swait.ge [sflag:s26], $0x4000  }
0xca: {  	s14 =	simm.s32 $0x400;
	[sflag:s26] =	ssyncset.done $0x0  }
.LBB2_5:
0xcb: {  	p1 =	seq.s32 s14, $0x4800  }
0xcc: {  	[sflag:s26] =	ssyncadd.s32 $0xFFFFC000;
	s15 =	smov.u32 s14;
	s14 =	sadd.s32 $0x400, s14  }
0xcd: {  	_ = 	snop  }
0xce: {  	_ =	swait.ge [sflag:s31], $0x4000  }
0xcf: {  	s15 =	sshra.s32 s15, $0x2;
	[sflag:s31] =	ssyncset.done $0x0  }
0xd0: {  	s16 =	sadd.s32 $0x14080, s15;
	[sflag:s31] =	ssyncadd.s32 $0xFFFFC000  }
0xd1: {  	[tilespmem:s0], [sflag:$0x2] =	stream.indirect.gather [hbm4b:s4+s30], $0x80, s16, s30, $0xb8;
	[tilespmem:$0x1E800] =	vst v63  }
0xd2: {  	s16 =	sadd.s32 $0x15400, s15  }
0xd3: {  	[spmem:s1] =	stream.indirect.scatter.add.f32 [tilespmem:s25], [sflag:$0x3], $0x80, s16, s30, $0xb8;
	[tilespmem:$0x1E800] =	vst v63  }
0xd4: {  	_ =	swait.ge [sflag:s26], $0x4000  }
0xd5: {  	[sflag:s26] =	ssyncset.done $0x0  }
0xd6: {  	[sflag:s26] =	ssyncadd.s32 $0xFFFFC000  }
0xd7: {  	_ =	swait.ge [sflag:s3], $0x4000  }
0xd8: {  	[sflag:s3] =	ssyncset.done $0x0  }
0xd9: {  	s16 =	sadd.s32 $0x14100, s15;
	[sflag:s3] =	ssyncadd.s32 $0xFFFFC000  }
0xda: {  	[tilespmem:s25], [sflag:$0x1] =	stream.indirect.gather [hbm4b:s4+s30], $0x80, s16, s30, $0xb8;
	[tilespmem:$0x1E800] =	vst v63  }
.Ltmp4:
0xdb: {  	_ = 	snop;
	(pc) =	sbr.rel @!p1 .LBB2_5-.Ltmp4, $4  }
0xdc: {  	s15 =	sadd.s32 $0x15480, s15  }
0xdd: {  	[spmem:s1] =	stream.indirect.scatter.add.f32 [tilespmem:s0], [sflag:$0x3], $0x80, s15, s30, $0xb8;
	[tilespmem:$0x1E800] =	vst v63  }
0xde: {  	_ =	swait.ge [sflag:s26], $0x4000  }
0xdf: {  	[sflag:s26] =	ssyncset.done $0x0  }
.Ltmp5:
0xe0: {  	(pc) =	sbr.rel .LBB2_12-.Ltmp5, $2  }
0xe1: {  	_ =	sdelay $0x2  }
0xe2: {  	[sflag:s26] =	ssyncadd.s32 $0xFFFFC000  }
.LBB2_7:
0xe3: {  	s15 =	rddreg [dreg:$0x3]  }
0xe4: {  	[tilespmem:s28], [sflag:$0x3] =	stream.linear.gather [hbm4b:s15+s14], $0x1400, $0x38;
	[tilespmem:$0x1E800] =	vst v63  }
0xe5: {  	_ =	swait.ge [sflag:s26], $0x1400  }
0xe6: {  	[sflag:s26] =	ssyncset.done $0x0  }
0xe7: {  	s16 =	rddreg [dreg:$0x4];
	[sflag:s26] =	ssyncadd.s32 $0xFFFFEC00  }
0xe8: {  	[tilespmem:s29], [sflag:$0x3] =	stream.linear.gather [hbm4b:s16+s14], $0x1400, $0x38;
	[tilespmem:$0x1E800] =	vst v63  }
0xe9: {  	_ =	swait.ge [sflag:s26], $0x1400  }
0xea: {  	[sflag:s26] =	ssyncset.done $0x0  }
0xeb: {  	[sflag:s26] =	ssyncadd.s32 $0xFFFFEC00  }
0xec: {  	[tilespmem:s25], [sflag:$0x1] =	stream.indirect.gather [hbm4b:s4+s30], $0x80, s28, s30, $0xb8;
	[tilespmem:$0x1E800] =	vst v63  }
0xed: {  	_ =	swait.ge [sflag:s31], $0x4000  }
0xee: {  	[sflag:s31] =	ssyncset.done $0x0  }
0xef: {  	s15 =	simm.s32 $0x14080;
	[sflag:s31] =	ssyncadd.s32 $0xFFFFC000  }
0xf0: {  	[tilespmem:s0], [sflag:$0x2] =	stream.indirect.gather [hbm4b:s4+s30], $0x80, s15, s30, $0xb8;
	[tilespmem:$0x1E800] =	vst v63  }
0xf1: {  	s16 =	simm.s32 $0x15400  }
0xf2: {  	[spmem:s1] =	stream.indirect.scatter.add.f32 [tilespmem:s25], [sflag:$0x3], $0x80, s16, s30, $0xb8;
	[tilespmem:$0x1E800] =	vst v63  }
0xf3: {  	_ =	swait.ge [sflag:s26], $0x4000  }
0xf4: {  	[sflag:s26] =	ssyncset.done $0x0  }
0xf5: {  	[sflag:s26] =	ssyncadd.s32 $0xFFFFC000  }
0xf6: {  	_ =	swait.ge [sflag:s3], $0x4000  }
0xf7: {  	[sflag:s3] =	ssyncset.done $0x0  }
0xf8: {  	s15 =	simm.s32 $0x14100;
	[sflag:s3] =	ssyncadd.s32 $0xFFFFC000  }
0xf9: {  	[tilespmem:s25], [sflag:$0x1] =	stream.indirect.gather [hbm4b:s4+s30], $0x80, s15, s30, $0xb8;
	[tilespmem:$0x1E800] =	vst v63  }
0xfa: {  	s16 =	simm.s32 $0x15480  }
0xfb: {  	[spmem:s1] =	stream.indirect.scatter.add.f32 [tilespmem:s0], [sflag:$0x3], $0x80, s16, s30, $0xb8;
	[tilespmem:$0x1E800] =	vst v63  }
0xfc: {  	_ =	swait.ge [sflag:s26], $0x4000  }
0xfd: {  	s14 =	simm.s32 $0x400;
	[sflag:s26] =	ssyncset.done $0x0  }
.LBB2_8:
0xfe: {  	p1 =	sne.s32 s14, $0x4800  }
0xff: {  	[sflag:s26] =	ssyncadd.s32 $0xFFFFC000;
	s15 =	smov.u32 s14;
	s14 =	sadd.s32 $0x400, s14  }
0x100: {  	_ = 	snop  }
0x101: {  	_ =	swait.ge [sflag:s31], $0x4000  }
0x102: {  	s15 =	sshra.s32 s15, $0x2;
	[sflag:s31] =	ssyncset.done $0x0  }
0x103: {  	s16 =	sadd.s32 $0x14080, s15;
	[sflag:s31] =	ssyncadd.s32 $0xFFFFC000  }
0x104: {  	[tilespmem:s0], [sflag:$0x2] =	stream.indirect.gather [hbm4b:s4+s30], $0x80, s16, s30, $0xb8;
	[tilespmem:$0x1E800] =	vst v63  }
0x105: {  	s16 =	sadd.s32 $0x15400, s15  }
0x106: {  	[spmem:s1] =	stream.indirect.scatter.add.f32 [tilespmem:s25], [sflag:$0x3], $0x80, s16, s30, $0xb8;
	[tilespmem:$0x1E800] =	vst v63  }
0x107: {  	_ =	swait.ge [sflag:s26], $0x4000  }
0x108: {  	[sflag:s26] =	ssyncset.done $0x0  }
0x109: {  	[sflag:s26] =	ssyncadd.s32 $0xFFFFC000  }
0x10a: {  	_ =	swait.ge [sflag:s3], $0x4000  }
0x10b: {  	[sflag:s3] =	ssyncset.done $0x0  }
0x10c: {  	s16 =	sadd.s32 $0x14100, s15;
	[sflag:s3] =	ssyncadd.s32 $0xFFFFC000  }
0x10d: {  	[tilespmem:s25], [sflag:$0x1] =	stream.indirect.gather [hbm4b:s4+s30], $0x80, s16, s30, $0xb8;
	[tilespmem:$0x1E800] =	vst v63  }
.Ltmp6:
0x10e: {  	_ = 	snop;
	(pc) =	sbr.rel @p1 .LBB2_8-.Ltmp6, $4  }
0x10f: {  	s15 =	sadd.s32 $0x15480, s15  }
0x110: {  	[spmem:s1] =	stream.indirect.scatter.add.f32 [tilespmem:s0], [sflag:$0x3], $0x80, s15, s30, $0xb8;
	[tilespmem:$0x1E800] =	vst v63  }
0x111: {  	_ =	swait.ge [sflag:s26], $0x4000  }
0x112: {  	[sflag:s26] =	ssyncset.done $0x0  }
0x113: {  	[sflag:s26] =	ssyncadd.s32 $0xFFFFC000  }
0x114: {  	_ =	swait.ge [sflag:s31], $0x4000  }
0x115: {  	[sflag:s31] =	ssyncset.done $0x0  }
0x116: {  	[sflag:s31] =	ssyncadd.s32 $0xFFFFC000  }
0x117: {  	[tilespmem:s0], [sflag:$0x2] =	stream.indirect.gather [hbm4b:s4+s30], $0x80, s10, s30, $0xb8;
	[tilespmem:$0x1E800] =	vst v63  }
0x118: {  	_ = 	snop  }
0x119: {  	[spmem:s1] =	stream.indirect.scatter.add.f32 [tilespmem:s25], [sflag:$0x3], $0x80, s11, s30, $0xb8;
	[tilespmem:$0x1E800] =	vst v63  }
0x11a: {  	_ =	swait.ge [sflag:s26], $0x4000  }
0x11b: {  	[sflag:s26] =	ssyncset.done $0x0  }
0x11c: {  	[sflag:s26] =	ssyncadd.s32 $0xFFFFC000  }
0x11d: {  	_ =	swait.ge [sflag:s3], $0x4000  }
0x11e: {  	[sflag:s3] =	ssyncset.done $0x0  }
0x11f: {  	[sflag:s3] =	ssyncadd.s32 $0xFFFFC000  }
0x120: {  	[spmem:s1] =	stream.indirect.scatter.add.f32 [tilespmem:s0], [sflag:$0x3], $0x80, s12, s30, $0xb8;
	[tilespmem:$0x1E800] =	vst v63  }
0x121: {  	_ =	swait.ge [sflag:s26], $0x4000  }
0x122: {  	[sflag:s26] =	ssyncset.done $0x0  }
0x123: {  	s14 =	simm.s32 $0x0;
	s15 =	rddreg [dreg:$0x5];
	[sflag:s26] =	ssyncadd.s32 $0xFFFFC000  }
0x124: {  	[tilespmem:s28], [sflag:$0x3] =	stream.linear.gather [hbm4b:s15+s14], $0x1400, $0x38;
	[tilespmem:$0x1E800] =	vst v63  }
0x125: {  	_ =	swait.ge [sflag:s26], $0x1400  }
0x126: {  	[sflag:s26] =	ssyncset.done $0x0  }
0x127: {  	s16 =	rddreg [dreg:$0x6];
	[sflag:s26] =	ssyncadd.s32 $0xFFFFEC00  }
0x128: {  	[tilespmem:s29], [sflag:$0x3] =	stream.linear.gather [hbm4b:s16+s14], $0x1400, $0x38;
	[tilespmem:$0x1E800] =	vst v63  }
0x129: {  	_ =	swait.ge [sflag:s26], $0x1400  }
0x12a: {  	[sflag:s26] =	ssyncset.done $0x0  }
0x12b: {  	[sflag:s26] =	ssyncadd.s32 $0xFFFFEC00  }
0x12c: {  	[tilespmem:s25], [sflag:$0x1] =	stream.indirect.gather [hbm4b:s4+s30], $0x80, s28, s30, $0xb8;
	[tilespmem:$0x1E800] =	vst v63  }
0x12d: {  	_ =	swait.ge [sflag:s31], $0x4000  }
0x12e: {  	[sflag:s31] =	ssyncset.done $0x0  }
0x12f: {  	s15 =	simm.s32 $0x14080;
	[sflag:s31] =	ssyncadd.s32 $0xFFFFC000  }
0x130: {  	[tilespmem:s0], [sflag:$0x2] =	stream.indirect.gather [hbm4b:s4+s30], $0x80, s15, s30, $0xb8;
	[tilespmem:$0x1E800] =	vst v63  }
0x131: {  	s16 =	simm.s32 $0x15400  }
0x132: {  	[spmem:s1] =	stream.indirect.scatter.add.f32 [tilespmem:s25], [sflag:$0x3], $0x80, s16, s30, $0xb8;
	[tilespmem:$0x1E800] =	vst v63  }
0x133: {  	_ =	swait.ge [sflag:s26], $0x4000  }
0x134: {  	[sflag:s26] =	ssyncset.done $0x0  }
0x135: {  	[sflag:s26] =	ssyncadd.s32 $0xFFFFC000  }
0x136: {  	_ =	swait.ge [sflag:s3], $0x4000  }
0x137: {  	[sflag:s3] =	ssyncset.done $0x0  }
0x138: {  	s15 =	simm.s32 $0x14100;
	[sflag:s3] =	ssyncadd.s32 $0xFFFFC000  }
0x139: {  	[tilespmem:s25], [sflag:$0x1] =	stream.indirect.gather [hbm4b:s4+s30], $0x80, s15, s30, $0xb8;
	[tilespmem:$0x1E800] =	vst v63  }
0x13a: {  	s16 =	simm.s32 $0x15480  }
0x13b: {  	[spmem:s1] =	stream.indirect.scatter.add.f32 [tilespmem:s0], [sflag:$0x3], $0x80, s16, s30, $0xb8;
	[tilespmem:$0x1E800] =	vst v63  }
0x13c: {  	_ =	swait.ge [sflag:s26], $0x4000  }
0x13d: {  	s14 =	simm.s32 $0x400;
	[sflag:s26] =	ssyncset.done $0x0  }
.LBB2_10:
0x13e: {  	p1 =	sne.s32 s14, $0x4800  }
0x13f: {  	[sflag:s26] =	ssyncadd.s32 $0xFFFFC000;
	s15 =	smov.u32 s14;
	s14 =	sadd.s32 $0x400, s14  }
0x140: {  	_ = 	snop  }
0x141: {  	_ =	swait.ge [sflag:s31], $0x4000  }
0x142: {  	s15 =	sshra.s32 s15, $0x2;
	[sflag:s31] =	ssyncset.done $0x0  }
0x143: {  	s16 =	sadd.s32 $0x14080, s15;
	[sflag:s31] =	ssyncadd.s32 $0xFFFFC000  }
0x144: {  	[tilespmem:s0], [sflag:$0x2] =	stream.indirect.gather [hbm4b:s4+s30], $0x80, s16, s30, $0xb8;
	[tilespmem:$0x1E800] =	vst v63  }
0x145: {  	s16 =	sadd.s32 $0x15400, s15  }
0x146: {  	[spmem:s1] =	stream.indirect.scatter.add.f32 [tilespmem:s25], [sflag:$0x3], $0x80, s16, s30, $0xb8;
	[tilespmem:$0x1E800] =	vst v63  }
0x147: {  	_ =	swait.ge [sflag:s26], $0x4000  }
0x148: {  	[sflag:s26] =	ssyncset.done $0x0  }
0x149: {  	[sflag:s26] =	ssyncadd.s32 $0xFFFFC000  }
0x14a: {  	_ =	swait.ge [sflag:s3], $0x4000  }
0x14b: {  	[sflag:s3] =	ssyncset.done $0x0  }
0x14c: {  	s16 =	sadd.s32 $0x14100, s15;
	[sflag:s3] =	ssyncadd.s32 $0xFFFFC000  }
0x14d: {  	[tilespmem:s25], [sflag:$0x1] =	stream.indirect.gather [hbm4b:s4+s30], $0x80, s16, s30, $0xb8;
	[tilespmem:$0x1E800] =	vst v63  }
.Ltmp7:
0x14e: {  	_ = 	snop;
	(pc) =	sbr.rel @p1 .LBB2_10-.Ltmp7, $4  }
0x14f: {  	s15 =	sadd.s32 $0x15480, s15  }
0x150: {  	[spmem:s1] =	stream.indirect.scatter.add.f32 [tilespmem:s0], [sflag:$0x3], $0x80, s15, s30, $0xb8;
	[tilespmem:$0x1E800] =	vst v63  }
0x151: {  	_ =	swait.ge [sflag:s26], $0x4000  }
0x152: {  	[sflag:s26] =	ssyncset.done $0x0  }
.Ltmp8:
0x153: {  	_ = 	snop;
	(pc) =	sbr.rel .LBB2_11-.Ltmp8, $1  }
0x154: {  	_ =	sdelay $0x3  }
.LBB2_13:
0x155: {  	_ =	sfence.sel $0x180000  }
0x156: {  	[bflag:$0x0] =	sbarrier.arrive $0xFFFF  }
0x157: {  	_ =	strace $0x9000004A  }
0x158: {  	s0 =	stileid.u32;
	[bflag:$0x2] =	sbarrier.arrive $0xFFFF  }
0x159: {  	p0 =	sne.s32 s0, $0x0;
	s0 =	rddreg [dreg:$0x2]  }
0x15a: {  	s0 =	sadd.s32 @!p0 $0x100000, s0  }
0x15b: {  	[sflag:s0] =	ssyncadd.tile.s32 @!p0 $0x1;
	_ =	shalt  }
.Lfunc_end2:
_tile_overlayer_lowered:
.L_overlay_start_2:
0x15c: {  	(tag) =	ssettag $0x2  }
0x15d: {  	s0 =	rddreg [dreg:$0x0];
	s2 =	stileid.u32  }
0x15e: {  	s1 =	rddreg [dreg:$0x1];
	p0 =	sne.s32 s2, $0x0  }
0x15f: {  	s3 =	rddreg [dreg:$0x2];
	[bflag:$0x3] =	sbarrier.arrive $0xFFFF;
	s2 =	simm.s32 @!p0 $0x1C03  }
0x160: {  	[timem:s3], [sflag:s2] =	dma.local @!p0 [hbm:s0], s1  }
0x161: {  	s0 =	simm.s32 @!p0 $0x3  }
0x162: {  	_ =	swait.ge @!p0 [sflag:s0], s1  }
0x163: {  	s1 =	ssub.s32 @!p0 $0x0, s1;
	[sflag:s0] =	ssyncset.done @!p0 $0x0  }
0x164: {  	[sflag:s0] =	ssyncadd.s32 @!p0 s1  }
0x165: {  	[bflag:$0x3] =	sbarrier.arrive $0xFFFF  }
0x166: {  	_ =	shalt  }

// kernel: kernel.14.cloned.1.call-start
scs
__scs_entry_jumppad:
0x0: {  	(pc) =	sbr.rel $0x88, $3  }
0x1: {  	(tag) =	ssettag $0x0;
	lr =	simm.s32 $0x1  }
0x2: {  	[smem:$0x3F99] =	sst lr;
	_ =	strace $0xD0000000  }
0x3: {  	_ = 	snop  }
0x4: {  	_ = 	snop  }
0x5: {  	_ = 	snop  }
0x6: {  	_ = 	snop  }
0x7: {  	_ = 	snop  }
__scs_overlays_trampoline_lowered:
0x8: {  	[smem:$0x3FA8] =	sst s0  }
0x9: {  	[smem:$0x3FA9] =	sst s1  }
0xa: {  	[smem:$0x3FAA] =	sst s2  }
0xb: {  	[smem:$0x3FAB] =	sst s3  }
0xc: {  	[smem:$0x3FAC] =	sst s4  }
0xd: {  	[smem:$0x3FAD] =	sst s5  }
0xe: {  	[smem:$0x3FAE] =	sst s6  }
0xf: {  	[smem:$0x3FAF] =	sst s7  }
0x10: {  	[smem:$0x3FB0] =	sst s8  }
0x11: {  	[smem:$0x3FB1] =	sst s9;
	s0 =	simm.s32 @!p0 $0x0  }
0x12: {  	s1 =	sld [smem:$0x3F97];
	s0 =	simm.s32 @p0 $0x1  }
0x13: {  	[smem:$0x3FB2] =	sst s0;
	s0 =	simm.s32 @!p1 $0x0  }
0x14: {  	s2 =	sld [smem:$0x3F96];
	s0 =	simm.s32 @p1 $0x1  }
0x15: {  	[smem:$0x3FB3] =	sst s0;
	s0 =	simm.s32 @!p2 $0x0  }
0x16: {  	s3 =	sld [smem:$0x3FDB];
	s0 =	simm.s32 @p2 $0x1  }
0x17: {  	s4 =	simm.s32 $0x1BF5;
	[smem:$0x3FB5] =	sst s0  }
0x18: {  	s0 =	sld [smem:$0x3F98];
	_ =	swait.ge [sflag:s4], $0x0  }
0x19: {  	s7 =	sld [smem:$0x3F99]  }
0x1a: {  	s8 =	sadd.s32 $0xFFFFE003, lr  }
0x1b: {  	s9 =	sadd.s32 $0xFFFFFEF7, lr;
	s5 =	simm.s32 $0xFFFFFFFF;
	p2 =	slt.u32 s8, $0xFFFFF086  }
0x1c: {  	p1 =	slt.u32 s9, $0xF7A;
	s5 =	simm.s32 @!p2 $0x0  }
0x1d: {  	s5 =	simm.s32 @p1 $0x1;
	p0 =	seq.s32 s7, s2  }
0x1e: {  	s7 =	smul.u32 @!p0 $0xF7A, s2;
	p2 =	seq.s32 @!p0 s5, $0x0  }
0x1f: {  	s9 =	smul.u32 $0xF7A, s1;
	s8 =	simm.s32 @!p0 $0x1BF5;
	p2 =	por !p2, p0  }
0x20: {  	[sflag:s8] =	ssyncset.s32 @!p0 $0xFFFFF086;
	s6 =	sadd.s32 @!p0 s3, s7;
	s7 =	simm.s32 @!p0 $0x108  }
0x21: {  	s3 =	sadd.s32 s3, s9;
	s6 =	sadd.s32 @!p0 $0x88, s6;
	s7 =	simm.s32 @p2 $0x1082  }
0x22: {  	[simem:s7], [sflag:s8] =	dma.local @!p0 [hbm:s6], $0xF7A  }
0x23: {  	s9 =	sor.u32 $0xD0000000, s2;
	s6 =	simm.s32 $0x108;
	_ =	swait.ge @!p0 [sflag:s8], $0x0  }
0x24: {  	s3 =	sadd.s32 $0x88, s3;
	s6 =	simm.s32 @!p1 $0x1082;
	[sflag:s4] =	ssyncset.s32 $0xFFFFF086  }
0x25: {  	[simem:s6], [sflag:s4] =	dma.local [hbm:s3], $0xF7A  }
0x26: {  	[smem:$0x3F99] =	sst s1;
	(tag) =	ssettag s2;
	_ =	strace s9  }
0x27: {  	s1 =	sld [smem:$0x3FA9]  }
0x28: {  	s2 =	sld [smem:$0x3FAA]  }
0x29: {  	s4 =	sld [smem:$0x3FAC]  }
0x2a: {  	p0 =	seq.s32 s5, $0x0;
	s5 =	sld [smem:$0x3FAD]  }
0x2b: {  	s6 =	sld [smem:$0x3FAE]  }
0x2c: {  	s7 =	sld [smem:$0x3FAF]  }
0x2d: {  	s3 =	simm.s32 $0x108;
	s8 =	sld [smem:$0x3FB0]  }
0x2e: {  	s3 =	simm.s32 @!p0 $0x1082;
	s9 =	sld [smem:$0x3FB1]  }
0x2f: {  	lr =	sadd.s32 s0, s3;
	s0 =	sld [smem:$0x3FA8]  }
0x30: {  	s3 =	sld [smem:$0x3FAB]  }
0x31: {  	[smem:$0x3FB4] =	sst s10  }
0x32: {  	s10 =	sld [smem:$0x3FB2];
	_ =	sdelay $0x3  }
0x33: {  	p0 =	seq.s32 s10, $0x1;
	s10 =	sld [smem:$0x3FB4];
	_ =	sdelay $0x3  }
0x34: {  	[smem:$0x3FB4] =	sst s10  }
0x35: {  	s10 =	sld [smem:$0x3FB3];
	_ =	sdelay $0x3  }
0x36: {  	p1 =	seq.s32 s10, $0x1;
	s10 =	sld [smem:$0x3FB4];
	_ =	sdelay $0x3  }
0x37: {  	[smem:$0x3FB4] =	sst s10  }
0x38: {  	s10 =	sld [smem:$0x3FB5]  }
0x39: {  	_ = 	snop;
	(pc) =	sbr.ind lr, $3  }
0x3a: {  	_ = 	snop  }
0x3b: {  	_ = 	snop  }
0x3c: {  	p2 =	seq.s32 s10, $0x1;
	s10 =	sld [smem:$0x3FB4]  }
0x3d: {  	_ =	shalt  }
0x3e: {  	_ =	shalt  }
0x3f: {  	_ =	shalt  }
0x40: {  	_ =	shalt  }
0x41: {  	_ =	shalt  }
0x42: {  	_ =	shalt  }
0x43: {  	_ =	shalt  }
0x44: {  	_ =	shalt  }
0x45: {  	_ =	shalt  }
0x46: {  	_ =	shalt  }
0x47: {  	_ =	shalt  }
0x48: {  	_ =	shalt  }
0x49: {  	_ =	shalt  }
0x4a: {  	_ =	shalt  }
0x4b: {  	_ =	shalt  }
0x4c: {  	_ =	shalt  }
0x4d: {  	_ =	shalt  }
0x4e: {  	_ =	shalt  }
0x4f: {  	_ =	shalt  }
0x50: {  	_ =	shalt  }
0x51: {  	_ =	shalt  }
0x52: {  	_ =	shalt  }
0x53: {  	_ =	shalt  }
0x54: {  	_ =	shalt  }
0x55: {  	_ =	shalt  }
0x56: {  	_ =	shalt  }
0x57: {  	_ =	shalt  }
0x58: {  	_ =	shalt  }
0x59: {  	_ =	shalt  }
0x5a: {  	_ =	shalt  }
0x5b: {  	_ =	shalt  }
0x5c: {  	_ =	shalt  }
0x5d: {  	_ =	shalt  }
0x5e: {  	_ =	shalt  }
0x5f: {  	_ =	shalt  }
0x60: {  	_ =	shalt  }
0x61: {  	_ =	shalt  }
0x62: {  	_ =	shalt  }
0x63: {  	_ =	shalt  }
0x64: {  	_ =	shalt  }
0x65: {  	_ =	shalt  }
0x66: {  	_ =	shalt  }
0x67: {  	_ =	shalt  }
0x68: {  	_ =	shalt  }
0x69: {  	_ =	shalt  }
0x6a: {  	_ =	shalt  }
0x6b: {  	_ =	shalt  }
0x6c: {  	_ =	shalt  }
0x6d: {  	_ =	shalt  }
0x6e: {  	_ =	shalt  }
0x6f: {  	_ =	shalt  }
0x70: {  	_ =	shalt  }
0x71: {  	_ =	shalt  }
0x72: {  	_ =	shalt  }
0x73: {  	_ =	shalt  }
0x74: {  	_ =	shalt  }
0x75: {  	_ =	shalt  }
0x76: {  	_ =	shalt  }
0x77: {  	_ =	shalt  }
0x78: {  	_ =	shalt  }
0x79: {  	_ =	shalt  }
0x7a: {  	_ =	shalt  }
0x7b: {  	_ =	shalt  }
0x7c: {  	_ =	shalt  }
0x7d: {  	_ =	shalt  }
0x7e: {  	_ =	shalt  }
0x7f: {  	_ =	shalt  }
0x80: {  	_ =	shalt  }
0x81: {  	_ =	shalt  }
0x82: {  	_ =	shalt  }
0x83: {  	_ =	shalt  }
0x84: {  	_ =	shalt  }
0x85: {  	_ =	shalt  }
0x86: {  	_ =	shalt  }
0x87: {  	_ =	shalt  }
.Lfunc_end0:
.L_simem_size_0:
called_computation.2_lowered:
.L_overlay_start_0:
0x88: {  	s2 =	sld [smem:$0x3FD9]  }
0x89: {  	s3 =	sld [smem:$0x3FFE];
	_ =	sdelay $0x1  }
0x8a: {  	s1 =	srdreg.scid  }
0x8b: {  	s0 =	sand.u32 $0x1, s1  }
0x8c: {  	s16 =	sshll.u32 s0, $0xA;
	s2 =	sadd.s32 s3, s2  }
0x8d: {  	s2 =	sadd.s32 s2, s16  }
0x8e: {  	[smem:$0x3FC0] =	sst s2  }
0x8f: {  	_ = 	snop  }
0x90: {  	(tm) =	ssettm $0x1  }
0x91: {  	s17 =	sld [smem:$0x3FFB];
	_ =	sdelay $0x3  }
0x92: {  	_ =	strace s17  }
0x93: {  	s2 =	sld [smem:$0x3FFC];
	_ =	sdelay $0x3  }
0x94: {  	_ =	strace s2  }
0x95: {  	s2 =	sld [smem:$0x3FFD];
	_ =	sdelay $0x3  }
0x96: {  	_ =	strace s2  }
0x97: {  	_ =	strace $0x8FFFFFFF  }
0x98: {  	s18 =	sld [smem:$0x3FDB];
	_ =	sdelay $0x1  }
0x99: {  	s19 =	simm.s32 $_scs_section_size  }
0x9a: {  	s4 =	simm.s32 $_size__tile_overlayer_lowered;
	s5 =	simm.s32 $_tile_overlayer_lowered  }
0x9b: {  	s22 =	simm.s32 $0x1BFF;
	s21 =	sshll.u32 s5, $0x1;
	s2 =	sadd.s32 s19, s18  }
0x9c: {  	s6 =	simm.s32 $0x0;
	s20 =	sshll.u32 s4, $0x1;
	s4 =	sadd.s32 s21, s2  }
0x9d: {  	[timem:s6], [sflag:s22] =	dma.local [hbm:s4], s20  }
0x9e: {  	_ =	swait.ge [sflag:s22], s20  }
0x9f: {  	s3 =	ssub.s32 $0x0, s20;
	[sflag:s22] =	ssyncset.done $0x0  }
0xa0: {  	[sflag:s22] =	ssyncadd.s32 s3;
	_ =	sdelay $0x1  }
0xa1: {  	s23 =	simm.s32 $0x1B8B  }
0xa2: {  	_ =	swait.ge [sflag:s23], $0x1  }
0xa3: {  	[sflag:s23] =	ssyncset.done $0x0  }
0xa4: {  	s25 =	simm.s32 $0x1B8E;
	s24 =	sld [smem:$0x3FFE];
	[sflag:s23] =	ssyncadd.s32 $0xFFFFFFFF  }
0xa5: {  	s26 =	simm.s32 $execute0_lowered;
	[smem:$0x3FD2] =	sst s25  }
0xa6: {  	s4 =	sshll.u32 s26, $0x1;
	_ =	strace $0x8000004C;
	[dreg:$0x1] =	wrdreg $0xFFFFFFFF  }
0xa7: {  	s28 =	simm.s32 $_size_execute0_lowered;
	s2 =	sadd.s32 s2, s4;
	[dreg:$0x0] =	wrdreg $0x0  }
0xa8: {  	s4 =	sshll.u32 s28, $0x1;
	[dreg:$0x2] =	wrdreg s2  }
0xa9: {  	[dreg:$0x3] =	wrdreg s4  }
0xaa: {  	[dreg:$0x4] =	wrdreg $0xC0  }
0xab: {  	_ =	task [dreg:s6], $0x5FFFF  }
0xac: {  	[dreg:$0x1] =	wrdreg $0xFFFFFFFF  }
0xad: {  	[dreg:$0x0] =	wrdreg $0x60  }
0xae: {  	[dreg:$0x2] =	wrdreg s24  }
0xaf: {  	[dreg:$0x3] =	wrdreg $0x0  }
0xb0: {  	[dreg:$0x4] =	wrdreg $0x9  }
0xb1: {  	_ =	task.clear_ibuf [dreg:s6], $0x5FFFF;
	_ =	strace $0x9000004C  }
0xb2: {  	s29 =	simm.s32 $0x9;
	_ =	strace $0x8000004E  }
0xb3: {  	_ =	swait.ge [sflag:s29], $0x1  }
0xb4: {  	[sflag:s29] =	ssyncadd.s32 $0xFFFFFFFF  }
0xb5: {  	_ =	strace $0x9000004E  }
0xb6: {  	_ =	sfence  }
0xb7: {  	s30 =	sld [smem:$0x0];
	_ =	sdelay $0x2  }
0xb8: {  	s31 =	sshll.u32 s1, $0xD;
	s1 =	sshrl.u32 s1, $0x2  }
0xb9: {  	s3 =	sand.u32 $0x4000, s31;
	s1 =	sadd.s32 s1, s30  }
0xba: {  	s0 =	sor.u32 s3, s0;
	s1 =	sshll.u32 s1, $0x11  }
0xbb: {  	s0 =	sor.u32 s1, s0  }
0xbc: {  	s0 =	sadd.s32 $0x8F2B, s0  }
0xbd: {  	[sflag:s0] =	ssyncadd.remote.s32 $0x1  }
0xbe: {  	_ =	sfence.sel $0xFFFF  }
0xbf: {  	[dreg:$0x0] =	wrdreg $0xFFFFFFFF;
	(pc) =	sbr.abs _section_cstart, $3  }
0xc0: {  	[dreg:$0x1] =	wrdreg $0xFFFFFFFF  }
0xc1: {  	_ =	task.clear_ibuf [dreg:s6], $0x2FFFF;
	_ =	strace $0x9FFFFFFF  }
0xc2: {  	(tm) =	ssettm $0x7FFFFFFF  }
0xc3: {  	_ =	shalt  }
tec
execute0_lowered:
.L_overlay_start_1:
0x0: {  	(tag) =	ssettag $0x1  }
0x1: {  	s0 =	rddreg [dreg:$0x0]  }
0x2: {  	s1 =	rddreg [dreg:$0x1];
	s2 =	simm.s32 $0x0;
	s5 =	srdreg.scid  }
0x3: {  	s8 =	stileid.u32;
	s28 =	simm.s32 $0x14000;
	s29 =	simm.s32 $0x15400  }
0x4: {  	s30 =	simm.s32 $0x80;
	s31 =	simm.s32 $0x1;
	[smem:$0x7FF] =	sst s2  }
0x5: {  	s4 =	sadd.s32 $0x5DE00, s0;
	s3 =	sadd.s32 $0x8AE00, s0;
	s10 =	sadd.s32 $0x85E00, s0  }
0x6: {  	s11 =	sand.u32 $0x1, s5;
	s12 =	sadd.s32 $0x53E00, s0;
	s6 =	smul.u32 $0x50000, s8  }
0x7: {  	s13 =	sadd.s32 $0x58E00, s0;
	s14 =	smul.u32 $0x14000, s8;
	s23 =	sadd.s32 $0x8FE00, s0  }
0x8: {  	s9 =	smul.u32 $0x2800, s8;
	_ =	strace $0x8000004D;
	s5 =	ssub.s32 $0x2, s11  }
0x9: {  	p0 =	seq.s32 s11, $0x1;
	s11 =	smul.u32 $0x140000, s11;
	s7 =	sshrl.u32 s5, $0x1  }
0xa: {  	s19 =	sshrl.u32 s6, $0x2;
	s18 =	sadd.s32 $0x4000, s14;
	s20 =	sadd.s32 $0x8000, s14  }
0xb: {  	s15 =	sshrl.u32 s9, $0x3;
	s24 =	ssub.s32 s5, s7;
	s5 =	sadd.s32 $0x85600, s0  }
0xc: {  	s6 =	sadd.s32 s19, s1;
	s7 =	sadd.s32 s18, s1;
	s8 =	sadd.s32 s20, s1  }
0xd: {  	s19 =	sadd.s32 $0xC000, s14;
	s17 =	sadd.s32 $0x280, s15;
	s16 =	sadd.s32 s12, s15  }
0xe: {  	s21 =	sadd.s32 s13, s15;
	s25 =	sadd.s32 s3, s15;
	[dreg:$0x3] =	wrdreg s16  }
0xf: {  	s26 =	sadd.s32 s10, s15;
	s15 =	sadd.s32 s11, s18;
	[dreg:$0x4] =	wrdreg s21  }
0x10: {  	s0 =	sadd.s32 s11, s20;
	s9 =	sadd.s32 s19, s1;
	[dreg:$0x7] =	wrdreg s25  }
0x11: {  	s12 =	sadd.s32 s12, s17;
	s22 =	sadd.s32 s13, s17;
	[dreg:$0x8] =	wrdreg s26  }
0x12: {  	s3 =	sadd.s32 s3, s17;
	s17 =	sadd.s32 s10, s17;
	s13 =	sadd.s32 $0x10000, s14  }
0x13: {  	s14 =	sadd.s32 s14, s11;
	s16 =	sadd.s32 s11, s19;
	[dreg:$0x5] =	wrdreg s12  }
0x14: {  	s0 =	sshrl.u32 s0, $0x3;
	s24 =	smax.u32 s24, $0x1;
	[dreg:$0x6] =	wrdreg s22  }
0x15: {  	s10 =	simm.s32 $0x15380;
	[dreg:$0x9] =	wrdreg s3;
	s11 =	sadd.s32 s11, s13  }
0x16: {  	s18 =	sadd.s32 s13, s1;
	s21 =	sshrl.u32 s14, $0x3;
	s22 =	sshrl.u32 s15, $0x3  }
.Ltmp0:
0x17: {  	s25 =	sshrl.u32 s16, $0x3;
	s3 =	simm.s32 $0x2;
	(pc) =	sbr.rel .LBB2_1-.Ltmp0, $4  }
0x18: {  	s12 =	simm.s32 $0x16780;
	s13 =	simm.s32 $0x0;
	s19 =	sadd.s32 s23, s21  }
0x19: {  	s20 =	sadd.s32 s23, s22;
	s21 =	sadd.s32 s23, s0;
	s26 =	sshrl.u32 s11, $0x3  }
0x1a: {  	s22 =	sadd.s32 s23, s25;
	s25 =	simm.s32 $0x16800;
	s0 =	simm.s32 $0x1A800  }
0x1b: {  	s11 =	simm.s32 $0x16700;
	s23 =	sadd.s32 s23, s26;
	s26 =	simm.s32 $0x3  }
.LBB2_11:
0x1c: {  	[sflag:s26] =	ssyncadd.s32 $0xFFFFC000  }
.LBB2_12:
0x1d: {  	_ =	swait.ge [sflag:s31], $0x4000  }
0x1e: {  	[sflag:s31] =	ssyncset.done $0x0  }
0x1f: {  	[sflag:s31] =	ssyncadd.s32 $0xFFFFC000  }
0x20: {  	[tilespmem:s0], [sflag:$0x2] =	stream.indirect.gather [hbm4b:s4+s30], $0x80, s10, s30, $0xb8;
	[tilespmem:$0x1E800] =	vst v63  }
0x21: {  	_ = 	snop  }
0x22: {  	[spmem:s1] =	stream.indirect.scatter.add.f32 [tilespmem:s25], [sflag:$0x3], $0x80, s11, s30, $0xb8;
	[tilespmem:$0x1E800] =	vst v63  }
0x23: {  	_ =	swait.ge [sflag:s26], $0x4000  }
0x24: {  	[sflag:s26] =	ssyncset.done $0x0  }
0x25: {  	[sflag:s26] =	ssyncadd.s32 $0xFFFFC000  }
0x26: {  	_ =	swait.ge [sflag:s3], $0x4000  }
0x27: {  	[sflag:s3] =	ssyncset.done $0x0  }
0x28: {  	[sflag:s3] =	ssyncadd.s32 $0xFFFFC000  }
0x29: {  	[spmem:s1] =	stream.indirect.scatter.add.f32 [tilespmem:s0], [sflag:$0x3], $0x80, s12, s30, $0xb8;
	[tilespmem:$0x1E800] =	vst v63  }
0x2a: {  	_ =	swait.ge [sflag:s26], $0x4000  }
0x2b: {  	[sflag:s26] =	ssyncset.done $0x0  }
0x2c: {  	[sflag:s26] =	ssyncadd.s32 $0xFFFFC000  }
0x2d: {  	[bflag:$0x0] =	sbarrier.arrive $0xFFFF  }
0x2e: {  	[tilespmem:s25], [sflag:$0x3] =	stream.linear.gather [spmem:s6], $0x4000, $0x38;
	[tilespmem:$0x1E800] =	vst v63  }
0x2f: {  	_ =	swait.ge [sflag:s26], $0x4000  }
0x30: {  	[sflag:s26] =	ssyncset.done $0x0  }
0x31: {  	[sflag:s26] =	ssyncadd.s32 $0xFFFFC000  }
0x32: {  	[hbm4b:s19+s2] =	stream.linear.scatter [tilespmem:s25], [sflag:$0x3], $0x4000, $0x38;
	[tilespmem:$0x1E800] =	vst v63  }
0x33: {  	_ =	swait.ge [sflag:s26], $0x4000  }
0x34: {  	[sflag:s26] =	ssyncset.done $0x0  }
0x35: {  	[sflag:s26] =	ssyncadd.s32 $0xFFFFC000  }
0x36: {  	[tilespmem:s25], [sflag:$0x3] =	stream.linear.gather [spmem:s7], $0x4000, $0x38;
	[tilespmem:$0x1E800] =	vst v63  }
0x37: {  	_ =	swait.ge [sflag:s26], $0x4000  }
0x38: {  	[sflag:s26] =	ssyncset.done $0x0  }
0x39: {  	[sflag:s26] =	ssyncadd.s32 $0xFFFFC000  }
0x3a: {  	[hbm4b:s20+s2] =	stream.linear.scatter [tilespmem:s25], [sflag:$0x3], $0x4000, $0x38;
	[tilespmem:$0x1E800] =	vst v63  }
0x3b: {  	_ =	swait.ge [sflag:s26], $0x4000  }
0x3c: {  	[sflag:s26] =	ssyncset.done $0x0  }
0x3d: {  	[sflag:s26] =	ssyncadd.s32 $0xFFFFC000  }
0x3e: {  	[tilespmem:s25], [sflag:$0x3] =	stream.linear.gather [spmem:s8], $0x4000, $0x38;
	[tilespmem:$0x1E800] =	vst v63  }
0x3f: {  	_ =	swait.ge [sflag:s26], $0x4000  }
0x40: {  	[sflag:s26] =	ssyncset.done $0x0  }
0x41: {  	[sflag:s26] =	ssyncadd.s32 $0xFFFFC000  }
0x42: {  	[hbm4b:s21+s2] =	stream.linear.scatter [tilespmem:s25], [sflag:$0x3], $0x4000, $0x38;
	[tilespmem:$0x1E800] =	vst v63  }
0x43: {  	_ =	swait.ge [sflag:s26], $0x4000  }
0x44: {  	[sflag:s26] =	ssyncset.done $0x0  }
0x45: {  	[sflag:s26] =	ssyncadd.s32 $0xFFFFC000  }
0x46: {  	[tilespmem:s25], [sflag:$0x3] =	stream.linear.gather [spmem:s9], $0x4000, $0x38;
	[tilespmem:$0x1E800] =	vst v63  }
0x47: {  	_ =	swait.ge [sflag:s26], $0x4000  }
0x48: {  	[sflag:s26] =	ssyncset.done $0x0  }
0x49: {  	[sflag:s26] =	ssyncadd.s32 $0xFFFFC000  }
0x4a: {  	[hbm4b:s22+s2] =	stream.linear.scatter [tilespmem:s25], [sflag:$0x3], $0x4000, $0x38;
	[tilespmem:$0x1E800] =	vst v63  }
0x4b: {  	_ =	swait.ge [sflag:s26], $0x4000  }
0x4c: {  	[sflag:s26] =	ssyncset.done $0x0  }
0x4d: {  	[sflag:s26] =	ssyncadd.s32 $0xFFFFC000  }
0x4e: {  	[tilespmem:s25], [sflag:$0x3] =	stream.linear.gather [spmem:s18], $0x4000, $0x38;
	[tilespmem:$0x1E800] =	vst v63  }
0x4f: {  	s13 =	sadd.s32 $0x1, s13;
	_ =	swait.ge [sflag:s26], $0x4000  }
0x50: {  	p1 =	sne.s32 s13, s24;
	[sflag:s26] =	ssyncset.done $0x0  }
.Ltmp1:
0x51: {  	[sflag:s26] =	ssyncadd.s32 $0xFFFFC000;
	(pc) =	sbr.rel @!p1 .LBB2_13-.Ltmp1, $4  }
0x52: {  	[hbm4b:s23+s2] =	stream.linear.scatter [tilespmem:s25], [sflag:$0x3], $0x4000, $0x38;
	[tilespmem:$0x1E800] =	vst v63  }
0x53: {  	_ =	swait.ge [sflag:s26], $0x4000  }
0x54: {  	[sflag:s26] =	ssyncset.done $0x0  }
0x55: {  	[sflag:s26] =	ssyncadd.s32 $0xFFFFC000  }
.LBB2_1:
0x56: {  	[tilespmem:s25], [sflag:$0x3] =	stream.linear.gather [hbm4b:s5+s2], $0x4000, $0x38;
	[tilespmem:$0x1E800] =	vst v63  }
0x57: {  	_ =	swait.ge [sflag:s26], $0x4000  }
0x58: {  	[sflag:s26] =	ssyncset.done $0x0  }
0x59: {  	[sflag:s26] =	ssyncadd.s32 $0xFFFFC000  }
0x5a: {  	[spmem:s6] =	stream.linear.scatter [tilespmem:s25], [sflag:$0x3], $0x4000, $0x38;
	[tilespmem:$0x1E800] =	vst v63  }
0x5b: {  	_ =	swait.ge [sflag:s26], $0x4000  }
0x5c: {  	[sflag:s26] =	ssyncset.done $0x0  }
0x5d: {  	[sflag:s26] =	ssyncadd.s32 $0xFFFFC000  }
0x5e: {  	[spmem:s7] =	stream.linear.scatter [tilespmem:s25], [sflag:$0x3], $0x4000, $0x38;
	[tilespmem:$0x1E800] =	vst v63  }
0x5f: {  	_ =	swait.ge [sflag:s26], $0x4000  }
0x60: {  	[sflag:s26] =	ssyncset.done $0x0  }
0x61: {  	[sflag:s26] =	ssyncadd.s32 $0xFFFFC000  }
0x62: {  	[spmem:s8] =	stream.linear.scatter [tilespmem:s25], [sflag:$0x3], $0x4000, $0x38;
	[tilespmem:$0x1E800] =	vst v63  }
0x63: {  	_ =	swait.ge [sflag:s26], $0x4000  }
0x64: {  	[sflag:s26] =	ssyncset.done $0x0  }
0x65: {  	[sflag:s26] =	ssyncadd.s32 $0xFFFFC000  }
0x66: {  	[spmem:s9] =	stream.linear.scatter [tilespmem:s25], [sflag:$0x3], $0x4000, $0x38;
	[tilespmem:$0x1E800] =	vst v63  }
0x67: {  	_ =	swait.ge [sflag:s26], $0x4000  }
0x68: {  	[sflag:s26] =	ssyncset.done $0x0  }
0x69: {  	[sflag:s26] =	ssyncadd.s32 $0xFFFFC000  }
0x6a: {  	[spmem:s18] =	stream.linear.scatter [tilespmem:s25], [sflag:$0x3], $0x4000, $0x38;
	[tilespmem:$0x1E800] =	vst v63  }
.Ltmp2:
0x6b: {  	_ =	swait.ge [sflag:s26], $0x4000;
	(pc) =	sbr.rel @!p0 .LBB2_7-.Ltmp2, $4  }
0x6c: {  	[sflag:s26] =	ssyncset.done $0x0  }
0x6d: {  	[sflag:s26] =	ssyncadd.s32 $0xFFFFC000  }
0x6e: {  	[bflag:$0x0] =	sbarrier.arrive $0xFFFF  }
0x6f: {  	s14 =	simm.s32 $0x0  }
0x70: {  	s15 =	rddreg [dreg:$0x7]  }
0x71: {  	[tilespmem:s28], [sflag:$0x3] =	stream.linear.gather [hbm4b:s15+s14], $0x1400, $0x38;
	[tilespmem:$0x1E800] =	vst v63  }
0x72: {  	_ =	swait.ge [sflag:s26], $0x1400  }
0x73: {  	[sflag:s26] =	ssyncset.done $0x0  }
0x74: {  	s16 =	rddreg [dreg:$0x8];
	[sflag:s26] =	ssyncadd.s32 $0xFFFFEC00  }
0x75: {  	[tilespmem:s29], [sflag:$0x3] =	stream.linear.gather [hbm4b:s16+s14], $0x1400, $0x38;
	[tilespmem:$0x1E800] =	vst v63  }
0x76: {  	_ =	swait.ge [sflag:s26], $0x1400  }
0x77: {  	[sflag:s26] =	ssyncset.done $0x0  }
0x78: {  	[sflag:s26] =	ssyncadd.s32 $0xFFFFEC00  }
0x79: {  	[tilespmem:s25], [sflag:$0x1] =	stream.indirect.gather [hbm4b:s4+s30], $0x80, s28, s30, $0xb8;
	[tilespmem:$0x1E800] =	vst v63  }
0x7a: {  	_ =	swait.ge [sflag:s31], $0x4000  }
0x7b: {  	[sflag:s31] =	ssyncset.done $0x0  }
0x7c: {  	s15 =	simm.s32 $0x14080;
	[sflag:s31] =	ssyncadd.s32 $0xFFFFC000  }
0x7d: {  	[tilespmem:s0], [sflag:$0x2] =	stream.indirect.gather [hbm4b:s4+s30], $0x80, s15, s30, $0xb8;
	[tilespmem:$0x1E800] =	vst v63  }
0x7e: {  	s16 =	simm.s32 $0x15400  }
0x7f: {  	[spmem:s1] =	stream.indirect.scatter.add.f32 [tilespmem:s25], [sflag:$0x3], $0x80, s16, s30, $0xb8;
	[tilespmem:$0x1E800] =	vst v63  }
0x80: {  	_ =	swait.ge [sflag:s26], $0x4000  }
0x81: {  	[sflag:s26] =	ssyncset.done $0x0  }
0x82: {  	[sflag:s26] =	ssyncadd.s32 $0xFFFFC000  }
0x83: {  	_ =	swait.ge [sflag:s3], $0x4000  }
0x84: {  	[sflag:s3] =	ssyncset.done $0x0  }
0x85: {  	s15 =	simm.s32 $0x14100;
	[sflag:s3] =	ssyncadd.s32 $0xFFFFC000  }
0x86: {  	[tilespmem:s25], [sflag:$0x1] =	stream.indirect.gather [hbm4b:s4+s30], $0x80, s15, s30, $0xb8;
	[tilespmem:$0x1E800] =	vst v63  }
0x87: {  	s16 =	simm.s32 $0x15480  }
0x88: {  	[spmem:s1] =	stream.indirect.scatter.add.f32 [tilespmem:s0], [sflag:$0x3], $0x80, s16, s30, $0xb8;
	[tilespmem:$0x1E800] =	vst v63  }
0x89: {  	_ =	swait.ge [sflag:s26], $0x4000  }
0x8a: {  	s14 =	simm.s32 $0x400;
	[sflag:s26] =	ssyncset.done $0x0  }
.LBB2_3:
0x8b: {  	p1 =	sne.s32 s14, $0x4800  }
0x8c: {  	[sflag:s26] =	ssyncadd.s32 $0xFFFFC000;
	s15 =	smov.u32 s14;
	s14 =	sadd.s32 $0x400, s14  }
0x8d: {  	_ = 	snop  }
0x8e: {  	_ =	swait.ge [sflag:s31], $0x4000  }
0x8f: {  	s15 =	sshra.s32 s15, $0x2;
	[sflag:s31] =	ssyncset.done $0x0  }
0x90: {  	s16 =	sadd.s32 $0x14080, s15;
	[sflag:s31] =	ssyncadd.s32 $0xFFFFC000  }
0x91: {  	[tilespmem:s0], [sflag:$0x2] =	stream.indirect.gather [hbm4b:s4+s30], $0x80, s16, s30, $0xb8;
	[tilespmem:$0x1E800] =	vst v63  }
0x92: {  	s16 =	sadd.s32 $0x15400, s15  }
0x93: {  	[spmem:s1] =	stream.indirect.scatter.add.f32 [tilespmem:s25], [sflag:$0x3], $0x80, s16, s30, $0xb8;
	[tilespmem:$0x1E800] =	vst v63  }
0x94: {  	_ =	swait.ge [sflag:s26], $0x4000  }
0x95: {  	[sflag:s26] =	ssyncset.done $0x0  }
0x96: {  	[sflag:s26] =	ssyncadd.s32 $0xFFFFC000  }
0x97: {  	_ =	swait.ge [sflag:s3], $0x4000  }
0x98: {  	[sflag:s3] =	ssyncset.done $0x0  }
0x99: {  	s16 =	sadd.s32 $0x14100, s15;
	[sflag:s3] =	ssyncadd.s32 $0xFFFFC000  }
0x9a: {  	[tilespmem:s25], [sflag:$0x1] =	stream.indirect.gather [hbm4b:s4+s30], $0x80, s16, s30, $0xb8;
	[tilespmem:$0x1E800] =	vst v63  }
.Ltmp3:
0x9b: {  	_ = 	snop;
	(pc) =	sbr.rel @p1 .LBB2_3-.Ltmp3, $4  }
0x9c: {  	s15 =	sadd.s32 $0x15480, s15  }
0x9d: {  	[spmem:s1] =	stream.indirect.scatter.add.f32 [tilespmem:s0], [sflag:$0x3], $0x80, s15, s30, $0xb8;
	[tilespmem:$0x1E800] =	vst v63  }
0x9e: {  	_ =	swait.ge [sflag:s26], $0x4000  }
0x9f: {  	[sflag:s26] =	ssyncset.done $0x0  }
0xa0: {  	[sflag:s26] =	ssyncadd.s32 $0xFFFFC000  }
0xa1: {  	_ =	swait.ge [sflag:s31], $0x4000  }
0xa2: {  	[sflag:s31] =	ssyncset.done $0x0  }
0xa3: {  	[sflag:s31] =	ssyncadd.s32 $0xFFFFC000  }
0xa4: {  	[tilespmem:s0], [sflag:$0x2] =	stream.indirect.gather [hbm4b:s4+s30], $0x80, s10, s30, $0xb8;
	[tilespmem:$0x1E800] =	vst v63  }
0xa5: {  	_ = 	snop  }
0xa6: {  	[spmem:s1] =	stream.indirect.scatter.add.f32 [tilespmem:s25], [sflag:$0x3], $0x80, s11, s30, $0xb8;
	[tilespmem:$0x1E800] =	vst v63  }
0xa7: {  	_ =	swait.ge [sflag:s26], $0x4000  }
0xa8: {  	[sflag:s26] =	ssyncset.done $0x0  }
0xa9: {  	[sflag:s26] =	ssyncadd.s32 $0xFFFFC000  }
0xaa: {  	_ =	swait.ge [sflag:s3], $0x4000  }
0xab: {  	[sflag:s3] =	ssyncset.done $0x0  }
0xac: {  	[sflag:s3] =	ssyncadd.s32 $0xFFFFC000  }
0xad: {  	[spmem:s1] =	stream.indirect.scatter.add.f32 [tilespmem:s0], [sflag:$0x3], $0x80, s12, s30, $0xb8;
	[tilespmem:$0x1E800] =	vst v63  }
0xae: {  	_ =	swait.ge [sflag:s26], $0x4000  }
0xaf: {  	[sflag:s26] =	ssyncset.done $0x0  }
0xb0: {  	s14 =	simm.s32 $0x0;
	s15 =	rddreg [dreg:$0x9];
	[sflag:s26] =	ssyncadd.s32 $0xFFFFC000  }
0xb1: {  	[tilespmem:s28], [sflag:$0x3] =	stream.linear.gather [hbm4b:s15+s14], $0x1400, $0x38;
	[tilespmem:$0x1E800] =	vst v63  }
0xb2: {  	_ =	swait.ge [sflag:s26], $0x1400  }
0xb3: {  	[sflag:s26] =	ssyncset.done $0x0  }
0xb4: {  	[sflag:s26] =	ssyncadd.s32 $0xFFFFEC00  }
0xb5: {  	[tilespmem:s29], [sflag:$0x3] =	stream.linear.gather [hbm4b:s17+s14], $0x1400, $0x38;
	[tilespmem:$0x1E800] =	vst v63  }
0xb6: {  	_ =	swait.ge [sflag:s26], $0x1400  }
0xb7: {  	[sflag:s26] =	ssyncset.done $0x0  }
0xb8: {  	[sflag:s26] =	ssyncadd.s32 $0xFFFFEC00  }
0xb9: {  	[tilespmem:s25], [sflag:$0x1] =	stream.indirect.gather [hbm4b:s4+s30], $0x80, s28, s30, $0xb8;
	[tilespmem:$0x1E800] =	vst v63  }
0xba: {  	_ =	swait.ge [sflag:s31], $0x4000  }
0xbb: {  	[sflag:s31] =	ssyncset.done $0x0  }
0xbc: {  	s15 =	simm.s32 $0x14080;
	[sflag:s31] =	ssyncadd.s32 $0xFFFFC000  }
0xbd: {  	[tilespmem:s0], [sflag:$0x2] =	stream.indirect.gather [hbm4b:s4+s30], $0x80, s15, s30, $0xb8;
	[tilespmem:$0x1E800] =	vst v63  }
0xbe: {  	s16 =	simm.s32 $0x15400  }
0xbf: {  	[spmem:s1] =	stream.indirect.scatter.add.f32 [tilespmem:s25], [sflag:$0x3], $0x80, s16, s30, $0xb8;
	[tilespmem:$0x1E800] =	vst v63  }
0xc0: {  	_ =	swait.ge [sflag:s26], $0x4000  }
0xc1: {  	[sflag:s26] =	ssyncset.done $0x0  }
0xc2: {  	[sflag:s26] =	ssyncadd.s32 $0xFFFFC000  }
0xc3: {  	_ =	swait.ge [sflag:s3], $0x4000  }
0xc4: {  	[sflag:s3] =	ssyncset.done $0x0  }
0xc5: {  	s15 =	simm.s32 $0x14100;
	[sflag:s3] =	ssyncadd.s32 $0xFFFFC000  }
0xc6: {  	[tilespmem:s25], [sflag:$0x1] =	stream.indirect.gather [hbm4b:s4+s30], $0x80, s15, s30, $0xb8;
	[tilespmem:$0x1E800] =	vst v63  }
0xc7: {  	s16 =	simm.s32 $0x15480  }
0xc8: {  	[spmem:s1] =	stream.indirect.scatter.add.f32 [tilespmem:s0], [sflag:$0x3], $0x80, s16, s30, $0xb8;
	[tilespmem:$0x1E800] =	vst v63  }
0xc9: {  	_ =	swait.ge [sflag:s26], $0x4000  }
0xca: {  	s14 =	simm.s32 $0x400;
	[sflag:s26] =	ssyncset.done $0x0  }
.LBB2_5:
0xcb: {  	p1 =	seq.s32 s14, $0x4800  }
0xcc: {  	[sflag:s26] =	ssyncadd.s32 $0xFFFFC000;
	s15 =	smov.u32 s14;
	s14 =	sadd.s32 $0x400, s14  }
0xcd: {  	_ = 	snop  }
0xce: {  	_ =	swait.ge [sflag:s31], $0x4000  }
0xcf: {  	s15 =	sshra.s32 s15, $0x2;
	[sflag:s31] =	ssyncset.done $0x0  }
0xd0: {  	s16 =	sadd.s32 $0x14080, s15;
	[sflag:s31] =	ssyncadd.s32 $0xFFFFC000  }
0xd1: {  	[tilespmem:s0], [sflag:$0x2] =	stream.indirect.gather [hbm4b:s4+s30], $0x80, s16, s30, $0xb8;
	[tilespmem:$0x1E800] =	vst v63  }
0xd2: {  	s16 =	sadd.s32 $0x15400, s15  }
0xd3: {  	[spmem:s1] =	stream.indirect.scatter.add.f32 [tilespmem:s25], [sflag:$0x3], $0x80, s16, s30, $0xb8;
	[tilespmem:$0x1E800] =	vst v63  }
0xd4: {  	_ =	swait.ge [sflag:s26], $0x4000  }
0xd5: {  	[sflag:s26] =	ssyncset.done $0x0  }
0xd6: {  	[sflag:s26] =	ssyncadd.s32 $0xFFFFC000  }
0xd7: {  	_ =	swait.ge [sflag:s3], $0x4000  }
0xd8: {  	[sflag:s3] =	ssyncset.done $0x0  }
0xd9: {  	s16 =	sadd.s32 $0x14100, s15;
	[sflag:s3] =	ssyncadd.s32 $0xFFFFC000  }
0xda: {  	[tilespmem:s25], [sflag:$0x1] =	stream.indirect.gather [hbm4b:s4+s30], $0x80, s16, s30, $0xb8;
	[tilespmem:$0x1E800] =	vst v63  }
.Ltmp4:
0xdb: {  	_ = 	snop;
	(pc) =	sbr.rel @!p1 .LBB2_5-.Ltmp4, $4  }
0xdc: {  	s15 =	sadd.s32 $0x15480, s15  }
0xdd: {  	[spmem:s1] =	stream.indirect.scatter.add.f32 [tilespmem:s0], [sflag:$0x3], $0x80, s15, s30, $0xb8;
	[tilespmem:$0x1E800] =	vst v63  }
0xde: {  	_ =	swait.ge [sflag:s26], $0x4000  }
0xdf: {  	[sflag:s26] =	ssyncset.done $0x0  }
.Ltmp5:
0xe0: {  	(pc) =	sbr.rel .LBB2_12-.Ltmp5, $2  }
0xe1: {  	_ =	sdelay $0x2  }
0xe2: {  	[sflag:s26] =	ssyncadd.s32 $0xFFFFC000  }
.LBB2_7:
0xe3: {  	s15 =	rddreg [dreg:$0x3]  }
0xe4: {  	[tilespmem:s28], [sflag:$0x3] =	stream.linear.gather [hbm4b:s15+s14], $0x1400, $0x38;
	[tilespmem:$0x1E800] =	vst v63  }
0xe5: {  	_ =	swait.ge [sflag:s26], $0x1400  }
0xe6: {  	[sflag:s26] =	ssyncset.done $0x0  }
0xe7: {  	s16 =	rddreg [dreg:$0x4];
	[sflag:s26] =	ssyncadd.s32 $0xFFFFEC00  }
0xe8: {  	[tilespmem:s29], [sflag:$0x3] =	stream.linear.gather [hbm4b:s16+s14], $0x1400, $0x38;
	[tilespmem:$0x1E800] =	vst v63  }
0xe9: {  	_ =	swait.ge [sflag:s26], $0x1400  }
0xea: {  	[sflag:s26] =	ssyncset.done $0x0  }
0xeb: {  	[sflag:s26] =	ssyncadd.s32 $0xFFFFEC00  }
0xec: {  	[tilespmem:s25], [sflag:$0x1] =	stream.indirect.gather [hbm4b:s4+s30], $0x80, s28, s30, $0xb8;
	[tilespmem:$0x1E800] =	vst v63  }
0xed: {  	_ =	swait.ge [sflag:s31], $0x4000  }
0xee: {  	[sflag:s31] =	ssyncset.done $0x0  }
0xef: {  	s15 =	simm.s32 $0x14080;
	[sflag:s31] =	ssyncadd.s32 $0xFFFFC000  }
0xf0: {  	[tilespmem:s0], [sflag:$0x2] =	stream.indirect.gather [hbm4b:s4+s30], $0x80, s15, s30, $0xb8;
	[tilespmem:$0x1E800] =	vst v63  }
0xf1: {  	s16 =	simm.s32 $0x15400  }
0xf2: {  	[spmem:s1] =	stream.indirect.scatter.add.f32 [tilespmem:s25], [sflag:$0x3], $0x80, s16, s30, $0xb8;
	[tilespmem:$0x1E800] =	vst v63  }
0xf3: {  	_ =	swait.ge [sflag:s26], $0x4000  }
0xf4: {  	[sflag:s26] =	ssyncset.done $0x0  }
0xf5: {  	[sflag:s26] =	ssyncadd.s32 $0xFFFFC000  }
0xf6: {  	_ =	swait.ge [sflag:s3], $0x4000  }
0xf7: {  	[sflag:s3] =	ssyncset.done $0x0  }
0xf8: {  	s15 =	simm.s32 $0x14100;
	[sflag:s3] =	ssyncadd.s32 $0xFFFFC000  }
0xf9: {  	[tilespmem:s25], [sflag:$0x1] =	stream.indirect.gather [hbm4b:s4+s30], $0x80, s15, s30, $0xb8;
	[tilespmem:$0x1E800] =	vst v63  }
0xfa: {  	s16 =	simm.s32 $0x15480  }
0xfb: {  	[spmem:s1] =	stream.indirect.scatter.add.f32 [tilespmem:s0], [sflag:$0x3], $0x80, s16, s30, $0xb8;
	[tilespmem:$0x1E800] =	vst v63  }
0xfc: {  	_ =	swait.ge [sflag:s26], $0x4000  }
0xfd: {  	s14 =	simm.s32 $0x400;
	[sflag:s26] =	ssyncset.done $0x0  }
.LBB2_8:
0xfe: {  	p1 =	sne.s32 s14, $0x4800  }
0xff: {  	[sflag:s26] =	ssyncadd.s32 $0xFFFFC000;
	s15 =	smov.u32 s14;
	s14 =	sadd.s32 $0x400, s14  }
0x100: {  	_ = 	snop  }
0x101: {  	_ =	swait.ge [sflag:s31], $0x4000  }
0x102: {  	s15 =	sshra.s32 s15, $0x2;
	[sflag:s31] =	ssyncset.done $0x0  }
0x103: {  	s16 =	sadd.s32 $0x14080, s15;
	[sflag:s31] =	ssyncadd.s32 $0xFFFFC000  }
0x104: {  	[tilespmem:s0], [sflag:$0x2] =	stream.indirect.gather [hbm4b:s4+s30], $0x80, s16, s30, $0xb8;
	[tilespmem:$0x1E800] =	vst v63  }
0x105: {  	s16 =	sadd.s32 $0x15400, s15  }
0x106: {  	[spmem:s1] =	stream.indirect.scatter.add.f32 [tilespmem:s25], [sflag:$0x3], $0x80, s16, s30, $0xb8;
	[tilespmem:$0x1E800] =	vst v63  }
0x107: {  	_ =	swait.ge [sflag:s26], $0x4000  }
0x108: {  	[sflag:s26] =	ssyncset.done $0x0  }
0x109: {  	[sflag:s26] =	ssyncadd.s32 $0xFFFFC000  }
0x10a: {  	_ =	swait.ge [sflag:s3], $0x4000  }
0x10b: {  	[sflag:s3] =	ssyncset.done $0x0  }
0x10c: {  	s16 =	sadd.s32 $0x14100, s15;
	[sflag:s3] =	ssyncadd.s32 $0xFFFFC000  }
0x10d: {  	[tilespmem:s25], [sflag:$0x1] =	stream.indirect.gather [hbm4b:s4+s30], $0x80, s16, s30, $0xb8;
	[tilespmem:$0x1E800] =	vst v63  }
.Ltmp6:
0x10e: {  	_ = 	snop;
	(pc) =	sbr.rel @p1 .LBB2_8-.Ltmp6, $4  }
0x10f: {  	s15 =	sadd.s32 $0x15480, s15  }
0x110: {  	[spmem:s1] =	stream.indirect.scatter.add.f32 [tilespmem:s0], [sflag:$0x3], $0x80, s15, s30, $0xb8;
	[tilespmem:$0x1E800] =	vst v63  }
0x111: {  	_ =	swait.ge [sflag:s26], $0x4000  }
0x112: {  	[sflag:s26] =	ssyncset.done $0x0  }
0x113: {  	[sflag:s26] =	ssyncadd.s32 $0xFFFFC000  }
0x114: {  	_ =	swait.ge [sflag:s31], $0x4000  }
0x115: {  	[sflag:s31] =	ssyncset.done $0x0  }
0x116: {  	[sflag:s31] =	ssyncadd.s32 $0xFFFFC000  }
0x117: {  	[tilespmem:s0], [sflag:$0x2] =	stream.indirect.gather [hbm4b:s4+s30], $0x80, s10, s30, $0xb8;
	[tilespmem:$0x1E800] =	vst v63  }
0x118: {  	_ = 	snop  }
0x119: {  	[spmem:s1] =	stream.indirect.scatter.add.f32 [tilespmem:s25], [sflag:$0x3], $0x80, s11, s30, $0xb8;
	[tilespmem:$0x1E800] =	vst v63  }
0x11a: {  	_ =	swait.ge [sflag:s26], $0x4000  }
0x11b: {  	[sflag:s26] =	ssyncset.done $0x0  }
0x11c: {  	[sflag:s26] =	ssyncadd.s32 $0xFFFFC000  }
0x11d: {  	_ =	swait.ge [sflag:s3], $0x4000  }
0x11e: {  	[sflag:s3] =	ssyncset.done $0x0  }
0x11f: {  	[sflag:s3] =	ssyncadd.s32 $0xFFFFC000  }
0x120: {  	[spmem:s1] =	stream.indirect.scatter.add.f32 [tilespmem:s0], [sflag:$0x3], $0x80, s12, s30, $0xb8;
	[tilespmem:$0x1E800] =	vst v63  }
0x121: {  	_ =	swait.ge [sflag:s26], $0x4000  }
0x122: {  	[sflag:s26] =	ssyncset.done $0x0  }
0x123: {  	s14 =	simm.s32 $0x0;
	s15 =	rddreg [dreg:$0x5];
	[sflag:s26] =	ssyncadd.s32 $0xFFFFC000  }
0x124: {  	[tilespmem:s28], [sflag:$0x3] =	stream.linear.gather [hbm4b:s15+s14], $0x1400, $0x38;
	[tilespmem:$0x1E800] =	vst v63  }
0x125: {  	_ =	swait.ge [sflag:s26], $0x1400  }
0x126: {  	[sflag:s26] =	ssyncset.done $0x0  }
0x127: {  	s16 =	rddreg [dreg:$0x6];
	[sflag:s26] =	ssyncadd.s32 $0xFFFFEC00  }
0x128: {  	[tilespmem:s29], [sflag:$0x3] =	stream.linear.gather [hbm4b:s16+s14], $0x1400, $0x38;
	[tilespmem:$0x1E800] =	vst v63  }
0x129: {  	_ =	swait.ge [sflag:s26], $0x1400  }
0x12a: {  	[sflag:s26] =	ssyncset.done $0x0  }
0x12b: {  	[sflag:s26] =	ssyncadd.s32 $0xFFFFEC00  }
0x12c: {  	[tilespmem:s25], [sflag:$0x1] =	stream.indirect.gather [hbm4b:s4+s30], $0x80, s28, s30, $0xb8;
	[tilespmem:$0x1E800] =	vst v63  }
0x12d: {  	_ =	swait.ge [sflag:s31], $0x4000  }
0x12e: {  	[sflag:s31] =	ssyncset.done $0x0  }
0x12f: {  	s15 =	simm.s32 $0x14080;
	[sflag:s31] =	ssyncadd.s32 $0xFFFFC000  }
0x130: {  	[tilespmem:s0], [sflag:$0x2] =	stream.indirect.gather [hbm4b:s4+s30], $0x80, s15, s30, $0xb8;
	[tilespmem:$0x1E800] =	vst v63  }
0x131: {  	s16 =	simm.s32 $0x15400  }
0x132: {  	[spmem:s1] =	stream.indirect.scatter.add.f32 [tilespmem:s25], [sflag:$0x3], $0x80, s16, s30, $0xb8;
	[tilespmem:$0x1E800] =	vst v63  }
0x133: {  	_ =	swait.ge [sflag:s26], $0x4000  }
0x134: {  	[sflag:s26] =	ssyncset.done $0x0  }
0x135: {  	[sflag:s26] =	ssyncadd.s32 $0xFFFFC000  }
0x136: {  	_ =	swait.ge [sflag:s3], $0x4000  }
0x137: {  	[sflag:s3] =	ssyncset.done $0x0  }
0x138: {  	s15 =	simm.s32 $0x14100;
	[sflag:s3] =	ssyncadd.s32 $0xFFFFC000  }
0x139: {  	[tilespmem:s25], [sflag:$0x1] =	stream.indirect.gather [hbm4b:s4+s30], $0x80, s15, s30, $0xb8;
	[tilespmem:$0x1E800] =	vst v63  }
0x13a: {  	s16 =	simm.s32 $0x15480  }
0x13b: {  	[spmem:s1] =	stream.indirect.scatter.add.f32 [tilespmem:s0], [sflag:$0x3], $0x80, s16, s30, $0xb8;
	[tilespmem:$0x1E800] =	vst v63  }
0x13c: {  	_ =	swait.ge [sflag:s26], $0x4000  }
0x13d: {  	s14 =	simm.s32 $0x400;
	[sflag:s26] =	ssyncset.done $0x0  }
.LBB2_10:
0x13e: {  	p1 =	sne.s32 s14, $0x4800  }
0x13f: {  	[sflag:s26] =	ssyncadd.s32 $0xFFFFC000;
	s15 =	smov.u32 s14;
	s14 =	sadd.s32 $0x400, s14  }
0x140: {  	_ = 	snop  }
0x141: {  	_ =	swait.ge [sflag:s31], $0x4000  }
0x142: {  	s15 =	sshra.s32 s15, $0x2;
	[sflag:s31] =	ssyncset.done $0x0  }
0x143: {  	s16 =	sadd.s32 $0x14080, s15;
	[sflag:s31] =	ssyncadd.s32 $0xFFFFC000  }
0x144: {  	[tilespmem:s0], [sflag:$0x2] =	stream.indirect.gather [hbm4b:s4+s30], $0x80, s16, s30, $0xb8;
	[tilespmem:$0x1E800] =	vst v63  }
0x145: {  	s16 =	sadd.s32 $0x15400, s15  }
0x146: {  	[spmem:s1] =	stream.indirect.scatter.add.f32 [tilespmem:s25], [sflag:$0x3], $0x80, s16, s30, $0xb8;
	[tilespmem:$0x1E800] =	vst v63  }
0x147: {  	_ =	swait.ge [sflag:s26], $0x4000  }
0x148: {  	[sflag:s26] =	ssyncset.done $0x0  }
0x149: {  	[sflag:s26] =	ssyncadd.s32 $0xFFFFC000  }
0x14a: {  	_ =	swait.ge [sflag:s3], $0x4000  }
0x14b: {  	[sflag:s3] =	ssyncset.done $0x0  }
0x14c: {  	s16 =	sadd.s32 $0x14100, s15;
	[sflag:s3] =	ssyncadd.s32 $0xFFFFC000  }
0x14d: {  	[tilespmem:s25], [sflag:$0x1] =	stream.indirect.gather [hbm4b:s4+s30], $0x80, s16, s30, $0xb8;
	[tilespmem:$0x1E800] =	vst v63  }
.Ltmp7:
0x14e: {  	_ = 	snop;
	(pc) =	sbr.rel @p1 .LBB2_10-.Ltmp7, $4  }
0x14f: {  	s15 =	sadd.s32 $0x15480, s15  }
0x150: {  	[spmem:s1] =	stream.indirect.scatter.add.f32 [tilespmem:s0], [sflag:$0x3], $0x80, s15, s30, $0xb8;
	[tilespmem:$0x1E800] =	vst v63  }
0x151: {  	_ =	swait.ge [sflag:s26], $0x4000  }
0x152: {  	[sflag:s26] =	ssyncset.done $0x0  }
.Ltmp8:
0x153: {  	_ = 	snop;
	(pc) =	sbr.rel .LBB2_11-.Ltmp8, $1  }
0x154: {  	_ =	sdelay $0x3  }
.LBB2_13:
0x155: {  	_ =	sfence.sel $0x180000  }
0x156: {  	[bflag:$0x0] =	sbarrier.arrive $0xFFFF  }
0x157: {  	_ =	strace $0x9000004D  }
0x158: {  	s0 =	stileid.u32;
	[bflag:$0x2] =	sbarrier.arrive $0xFFFF  }
0x159: {  	p0 =	sne.s32 s0, $0x0;
	s0 =	rddreg [dreg:$0x2]  }
0x15a: {  	s0 =	sadd.s32 @!p0 $0x100000, s0  }
0x15b: {  	[sflag:s0] =	ssyncadd.tile.s32 @!p0 $0x1;
	_ =	shalt  }
.Lfunc_end2:
_tile_overlayer_lowered:
.L_overlay_start_2:
0x15c: {  	(tag) =	ssettag $0x2  }
0x15d: {  	s0 =	rddreg [dreg:$0x0];
	s2 =	stileid.u32  }
0x15e: {  	s1 =	rddreg [dreg:$0x1];
	p0 =	sne.s32 s2, $0x0  }
0x15f: {  	s3 =	rddreg [dreg:$0x2];
	[bflag:$0x3] =	sbarrier.arrive $0xFFFF;
	s2 =	simm.s32 @!p0 $0x1C03  }
0x160: {  	[timem:s3], [sflag:s2] =	dma.local @!p0 [hbm:s0], s1  }
0x161: {  	s0 =	simm.s32 @!p0 $0x3  }
0x162: {  	_ =	swait.ge @!p0 [sflag:s0], s1  }
0x163: {  	s1 =	ssub.s32 @!p0 $0x0, s1;
	[sflag:s0] =	ssyncset.done @!p0 $0x0  }
0x164: {  	[sflag:s0] =	ssyncadd.s32 @!p0 s1  }
0x165: {  	[bflag:$0x3] =	sbarrier.arrive $0xFFFF  }
0x166: {  	_ =	shalt  }

// kernel: kernel.8.cloned.1.call-start
scs
__scs_entry_jumppad:
0x0: {  	(pc) =	sbr.rel $0x88, $3  }
0x1: {  	(tag) =	ssettag $0x0;
	lr =	simm.s32 $0x1  }
0x2: {  	[smem:$0x3F99] =	sst lr;
	_ =	strace $0xD0000000  }
0x3: {  	_ = 	snop  }
0x4: {  	_ = 	snop  }
0x5: {  	_ = 	snop  }
0x6: {  	_ = 	snop  }
0x7: {  	_ = 	snop  }
__scs_overlays_trampoline_lowered:
0x8: {  	[smem:$0x3FA8] =	sst s0  }
0x9: {  	[smem:$0x3FA9] =	sst s1  }
0xa: {  	[smem:$0x3FAA] =	sst s2  }
0xb: {  	[smem:$0x3FAB] =	sst s3  }
0xc: {  	[smem:$0x3FAC] =	sst s4  }
0xd: {  	[smem:$0x3FAD] =	sst s5  }
0xe: {  	[smem:$0x3FAE] =	sst s6  }
0xf: {  	[smem:$0x3FAF] =	sst s7  }
0x10: {  	[smem:$0x3FB0] =	sst s8  }
0x11: {  	[smem:$0x3FB1] =	sst s9;
	s0 =	simm.s32 @!p0 $0x0  }
0x12: {  	s1 =	sld [smem:$0x3F97];
	s0 =	simm.s32 @p0 $0x1  }
0x13: {  	[smem:$0x3FB2] =	sst s0;
	s0 =	simm.s32 @!p1 $0x0  }
0x14: {  	s2 =	sld [smem:$0x3F96];
	s0 =	simm.s32 @p1 $0x1  }
0x15: {  	[smem:$0x3FB3] =	sst s0;
	s0 =	simm.s32 @!p2 $0x0  }
0x16: {  	s3 =	sld [smem:$0x3FDB];
	s0 =	simm.s32 @p2 $0x1  }
0x17: {  	s4 =	simm.s32 $0x1BF5;
	[smem:$0x3FB5] =	sst s0  }
0x18: {  	s0 =	sld [smem:$0x3F98];
	_ =	swait.ge [sflag:s4], $0x0  }
0x19: {  	s7 =	sld [smem:$0x3F99]  }
0x1a: {  	s8 =	sadd.s32 $0xFFFFE003, lr  }
0x1b: {  	s9 =	sadd.s32 $0xFFFFFEF7, lr;
	s5 =	simm.s32 $0xFFFFFFFF;
	p2 =	slt.u32 s8, $0xFFFFF086  }
0x1c: {  	p1 =	slt.u32 s9, $0xF7A;
	s5 =	simm.s32 @!p2 $0x0  }
0x1d: {  	s5 =	simm.s32 @p1 $0x1;
	p0 =	seq.s32 s7, s2  }
0x1e: {  	s7 =	smul.u32 @!p0 $0xF7A, s2;
	p2 =	seq.s32 @!p0 s5, $0x0  }
0x1f: {  	s9 =	smul.u32 $0xF7A, s1;
	s8 =	simm.s32 @!p0 $0x1BF5;
	p2 =	por !p2, p0  }
0x20: {  	[sflag:s8] =	ssyncset.s32 @!p0 $0xFFFFF086;
	s6 =	sadd.s32 @!p0 s3, s7;
	s7 =	simm.s32 @!p0 $0x108  }
0x21: {  	s3 =	sadd.s32 s3, s9;
	s6 =	sadd.s32 @!p0 $0x88, s6;
	s7 =	simm.s32 @p2 $0x1082  }
0x22: {  	[simem:s7], [sflag:s8] =	dma.local @!p0 [hbm:s6], $0xF7A  }
0x23: {  	s9 =	sor.u32 $0xD0000000, s2;
	s6 =	simm.s32 $0x108;
	_ =	swait.ge @!p0 [sflag:s8], $0x0  }
0x24: {  	s3 =	sadd.s32 $0x88, s3;
	s6 =	simm.s32 @!p1 $0x1082;
	[sflag:s4] =	ssyncset.s32 $0xFFFFF086  }
0x25: {  	[simem:s6], [sflag:s4] =	dma.local [hbm:s3], $0xF7A  }
0x26: {  	[smem:$0x3F99] =	sst s1;
	(tag) =	ssettag s2;
	_ =	strace s9  }
0x27: {  	s1 =	sld [smem:$0x3FA9]  }
0x28: {  	s2 =	sld [smem:$0x3FAA]  }
0x29: {  	s4 =	sld [smem:$0x3FAC]  }
0x2a: {  	p0 =	seq.s32 s5, $0x0;
	s5 =	sld [smem:$0x3FAD]  }
0x2b: {  	s6 =	sld [smem:$0x3FAE]  }
0x2c: {  	s7 =	sld [smem:$0x3FAF]  }
0x2d: {  	s3 =	simm.s32 $0x108;
	s8 =	sld [smem:$0x3FB0]  }
0x2e: {  	s3 =	simm.s32 @!p0 $0x1082;
	s9 =	sld [smem:$0x3FB1]  }
0x2f: {  	lr =	sadd.s32 s0, s3;
	s0 =	sld [smem:$0x3FA8]  }
0x30: {  	s3 =	sld [smem:$0x3FAB]  }
0x31: {  	[smem:$0x3FB4] =	sst s10  }
0x32: {  	s10 =	sld [smem:$0x3FB2];
	_ =	sdelay $0x3  }
0x33: {  	p0 =	seq.s32 s10, $0x1;
	s10 =	sld [smem:$0x3FB4];
	_ =	sdelay $0x3  }
0x34: {  	[smem:$0x3FB4] =	sst s10  }
0x35: {  	s10 =	sld [smem:$0x3FB3];
	_ =	sdelay $0x3  }
0x36: {  	p1 =	seq.s32 s10, $0x1;
	s10 =	sld [smem:$0x3FB4];
	_ =	sdelay $0x3  }
0x37: {  	[smem:$0x3FB4] =	sst s10  }
0x38: {  	s10 =	sld [smem:$0x3FB5]  }
0x39: {  	_ = 	snop;
	(pc) =	sbr.ind lr, $3  }
0x3a: {  	_ = 	snop  }
0x3b: {  	_ = 	snop  }
0x3c: {  	p2 =	seq.s32 s10, $0x1;
	s10 =	sld [smem:$0x3FB4]  }
0x3d: {  	_ =	shalt  }
0x3e: {  	_ =	shalt  }
0x3f: {  	_ =	shalt  }
0x40: {  	_ =	shalt  }
0x41: {  	_ =	shalt  }
0x42: {  	_ =	shalt  }
0x43: {  	_ =	shalt  }
0x44: {  	_ =	shalt  }
0x45: {  	_ =	shalt  }
0x46: {  	_ =	shalt  }
0x47: {  	_ =	shalt  }
0x48: {  	_ =	shalt  }
0x49: {  	_ =	shalt  }
0x4a: {  	_ =	shalt  }
0x4b: {  	_ =	shalt  }
0x4c: {  	_ =	shalt  }
0x4d: {  	_ =	shalt  }
0x4e: {  	_ =	shalt  }
0x4f: {  	_ =	shalt  }
0x50: {  	_ =	shalt  }
0x51: {  	_ =	shalt  }
0x52: {  	_ =	shalt  }
0x53: {  	_ =	shalt  }
0x54: {  	_ =	shalt  }
0x55: {  	_ =	shalt  }
0x56: {  	_ =	shalt  }
0x57: {  	_ =	shalt  }
0x58: {  	_ =	shalt  }
0x59: {  	_ =	shalt  }
0x5a: {  	_ =	shalt  }
0x5b: {  	_ =	shalt  }
0x5c: {  	_ =	shalt  }
0x5d: {  	_ =	shalt  }
0x5e: {  	_ =	shalt  }
0x5f: {  	_ =	shalt  }
0x60: {  	_ =	shalt  }
0x61: {  	_ =	shalt  }
0x62: {  	_ =	shalt  }
0x63: {  	_ =	shalt  }
0x64: {  	_ =	shalt  }
0x65: {  	_ =	shalt  }
0x66: {  	_ =	shalt  }
0x67: {  	_ =	shalt  }
0x68: {  	_ =	shalt  }
0x69: {  	_ =	shalt  }
0x6a: {  	_ =	shalt  }
0x6b: {  	_ =	shalt  }
0x6c: {  	_ =	shalt  }
0x6d: {  	_ =	shalt  }
0x6e: {  	_ =	shalt  }
0x6f: {  	_ =	shalt  }
0x70: {  	_ =	shalt  }
0x71: {  	_ =	shalt  }
0x72: {  	_ =	shalt  }
0x73: {  	_ =	shalt  }
0x74: {  	_ =	shalt  }
0x75: {  	_ =	shalt  }
0x76: {  	_ =	shalt  }
0x77: {  	_ =	shalt  }
0x78: {  	_ =	shalt  }
0x79: {  	_ =	shalt  }
0x7a: {  	_ =	shalt  }
0x7b: {  	_ =	shalt  }
0x7c: {  	_ =	shalt  }
0x7d: {  	_ =	shalt  }
0x7e: {  	_ =	shalt  }
0x7f: {  	_ =	shalt  }
0x80: {  	_ =	shalt  }
0x81: {  	_ =	shalt  }
0x82: {  	_ =	shalt  }
0x83: {  	_ =	shalt  }
0x84: {  	_ =	shalt  }
0x85: {  	_ =	shalt  }
0x86: {  	_ =	shalt  }
0x87: {  	_ =	shalt  }
.Lfunc_end0:
.L_simem_size_0:
called_computation_lowered:
.L_overlay_start_0:
0x88: {  	s2 =	sld [smem:$0x3FD9]  }
0x89: {  	s3 =	sld [smem:$0x3FFE];
	_ =	sdelay $0x1  }
0x8a: {  	s1 =	srdreg.scid  }
0x8b: {  	s0 =	sand.u32 $0x1, s1  }
0x8c: {  	s17 =	sshll.u32 s0, $0xA;
	s2 =	sadd.s32 s3, s2  }
0x8d: {  	s2 =	sadd.s32 s2, s17  }
0x8e: {  	[smem:$0x3FC0] =	sst s2  }
0x8f: {  	_ = 	snop  }
0x90: {  	s2 =	sld [smem:$0x3FD0];
	(tm) =	ssettm $0x1  }
0x91: {  	s18 =	sld [smem:$0x3FFB];
	_ =	sdelay $0x3  }
0x92: {  	_ =	strace s18  }
0x93: {  	s3 =	sld [smem:$0x3FFC];
	_ =	sdelay $0x3  }
0x94: {  	_ =	strace s3  }
0x95: {  	s3 =	sld [smem:$0x3FFD];
	_ =	sdelay $0x3  }
0x96: {  	_ =	strace s3  }
0x97: {  	_ =	strace $0x8FFFFFFF  }
0x98: {  	s19 =	sld [smem:$0x3FDB];
	_ =	sdelay $0x1  }
0x99: {  	s4 =	simm.s32 $_scs_section_size  }
0x9a: {  	s5 =	simm.s32 $_size__tile_overlayer_lowered;
	s6 =	simm.s32 $_tile_overlayer_lowered  }
0x9b: {  	s22 =	simm.s32 $0x1BFF;
	s21 =	sshll.u32 s6, $0x1;
	s3 =	sadd.s32 s4, s19  }
0x9c: {  	s7 =	simm.s32 $0x0;
	s20 =	sshll.u32 s5, $0x1;
	s5 =	sadd.s32 s21, s3  }
0x9d: {  	[timem:s7], [sflag:s22] =	dma.local [hbm:s5], s20  }
0x9e: {  	_ =	swait.ge [sflag:s22], s20  }
0x9f: {  	s4 =	ssub.s32 $0x0, s20;
	[sflag:s22] =	ssyncset.done $0x0  }
0xa0: {  	[sflag:s22] =	ssyncadd.s32 s4;
	_ =	sdelay $0x1  }
0xa1: {  	s23 =	simm.s32 $0x1B8B  }
0xa2: {  	_ =	swait.ge [sflag:s23], $0x1  }
0xa3: {  	[sflag:s23] =	ssyncset.done $0x0  }
0xa4: {  	s25 =	simm.s32 $0x1B8E;
	s24 =	sld [smem:$0x3FFE];
	[sflag:s23] =	ssyncadd.s32 $0xFFFFFFFF  }
0xa5: {  	s26 =	simm.s32 $execute0_lowered;
	[smem:$0x3FD2] =	sst s25  }
0xa6: {  	s5 =	sshll.u32 s26, $0x1;
	_ =	strace $0x80000046;
	[dreg:$0x1] =	wrdreg $0xFFFFFFFF  }
0xa7: {  	s28 =	simm.s32 $_size_execute0_lowered;
	s3 =	sadd.s32 s3, s5;
	[dreg:$0x0] =	wrdreg $0x0  }
0xa8: {  	s5 =	sshll.u32 s28, $0x1;
	[dreg:$0x2] =	wrdreg s3  }
0xa9: {  	[dreg:$0x3] =	wrdreg s5  }
0xaa: {  	[dreg:$0x4] =	wrdreg $0xC0  }
0xab: {  	_ =	task [dreg:s7], $0x5FFFF  }
0xac: {  	[dreg:$0x1] =	wrdreg $0xFFFFFFFF  }
0xad: {  	[dreg:$0x0] =	wrdreg $0x60  }
0xae: {  	[dreg:$0x2] =	wrdreg s2  }
0xaf: {  	[dreg:$0x3] =	wrdreg s24  }
0xb0: {  	[dreg:$0x4] =	wrdreg $0x0  }
0xb1: {  	[dreg:$0x5] =	wrdreg $0x9  }
0xb2: {  	_ =	task.clear_ibuf [dreg:s7], $0x6FFFF;
	_ =	strace $0x90000046  }
0xb3: {  	s29 =	simm.s32 $0x9;
	_ =	strace $0x80000048  }
0xb4: {  	_ =	swait.ge [sflag:s29], $0x1  }
0xb5: {  	[sflag:s29] =	ssyncadd.s32 $0xFFFFFFFF  }
0xb6: {  	_ =	strace $0x90000048  }
0xb7: {  	_ =	sfence  }
0xb8: {  	s30 =	sld [smem:$0x0];
	_ =	sdelay $0x2  }
0xb9: {  	s31 =	sshll.u32 s1, $0xD;
	s1 =	sshrl.u32 s1, $0x2  }
0xba: {  	s3 =	sand.u32 $0x4000, s31;
	s1 =	sadd.s32 s1, s30  }
0xbb: {  	s0 =	sor.u32 s3, s0;
	s1 =	sshll.u32 s1, $0x11  }
0xbc: {  	s0 =	sor.u32 s1, s0  }
0xbd: {  	s0 =	sadd.s32 $0x8F2B, s0  }
0xbe: {  	[sflag:s0] =	ssyncadd.remote.s32 $0x1  }
0xbf: {  	_ =	sfence.sel $0xFFFF  }
0xc0: {  	[dreg:$0x0] =	wrdreg $0xFFFFFFFF;
	(pc) =	sbr.abs _section_cstart, $3  }
0xc1: {  	[dreg:$0x1] =	wrdreg $0xFFFFFFFF  }
0xc2: {  	_ =	task.clear_ibuf [dreg:s7], $0x2FFFF;
	_ =	strace $0x9FFFFFFF  }
0xc3: {  	(tm) =	ssettm $0x7FFFFFFF  }
tec
execute0_lowered:
.L_overlay_start_1:
0x0: {  	(tag) =	ssettag $0x1  }
0x1: {  	s11 =	rddreg [dreg:$0x0]  }
0x2: {  	s5 =	rddreg [dreg:$0x1]  }
0x3: {  	s1 =	rddreg [dreg:$0x2]  }
0x4: {  	s0 =	rddreg [dreg:$0x3]  }
0x5: {  	s3 =	simm.s32 $0x0;
	s4 =	srdreg.scid;
	s2 =	stileid.u32  }
0x6: {  	s21 =	simm.s32 $0x14000;
	s22 =	simm.s32 $0x80;
	s23 =	simm.s32 $0x0  }
0x7: {  	[smem:$0x7FF] =	sst s3;
	s9 =	sand.u32 $0x1, s4;
	s7 =	smul.u32 $0x50000, s2  }
0x8: {  	s4 =	sadd.s32 $0x2E00, s5;
	s12 =	smul.u32 $0x14000, s2;
	s16 =	sadd.s32 $0x3E00, s5  }
0x9: {  	s5 =	sadd.s32 $0x3600, s5;
	_ =	strace $0x80000047;
	s6 =	ssub.s32 $0x2, s9  }
0xa: {  	s10 =	sshll.u32 s9, $0x4;
	s18 =	smul.u32 $0x140000, s9;
	s8 =	sshrl.u32 s6, $0x1  }
0xb: {  	s10 =	sor.u32 s2, s10;
	s31 =	sshrl.u32 s7, $0x2;
	s13 =	sadd.s32 $0x4000, s12  }
0xc: {  	s14 =	sadd.s32 $0x8000, s12;
	s15 =	sadd.s32 $0xC000, s12;
	s19 =	sadd.s32 $0x10000, s12  }
0xd: {  	s17 =	ssub.s32 s6, s8;
	s6 =	sadd.s32 s31, s1;
	s7 =	sadd.s32 s13, s1  }
0xe: {  	s8 =	sadd.s32 s14, s1;
	s9 =	sadd.s32 s15, s1;
	s20 =	smul.u32 $0x500, s10  }
0xf: {  	s10 =	sadd.s32 s19, s1;
	s12 =	sadd.s32 s12, s18;
	s13 =	sadd.s32 s18, s13  }
0x10: {  	s14 =	sadd.s32 s18, s14;
	s15 =	sadd.s32 s18, s15;
	s18 =	sadd.s32 s18, s19  }
0x11: {  	s19 =	simm.s32 $0x1;
	s12 =	sshrl.u32 s12, $0x3;
	s13 =	sshrl.u32 s13, $0x3  }
0x12: {  	s14 =	sshrl.u32 s14, $0x3;
	s15 =	sshrl.u32 s15, $0x3;
	s18 =	sshrl.u32 s18, $0x3  }
0x13: {  	s17 =	smax.u32 s17, $0x1;
	s11 =	sadd.s32 s11, s20;
	s12 =	sadd.s32 s16, s12  }
0x14: {  	s13 =	sadd.s32 s16, s13;
	s14 =	sadd.s32 s16, s14;
	s15 =	sadd.s32 s16, s15  }
0x15: {  	s16 =	sadd.s32 s16, s18;
	s18 =	simm.s32 $0x16800;
	s20 =	simm.s32 $0x1A800  }
.LBB2_1:
0x16: {  	[tilespmem:s18], [sflag:$0x1] =	stream.linear.gather [hbm4b:s4+s3], $0x4000, $0x38;
	[tilespmem:$0x1E800] =	vst v63  }
0x17: {  	_ =	swait.ge [sflag:s19], $0x4000  }
0x18: {  	[sflag:s19] =	ssyncset.done $0x0  }
0x19: {  	[sflag:s19] =	ssyncadd.s32 $0xFFFFC000  }
0x1a: {  	[tilespmem:s20], [sflag:$0x1] =	stream.linear.gather [hbm4b:s5+s3], $0x4000, $0x38;
	[tilespmem:$0x1E800] =	vst v63  }
0x1b: {  	_ =	swait.ge [sflag:s19], $0x4000  }
0x1c: {  	[sflag:s19] =	ssyncset.done $0x0  }
0x1d: {  	[sflag:s19] =	ssyncadd.s32 $0xFFFFC000  }
0x1e: {  	[spmem:s6] =	stream.linear.scatter [tilespmem:s20], [sflag:$0x1], $0x4000, $0x38;
	[tilespmem:$0x1E800] =	vst v63  }
0x1f: {  	_ =	swait.ge [sflag:s19], $0x4000  }
0x20: {  	[sflag:s19] =	ssyncset.done $0x0  }
0x21: {  	[sflag:s19] =	ssyncadd.s32 $0xFFFFC000  }
0x22: {  	[spmem:s7] =	stream.linear.scatter [tilespmem:s20], [sflag:$0x1], $0x4000, $0x38;
	[tilespmem:$0x1E800] =	vst v63  }
0x23: {  	_ =	swait.ge [sflag:s19], $0x4000  }
0x24: {  	[sflag:s19] =	ssyncset.done $0x0  }
0x25: {  	[sflag:s19] =	ssyncadd.s32 $0xFFFFC000  }
0x26: {  	[spmem:s8] =	stream.linear.scatter [tilespmem:s20], [sflag:$0x1], $0x4000, $0x38;
	[tilespmem:$0x1E800] =	vst v63  }
0x27: {  	_ =	swait.ge [sflag:s19], $0x4000  }
0x28: {  	[sflag:s19] =	ssyncset.done $0x0  }
0x29: {  	[sflag:s19] =	ssyncadd.s32 $0xFFFFC000  }
0x2a: {  	[spmem:s9] =	stream.linear.scatter [tilespmem:s20], [sflag:$0x1], $0x4000, $0x38;
	[tilespmem:$0x1E800] =	vst v63  }
0x2b: {  	_ =	swait.ge [sflag:s19], $0x4000  }
0x2c: {  	[sflag:s19] =	ssyncset.done $0x0  }
0x2d: {  	[sflag:s19] =	ssyncadd.s32 $0xFFFFC000  }
0x2e: {  	[spmem:s10] =	stream.linear.scatter [tilespmem:s20], [sflag:$0x1], $0x4000, $0x38;
	[tilespmem:$0x1E800] =	vst v63  }
0x2f: {  	_ =	swait.ge [sflag:s19], $0x4000  }
0x30: {  	[sflag:s19] =	ssyncset.done $0x0  }
0x31: {  	[sflag:s19] =	ssyncadd.s32 $0xFFFFC000  }
0x32: {  	[bflag:$0x0] =	sbarrier.arrive $0xFFFF  }
0x33: {  	[tilespmem:s21], [sflag:$0x1] =	stream.linear.gather [hbm4b:s11+s3], $0x2800, $0x38;
	[tilespmem:$0x1E800] =	vst v63  }
0x34: {  	_ =	swait.ge [sflag:s19], $0x2800  }
0x35: {  	[sflag:s19] =	ssyncset.done $0x0  }
0x36: {  	s24 =	simm.s32 $0x14000;
	[sflag:s19] =	ssyncadd.s32 $0xFFFFD800  }
0x37: {  	[spmem:s1] =	stream.indirect.scatter.add.f32 [tilespmem:s18], [sflag:$0x1], $0x80, s24, s22, $0xb8;
	[tilespmem:$0x1E800] =	vst v63  }
0x38: {  	s24 =	simm.s32 $0x200;
	_ =	swait.ge [sflag:s19], $0x4000  }
.LBB2_2:
0x39: {  	s25 =	sshra.s32 s24, $0x2;
	[sflag:s19] =	ssyncset.done $0x0;
	p0 =	sne.s32 s24, $0x9E00  }
.Ltmp0:
0x3a: {  	s25 =	sadd.s32 $0x14000, s25;
	[sflag:s19] =	ssyncadd.s32 $0xFFFFC000;
	(pc) =	sbr.rel @p0 .LBB2_2-.Ltmp0, $3  }
0x3b: {  	[spmem:s1] =	stream.indirect.scatter.add.f32 [tilespmem:s18], [sflag:$0x1], $0x80, s25, s22, $0xb8;
	[tilespmem:$0x1E800] =	vst v63  }
0x3c: {  	s24 =	sadd.s32 $0x200, s24;
	_ =	sdelay $0x1  }
0x3d: {  	_ =	swait.ge [sflag:s19], $0x4000  }
0x3e: {  	[sflag:s19] =	ssyncset.done $0x0  }
0x3f: {  	[sflag:s19] =	ssyncadd.s32 $0xFFFFC000  }
0x40: {  	[bflag:$0x0] =	sbarrier.arrive $0xFFFF  }
0x41: {  	[tilespmem:s20], [sflag:$0x1] =	stream.linear.gather [spmem:s6], $0x4000, $0x38;
	[tilespmem:$0x1E800] =	vst v63  }
0x42: {  	_ =	swait.ge [sflag:s19], $0x4000  }
0x43: {  	[sflag:s19] =	ssyncset.done $0x0  }
0x44: {  	[sflag:s19] =	ssyncadd.s32 $0xFFFFC000  }
0x45: {  	[hbm4b:s12+s3] =	stream.linear.scatter [tilespmem:s20], [sflag:$0x1], $0x4000, $0x38;
	[tilespmem:$0x1E800] =	vst v63  }
0x46: {  	_ =	swait.ge [sflag:s19], $0x4000  }
0x47: {  	[sflag:s19] =	ssyncset.done $0x0  }
0x48: {  	[sflag:s19] =	ssyncadd.s32 $0xFFFFC000  }
0x49: {  	[tilespmem:s20], [sflag:$0x1] =	stream.linear.gather [spmem:s7], $0x4000, $0x38;
	[tilespmem:$0x1E800] =	vst v63  }
0x4a: {  	_ =	swait.ge [sflag:s19], $0x4000  }
0x4b: {  	[sflag:s19] =	ssyncset.done $0x0  }
0x4c: {  	[sflag:s19] =	ssyncadd.s32 $0xFFFFC000  }
0x4d: {  	[hbm4b:s13+s3] =	stream.linear.scatter [tilespmem:s20], [sflag:$0x1], $0x4000, $0x38;
	[tilespmem:$0x1E800] =	vst v63  }
0x4e: {  	_ =	swait.ge [sflag:s19], $0x4000  }
0x4f: {  	[sflag:s19] =	ssyncset.done $0x0  }
0x50: {  	[sflag:s19] =	ssyncadd.s32 $0xFFFFC000  }
0x51: {  	[tilespmem:s20], [sflag:$0x1] =	stream.linear.gather [spmem:s8], $0x4000, $0x38;
	[tilespmem:$0x1E800] =	vst v63  }
0x52: {  	_ =	swait.ge [sflag:s19], $0x4000  }
0x53: {  	[sflag:s19] =	ssyncset.done $0x0  }
0x54: {  	[sflag:s19] =	ssyncadd.s32 $0xFFFFC000  }
0x55: {  	[hbm4b:s14+s3] =	stream.linear.scatter [tilespmem:s20], [sflag:$0x1], $0x4000, $0x38;
	[tilespmem:$0x1E800] =	vst v63  }
0x56: {  	_ =	swait.ge [sflag:s19], $0x4000  }
0x57: {  	[sflag:s19] =	ssyncset.done $0x0  }
0x58: {  	[sflag:s19] =	ssyncadd.s32 $0xFFFFC000  }
0x59: {  	[tilespmem:s20], [sflag:$0x1] =	stream.linear.gather [spmem:s9], $0x4000, $0x38;
	[tilespmem:$0x1E800] =	vst v63  }
0x5a: {  	_ =	swait.ge [sflag:s19], $0x4000  }
0x5b: {  	[sflag:s19] =	ssyncset.done $0x0  }
0x5c: {  	[sflag:s19] =	ssyncadd.s32 $0xFFFFC000  }
0x5d: {  	[hbm4b:s15+s3] =	stream.linear.scatter [tilespmem:s20], [sflag:$0x1], $0x4000, $0x38;
	[tilespmem:$0x1E800] =	vst v63  }
0x5e: {  	_ =	swait.ge [sflag:s19], $0x4000  }
0x5f: {  	[sflag:s19] =	ssyncset.done $0x0  }
0x60: {  	[sflag:s19] =	ssyncadd.s32 $0xFFFFC000  }
0x61: {  	[tilespmem:s20], [sflag:$0x1] =	stream.linear.gather [spmem:s10], $0x4000, $0x38;
	[tilespmem:$0x1E800] =	vst v63  }
0x62: {  	s23 =	sadd.s32 $0x1, s23;
	_ =	swait.ge [sflag:s19], $0x4000  }
0x63: {  	p0 =	sne.s32 s23, s17;
	[sflag:s19] =	ssyncset.done $0x0  }
.Ltmp1:
0x64: {  	[sflag:s19] =	ssyncadd.s32 $0xFFFFC000;
	(pc) =	sbr.rel @p0 .LBB2_1-.Ltmp1, $4  }
0x65: {  	[hbm4b:s16+s3] =	stream.linear.scatter [tilespmem:s20], [sflag:$0x1], $0x4000, $0x38;
	[tilespmem:$0x1E800] =	vst v63  }
0x66: {  	_ =	swait.ge [sflag:s19], $0x4000  }
0x67: {  	[sflag:s19] =	ssyncset.done $0x0  }
0x68: {  	[sflag:s19] =	ssyncadd.s32 $0xFFFFC000  }
0x69: {  	_ =	sfence.sel $0x180000  }
0x6a: {  	[bflag:$0x0] =	sbarrier.arrive $0xFFFF  }
0x6b: {  	p0 =	sne.s32 s2, $0x0;
	_ =	strace $0x90000047  }
0x6c: {  	s0 =	sadd.s32 @!p0 $0x100000, s0;
	[bflag:$0x2] =	sbarrier.arrive $0xFFFF  }
0x6d: {  	[sflag:s0] =	ssyncadd.tile.s32 @!p0 $0x1;
	_ =	shalt  }
.Lfunc_end2:
_tile_overlayer_lowered:
.L_overlay_start_2:
0x6e: {  	(tag) =	ssettag $0x2  }
0x6f: {  	s0 =	rddreg [dreg:$0x0];
	s2 =	stileid.u32  }
0x70: {  	s1 =	rddreg [dreg:$0x1];
	p0 =	sne.s32 s2, $0x0  }
0x71: {  	s3 =	rddreg [dreg:$0x2];
	[bflag:$0x3] =	sbarrier.arrive $0xFFFF;
	s2 =	simm.s32 @!p0 $0x1C01  }
0x72: {  	[timem:s3], [sflag:s2] =	dma.local @!p0 [hbm:s0], s1  }
0x73: {  	s0 =	simm.s32 @!p0 $0x1  }
0x74: {  	_ =	swait.ge @!p0 [sflag:s0], s1  }
0x75: {  	s1 =	ssub.s32 @!p0 $0x0, s1;
	[sflag:s0] =	ssyncset.done @!p0 $0x0  }
0x76: {  	[sflag:s0] =	ssyncadd.s32 @!p0 s1  }
0x77: {  	[bflag:$0x3] =	sbarrier.arrive $0xFFFF  }
0x78: {  	_ =	shalt  }

</sc_bundles>
